<compile_context>
chip_gen: v7x
topology: tpu7x:2x2x1
jax: 0.10.2.dev20260603
libtpu: 0.0.44.dev20260713+nightly
codegen_flags: <defaults>
</compile_context>

<pallas_src>
import functools

import jax
from jax import lax
import jax.numpy as jnp
from jax.experimental import pallas as pl
from jax.experimental.pallas import tpu as pltpu
from jax.experimental.pallas import tpu_sc as plsc

_NW = 32
_NBUF = 3


def _sc_row_gather(table, idx, chunk):
    V, D = table.shape
    B = idx.shape[0]
    b_per_w = B // _NW
    nch = b_per_w // chunk
    idx3 = idx.reshape(_NW, nch, chunk)
    mesh = plsc.VectorSubcoreMesh(core_axis_name="c", subcore_axis_name="s")

    @functools.partial(
        pl.kernel,
        mesh=mesh,
        out_type=jax.ShapeDtypeStruct((B, D), table.dtype),
        scratch_types=[
            pltpu.VMEM((nch, chunk), jnp.int32),
            pltpu.VMEM((_NBUF, chunk, D), table.dtype),
            pltpu.SemaphoreType.DMA,
            pltpu.SemaphoreType.DMA,
        ],
    )
    def k(table_hbm, idx_hbm, out_hbm, idx_v, buf_v, sem, sem_w):
        wid = lax.axis_index("s") * 2 + lax.axis_index("c")
        base = wid * b_per_w
        pltpu.sync_copy(idx_hbm.at[wid], idx_v)
        cps = []
        for c in range(min(_NBUF, nch)):
            cp = pltpu.make_async_copy(
                table_hbm.at[idx_v.at[c]], buf_v.at[c % _NBUF], sem)
            cp.start()
            cps.append(cp)
        wrs = []
        for c in range(nch):
            cps[c].wait()
            wr = pltpu.make_async_copy(
                buf_v.at[c % _NBUF],
                out_hbm.at[pl.ds(base + c * chunk, chunk)], sem_w)
            wr.start()
            wrs.append(wr)
            if c + _NBUF < nch:
                wrs[c].wait()
                cp = pltpu.make_async_copy(
                    table_hbm.at[idx_v.at[c + _NBUF]], buf_v.at[c % _NBUF], sem)
                cp.start()
                cps.append(cp)
        for c in range(max(0, nch - _NBUF), nch):
            wrs[c].wait()

    return k(table, idx3)


def _sc_row_scatter(values, idx, chunk):
    B, D = values.shape
    b_per_w = B // _NW
    nch = b_per_w // chunk
    idx3 = idx.reshape(_NW, nch, chunk)
    mesh = plsc.VectorSubcoreMesh(core_axis_name="c", subcore_axis_name="s")
    nbuf = 3

    @functools.partial(
        pl.kernel,
        mesh=mesh,
        out_type=jax.ShapeDtypeStruct((B, D), values.dtype),
        scratch_types=[
            pltpu.VMEM((nch, chunk), jnp.int32),
            pltpu.VMEM((nbuf, chunk, D), values.dtype),
            pltpu.SemaphoreType.DMA,
            pltpu.SemaphoreType.DMA,
        ],
    )
    def k(val_hbm, idx_hbm, out_hbm, idx_v, buf_v, sem_r, sem_w):
        wid = lax.axis_index("s") * 2 + lax.axis_index("c")
        base = wid * b_per_w
        rds = []
        for c in range(min(nbuf, nch)):
            rd = pltpu.make_async_copy(
                val_hbm.at[pl.ds(base + c * chunk, chunk)],
                buf_v.at[c % nbuf], sem_r)
            rd.start()
            rds.append(rd)
        pltpu.sync_copy(idx_hbm.at[wid], idx_v)
        wrs = []
        for c in range(nch):
            rds[c].wait()
            wr = pltpu.make_async_copy(
                buf_v.at[c % nbuf], out_hbm.at[idx_v.at[c]], sem_w)
            wr.start()
            wrs.append(wr)
            if c + nbuf < nch:
                wrs[c].wait()
                rd = pltpu.make_async_copy(
                    val_hbm.at[pl.ds(base + (c + nbuf) * chunk, chunk)],
                    buf_v.at[c % nbuf], sem_r)
                rd.start()
                rds.append(rd)
        for c in range(max(0, nch - nbuf), nch):
            wrs[c].wait()

    return k(values, idx3)

_T = 512
_SR = 64
_SC = 128


def _route_body(sel_ref, inv_ref, t_ref, e_ref, lo_ref, hi_ref, init_ref,
                *, E, T, num_tiles):
    R, C = _SR, _SC
    sel2 = sel_ref[...]
    li = jax.lax.broadcasted_iota(jnp.int32, (C, C), 0)
    ci = jax.lax.broadcasted_iota(jnp.int32, (C, C), 1)
    U = (li <= ci).astype(jnp.float32)
    lr = jax.lax.broadcasted_iota(jnp.int32, (R, R), 0)
    cr = jax.lax.broadcasted_iota(jnp.int32, (R, R), 1)
    Ls = (lr > cr).astype(jnp.float32)
    ones_c = jnp.ones((C, 1), jnp.float32)

    inv2 = jnp.zeros((R, C), jnp.int32)
    offs = [jnp.int32(0)]
    for e in range(E):
        sel_is_e = sel2 == e
        m = sel_is_e.astype(jnp.float32)
        pref_in = jnp.dot(m, U, preferred_element_type=jnp.float32)
        rowtot = jnp.dot(m, ones_c, preferred_element_type=jnp.float32)
        rowpre = jnp.dot(Ls, rowtot, preferred_element_type=jnp.float32)
        rank = (pref_in - m + rowpre).astype(jnp.int32)
        inv2 = inv2 + jnp.where(sel_is_e, offs[e] + rank, 0)
        offs.append(offs[e] + jnp.sum(m).astype(jnp.int32))
    inv_ref[...] = inv2

    lane = jax.lax.broadcasted_iota(jnp.int32, (1, C), 1)
    t_v = jnp.full((1, C), num_tiles - 1, jnp.int32)
    e_v = jnp.zeros((1, C), jnp.int32)
    lo_v = jnp.zeros((1, C), jnp.int32)
    hi_v = jnp.zeros((1, C), jnp.int32)
    sstart = jnp.int32(0)
    for e in range(E):
        cnt = offs[e + 1] - offs[e]
        ft = offs[e] // T
        lt = (offs[e + 1] - 1) // T
        nt = jnp.where(cnt > 0, lt - ft + 1, 0)
        mask = (lane >= sstart) & (lane < sstart + nt)
        tt = ft + (lane - sstart)
        t_v = jnp.where(mask, tt, t_v)
        e_v = jnp.where(mask, e, e_v)
        lo_v = jnp.where(mask, jnp.maximum(offs[e], tt * T), lo_v)
        hi_v = jnp.where(mask, jnp.minimum(offs[e + 1], (tt + 1) * T), hi_v)
        sstart = sstart + nt
    tshift = pltpu.roll(t_v, 1, axis=1)
    init_v = ((t_v != tshift) | (lane == 0)).astype(jnp.int32)

    t_ref[...] = jnp.broadcast_to(t_v, (8, C))
    e_ref[...] = jnp.broadcast_to(e_v, (8, C))
    lo_ref[...] = jnp.broadcast_to(lo_v, (8, C))
    hi_ref[...] = jnp.broadcast_to(hi_v, (8, C))
    init_ref[...] = jnp.broadcast_to(init_v, (8, C))


def _gemm_body(t_ref, e_ref, lo_ref, hi_ref, init_ref, xs_ref, w_ref, out_ref):
    s = pl.program_id(0)
    t = t_ref[0, s]
    lo = lo_ref[0, s]
    hi = hi_ref[0, s]
    @pl.when(hi > lo)
    def _work():
        row = t * _T + jax.lax.broadcasted_iota(jnp.int32, (_T, 1), 0)
        mask = (row >= lo) & (row < hi)
        acc = jnp.dot(xs_ref[...], w_ref[0], preferred_element_type=jnp.float32)
        contrib = jnp.where(mask, acc, 0.0)

        @pl.when(init_ref[0, s] != 0)
        def _init():
            out_ref[...] = contrib

        @pl.when(init_ref[0, s] == 0)
        def _accum():
            out_ref[...] += contrib


def kernel(x, sel, w):
    M, K = x.shape
    E, _, N = w.shape
    T = _T
    num_tiles = M // T
    S = num_tiles + E

    i32_8x = jax.ShapeDtypeStruct((8, _SC), jnp.int32)
    inv2, t8, e8, lo8, hi8, init8 = pl.pallas_call(
        functools.partial(_route_body, E=E, T=T, num_tiles=num_tiles),
        out_shape=[jax.ShapeDtypeStruct((_SR, _SC), jnp.int32),
                   i32_8x, i32_8x, i32_8x, i32_8x, i32_8x],
    )(sel.reshape(_SR, _SC))
    inv = inv2.reshape(M)

    xs = _sc_row_scatter(x, inv, chunk=32)

    grid_spec = pltpu.PrefetchScalarGridSpec(
        num_scalar_prefetch=5,
        grid=(S,),
        in_specs=[
            pl.BlockSpec((T, K), lambda s, t, e, lo, hi, ini: (t[0, s], 0)),
            pl.BlockSpec((1, K, N), lambda s, t, e, lo, hi, ini: (e[0, s], 0, 0)),
        ],
        out_specs=pl.BlockSpec((T, N), lambda s, t, e, lo, hi, ini: (t[0, s], 0)),
    )
    ys = pl.pallas_call(
        _gemm_body,
        grid_spec=grid_spec,
        out_shape=jax.ShapeDtypeStruct((M, N), jnp.float32),
    )(t8, e8, lo8, hi8, init8, xs, w)

    return _sc_row_gather(ys, inv, chunk=64)

# --- scband reference (transcript-rebuilt; emitter-appended) ---
"""Pipeline reference for scband-model-11879879543882 (READ-ONLY COPY).

The authoritative reference and input builder live on the scoring server;
editing this copy changes nothing except your own understanding.
"""

import jax, jax.numpy as jnp
import numpy as np


def setup_inputs(seed: int = 0) -> dict:
    key = jax.random.key(seed)
    k1, k2, k3 = jax.random.split(key, 3)
    x = jax.random.normal(k1, (8192, 1024), dtype=jnp.float32)
    sel = jax.random.randint(k2, (8192,), 0, 16, dtype=jnp.int32)
    w = jax.random.normal(k3, (16, 1024, 256), dtype=jnp.float32)
    return {"x": x, "sel": sel, "w": w}


def reference(x, sel, w):
    # cvmm semantics: for each token i, out[i] = x[i] @ w[sel[i]].
    # The torch version sorts sel and writes results back through sel_index,
    # which is mathematically equivalent to a per-token expert matmul.
    fsel = sel.flatten()
    x2 = x.reshape(-1, x.shape[-1])
    # gather per-token expert weight matrices [M, K, N]
    w_sel = jnp.take(w, fsel, axis=0)
    out = jnp.einsum('mk,mkn->mn', x2, w_sel)
    return out.reshape(*sel.shape, w.shape[-1])

if __name__ == "__main__":
    import jax
    _d = setup_inputs()
    print(jax.jit(kernel)(*tuple(_d.values())))

</pallas_src>

<mosaic_0001>
#map = affine_map<(d0, d1) -> (0, 0)>
#map1 = affine_map<(d0, d1) -> (0, 0, 0)>
module attributes {stable_mosaic.version = 14 : i64} {
  func.func @k(%arg0: i32, %arg1: i32, %arg2: memref<8192x1024xf32, #tpu.memory_space<hbm>>, %arg3: memref<32x8x32xi32, #tpu.memory_space<hbm>>, %arg4: memref<8192x1024xf32, #tpu.memory_space<hbm>>, %arg5: memref<8x32xi32, #tpu.memory_space<vmem>>, %arg6: memref<3x32x1024xf32, #tpu.memory_space<vmem>>, %arg7: memref<!tpu.dma_semaphore, #tpu.memory_space<semaphore_mem>>, %arg8: memref<!tpu.dma_semaphore, #tpu.memory_space<semaphore_mem>>) attributes {dimension_semantics = [#tpu.dimension_semantics<core_parallel>, #tpu.dimension_semantics<subcore_parallel>], iteration_bounds = array<i64: 2, 16>, scalar_prefetch = 0 : i64, scratch_operands = 4 : i64, tpu.core_type = #tpu.core_type<sc_vector_subcore>, window_params = [{transform_indices = #map}, {transform_indices = #map1}, {transform_indices = #map}]} {
    %mul3A = arith.constant 2 : i32
    %mul3A_0 = arith.muli %arg1, %mul3A : i32
    %add3A = arith.addi %mul3A_0, %arg0 : i32
    %mul3A_1 = arith.constant 256 : i32
    %mul3A_2 = arith.muli %add3A, %mul3A_1 : i32
    %add3A_3 = arith.constant 0 : i32
    %add3A_4 = arith.addi %mul3A_2, %add3A_3 : i32
    %dma_start3A = arith.constant 0 : i32
    %dma_start3A_5 = arith.constant 0 : i32
    %dma_start3A_6 = arith.constant 0 : i32
    %dma_start3A_7 = tpu.memref_slice %arg6[%dma_start3A, %dma_start3A_5, %dma_start3A_6] : memref<3x32x1024xf32, #tpu.memory_space<vmem>> -> memref<1x32x1024xf32, #tpu.memory_space<vmem>>
    %dma_start3A_8 = tpu.memref_squeeze %dma_start3A_7 : memref<1x32x1024xf32, #tpu.memory_space<vmem>> -> memref<32x1024xf32, #tpu.memory_space<vmem>>
    %dma_start3A_9 = arith.constant 0 : i32
    %dma_start3A_10 = tpu.memref_slice %arg2[%add3A_4, %dma_start3A_9] : memref<8192x1024xf32, #tpu.memory_space<hbm>> -> memref<32x1024xf32, #tpu.memory_space<hbm>>
    %dma_start3A_11 = arith.constant 0 : i32
    %dma_start3A_12 = arith.constant 0 : i32
    %dma_start3A_13 = tpu.memref_slice %arg6[%dma_start3A, %dma_start3A_11, %dma_start3A_12] : memref<3x32x1024xf32, #tpu.memory_space<vmem>> -> memref<1x32x1024xf32, #tpu.memory_space<vmem>>
    %dma_start3A_14 = tpu.memref_squeeze %dma_start3A_13 : memref<1x32x1024xf32, #tpu.memory_space<vmem>> -> memref<32x1024xf32, #tpu.memory_space<vmem>>
    %dma_start3A_15 = arith.constant 0 : i32
    %dma_start3A_16 = tpu.memref_slice %arg2[%add3A_4, %dma_start3A_15] : memref<8192x1024xf32, #tpu.memory_space<hbm>> -> memref<32x1024xf32, #tpu.memory_space<hbm>>
    tpu.enqueue_dma source(%dma_start3A_16 : memref<32x1024xf32, #tpu.memory_space<hbm>>) target(%dma_start3A_14 : memref<32x1024xf32, #tpu.memory_space<vmem>>) target_semaphore(%arg7 : memref<!tpu.dma_semaphore, #tpu.memory_space<semaphore_mem>>)
    %add3A_17 = arith.constant 32 : i32
    %add3A_18 = arith.addi %mul3A_2, %add3A_17 : i32
    %dma_start3A_19 = arith.constant 1 : i32
    %dma_start3A_20 = arith.constant 0 : i32
    %dma_start3A_21 = arith.constant 0 : i32
    %dma_start3A_22 = tpu.memref_slice %arg6[%dma_start3A_19, %dma_start3A_20, %dma_start3A_21] : memref<3x32x1024xf32, #tpu.memory_space<vmem>> -> memref<1x32x1024xf32, #tpu.memory_space<vmem>>
    %dma_start3A_23 = tpu.memref_squeeze %dma_start3A_22 : memref<1x32x1024xf32, #tpu.memory_space<vmem>> -> memref<32x1024xf32, #tpu.memory_space<vmem>>
    %dma_start3A_24 = arith.constant 0 : i32
    %dma_start3A_25 = tpu.memref_slice %arg2[%add3A_18, %dma_start3A_24] : memref<8192x1024xf32, #tpu.memory_space<hbm>> -> memref<32x1024xf32, #tpu.memory_space<hbm>>
    %dma_start3A_26 = arith.constant 0 : i32
    %dma_start3A_27 = arith.constant 0 : i32
    %dma_start3A_28 = tpu.memref_slice %arg6[%dma_start3A_19, %dma_start3A_26, %dma_start3A_27] : memref<3x32x1024xf32, #tpu.memory_space<vmem>> -> memref<1x32x1024xf32, #tpu.memory_space<vmem>>
    %dma_start3A_29 = tpu.memref_squeeze %dma_start3A_28 : memref<1x32x1024xf32, #tpu.memory_space<vmem>> -> memref<32x1024xf32, #tpu.memory_space<vmem>>
    %dma_start3A_30 = arith.constant 0 : i32
    %dma_start3A_31 = tpu.memref_slice %arg2[%add3A_18, %dma_start3A_30] : memref<8192x1024xf32, #tpu.memory_space<hbm>> -> memref<32x1024xf32, #tpu.memory_space<hbm>>
    tpu.enqueue_dma source(%dma_start3A_31 : memref<32x1024xf32, #tpu.memory_space<hbm>>) target(%dma_start3A_29 : memref<32x1024xf32, #tpu.memory_space<vmem>>) target_semaphore(%arg7 : memref<!tpu.dma_semaphore, #tpu.memory_space<semaphore_mem>>)
    %add3A_32 = arith.constant 64 : i32
    %add3A_33 = arith.addi %mul3A_2, %add3A_32 : i32
    %dma_start3A_34 = arith.constant 2 : i32
    %dma_start3A_35 = arith.constant 0 : i32
    %dma_start3A_36 = arith.constant 0 : i32
    %dma_start3A_37 = tpu.memref_slice %arg6[%dma_start3A_34, %dma_start3A_35, %dma_start3A_36] : memref<3x32x1024xf32, #tpu.memory_space<vmem>> -> memref<1x32x1024xf32, #tpu.memory_space<vmem>>
    %dma_start3A_38 = tpu.memref_squeeze %dma_start3A_37 : memref<1x32x1024xf32, #tpu.memory_space<vmem>> -> memref<32x1024xf32, #tpu.memory_space<vmem>>
    %dma_start3A_39 = arith.constant 0 : i32
    %dma_start3A_40 = tpu.memref_slice %arg2[%add3A_33, %dma_start3A_39] : memref<8192x1024xf32, #tpu.memory_space<hbm>> -> memref<32x1024xf32, #tpu.memory_space<hbm>>
    %dma_start3A_41 = arith.constant 0 : i32
    %dma_start3A_42 = arith.constant 0 : i32
    %dma_start3A_43 = tpu.memref_slice %arg6[%dma_start3A_34, %dma_start3A_41, %dma_start3A_42] : memref<3x32x1024xf32, #tpu.memory_space<vmem>> -> memref<1x32x1024xf32, #tpu.memory_space<vmem>>
    %dma_start3A_44 = tpu.memref_squeeze %dma_start3A_43 : memref<1x32x1024xf32, #tpu.memory_space<vmem>> -> memref<32x1024xf32, #tpu.memory_space<vmem>>
    %dma_start3A_45 = arith.constant 0 : i32
    %dma_start3A_46 = tpu.memref_slice %arg2[%add3A_33, %dma_start3A_45] : memref<8192x1024xf32, #tpu.memory_space<hbm>> -> memref<32x1024xf32, #tpu.memory_space<hbm>>
    tpu.enqueue_dma source(%dma_start3A_46 : memref<32x1024xf32, #tpu.memory_space<hbm>>) target(%dma_start3A_44 : memref<32x1024xf32, #tpu.memory_space<vmem>>) target_semaphore(%arg7 : memref<!tpu.dma_semaphore, #tpu.memory_space<semaphore_mem>>)
    "tpu.region"() ({
      %run_scoped3A = tpu.sem_alloc : memref<!tpu.dma_semaphore, #tpu.memory_space<semaphore_mem>>
      %dma_start3A_417 = arith.constant 0 : i32
      %dma_start3A_418 = arith.constant 0 : i32
      %dma_start3A_419 = tpu.memref_slice %arg3[%add3A, %dma_start3A_417, %dma_start3A_418] : memref<32x8x32xi32, #tpu.memory_space<hbm>> -> memref<1x8x32xi32, #tpu.memory_space<hbm>>
      %dma_start3A_420 = tpu.memref_squeeze %dma_start3A_419 : memref<1x8x32xi32, #tpu.memory_space<hbm>> -> memref<8x32xi32, #tpu.memory_space<hbm>>
      %dma_start3A_421 = arith.constant 0 : i32
      %dma_start3A_422 = arith.constant 0 : i32
      %dma_start3A_423 = tpu.memref_slice %arg3[%add3A, %dma_start3A_421, %dma_start3A_422] : memref<32x8x32xi32, #tpu.memory_space<hbm>> -> memref<1x8x32xi32, #tpu.memory_space<hbm>>
      %dma_start3A_424 = tpu.memref_squeeze %dma_start3A_423 : memref<1x8x32xi32, #tpu.memory_space<hbm>> -> memref<8x32xi32, #tpu.memory_space<hbm>>
      tpu.enqueue_dma source(%dma_start3A_424 : memref<8x32xi32, #tpu.memory_space<hbm>>) target(%arg5 : memref<8x32xi32, #tpu.memory_space<vmem>>) target_semaphore(%run_scoped3A : memref<!tpu.dma_semaphore, #tpu.memory_space<semaphore_mem>>)
      %dma_wait3A_425 = arith.constant 0 : i32
      %dma_wait3A_426 = arith.constant 0 : i32
      %dma_wait3A_427 = tpu.memref_slice %arg3[%add3A, %dma_wait3A_425, %dma_wait3A_426] : memref<32x8x32xi32, #tpu.memory_space<hbm>> -> memref<1x8x32xi32, #tpu.memory_space<hbm>>
      %dma_wait3A_428 = tpu.memref_squeeze %dma_wait3A_427 : memref<1x8x32xi32, #tpu.memory_space<hbm>> -> memref<8x32xi32, #tpu.memory_space<hbm>>
      %dma_wait3A_429 = arith.constant 0 : i32
      %dma_wait3A_430 = arith.constant 0 : i32
      %dma_wait3A_431 = tpu.memref_slice %arg3[%add3A, %dma_wait3A_429, %dma_wait3A_430] : memref<32x8x32xi32, #tpu.memory_space<hbm>> -> memref<1x8x32xi32, #tpu.memory_space<hbm>>
      %dma_wait3A_432 = tpu.memref_squeeze %dma_wait3A_431 : memref<1x8x32xi32, #tpu.memory_space<hbm>> -> memref<8x32xi32, #tpu.memory_space<hbm>>
      tpu.wait_dma2 semaphore(%run_scoped3A : memref<!tpu.dma_semaphore, #tpu.memory_space<semaphore_mem>>) src(%dma_wait3A_432 : memref<8x32xi32, #tpu.memory_space<hbm>>) dst(%arg5 : memref<8x32xi32, #tpu.memory_space<vmem>>)
      tpu.yield
    }) : () -> ()
    %dma_wait3A = arith.constant 0 : i32
    %dma_wait3A_47 = arith.constant 0 : i32
    %dma_wait3A_48 = arith.constant 0 : i32
    %dma_wait3A_49 = tpu.memref_slice %arg6[%dma_wait3A, %dma_wait3A_47, %dma_wait3A_48] : memref<3x32x1024xf32, #tpu.memory_space<vmem>> -> memref<1x32x1024xf32, #tpu.memory_space<vmem>>
    %dma_wait3A_50 = tpu.memref_squeeze %dma_wait3A_49 : memref<1x32x1024xf32, #tpu.memory_space<vmem>> -> memref<32x1024xf32, #tpu.memory_space<vmem>>
    %dma_wait3A_51 = arith.constant 0 : i32
    %dma_wait3A_52 = tpu.memref_slice %arg2[%add3A_4, %dma_wait3A_51] : memref<8192x1024xf32, #tpu.memory_space<hbm>> -> memref<32x1024xf32, #tpu.memory_space<hbm>>
    %dma_wait3A_53 = arith.constant 0 : i32
    %dma_wait3A_54 = arith.constant 0 : i32
    %dma_wait3A_55 = tpu.memref_slice %arg6[%dma_wait3A, %dma_wait3A_53, %dma_wait3A_54] : memref<3x32x1024xf32, #tpu.memory_space<vmem>> -> memref<1x32x1024xf32, #tpu.memory_space<vmem>>
    %dma_wait3A_56 = tpu.memref_squeeze %dma_wait3A_55 : memref<1x32x1024xf32, #tpu.memory_space<vmem>> -> memref<32x1024xf32, #tpu.memory_space<vmem>>
    %dma_wait3A_57 = arith.constant 0 : i32
    %dma_wait3A_58 = tpu.memref_slice %arg2[%add3A_4, %dma_wait3A_57] : memref<8192x1024xf32, #tpu.memory_space<hbm>> -> memref<32x1024xf32, #tpu.memory_space<hbm>>
    tpu.wait_dma2 semaphore(%arg7 : memref<!tpu.dma_semaphore, #tpu.memory_space<semaphore_mem>>) src(%dma_wait3A_58 : memref<32x1024xf32, #tpu.memory_space<hbm>>) dst(%dma_wait3A_56 : memref<32x1024xf32, #tpu.memory_space<vmem>>)
    %dma_start3A_59 = arith.constant 0 : i32
    %dma_start3A_60 = arith.constant 0 : i32
    %dma_start3A_61 = arith.constant 0 : i32
    %dma_start3A_62 = arith.constant 0 : i32
    %dma_start3A_63 = tpu.memref_slice %arg6[%dma_start3A_59, %dma_start3A_61, %dma_start3A_62] : memref<3x32x1024xf32, #tpu.memory_space<vmem>> -> memref<1x32x1024xf32, #tpu.memory_space<vmem>>
    %dma_start3A_64 = tpu.memref_squeeze %dma_start3A_63 : memref<1x32x1024xf32, #tpu.memory_space<vmem>> -> memref<32x1024xf32, #tpu.memory_space<vmem>>
    %dma_start3A_65 = arith.constant 0 : i32
    %dma_start3A_66 = tpu.memref_slice %arg5[%dma_start3A_60, %dma_start3A_65] : memref<8x32xi32, #tpu.memory_space<vmem>> -> memref<1x32xi32, #tpu.memory_space<vmem>>
    %dma_start3A_67 = tpu.memref_squeeze %dma_start3A_66 : memref<1x32xi32, #tpu.memory_space<vmem>> -> memref<32xi32, #tpu.memory_space<vmem>>
    %dma_start3A_68 = arith.constant 0 : i32
    %dma_start3A_69 = arith.constant 0 : i32
    %dma_start3A_70 = tpu.memref_slice %arg4[%dma_start3A_68, %dma_start3A_69] : memref<8192x1024xf32, #tpu.memory_space<hbm>> -> memref<8192x1024xf32, #tpu.memory_space<hbm>>
    tpu.enqueue_indirect_dma source(%dma_start3A_64 : memref<32x1024xf32, #tpu.memory_space<vmem>>) target(%dma_start3A_70 : memref<8192x1024xf32, #tpu.memory_space<hbm>>) offsets(%dma_start3A_67 : memref<32xi32, #tpu.memory_space<vmem>>) semaphore(%arg8 : memref<!tpu.dma_semaphore, #tpu.memory_space<semaphore_mem>>)
    %dma_wait3A_71 = arith.constant 0 : i32
    %dma_wait3A_72 = arith.constant 0 : i32
    %dma_wait3A_73 = arith.constant 0 : i32
    %dma_wait3A_74 = arith.constant 0 : i32
    %dma_wait3A_75 = tpu.memref_slice %arg6[%dma_wait3A_71, %dma_wait3A_73, %dma_wait3A_74] : memref<3x32x1024xf32, #tpu.memory_space<vmem>> -> memref<1x32x1024xf32, #tpu.memory_space<vmem>>
    %dma_wait3A_76 = tpu.memref_squeeze %dma_wait3A_75 : memref<1x32x1024xf32, #tpu.memory_space<vmem>> -> memref<32x1024xf32, #tpu.memory_space<vmem>>
    %dma_wait3A_77 = arith.constant 0 : i32
    %dma_wait3A_78 = tpu.memref_slice %arg5[%dma_wait3A_72, %dma_wait3A_77] : memref<8x32xi32, #tpu.memory_space<vmem>> -> memref<1x32xi32, #tpu.memory_space<vmem>>
    %dma_wait3A_79 = tpu.memref_squeeze %dma_wait3A_78 : memref<1x32xi32, #tpu.memory_space<vmem>> -> memref<32xi32, #tpu.memory_space<vmem>>
    %dma_wait3A_80 = arith.constant 0 : i32
    %dma_wait3A_81 = arith.constant 0 : i32
    %dma_wait3A_82 = tpu.memref_slice %arg4[%dma_wait3A_80, %dma_wait3A_81] : memref<8192x1024xf32, #tpu.memory_space<hbm>> -> memref<8192x1024xf32, #tpu.memory_space<hbm>>
    tpu.wait_indirect_dma semaphore(%arg8 : memref<!tpu.dma_semaphore, #tpu.memory_space<semaphore_mem>>) src(%dma_wait3A_76 : memref<32x1024xf32, #tpu.memory_space<vmem>>) dst(%dma_wait3A_82 : memref<8192x1024xf32, #tpu.memory_space<hbm>>)
    %add3A_83 = arith.constant 96 : i32
    %add3A_84 = arith.addi %mul3A_2, %add3A_83 : i32
    %dma_start3A_85 = arith.constant 0 : i32
    %dma_start3A_86 = arith.constant 0 : i32
    %dma_start3A_87 = arith.constant 0 : i32
    %dma_start3A_88 = tpu.memref_slice %arg6[%dma_start3A_85, %dma_start3A_86, %dma_start3A_87] : memref<3x32x1024xf32, #tpu.memory_space<vmem>> -> memref<1x32x1024xf32, #tpu.memory_space<vmem>>
    %dma_start3A_89 = tpu.memref_squeeze %dma_start3A_88 : memref<1x32x1024xf32, #tpu.memory_space<vmem>> -> memref<32x1024xf32, #tpu.memory_space<vmem>>
    %dma_start3A_90 = arith.constant 0 : i32
    %dma_start3A_91 = tpu.memref_slice %arg2[%add3A_84, %dma_start3A_90] : memref<8192x1024xf32, #tpu.memory_space<hbm>> -> memref<32x1024xf32, #tpu.memory_space<hbm>>
    %dma_start3A_92 = arith.constant 0 : i32
    %dma_start3A_93 = arith.constant 0 : i32
    %dma_start3A_94 = tpu.memref_slice %arg6[%dma_start3A_85, %dma_start3A_92, %dma_start3A_93] : memref<3x32x1024xf32, #tpu.memory_space<vmem>> -> memref<1x32x1024xf32, #tpu.memory_space<vmem>>
    %dma_start3A_95 = tpu.memref_squeeze %dma_start3A_94 : memref<1x32x1024xf32, #tpu.memory_space<vmem>> -> memref<32x1024xf32, #tpu.memory_space<vmem>>
    %dma_start3A_96 = arith.constant 0 : i32
    %dma_start3A_97 = tpu.memref_slice %arg2[%add3A_84, %dma_start3A_96] : memref<8192x1024xf32, #tpu.memory_space<hbm>> -> memref<32x1024xf32, #tpu.memory_space<hbm>>
    tpu.enqueue_dma source(%dma_start3A_97 : memref<32x1024xf32, #tpu.memory_space<hbm>>) target(%dma_start3A_95 : memref<32x1024xf32, #tpu.memory_space<vmem>>) target_semaphore(%arg7 : memref<!tpu.dma_semaphore, #tpu.memory_space<semaphore_mem>>)
    %dma_wait3A_98 = arith.constant 1 : i32
    %dma_wait3A_99 = arith.constant 0 : i32
    %dma_wait3A_100 = arith.constant 0 : i32
    %dma_wait3A_101 = tpu.memref_slice %arg6[%dma_wait3A_98, %dma_wait3A_99, %dma_wait3A_100] : memref<3x32x1024xf32, #tpu.memory_space<vmem>> -> memref<1x32x1024xf32, #tpu.memory_space<vmem>>
    %dma_wait3A_102 = tpu.memref_squeeze %dma_wait3A_101 : memref<1x32x1024xf32, #tpu.memory_space<vmem>> -> memref<32x1024xf32, #tpu.memory_space<vmem>>
    %dma_wait3A_103 = arith.constant 0 : i32
    %dma_wait3A_104 = tpu.memref_slice %arg2[%add3A_18, %dma_wait3A_103] : memref<8192x1024xf32, #tpu.memory_space<hbm>> -> memref<32x1024xf32, #tpu.memory_space<hbm>>
    %dma_wait3A_105 = arith.constant 0 : i32
    %dma_wait3A_106 = arith.constant 0 : i32
    %dma_wait3A_107 = tpu.memref_slice %arg6[%dma_wait3A_98, %dma_wait3A_105, %dma_wait3A_106] : memref<3x32x1024xf32, #tpu.memory_space<vmem>> -> memref<1x32x1024xf32, #tpu.memory_space<vmem>>
    %dma_wait3A_108 = tpu.memref_squeeze %dma_wait3A_107 : memref<1x32x1024xf32, #tpu.memory_space<vmem>> -> memref<32x1024xf32, #tpu.memory_space<vmem>>
    %dma_wait3A_109 = arith.constant 0 : i32
    %dma_wait3A_110 = tpu.memref_slice %arg2[%add3A_18, %dma_wait3A_109] : memref<8192x1024xf32, #tpu.memory_space<hbm>> -> memref<32x1024xf32, #tpu.memory_space<hbm>>
    tpu.wait_dma2 semaphore(%arg7 : memref<!tpu.dma_semaphore, #tpu.memory_space<semaphore_mem>>) src(%dma_wait3A_110 : memref<32x1024xf32, #tpu.memory_space<hbm>>) dst(%dma_wait3A_108 : memref<32x1024xf32, #tpu.memory_space<vmem>>)
    %dma_start3A_111 = arith.constant 1 : i32
    %dma_start3A_112 = arith.constant 1 : i32
    %dma_start3A_113 = arith.constant 0 : i32
    %dma_start3A_114 = arith.constant 0 : i32
    %dma_start3A_115 = tpu.memref_slice %arg6[%dma_start3A_111, %dma_start3A_113, %dma_start3A_114] : memref<3x32x1024xf32, #tpu.memory_space<vmem>> -> memref<1x32x1024xf32, #tpu.memory_space<vmem>>
    %dma_start3A_116 = tpu.memref_squeeze %dma_start3A_115 : memref<1x32x1024xf32, #tpu.memory_space<vmem>> -> memref<32x1024xf32, #tpu.memory_space<vmem>>
    %dma_start3A_117 = arith.constant 0 : i32
    %dma_start3A_118 = tpu.memref_slice %arg5[%dma_start3A_112, %dma_start3A_117] : memref<8x32xi32, #tpu.memory_space<vmem>> -> memref<1x32xi32, #tpu.memory_space<vmem>>
    %dma_start3A_119 = tpu.memref_squeeze %dma_start3A_118 : memref<1x32xi32, #tpu.memory_space<vmem>> -> memref<32xi32, #tpu.memory_space<vmem>>
    %dma_start3A_120 = arith.constant 0 : i32
    %dma_start3A_121 = arith.constant 0 : i32
    %dma_start3A_122 = tpu.memref_slice %arg4[%dma_start3A_120, %dma_start3A_121] : memref<8192x1024xf32, #tpu.memory_space<hbm>> -> memref<8192x1024xf32, #tpu.memory_space<hbm>>
    tpu.enqueue_indirect_dma source(%dma_start3A_116 : memref<32x1024xf32, #tpu.memory_space<vmem>>) target(%dma_start3A_122 : memref<8192x1024xf32, #tpu.memory_space<hbm>>) offsets(%dma_start3A_119 : memref<32xi32, #tpu.memory_space<vmem>>) semaphore(%arg8 : memref<!tpu.dma_semaphore, #tpu.memory_space<semaphore_mem>>)
    %dma_wait3A_123 = arith.constant 1 : i32
    %dma_wait3A_124 = arith.constant 1 : i32
    %dma_wait3A_125 = arith.constant 0 : i32
    %dma_wait3A_126 = arith.constant 0 : i32
    %dma_wait3A_127 = tpu.memref_slice %arg6[%dma_wait3A_123, %dma_wait3A_125, %dma_wait3A_126] : memref<3x32x1024xf32, #tpu.memory_space<vmem>> -> memref<1x32x1024xf32, #tpu.memory_space<vmem>>
    %dma_wait3A_128 = tpu.memref_squeeze %dma_wait3A_127 : memref<1x32x1024xf32, #tpu.memory_space<vmem>> -> memref<32x1024xf32, #tpu.memory_space<vmem>>
    %dma_wait3A_129 = arith.constant 0 : i32
    %dma_wait3A_130 = tpu.memref_slice %arg5[%dma_wait3A_124, %dma_wait3A_129] : memref<8x32xi32, #tpu.memory_space<vmem>> -> memref<1x32xi32, #tpu.memory_space<vmem>>
    %dma_wait3A_131 = tpu.memref_squeeze %dma_wait3A_130 : memref<1x32xi32, #tpu.memory_space<vmem>> -> memref<32xi32, #tpu.memory_space<vmem>>
    %dma_wait3A_132 = arith.constant 0 : i32
    %dma_wait3A_133 = arith.constant 0 : i32
    %dma_wait3A_134 = tpu.memref_slice %arg4[%dma_wait3A_132, %dma_wait3A_133] : memref<8192x1024xf32, #tpu.memory_space<hbm>> -> memref<8192x1024xf32, #tpu.memory_space<hbm>>
    tpu.wait_indirect_dma semaphore(%arg8 : memref<!tpu.dma_semaphore, #tpu.memory_space<semaphore_mem>>) src(%dma_wait3A_128 : memref<32x1024xf32, #tpu.memory_space<vmem>>) dst(%dma_wait3A_134 : memref<8192x1024xf32, #tpu.memory_space<hbm>>)
    %add3A_135 = arith.constant 128 : i32
    %add3A_136 = arith.addi %mul3A_2, %add3A_135 : i32
    %dma_start3A_137 = arith.constant 1 : i32
    %dma_start3A_138 = arith.constant 0 : i32
    %dma_start3A_139 = arith.constant 0 : i32
    %dma_start3A_140 = tpu.memref_slice %arg6[%dma_start3A_137, %dma_start3A_138, %dma_start3A_139] : memref<3x32x1024xf32, #tpu.memory_space<vmem>> -> memref<1x32x1024xf32, #tpu.memory_space<vmem>>
    %dma_start3A_141 = tpu.memref_squeeze %dma_start3A_140 : memref<1x32x1024xf32, #tpu.memory_space<vmem>> -> memref<32x1024xf32, #tpu.memory_space<vmem>>
    %dma_start3A_142 = arith.constant 0 : i32
    %dma_start3A_143 = tpu.memref_slice %arg2[%add3A_136, %dma_start3A_142] : memref<8192x1024xf32, #tpu.memory_space<hbm>> -> memref<32x1024xf32, #tpu.memory_space<hbm>>
    %dma_start3A_144 = arith.constant 0 : i32
    %dma_start3A_145 = arith.constant 0 : i32
    %dma_start3A_146 = tpu.memref_slice %arg6[%dma_start3A_137, %dma_start3A_144, %dma_start3A_145] : memref<3x32x1024xf32, #tpu.memory_space<vmem>> -> memref<1x32x1024xf32, #tpu.memory_space<vmem>>
    %dma_start3A_147 = tpu.memref_squeeze %dma_start3A_146 : memref<1x32x1024xf32, #tpu.memory_space<vmem>> -> memref<32x1024xf32, #tpu.memory_space<vmem>>
    %dma_start3A_148 = arith.constant 0 : i32
    %dma_start3A_149 = tpu.memref_slice %arg2[%add3A_136, %dma_start3A_148] : memref<8192x1024xf32, #tpu.memory_space<hbm>> -> memref<32x1024xf32, #tpu.memory_space<hbm>>
    tpu.enqueue_dma source(%dma_start3A_149 : memref<32x1024xf32, #tpu.memory_space<hbm>>) target(%dma_start3A_147 : memref<32x1024xf32, #tpu.memory_space<vmem>>) target_semaphore(%arg7 : memref<!tpu.dma_semaphore, #tpu.memory_space<semaphore_mem>>)
    %dma_wait3A_150 = arith.constant 2 : i32
    %dma_wait3A_151 = arith.constant 0 : i32
    %dma_wait3A_152 = arith.constant 0 : i32
    %dma_wait3A_153 = tpu.memref_slice %arg6[%dma_wait3A_150, %dma_wait3A_151, %dma_wait3A_152] : memref<3x32x1024xf32, #tpu.memory_space<vmem>> -> memref<1x32x1024xf32, #tpu.memory_space<vmem>>
    %dma_wait3A_154 = tpu.memref_squeeze %dma_wait3A_153 : memref<1x32x1024xf32, #tpu.memory_space<vmem>> -> memref<32x1024xf32, #tpu.memory_space<vmem>>
    %dma_wait3A_155 = arith.constant 0 : i32
    %dma_wait3A_156 = tpu.memref_slice %arg2[%add3A_33, %dma_wait3A_155] : memref<8192x1024xf32, #tpu.memory_space<hbm>> -> memref<32x1024xf32, #tpu.memory_space<hbm>>
    %dma_wait3A_157 = arith.constant 0 : i32
    %dma_wait3A_158 = arith.constant 0 : i32
    %dma_wait3A_159 = tpu.memref_slice %arg6[%dma_wait3A_150, %dma_wait3A_157, %dma_wait3A_158] : memref<3x32x1024xf32, #tpu.memory_space<vmem>> -> memref<1x32x1024xf32, #tpu.memory_space<vmem>>
    %dma_wait3A_160 = tpu.memref_squeeze %dma_wait3A_159 : memref<1x32x1024xf32, #tpu.memory_space<vmem>> -> memref<32x1024xf32, #tpu.memory_space<vmem>>
    %dma_wait3A_161 = arith.constant 0 : i32
    %dma_wait3A_162 = tpu.memref_slice %arg2[%add3A_33, %dma_wait3A_161] : memref<8192x1024xf32, #tpu.memory_space<hbm>> -> memref<32x1024xf32, #tpu.memory_space<hbm>>
    tpu.wait_dma2 semaphore(%arg7 : memref<!tpu.dma_semaphore, #tpu.memory_space<semaphore_mem>>) src(%dma_wait3A_162 : memref<32x1024xf32, #tpu.memory_space<hbm>>) dst(%dma_wait3A_160 : memref<32x1024xf32, #tpu.memory_space<vmem>>)
    %dma_start3A_163 = arith.constant 2 : i32
    %dma_start3A_164 = arith.constant 2 : i32
    %dma_start3A_165 = arith.constant 0 : i32
    %dma_start3A_166 = arith.constant 0 : i32
    %dma_start3A_167 = tpu.memref_slice %arg6[%dma_start3A_163, %dma_start3A_165, %dma_start3A_166] : memref<3x32x1024xf32, #tpu.memory_space<vmem>> -> memref<1x32x1024xf32, #tpu.memory_space<vmem>>
    %dma_start3A_168 = tpu.memref_squeeze %dma_start3A_167 : memref<1x32x1024xf32, #tpu.memory_space<vmem>> -> memref<32x1024xf32, #tpu.memory_space<vmem>>
    %dma_start3A_169 = arith.constant 0 : i32
    %dma_start3A_170 = tpu.memref_slice %arg5[%dma_start3A_164, %dma_start3A_169] : memref<8x32xi32, #tpu.memory_space<vmem>> -> memref<1x32xi32, #tpu.memory_space<vmem>>
    %dma_start3A_171 = tpu.memref_squeeze %dma_start3A_170 : memref<1x32xi32, #tpu.memory_space<vmem>> -> memref<32xi32, #tpu.memory_space<vmem>>
    %dma_start3A_172 = arith.constant 0 : i32
    %dma_start3A_173 = arith.constant 0 : i32
    %dma_start3A_174 = tpu.memref_slice %arg4[%dma_start3A_172, %dma_start3A_173] : memref<8192x1024xf32, #tpu.memory_space<hbm>> -> memref<8192x1024xf32, #tpu.memory_space<hbm>>
    tpu.enqueue_indirect_dma source(%dma_start3A_168 : memref<32x1024xf32, #tpu.memory_space<vmem>>) target(%dma_start3A_174 : memref<8192x1024xf32, #tpu.memory_space<hbm>>) offsets(%dma_start3A_171 : memref<32xi32, #tpu.memory_space<vmem>>) semaphore(%arg8 : memref<!tpu.dma_semaphore, #tpu.memory_space<semaphore_mem>>)
    %dma_wait3A_175 = arith.constant 2 : i32
    %dma_wait3A_176 = arith.constant 2 : i32
    %dma_wait3A_177 = arith.constant 0 : i32
    %dma_wait3A_178 = arith.constant 0 : i32
    %dma_wait3A_179 = tpu.memref_slice %arg6[%dma_wait3A_175, %dma_wait3A_177, %dma_wait3A_178] : memref<3x32x1024xf32, #tpu.memory_space<vmem>> -> memref<1x32x1024xf32, #tpu.memory_space<vmem>>
    %dma_wait3A_180 = tpu.memref_squeeze %dma_wait3A_179 : memref<1x32x1024xf32, #tpu.memory_space<vmem>> -> memref<32x1024xf32, #tpu.memory_space<vmem>>
    %dma_wait3A_181 = arith.constant 0 : i32
    %dma_wait3A_182 = tpu.memref_slice %arg5[%dma_wait3A_176, %dma_wait3A_181] : memref<8x32xi32, #tpu.memory_space<vmem>> -> memref<1x32xi32, #tpu.memory_space<vmem>>
    %dma_wait3A_183 = tpu.memref_squeeze %dma_wait3A_182 : memref<1x32xi32, #tpu.memory_space<vmem>> -> memref<32xi32, #tpu.memory_space<vmem>>
    %dma_wait3A_184 = arith.constant 0 : i32
    %dma_wait3A_185 = arith.constant 0 : i32
    %dma_wait3A_186 = tpu.memref_slice %arg4[%dma_wait3A_184, %dma_wait3A_185] : memref<8192x1024xf32, #tpu.memory_space<hbm>> -> memref<8192x1024xf32, #tpu.memory_space<hbm>>
    tpu.wait_indirect_dma semaphore(%arg8 : memref<!tpu.dma_semaphore, #tpu.memory_space<semaphore_mem>>) src(%dma_wait3A_180 : memref<32x1024xf32, #tpu.memory_space<vmem>>) dst(%dma_wait3A_186 : memref<8192x1024xf32, #tpu.memory_space<hbm>>)
    %add3A_187 = arith.constant 160 : i32
    %add3A_188 = arith.addi %mul3A_2, %add3A_187 : i32
    %dma_start3A_189 = arith.constant 2 : i32
    %dma_start3A_190 = arith.constant 0 : i32
    %dma_start3A_191 = arith.constant 0 : i32
    %dma_start3A_192 = tpu.memref_slice %arg6[%dma_start3A_189, %dma_start3A_190, %dma_start3A_191] : memref<3x32x1024xf32, #tpu.memory_space<vmem>> -> memref<1x32x1024xf32, #tpu.memory_space<vmem>>
    %dma_start3A_193 = tpu.memref_squeeze %dma_start3A_192 : memref<1x32x1024xf32, #tpu.memory_space<vmem>> -> memref<32x1024xf32, #tpu.memory_space<vmem>>
    %dma_start3A_194 = arith.constant 0 : i32
    %dma_start3A_195 = tpu.memref_slice %arg2[%add3A_188, %dma_start3A_194] : memref<8192x1024xf32, #tpu.memory_space<hbm>> -> memref<32x1024xf32, #tpu.memory_space<hbm>>
    %dma_start3A_196 = arith.constant 0 : i32
    %dma_start3A_197 = arith.constant 0 : i32
    %dma_start3A_198 = tpu.memref_slice %arg6[%dma_start3A_189, %dma_start3A_196, %dma_start3A_197] : memref<3x32x1024xf32, #tpu.memory_space<vmem>> -> memref<1x32x1024xf32, #tpu.memory_space<vmem>>
    %dma_start3A_199 = tpu.memref_squeeze %dma_start3A_198 : memref<1x32x1024xf32, #tpu.memory_space<vmem>> -> memref<32x1024xf32, #tpu.memory_space<vmem>>
    %dma_start3A_200 = arith.constant 0 : i32
    %dma_start3A_201 = tpu.memref_slice %arg2[%add3A_188, %dma_start3A_200] : memref<8192x1024xf32, #tpu.memory_space<hbm>> -> memref<32x1024xf32, #tpu.memory_space<hbm>>
    tpu.enqueue_dma source(%dma_start3A_201 : memref<32x1024xf32, #tpu.memory_space<hbm>>) target(%dma_start3A_199 : memref<32x1024xf32, #tpu.memory_space<vmem>>) target_semaphore(%arg7 : memref<!tpu.dma_semaphore, #tpu.memory_space<semaphore_mem>>)
    %dma_wait3A_202 = arith.constant 0 : i32
    %dma_wait3A_203 = arith.constant 0 : i32
    %dma_wait3A_204 = arith.constant 0 : i32
    %dma_wait3A_205 = tpu.memref_slice %arg6[%dma_wait3A_202, %dma_wait3A_203, %dma_wait3A_204] : memref<3x32x1024xf32, #tpu.memory_space<vmem>> -> memref<1x32x1024xf32, #tpu.memory_space<vmem>>
    %dma_wait3A_206 = tpu.memref_squeeze %dma_wait3A_205 : memref<1x32x1024xf32, #tpu.memory_space<vmem>> -> memref<32x1024xf32, #tpu.memory_space<vmem>>
    %dma_wait3A_207 = arith.constant 0 : i32
    %dma_wait3A_208 = tpu.memref_slice %arg2[%add3A_84, %dma_wait3A_207] : memref<8192x1024xf32, #tpu.memory_space<hbm>> -> memref<32x1024xf32, #tpu.memory_space<hbm>>
    %dma_wait3A_209 = arith.constant 0 : i32
    %dma_wait3A_210 = arith.constant 0 : i32
    %dma_wait3A_211 = tpu.memref_slice %arg6[%dma_wait3A_202, %dma_wait3A_209, %dma_wait3A_210] : memref<3x32x1024xf32, #tpu.memory_space<vmem>> -> memref<1x32x1024xf32, #tpu.memory_space<vmem>>
    %dma_wait3A_212 = tpu.memref_squeeze %dma_wait3A_211 : memref<1x32x1024xf32, #tpu.memory_space<vmem>> -> memref<32x1024xf32, #tpu.memory_space<vmem>>
    %dma_wait3A_213 = arith.constant 0 : i32
    %dma_wait3A_214 = tpu.memref_slice %arg2[%add3A_84, %dma_wait3A_213] : memref<8192x1024xf32, #tpu.memory_space<hbm>> -> memref<32x1024xf32, #tpu.memory_space<hbm>>
    tpu.wait_dma2 semaphore(%arg7 : memref<!tpu.dma_semaphore, #tpu.memory_space<semaphore_mem>>) src(%dma_wait3A_214 : memref<32x1024xf32, #tpu.memory_space<hbm>>) dst(%dma_wait3A_212 : memref<32x1024xf32, #tpu.memory_space<vmem>>)
    %dma_start3A_215 = arith.constant 0 : i32
    %dma_start3A_216 = arith.constant 3 : i32
    %dma_start3A_217 = arith.constant 0 : i32
    %dma_start3A_218 = arith.constant 0 : i32
    %dma_start3A_219 = tpu.memref_slice %arg6[%dma_start3A_215, %dma_start3A_217, %dma_start3A_218] : memref<3x32x1024xf32, #tpu.memory_space<vmem>> -> memref<1x32x1024xf32, #tpu.memory_space<vmem>>
    %dma_start3A_220 = tpu.memref_squeeze %dma_start3A_219 : memref<1x32x1024xf32, #tpu.memory_space<vmem>> -> memref<32x1024xf32, #tpu.memory_space<vmem>>
    %dma_start3A_221 = arith.constant 0 : i32
    %dma_start3A_222 = tpu.memref_slice %arg5[%dma_start3A_216, %dma_start3A_221] : memref<8x32xi32, #tpu.memory_space<vmem>> -> memref<1x32xi32, #tpu.memory_space<vmem>>
    %dma_start3A_223 = tpu.memref_squeeze %dma_start3A_222 : memref<1x32xi32, #tpu.memory_space<vmem>> -> memref<32xi32, #tpu.memory_space<vmem>>
    %dma_start3A_224 = arith.constant 0 : i32
    %dma_start3A_225 = arith.constant 0 : i32
    %dma_start3A_226 = tpu.memref_slice %arg4[%dma_start3A_224, %dma_start3A_225] : memref<8192x1024xf32, #tpu.memory_space<hbm>> -> memref<8192x1024xf32, #tpu.memory_space<hbm>>
    tpu.enqueue_indirect_dma source(%dma_start3A_220 : memref<32x1024xf32, #tpu.memory_space<vmem>>) target(%dma_start3A_226 : memref<8192x1024xf32, #tpu.memory_space<hbm>>) offsets(%dma_start3A_223 : memref<32xi32, #tpu.memory_space<vmem>>) semaphore(%arg8 : memref<!tpu.dma_semaphore, #tpu.memory_space<semaphore_mem>>)
    %dma_wait3A_227 = arith.constant 0 : i32
    %dma_wait3A_228 = arith.constant 3 : i32
    %dma_wait3A_229 = arith.constant 0 : i32
    %dma_wait3A_230 = arith.constant 0 : i32
    %dma_wait3A_231 = tpu.memref_slice %arg6[%dma_wait3A_227, %dma_wait3A_229, %dma_wait3A_230] : memref<3x32x1024xf32, #tpu.memory_space<vmem>> -> memref<1x32x1024xf32, #tpu.memory_space<vmem>>
    %dma_wait3A_232 = tpu.memref_squeeze %dma_wait3A_231 : memref<1x32x1024xf32, #tpu.memory_space<vmem>> -> memref<32x1024xf32, #tpu.memory_space<vmem>>
    %dma_wait3A_233 = arith.constant 0 : i32
    %dma_wait3A_234 = tpu.memref_slice %arg5[%dma_wait3A_228, %dma_wait3A_233] : memref<8x32xi32, #tpu.memory_space<vmem>> -> memref<1x32xi32, #tpu.memory_space<vmem>>
    %dma_wait3A_235 = tpu.memref_squeeze %dma_wait3A_234 : memref<1x32xi32, #tpu.memory_space<vmem>> -> memref<32xi32, #tpu.memory_space<vmem>>
    %dma_wait3A_236 = arith.constant 0 : i32
    %dma_wait3A_237 = arith.constant 0 : i32
    %dma_wait3A_238 = tpu.memref_slice %arg4[%dma_wait3A_236, %dma_wait3A_237] : memref<8192x1024xf32, #tpu.memory_space<hbm>> -> memref<8192x1024xf32, #tpu.memory_space<hbm>>
    tpu.wait_indirect_dma semaphore(%arg8 : memref<!tpu.dma_semaphore, #tpu.memory_space<semaphore_mem>>) src(%dma_wait3A_232 : memref<32x1024xf32, #tpu.memory_space<vmem>>) dst(%dma_wait3A_238 : memref<8192x1024xf32, #tpu.memory_space<hbm>>)
    %add3A_239 = arith.constant 192 : i32
    %add3A_240 = arith.addi %mul3A_2, %add3A_239 : i32
    %dma_start3A_241 = arith.constant 0 : i32
    %dma_start3A_242 = arith.constant 0 : i32
    %dma_start3A_243 = arith.constant 0 : i32
    %dma_start3A_244 = tpu.memref_slice %arg6[%dma_start3A_241, %dma_start3A_242, %dma_start3A_243] : memref<3x32x1024xf32, #tpu.memory_space<vmem>> -> memref<1x32x1024xf32, #tpu.memory_space<vmem>>
    %dma_start3A_245 = tpu.memref_squeeze %dma_start3A_244 : memref<1x32x1024xf32, #tpu.memory_space<vmem>> -> memref<32x1024xf32, #tpu.memory_space<vmem>>
    %dma_start3A_246 = arith.constant 0 : i32
    %dma_start3A_247 = tpu.memref_slice %arg2[%add3A_240, %dma_start3A_246] : memref<8192x1024xf32, #tpu.memory_space<hbm>> -> memref<32x1024xf32, #tpu.memory_space<hbm>>
    %dma_start3A_248 = arith.constant 0 : i32
    %dma_start3A_249 = arith.constant 0 : i32
    %dma_start3A_250 = tpu.memref_slice %arg6[%dma_start3A_241, %dma_start3A_248, %dma_start3A_249] : memref<3x32x1024xf32, #tpu.memory_space<vmem>> -> memref<1x32x1024xf32, #tpu.memory_space<vmem>>
    %dma_start3A_251 = tpu.memref_squeeze %dma_start3A_250 : memref<1x32x1024xf32, #tpu.memory_space<vmem>> -> memref<32x1024xf32, #tpu.memory_space<vmem>>
    %dma_start3A_252 = arith.constant 0 : i32
    %dma_start3A_253 = tpu.memref_slice %arg2[%add3A_240, %dma_start3A_252] : memref<8192x1024xf32, #tpu.memory_space<hbm>> -> memref<32x1024xf32, #tpu.memory_space<hbm>>
    tpu.enqueue_dma source(%dma_start3A_253 : memref<32x1024xf32, #tpu.memory_space<hbm>>) target(%dma_start3A_251 : memref<32x1024xf32, #tpu.memory_space<vmem>>) target_semaphore(%arg7 : memref<!tpu.dma_semaphore, #tpu.memory_space<semaphore_mem>>)
    %dma_wait3A_254 = arith.constant 1 : i32
    %dma_wait3A_255 = arith.constant 0 : i32
    %dma_wait3A_256 = arith.constant 0 : i32
    %dma_wait3A_257 = tpu.memref_slice %arg6[%dma_wait3A_254, %dma_wait3A_255, %dma_wait3A_256] : memref<3x32x1024xf32, #tpu.memory_space<vmem>> -> memref<1x32x1024xf32, #tpu.memory_space<vmem>>
    %dma_wait3A_258 = tpu.memref_squeeze %dma_wait3A_257 : memref<1x32x1024xf32, #tpu.memory_space<vmem>> -> memref<32x1024xf32, #tpu.memory_space<vmem>>
    %dma_wait3A_259 = arith.constant 0 : i32
    %dma_wait3A_260 = tpu.memref_slice %arg2[%add3A_136, %dma_wait3A_259] : memref<8192x1024xf32, #tpu.memory_space<hbm>> -> memref<32x1024xf32, #tpu.memory_space<hbm>>
    %dma_wait3A_261 = arith.constant 0 : i32
    %dma_wait3A_262 = arith.constant 0 : i32
    %dma_wait3A_263 = tpu.memref_slice %arg6[%dma_wait3A_254, %dma_wait3A_261, %dma_wait3A_262] : memref<3x32x1024xf32, #tpu.memory_space<vmem>> -> memref<1x32x1024xf32, #tpu.memory_space<vmem>>
    %dma_wait3A_264 = tpu.memref_squeeze %dma_wait3A_263 : memref<1x32x1024xf32, #tpu.memory_space<vmem>> -> memref<32x1024xf32, #tpu.memory_space<vmem>>
    %dma_wait3A_265 = arith.constant 0 : i32
    %dma_wait3A_266 = tpu.memref_slice %arg2[%add3A_136, %dma_wait3A_265] : memref<8192x1024xf32, #tpu.memory_space<hbm>> -> memref<32x1024xf32, #tpu.memory_space<hbm>>
    tpu.wait_dma2 semaphore(%arg7 : memref<!tpu.dma_semaphore, #tpu.memory_space<semaphore_mem>>) src(%dma_wait3A_266 : memref<32x1024xf32, #tpu.memory_space<hbm>>) dst(%dma_wait3A_264 : memref<32x1024xf32, #tpu.memory_space<vmem>>)
    %dma_start3A_267 = arith.constant 1 : i32
    %dma_start3A_268 = arith.constant 4 : i32
    %dma_start3A_269 = arith.constant 0 : i32
    %dma_start3A_270 = arith.constant 0 : i32
    %dma_start3A_271 = tpu.memref_slice %arg6[%dma_start3A_267, %dma_start3A_269, %dma_start3A_270] : memref<3x32x1024xf32, #tpu.memory_space<vmem>> -> memref<1x32x1024xf32, #tpu.memory_space<vmem>>
    %dma_start3A_272 = tpu.memref_squeeze %dma_start3A_271 : memref<1x32x1024xf32, #tpu.memory_space<vmem>> -> memref<32x1024xf32, #tpu.memory_space<vmem>>
    %dma_start3A_273 = arith.constant 0 : i32
    %dma_start3A_274 = tpu.memref_slice %arg5[%dma_start3A_268, %dma_start3A_273] : memref<8x32xi32, #tpu.memory_space<vmem>> -> memref<1x32xi32, #tpu.memory_space<vmem>>
    %dma_start3A_275 = tpu.memref_squeeze %dma_start3A_274 : memref<1x32xi32, #tpu.memory_space<vmem>> -> memref<32xi32, #tpu.memory_space<vmem>>
    %dma_start3A_276 = arith.constant 0 : i32
    %dma_start3A_277 = arith.constant 0 : i32
    %dma_start3A_278 = tpu.memref_slice %arg4[%dma_start3A_276, %dma_start3A_277] : memref<8192x1024xf32, #tpu.memory_space<hbm>> -> memref<8192x1024xf32, #tpu.memory_space<hbm>>
    tpu.enqueue_indirect_dma source(%dma_start3A_272 : memref<32x1024xf32, #tpu.memory_space<vmem>>) target(%dma_start3A_278 : memref<8192x1024xf32, #tpu.memory_space<hbm>>) offsets(%dma_start3A_275 : memref<32xi32, #tpu.memory_space<vmem>>) semaphore(%arg8 : memref<!tpu.dma_semaphore, #tpu.memory_space<semaphore_mem>>)
    %dma_wait3A_279 = arith.constant 1 : i32
    %dma_wait3A_280 = arith.constant 4 : i32
    %dma_wait3A_281 = arith.constant 0 : i32
    %dma_wait3A_282 = arith.constant 0 : i32
    %dma_wait3A_283 = tpu.memref_slice %arg6[%dma_wait3A_279, %dma_wait3A_281, %dma_wait3A_282] : memref<3x32x1024xf32, #tpu.memory_space<vmem>> -> memref<1x32x1024xf32, #tpu.memory_space<vmem>>
    %dma_wait3A_284 = tpu.memref_squeeze %dma_wait3A_283 : memref<1x32x1024xf32, #tpu.memory_space<vmem>> -> memref<32x1024xf32, #tpu.memory_space<vmem>>
    %dma_wait3A_285 = arith.constant 0 : i32
    %dma_wait3A_286 = tpu.memref_slice %arg5[%dma_wait3A_280, %dma_wait3A_285] : memref<8x32xi32, #tpu.memory_space<vmem>> -> memref<1x32xi32, #tpu.memory_space<vmem>>
    %dma_wait3A_287 = tpu.memref_squeeze %dma_wait3A_286 : memref<1x32xi32, #tpu.memory_space<vmem>> -> memref<32xi32, #tpu.memory_space<vmem>>
    %dma_wait3A_288 = arith.constant 0 : i32
    %dma_wait3A_289 = arith.constant 0 : i32
    %dma_wait3A_290 = tpu.memref_slice %arg4[%dma_wait3A_288, %dma_wait3A_289] : memref<8192x1024xf32, #tpu.memory_space<hbm>> -> memref<8192x1024xf32, #tpu.memory_space<hbm>>
    tpu.wait_indirect_dma semaphore(%arg8 : memref<!tpu.dma_semaphore, #tpu.memory_space<semaphore_mem>>) src(%dma_wait3A_284 : memref<32x1024xf32, #tpu.memory_space<vmem>>) dst(%dma_wait3A_290 : memref<8192x1024xf32, #tpu.memory_space<hbm>>)
    %add3A_291 = arith.constant 224 : i32
    %add3A_292 = arith.addi %mul3A_2, %add3A_291 : i32
    %dma_start3A_293 = arith.constant 1 : i32
    %dma_start3A_294 = arith.constant 0 : i32
    %dma_start3A_295 = arith.constant 0 : i32
    %dma_start3A_296 = tpu.memref_slice %arg6[%dma_start3A_293, %dma_start3A_294, %dma_start3A_295] : memref<3x32x1024xf32, #tpu.memory_space<vmem>> -> memref<1x32x1024xf32, #tpu.memory_space<vmem>>
    %dma_start3A_297 = tpu.memref_squeeze %dma_start3A_296 : memref<1x32x1024xf32, #tpu.memory_space<vmem>> -> memref<32x1024xf32, #tpu.memory_space<vmem>>
    %dma_start3A_298 = arith.constant 0 : i32
    %dma_start3A_299 = tpu.memref_slice %arg2[%add3A_292, %dma_start3A_298] : memref<8192x1024xf32, #tpu.memory_space<hbm>> -> memref<32x1024xf32, #tpu.memory_space<hbm>>
    %dma_start3A_300 = arith.constant 0 : i32
    %dma_start3A_301 = arith.constant 0 : i32
    %dma_start3A_302 = tpu.memref_slice %arg6[%dma_start3A_293, %dma_start3A_300, %dma_start3A_301] : memref<3x32x1024xf32, #tpu.memory_space<vmem>> -> memref<1x32x1024xf32, #tpu.memory_space<vmem>>
    %dma_start3A_303 = tpu.memref_squeeze %dma_start3A_302 : memref<1x32x1024xf32, #tpu.memory_space<vmem>> -> memref<32x1024xf32, #tpu.memory_space<vmem>>
    %dma_start3A_304 = arith.constant 0 : i32
    %dma_start3A_305 = tpu.memref_slice %arg2[%add3A_292, %dma_start3A_304] : memref<8192x1024xf32, #tpu.memory_space<hbm>> -> memref<32x1024xf32, #tpu.memory_space<hbm>>
    tpu.enqueue_dma source(%dma_start3A_305 : memref<32x1024xf32, #tpu.memory_space<hbm>>) target(%dma_start3A_303 : memref<32x1024xf32, #tpu.memory_space<vmem>>) target_semaphore(%arg7 : memref<!tpu.dma_semaphore, #tpu.memory_space<semaphore_mem>>)
    %dma_wait3A_306 = arith.constant 2 : i32
    %dma_wait3A_307 = arith.constant 0 : i32
    %dma_wait3A_308 = arith.constant 0 : i32
    %dma_wait3A_309 = tpu.memref_slice %arg6[%dma_wait3A_306, %dma_wait3A_307, %dma_wait3A_308] : memref<3x32x1024xf32, #tpu.memory_space<vmem>> -> memref<1x32x1024xf32, #tpu.memory_space<vmem>>
    %dma_wait3A_310 = tpu.memref_squeeze %dma_wait3A_309 : memref<1x32x1024xf32, #tpu.memory_space<vmem>> -> memref<32x1024xf32, #tpu.memory_space<vmem>>
    %dma_wait3A_311 = arith.constant 0 : i32
    %dma_wait3A_312 = tpu.memref_slice %arg2[%add3A_188, %dma_wait3A_311] : memref<8192x1024xf32, #tpu.memory_space<hbm>> -> memref<32x1024xf32, #tpu.memory_space<hbm>>
    %dma_wait3A_313 = arith.constant 0 : i32
    %dma_wait3A_314 = arith.constant 0 : i32
    %dma_wait3A_315 = tpu.memref_slice %arg6[%dma_wait3A_306, %dma_wait3A_313, %dma_wait3A_314] : memref<3x32x1024xf32, #tpu.memory_space<vmem>> -> memref<1x32x1024xf32, #tpu.memory_space<vmem>>
    %dma_wait3A_316 = tpu.memref_squeeze %dma_wait3A_315 : memref<1x32x1024xf32, #tpu.memory_space<vmem>> -> memref<32x1024xf32, #tpu.memory_space<vmem>>
    %dma_wait3A_317 = arith.constant 0 : i32
    %dma_wait3A_318 = tpu.memref_slice %arg2[%add3A_188, %dma_wait3A_317] : memref<8192x1024xf32, #tpu.memory_space<hbm>> -> memref<32x1024xf32, #tpu.memory_space<hbm>>
    tpu.wait_dma2 semaphore(%arg7 : memref<!tpu.dma_semaphore, #tpu.memory_space<semaphore_mem>>) src(%dma_wait3A_318 : memref<32x1024xf32, #tpu.memory_space<hbm>>) dst(%dma_wait3A_316 : memref<32x1024xf32, #tpu.memory_space<vmem>>)
    %dma_start3A_319 = arith.constant 2 : i32
    %dma_start3A_320 = arith.constant 5 : i32
    %dma_start3A_321 = arith.constant 0 : i32
    %dma_start3A_322 = arith.constant 0 : i32
    %dma_start3A_323 = tpu.memref_slice %arg6[%dma_start3A_319, %dma_start3A_321, %dma_start3A_322] : memref<3x32x1024xf32, #tpu.memory_space<vmem>> -> memref<1x32x1024xf32, #tpu.memory_space<vmem>>
    %dma_start3A_324 = tpu.memref_squeeze %dma_start3A_323 : memref<1x32x1024xf32, #tpu.memory_space<vmem>> -> memref<32x1024xf32, #tpu.memory_space<vmem>>
    %dma_start3A_325 = arith.constant 0 : i32
    %dma_start3A_326 = tpu.memref_slice %arg5[%dma_start3A_320, %dma_start3A_325] : memref<8x32xi32, #tpu.memory_space<vmem>> -> memref<1x32xi32, #tpu.memory_space<vmem>>
    %dma_start3A_327 = tpu.memref_squeeze %dma_start3A_326 : memref<1x32xi32, #tpu.memory_space<vmem>> -> memref<32xi32, #tpu.memory_space<vmem>>
    %dma_start3A_328 = arith.constant 0 : i32
    %dma_start3A_329 = arith.constant 0 : i32
    %dma_start3A_330 = tpu.memref_slice %arg4[%dma_start3A_328, %dma_start3A_329] : memref<8192x1024xf32, #tpu.memory_space<hbm>> -> memref<8192x1024xf32, #tpu.memory_space<hbm>>
    tpu.enqueue_indirect_dma source(%dma_start3A_324 : memref<32x1024xf32, #tpu.memory_space<vmem>>) target(%dma_start3A_330 : memref<8192x1024xf32, #tpu.memory_space<hbm>>) offsets(%dma_start3A_327 : memref<32xi32, #tpu.memory_space<vmem>>) semaphore(%arg8 : memref<!tpu.dma_semaphore, #tpu.memory_space<semaphore_mem>>)
    %dma_wait3A_331 = arith.constant 0 : i32
    %dma_wait3A_332 = arith.constant 0 : i32
    %dma_wait3A_333 = arith.constant 0 : i32
    %dma_wait3A_334 = tpu.memref_slice %arg6[%dma_wait3A_331, %dma_wait3A_332, %dma_wait3A_333] : memref<3x32x1024xf32, #tpu.memory_space<vmem>> -> memref<1x32x1024xf32, #tpu.memory_space<vmem>>
    %dma_wait3A_335 = tpu.memref_squeeze %dma_wait3A_334 : memref<1x32x1024xf32, #tpu.memory_space<vmem>> -> memref<32x1024xf32, #tpu.memory_space<vmem>>
    %dma_wait3A_336 = arith.constant 0 : i32
    %dma_wait3A_337 = tpu.memref_slice %arg2[%add3A_240, %dma_wait3A_336] : memref<8192x1024xf32, #tpu.memory_space<hbm>> -> memref<32x1024xf32, #tpu.memory_space<hbm>>
    %dma_wait3A_338 = arith.constant 0 : i32
    %dma_wait3A_339 = arith.constant 0 : i32
    %dma_wait3A_340 = tpu.memref_slice %arg6[%dma_wait3A_331, %dma_wait3A_338, %dma_wait3A_339] : memref<3x32x1024xf32, #tpu.memory_space<vmem>> -> memref<1x32x1024xf32, #tpu.memory_space<vmem>>
    %dma_wait3A_341 = tpu.memref_squeeze %dma_wait3A_340 : memref<1x32x1024xf32, #tpu.memory_space<vmem>> -> memref<32x1024xf32, #tpu.memory_space<vmem>>
    %dma_wait3A_342 = arith.constant 0 : i32
    %dma_wait3A_343 = tpu.memref_slice %arg2[%add3A_240, %dma_wait3A_342] : memref<8192x1024xf32, #tpu.memory_space<hbm>> -> memref<32x1024xf32, #tpu.memory_space<hbm>>
    tpu.wait_dma2 semaphore(%arg7 : memref<!tpu.dma_semaphore, #tpu.memory_space<semaphore_mem>>) src(%dma_wait3A_343 : memref<32x1024xf32, #tpu.memory_space<hbm>>) dst(%dma_wait3A_341 : memref<32x1024xf32, #tpu.memory_space<vmem>>)
    %dma_start3A_344 = arith.constant 0 : i32
    %dma_start3A_345 = arith.constant 6 : i32
    %dma_start3A_346 = arith.constant 0 : i32
    %dma_start3A_347 = arith.constant 0 : i32
    %dma_start3A_348 = tpu.memref_slice %arg6[%dma_start3A_344, %dma_start3A_346, %dma_start3A_347] : memref<3x32x1024xf32, #tpu.memory_space<vmem>> -> memref<1x32x1024xf32, #tpu.memory_space<vmem>>
    %dma_start3A_349 = tpu.memref_squeeze %dma_start3A_348 : memref<1x32x1024xf32, #tpu.memory_space<vmem>> -> memref<32x1024xf32, #tpu.memory_space<vmem>>
    %dma_start3A_350 = arith.constant 0 : i32
    %dma_start3A_351 = tpu.memref_slice %arg5[%dma_start3A_345, %dma_start3A_350] : memref<8x32xi32, #tpu.memory_space<vmem>> -> memref<1x32xi32, #tpu.memory_space<vmem>>
    %dma_start3A_352 = tpu.memref_squeeze %dma_start3A_351 : memref<1x32xi32, #tpu.memory_space<vmem>> -> memref<32xi32, #tpu.memory_space<vmem>>
    %dma_start3A_353 = arith.constant 0 : i32
    %dma_start3A_354 = arith.constant 0 : i32
    %dma_start3A_355 = tpu.memref_slice %arg4[%dma_start3A_353, %dma_start3A_354] : memref<8192x1024xf32, #tpu.memory_space<hbm>> -> memref<8192x1024xf32, #tpu.memory_space<hbm>>
    tpu.enqueue_indirect_dma source(%dma_start3A_349 : memref<32x1024xf32, #tpu.memory_space<vmem>>) target(%dma_start3A_355 : memref<8192x1024xf32, #tpu.memory_space<hbm>>) offsets(%dma_start3A_352 : memref<32xi32, #tpu.memory_space<vmem>>) semaphore(%arg8 : memref<!tpu.dma_semaphore, #tpu.memory_space<semaphore_mem>>)
    %dma_wait3A_356 = arith.constant 1 : i32
    %dma_wait3A_357 = arith.constant 0 : i32
    %dma_wait3A_358 = arith.constant 0 : i32
    %dma_wait3A_359 = tpu.memref_slice %arg6[%dma_wait3A_356, %dma_wait3A_357, %dma_wait3A_358] : memref<3x32x1024xf32, #tpu.memory_space<vmem>> -> memref<1x32x1024xf32, #tpu.memory_space<vmem>>
    %dma_wait3A_360 = tpu.memref_squeeze %dma_wait3A_359 : memref<1x32x1024xf32, #tpu.memory_space<vmem>> -> memref<32x1024xf32, #tpu.memory_space<vmem>>
    %dma_wait3A_361 = arith.constant 0 : i32
    %dma_wait3A_362 = tpu.memref_slice %arg2[%add3A_292, %dma_wait3A_361] : memref<8192x1024xf32, #tpu.memory_space<hbm>> -> memref<32x1024xf32, #tpu.memory_space<hbm>>
    %dma_wait3A_363 = arith.constant 0 : i32
    %dma_wait3A_364 = arith.constant 0 : i32
    %dma_wait3A_365 = tpu.memref_slice %arg6[%dma_wait3A_356, %dma_wait3A_363, %dma_wait3A_364] : memref<3x32x1024xf32, #tpu.memory_space<vmem>> -> memref<1x32x1024xf32, #tpu.memory_space<vmem>>
    %dma_wait3A_366 = tpu.memref_squeeze %dma_wait3A_365 : memref<1x32x1024xf32, #tpu.memory_space<vmem>> -> memref<32x1024xf32, #tpu.memory_space<vmem>>
    %dma_wait3A_367 = arith.constant 0 : i32
    %dma_wait3A_368 = tpu.memref_slice %arg2[%add3A_292, %dma_wait3A_367] : memref<8192x1024xf32, #tpu.memory_space<hbm>> -> memref<32x1024xf32, #tpu.memory_space<hbm>>
    tpu.wait_dma2 semaphore(%arg7 : memref<!tpu.dma_semaphore, #tpu.memory_space<semaphore_mem>>) src(%dma_wait3A_368 : memref<32x1024xf32, #tpu.memory_space<hbm>>) dst(%dma_wait3A_366 : memref<32x1024xf32, #tpu.memory_space<vmem>>)
    %dma_start3A_369 = arith.constant 1 : i32
    %dma_start3A_370 = arith.constant 7 : i32
    %dma_start3A_371 = arith.constant 0 : i32
    %dma_start3A_372 = arith.constant 0 : i32
    %dma_start3A_373 = tpu.memref_slice %arg6[%dma_start3A_369, %dma_start3A_371, %dma_start3A_372] : memref<3x32x1024xf32, #tpu.memory_space<vmem>> -> memref<1x32x1024xf32, #tpu.memory_space<vmem>>
    %dma_start3A_374 = tpu.memref_squeeze %dma_start3A_373 : memref<1x32x1024xf32, #tpu.memory_space<vmem>> -> memref<32x1024xf32, #tpu.memory_space<vmem>>
    %dma_start3A_375 = arith.constant 0 : i32
    %dma_start3A_376 = tpu.memref_slice %arg5[%dma_start3A_370, %dma_start3A_375] : memref<8x32xi32, #tpu.memory_space<vmem>> -> memref<1x32xi32, #tpu.memory_space<vmem>>
    %dma_start3A_377 = tpu.memref_squeeze %dma_start3A_376 : memref<1x32xi32, #tpu.memory_space<vmem>> -> memref<32xi32, #tpu.memory_space<vmem>>
    %dma_start3A_378 = arith.constant 0 : i32
    %dma_start3A_379 = arith.constant 0 : i32
    %dma_start3A_380 = tpu.memref_slice %arg4[%dma_start3A_378, %dma_start3A_379] : memref<8192x1024xf32, #tpu.memory_space<hbm>> -> memref<8192x1024xf32, #tpu.memory_space<hbm>>
    tpu.enqueue_indirect_dma source(%dma_start3A_374 : memref<32x1024xf32, #tpu.memory_space<vmem>>) target(%dma_start3A_380 : memref<8192x1024xf32, #tpu.memory_space<hbm>>) offsets(%dma_start3A_377 : memref<32xi32, #tpu.memory_space<vmem>>) semaphore(%arg8 : memref<!tpu.dma_semaphore, #tpu.memory_space<semaphore_mem>>)
    %dma_wait3A_381 = arith.constant 2 : i32
    %dma_wait3A_382 = arith.constant 5 : i32
    %dma_wait3A_383 = arith.constant 0 : i32
    %dma_wait3A_384 = arith.constant 0 : i32
    %dma_wait3A_385 = tpu.memref_slice %arg6[%dma_wait3A_381, %dma_wait3A_383, %dma_wait3A_384] : memref<3x32x1024xf32, #tpu.memory_space<vmem>> -> memref<1x32x1024xf32, #tpu.memory_space<vmem>>
    %dma_wait3A_386 = tpu.memref_squeeze %dma_wait3A_385 : memref<1x32x1024xf32, #tpu.memory_space<vmem>> -> memref<32x1024xf32, #tpu.memory_space<vmem>>
    %dma_wait3A_387 = arith.constant 0 : i32
    %dma_wait3A_388 = tpu.memref_slice %arg5[%dma_wait3A_382, %dma_wait3A_387] : memref<8x32xi32, #tpu.memory_space<vmem>> -> memref<1x32xi32, #tpu.memory_space<vmem>>
    %dma_wait3A_389 = tpu.memref_squeeze %dma_wait3A_388 : memref<1x32xi32, #tpu.memory_space<vmem>> -> memref<32xi32, #tpu.memory_space<vmem>>
    %dma_wait3A_390 = arith.constant 0 : i32
    %dma_wait3A_391 = arith.constant 0 : i32
    %dma_wait3A_392 = tpu.memref_slice %arg4[%dma_wait3A_390, %dma_wait3A_391] : memref<8192x1024xf32, #tpu.memory_space<hbm>> -> memref<8192x1024xf32, #tpu.memory_space<hbm>>
    tpu.wait_indirect_dma semaphore(%arg8 : memref<!tpu.dma_semaphore, #tpu.memory_space<semaphore_mem>>) src(%dma_wait3A_386 : memref<32x1024xf32, #tpu.memory_space<vmem>>) dst(%dma_wait3A_392 : memref<8192x1024xf32, #tpu.memory_space<hbm>>)
    %dma_wait3A_393 = arith.constant 0 : i32
    %dma_wait3A_394 = arith.constant 6 : i32
    %dma_wait3A_395 = arith.constant 0 : i32
    %dma_wait3A_396 = arith.constant 0 : i32
    %dma_wait3A_397 = tpu.memref_slice %arg6[%dma_wait3A_393, %dma_wait3A_395, %dma_wait3A_396] : memref<3x32x1024xf32, #tpu.memory_space<vmem>> -> memref<1x32x1024xf32, #tpu.memory_space<vmem>>
    %dma_wait3A_398 = tpu.memref_squeeze %dma_wait3A_397 : memref<1x32x1024xf32, #tpu.memory_space<vmem>> -> memref<32x1024xf32, #tpu.memory_space<vmem>>
    %dma_wait3A_399 = arith.constant 0 : i32
    %dma_wait3A_400 = tpu.memref_slice %arg5[%dma_wait3A_394, %dma_wait3A_399] : memref<8x32xi32, #tpu.memory_space<vmem>> -> memref<1x32xi32, #tpu.memory_space<vmem>>
    %dma_wait3A_401 = tpu.memref_squeeze %dma_wait3A_400 : memref<1x32xi32, #tpu.memory_space<vmem>> -> memref<32xi32, #tpu.memory_space<vmem>>
    %dma_wait3A_402 = arith.constant 0 : i32
    %dma_wait3A_403 = arith.constant 0 : i32
    %dma_wait3A_404 = tpu.memref_slice %arg4[%dma_wait3A_402, %dma_wait3A_403] : memref<8192x1024xf32, #tpu.memory_space<hbm>> -> memref<8192x1024xf32, #tpu.memory_space<hbm>>
    tpu.wait_indirect_dma semaphore(%arg8 : memref<!tpu.dma_semaphore, #tpu.memory_space<semaphore_mem>>) src(%dma_wait3A_398 : memref<32x1024xf32, #tpu.memory_space<vmem>>) dst(%dma_wait3A_404 : memref<8192x1024xf32, #tpu.memory_space<hbm>>)
    %dma_wait3A_405 = arith.constant 1 : i32
    %dma_wait3A_406 = arith.constant 7 : i32
    %dma_wait3A_407 = arith.constant 0 : i32
    %dma_wait3A_408 = arith.constant 0 : i32
    %dma_wait3A_409 = tpu.memref_slice %arg6[%dma_wait3A_405, %dma_wait3A_407, %dma_wait3A_408] : memref<3x32x1024xf32, #tpu.memory_space<vmem>> -> memref<1x32x1024xf32, #tpu.memory_space<vmem>>
    %dma_wait3A_410 = tpu.memref_squeeze %dma_wait3A_409 : memref<1x32x1024xf32, #tpu.memory_space<vmem>> -> memref<32x1024xf32, #tpu.memory_space<vmem>>
    %dma_wait3A_411 = arith.constant 0 : i32
    %dma_wait3A_412 = tpu.memref_slice %arg5[%dma_wait3A_406, %dma_wait3A_411] : memref<8x32xi32, #tpu.memory_space<vmem>> -> memref<1x32xi32, #tpu.memory_space<vmem>>
    %dma_wait3A_413 = tpu.memref_squeeze %dma_wait3A_412 : memref<1x32xi32, #tpu.memory_space<vmem>> -> memref<32xi32, #tpu.memory_space<vmem>>
    %dma_wait3A_414 = arith.constant 0 : i32
    %dma_wait3A_415 = arith.constant 0 : i32
    %dma_wait3A_416 = tpu.memref_slice %arg4[%dma_wait3A_414, %dma_wait3A_415] : memref<8192x1024xf32, #tpu.memory_space<hbm>> -> memref<8192x1024xf32, #tpu.memory_space<hbm>>
    tpu.wait_indirect_dma semaphore(%arg8 : memref<!tpu.dma_semaphore, #tpu.memory_space<semaphore_mem>>) src(%dma_wait3A_410 : memref<32x1024xf32, #tpu.memory_space<vmem>>) dst(%dma_wait3A_416 : memref<8192x1024xf32, #tpu.memory_space<hbm>>)
    return
  }
}

#map = affine_map<(d0, d1) -> (0, 0)>
#map1 = affine_map<(d0, d1) -> (0, 0, 0)>
module attributes {stable_mosaic.version = 14 : i64} {
  func.func @k(%arg0: i32, %arg1: i32, %arg2: memref<8192x256xf32, #tpu.memory_space<hbm>>, %arg3: memref<32x4x64xi32, #tpu.memory_space<hbm>>, %arg4: memref<8192x256xf32, #tpu.memory_space<hbm>>, %arg5: memref<4x64xi32, #tpu.memory_space<vmem>>, %arg6: memref<3x64x256xf32, #tpu.memory_space<vmem>>, %arg7: memref<!tpu.dma_semaphore, #tpu.memory_space<semaphore_mem>>, %arg8: memref<!tpu.dma_semaphore, #tpu.memory_space<semaphore_mem>>) attributes {dimension_semantics = [#tpu.dimension_semantics<core_parallel>, #tpu.dimension_semantics<subcore_parallel>], iteration_bounds = array<i64: 2, 16>, scalar_prefetch = 0 : i64, scratch_operands = 4 : i64, tpu.core_type = #tpu.core_type<sc_vector_subcore>, window_params = [{transform_indices = #map}, {transform_indices = #map1}, {transform_indices = #map}]} {
    %mul3A = arith.constant 2 : i32
    %mul3A_0 = arith.muli %arg1, %mul3A : i32
    %add3A = arith.addi %mul3A_0, %arg0 : i32
    %mul3A_1 = arith.constant 256 : i32
    %mul3A_2 = arith.muli %add3A, %mul3A_1 : i32
    "tpu.region"() ({
      %run_scoped3A = tpu.sem_alloc : memref<!tpu.dma_semaphore, #tpu.memory_space<semaphore_mem>>
      %dma_start3A_209 = arith.constant 0 : i32
      %dma_start3A_210 = arith.constant 0 : i32
      %dma_start3A_211 = tpu.memref_slice %arg3[%add3A, %dma_start3A_209, %dma_start3A_210] : memref<32x4x64xi32, #tpu.memory_space<hbm>> -> memref<1x4x64xi32, #tpu.memory_space<hbm>>
      %dma_start3A_212 = tpu.memref_squeeze %dma_start3A_211 : memref<1x4x64xi32, #tpu.memory_space<hbm>> -> memref<4x64xi32, #tpu.memory_space<hbm>>
      %dma_start3A_213 = arith.constant 0 : i32
      %dma_start3A_214 = arith.constant 0 : i32
      %dma_start3A_215 = tpu.memref_slice %arg3[%add3A, %dma_start3A_213, %dma_start3A_214] : memref<32x4x64xi32, #tpu.memory_space<hbm>> -> memref<1x4x64xi32, #tpu.memory_space<hbm>>
      %dma_start3A_216 = tpu.memref_squeeze %dma_start3A_215 : memref<1x4x64xi32, #tpu.memory_space<hbm>> -> memref<4x64xi32, #tpu.memory_space<hbm>>
      tpu.enqueue_dma source(%dma_start3A_216 : memref<4x64xi32, #tpu.memory_space<hbm>>) target(%arg5 : memref<4x64xi32, #tpu.memory_space<vmem>>) target_semaphore(%run_scoped3A : memref<!tpu.dma_semaphore, #tpu.memory_space<semaphore_mem>>)
      %dma_wait3A_217 = arith.constant 0 : i32
      %dma_wait3A_218 = arith.constant 0 : i32
      %dma_wait3A_219 = tpu.memref_slice %arg3[%add3A, %dma_wait3A_217, %dma_wait3A_218] : memref<32x4x64xi32, #tpu.memory_space<hbm>> -> memref<1x4x64xi32, #tpu.memory_space<hbm>>
      %dma_wait3A_220 = tpu.memref_squeeze %dma_wait3A_219 : memref<1x4x64xi32, #tpu.memory_space<hbm>> -> memref<4x64xi32, #tpu.memory_space<hbm>>
      %dma_wait3A_221 = arith.constant 0 : i32
      %dma_wait3A_222 = arith.constant 0 : i32
      %dma_wait3A_223 = tpu.memref_slice %arg3[%add3A, %dma_wait3A_221, %dma_wait3A_222] : memref<32x4x64xi32, #tpu.memory_space<hbm>> -> memref<1x4x64xi32, #tpu.memory_space<hbm>>
      %dma_wait3A_224 = tpu.memref_squeeze %dma_wait3A_223 : memref<1x4x64xi32, #tpu.memory_space<hbm>> -> memref<4x64xi32, #tpu.memory_space<hbm>>
      tpu.wait_dma2 semaphore(%run_scoped3A : memref<!tpu.dma_semaphore, #tpu.memory_space<semaphore_mem>>) src(%dma_wait3A_224 : memref<4x64xi32, #tpu.memory_space<hbm>>) dst(%arg5 : memref<4x64xi32, #tpu.memory_space<vmem>>)
      tpu.yield
    }) : () -> ()
    %dma_start3A = arith.constant 0 : i32
    %dma_start3A_3 = arith.constant 0 : i32
    %dma_start3A_4 = arith.constant 0 : i32
    %dma_start3A_5 = arith.constant 0 : i32
    %dma_start3A_6 = tpu.memref_slice %arg6[%dma_start3A_3, %dma_start3A_4, %dma_start3A_5] : memref<3x64x256xf32, #tpu.memory_space<vmem>> -> memref<1x64x256xf32, #tpu.memory_space<vmem>>
    %dma_start3A_7 = tpu.memref_squeeze %dma_start3A_6 : memref<1x64x256xf32, #tpu.memory_space<vmem>> -> memref<64x256xf32, #tpu.memory_space<vmem>>
    %dma_start3A_8 = arith.constant 0 : i32
    %dma_start3A_9 = tpu.memref_slice %arg5[%dma_start3A, %dma_start3A_8] : memref<4x64xi32, #tpu.memory_space<vmem>> -> memref<1x64xi32, #tpu.memory_space<vmem>>
    %dma_start3A_10 = tpu.memref_squeeze %dma_start3A_9 : memref<1x64xi32, #tpu.memory_space<vmem>> -> memref<64xi32, #tpu.memory_space<vmem>>
    %dma_start3A_11 = arith.constant 0 : i32
    %dma_start3A_12 = arith.constant 0 : i32
    %dma_start3A_13 = tpu.memref_slice %arg2[%dma_start3A_11, %dma_start3A_12] : memref<8192x256xf32, #tpu.memory_space<hbm>> -> memref<8192x256xf32, #tpu.memory_space<hbm>>
    tpu.enqueue_indirect_dma source(%dma_start3A_13 : memref<8192x256xf32, #tpu.memory_space<hbm>>) target(%dma_start3A_7 : memref<64x256xf32, #tpu.memory_space<vmem>>) offsets(%dma_start3A_10 : memref<64xi32, #tpu.memory_space<vmem>>) semaphore(%arg7 : memref<!tpu.dma_semaphore, #tpu.memory_space<semaphore_mem>>)
    %dma_start3A_14 = arith.constant 1 : i32
    %dma_start3A_15 = arith.constant 1 : i32
    %dma_start3A_16 = arith.constant 0 : i32
    %dma_start3A_17 = arith.constant 0 : i32
    %dma_start3A_18 = tpu.memref_slice %arg6[%dma_start3A_15, %dma_start3A_16, %dma_start3A_17] : memref<3x64x256xf32, #tpu.memory_space<vmem>> -> memref<1x64x256xf32, #tpu.memory_space<vmem>>
    %dma_start3A_19 = tpu.memref_squeeze %dma_start3A_18 : memref<1x64x256xf32, #tpu.memory_space<vmem>> -> memref<64x256xf32, #tpu.memory_space<vmem>>
    %dma_start3A_20 = arith.constant 0 : i32
    %dma_start3A_21 = tpu.memref_slice %arg5[%dma_start3A_14, %dma_start3A_20] : memref<4x64xi32, #tpu.memory_space<vmem>> -> memref<1x64xi32, #tpu.memory_space<vmem>>
    %dma_start3A_22 = tpu.memref_squeeze %dma_start3A_21 : memref<1x64xi32, #tpu.memory_space<vmem>> -> memref<64xi32, #tpu.memory_space<vmem>>
    %dma_start3A_23 = arith.constant 0 : i32
    %dma_start3A_24 = arith.constant 0 : i32
    %dma_start3A_25 = tpu.memref_slice %arg2[%dma_start3A_23, %dma_start3A_24] : memref<8192x256xf32, #tpu.memory_space<hbm>> -> memref<8192x256xf32, #tpu.memory_space<hbm>>
    tpu.enqueue_indirect_dma source(%dma_start3A_25 : memref<8192x256xf32, #tpu.memory_space<hbm>>) target(%dma_start3A_19 : memref<64x256xf32, #tpu.memory_space<vmem>>) offsets(%dma_start3A_22 : memref<64xi32, #tpu.memory_space<vmem>>) semaphore(%arg7 : memref<!tpu.dma_semaphore, #tpu.memory_space<semaphore_mem>>)
    %dma_start3A_26 = arith.constant 2 : i32
    %dma_start3A_27 = arith.constant 2 : i32
    %dma_start3A_28 = arith.constant 0 : i32
    %dma_start3A_29 = arith.constant 0 : i32
    %dma_start3A_30 = tpu.memref_slice %arg6[%dma_start3A_27, %dma_start3A_28, %dma_start3A_29] : memref<3x64x256xf32, #tpu.memory_space<vmem>> -> memref<1x64x256xf32, #tpu.memory_space<vmem>>
    %dma_start3A_31 = tpu.memref_squeeze %dma_start3A_30 : memref<1x64x256xf32, #tpu.memory_space<vmem>> -> memref<64x256xf32, #tpu.memory_space<vmem>>
    %dma_start3A_32 = arith.constant 0 : i32
    %dma_start3A_33 = tpu.memref_slice %arg5[%dma_start3A_26, %dma_start3A_32] : memref<4x64xi32, #tpu.memory_space<vmem>> -> memref<1x64xi32, #tpu.memory_space<vmem>>
    %dma_start3A_34 = tpu.memref_squeeze %dma_start3A_33 : memref<1x64xi32, #tpu.memory_space<vmem>> -> memref<64xi32, #tpu.memory_space<vmem>>
    %dma_start3A_35 = arith.constant 0 : i32
    %dma_start3A_36 = arith.constant 0 : i32
    %dma_start3A_37 = tpu.memref_slice %arg2[%dma_start3A_35, %dma_start3A_36] : memref<8192x256xf32, #tpu.memory_space<hbm>> -> memref<8192x256xf32, #tpu.memory_space<hbm>>
    tpu.enqueue_indirect_dma source(%dma_start3A_37 : memref<8192x256xf32, #tpu.memory_space<hbm>>) target(%dma_start3A_31 : memref<64x256xf32, #tpu.memory_space<vmem>>) offsets(%dma_start3A_34 : memref<64xi32, #tpu.memory_space<vmem>>) semaphore(%arg7 : memref<!tpu.dma_semaphore, #tpu.memory_space<semaphore_mem>>)
    %dma_wait3A = arith.constant 0 : i32
    %dma_wait3A_38 = arith.constant 0 : i32
    %dma_wait3A_39 = arith.constant 0 : i32
    %dma_wait3A_40 = arith.constant 0 : i32
    %dma_wait3A_41 = tpu.memref_slice %arg6[%dma_wait3A_38, %dma_wait3A_39, %dma_wait3A_40] : memref<3x64x256xf32, #tpu.memory_space<vmem>> -> memref<1x64x256xf32, #tpu.memory_space<vmem>>
    %dma_wait3A_42 = tpu.memref_squeeze %dma_wait3A_41 : memref<1x64x256xf32, #tpu.memory_space<vmem>> -> memref<64x256xf32, #tpu.memory_space<vmem>>
    %dma_wait3A_43 = arith.constant 0 : i32
    %dma_wait3A_44 = tpu.memref_slice %arg5[%dma_wait3A, %dma_wait3A_43] : memref<4x64xi32, #tpu.memory_space<vmem>> -> memref<1x64xi32, #tpu.memory_space<vmem>>
    %dma_wait3A_45 = tpu.memref_squeeze %dma_wait3A_44 : memref<1x64xi32, #tpu.memory_space<vmem>> -> memref<64xi32, #tpu.memory_space<vmem>>
    %dma_wait3A_46 = arith.constant 0 : i32
    %dma_wait3A_47 = arith.constant 0 : i32
    %dma_wait3A_48 = tpu.memref_slice %arg2[%dma_wait3A_46, %dma_wait3A_47] : memref<8192x256xf32, #tpu.memory_space<hbm>> -> memref<8192x256xf32, #tpu.memory_space<hbm>>
    tpu.wait_indirect_dma semaphore(%arg7 : memref<!tpu.dma_semaphore, #tpu.memory_space<semaphore_mem>>) src(%dma_wait3A_48 : memref<8192x256xf32, #tpu.memory_space<hbm>>) dst(%dma_wait3A_42 : memref<64x256xf32, #tpu.memory_space<vmem>>)
    %add3A_49 = arith.constant 0 : i32
    %add3A_50 = arith.addi %mul3A_2, %add3A_49 : i32
    %dma_start3A_51 = arith.constant 0 : i32
    %dma_start3A_52 = arith.constant 0 : i32
    %dma_start3A_53 = arith.constant 0 : i32
    %dma_start3A_54 = tpu.memref_slice %arg6[%dma_start3A_51, %dma_start3A_52, %dma_start3A_53] : memref<3x64x256xf32, #tpu.memory_space<vmem>> -> memref<1x64x256xf32, #tpu.memory_space<vmem>>
    %dma_start3A_55 = tpu.memref_squeeze %dma_start3A_54 : memref<1x64x256xf32, #tpu.memory_space<vmem>> -> memref<64x256xf32, #tpu.memory_space<vmem>>
    %dma_start3A_56 = arith.constant 0 : i32
    %dma_start3A_57 = tpu.memref_slice %arg4[%add3A_50, %dma_start3A_56] : memref<8192x256xf32, #tpu.memory_space<hbm>> -> memref<64x256xf32, #tpu.memory_space<hbm>>
    %dma_start3A_58 = arith.constant 0 : i32
    %dma_start3A_59 = tpu.memref_slice %arg4[%add3A_50, %dma_start3A_58] : memref<8192x256xf32, #tpu.memory_space<hbm>> -> memref<64x256xf32, #tpu.memory_space<hbm>>
    %dma_start3A_60 = arith.constant 0 : i32
    %dma_start3A_61 = arith.constant 0 : i32
    %dma_start3A_62 = tpu.memref_slice %arg6[%dma_start3A_51, %dma_start3A_60, %dma_start3A_61] : memref<3x64x256xf32, #tpu.memory_space<vmem>> -> memref<1x64x256xf32, #tpu.memory_space<vmem>>
    %dma_start3A_63 = tpu.memref_squeeze %dma_start3A_62 : memref<1x64x256xf32, #tpu.memory_space<vmem>> -> memref<64x256xf32, #tpu.memory_space<vmem>>
    tpu.enqueue_dma source(%dma_start3A_63 : memref<64x256xf32, #tpu.memory_space<vmem>>) target(%dma_start3A_59 : memref<64x256xf32, #tpu.memory_space<hbm>>) target_semaphore(%arg8 : memref<!tpu.dma_semaphore, #tpu.memory_space<semaphore_mem>>)
    %dma_wait3A_64 = arith.constant 0 : i32
    %dma_wait3A_65 = arith.constant 0 : i32
    %dma_wait3A_66 = arith.constant 0 : i32
    %dma_wait3A_67 = tpu.memref_slice %arg6[%dma_wait3A_64, %dma_wait3A_65, %dma_wait3A_66] : memref<3x64x256xf32, #tpu.memory_space<vmem>> -> memref<1x64x256xf32, #tpu.memory_space<vmem>>
    %dma_wait3A_68 = tpu.memref_squeeze %dma_wait3A_67 : memref<1x64x256xf32, #tpu.memory_space<vmem>> -> memref<64x256xf32, #tpu.memory_space<vmem>>
    %dma_wait3A_69 = arith.constant 0 : i32
    %dma_wait3A_70 = tpu.memref_slice %arg4[%add3A_50, %dma_wait3A_69] : memref<8192x256xf32, #tpu.memory_space<hbm>> -> memref<64x256xf32, #tpu.memory_space<hbm>>
    %dma_wait3A_71 = arith.constant 0 : i32
    %dma_wait3A_72 = tpu.memref_slice %arg4[%add3A_50, %dma_wait3A_71] : memref<8192x256xf32, #tpu.memory_space<hbm>> -> memref<64x256xf32, #tpu.memory_space<hbm>>
    %dma_wait3A_73 = arith.constant 0 : i32
    %dma_wait3A_74 = arith.constant 0 : i32
    %dma_wait3A_75 = tpu.memref_slice %arg6[%dma_wait3A_64, %dma_wait3A_73, %dma_wait3A_74] : memref<3x64x256xf32, #tpu.memory_space<vmem>> -> memref<1x64x256xf32, #tpu.memory_space<vmem>>
    %dma_wait3A_76 = tpu.memref_squeeze %dma_wait3A_75 : memref<1x64x256xf32, #tpu.memory_space<vmem>> -> memref<64x256xf32, #tpu.memory_space<vmem>>
    tpu.wait_dma2 semaphore(%arg8 : memref<!tpu.dma_semaphore, #tpu.memory_space<semaphore_mem>>) src(%dma_wait3A_76 : memref<64x256xf32, #tpu.memory_space<vmem>>) dst(%dma_wait3A_72 : memref<64x256xf32, #tpu.memory_space<hbm>>)
    %dma_start3A_77 = arith.constant 3 : i32
    %dma_start3A_78 = arith.constant 0 : i32
    %dma_start3A_79 = arith.constant 0 : i32
    %dma_start3A_80 = arith.constant 0 : i32
    %dma_start3A_81 = tpu.memref_slice %arg6[%dma_start3A_78, %dma_start3A_79, %dma_start3A_80] : memref<3x64x256xf32, #tpu.memory_space<vmem>> -> memref<1x64x256xf32, #tpu.memory_space<vmem>>
    %dma_start3A_82 = tpu.memref_squeeze %dma_start3A_81 : memref<1x64x256xf32, #tpu.memory_space<vmem>> -> memref<64x256xf32, #tpu.memory_space<vmem>>
    %dma_start3A_83 = arith.constant 0 : i32
    %dma_start3A_84 = tpu.memref_slice %arg5[%dma_start3A_77, %dma_start3A_83] : memref<4x64xi32, #tpu.memory_space<vmem>> -> memref<1x64xi32, #tpu.memory_space<vmem>>
    %dma_start3A_85 = tpu.memref_squeeze %dma_start3A_84 : memref<1x64xi32, #tpu.memory_space<vmem>> -> memref<64xi32, #tpu.memory_space<vmem>>
    %dma_start3A_86 = arith.constant 0 : i32
    %dma_start3A_87 = arith.constant 0 : i32
    %dma_start3A_88 = tpu.memref_slice %arg2[%dma_start3A_86, %dma_start3A_87] : memref<8192x256xf32, #tpu.memory_space<hbm>> -> memref<8192x256xf32, #tpu.memory_space<hbm>>
    tpu.enqueue_indirect_dma source(%dma_start3A_88 : memref<8192x256xf32, #tpu.memory_space<hbm>>) target(%dma_start3A_82 : memref<64x256xf32, #tpu.memory_space<vmem>>) offsets(%dma_start3A_85 : memref<64xi32, #tpu.memory_space<vmem>>) semaphore(%arg7 : memref<!tpu.dma_semaphore, #tpu.memory_space<semaphore_mem>>)
    %dma_wait3A_89 = arith.constant 1 : i32
    %dma_wait3A_90 = arith.constant 1 : i32
    %dma_wait3A_91 = arith.constant 0 : i32
    %dma_wait3A_92 = arith.constant 0 : i32
    %dma_wait3A_93 = tpu.memref_slice %arg6[%dma_wait3A_90, %dma_wait3A_91, %dma_wait3A_92] : memref<3x64x256xf32, #tpu.memory_space<vmem>> -> memref<1x64x256xf32, #tpu.memory_space<vmem>>
    %dma_wait3A_94 = tpu.memref_squeeze %dma_wait3A_93 : memref<1x64x256xf32, #tpu.memory_space<vmem>> -> memref<64x256xf32, #tpu.memory_space<vmem>>
    %dma_wait3A_95 = arith.constant 0 : i32
    %dma_wait3A_96 = tpu.memref_slice %arg5[%dma_wait3A_89, %dma_wait3A_95] : memref<4x64xi32, #tpu.memory_space<vmem>> -> memref<1x64xi32, #tpu.memory_space<vmem>>
    %dma_wait3A_97 = tpu.memref_squeeze %dma_wait3A_96 : memref<1x64xi32, #tpu.memory_space<vmem>> -> memref<64xi32, #tpu.memory_space<vmem>>
    %dma_wait3A_98 = arith.constant 0 : i32
    %dma_wait3A_99 = arith.constant 0 : i32
    %dma_wait3A_100 = tpu.memref_slice %arg2[%dma_wait3A_98, %dma_wait3A_99] : memref<8192x256xf32, #tpu.memory_space<hbm>> -> memref<8192x256xf32, #tpu.memory_space<hbm>>
    tpu.wait_indirect_dma semaphore(%arg7 : memref<!tpu.dma_semaphore, #tpu.memory_space<semaphore_mem>>) src(%dma_wait3A_100 : memref<8192x256xf32, #tpu.memory_space<hbm>>) dst(%dma_wait3A_94 : memref<64x256xf32, #tpu.memory_space<vmem>>)
    %add3A_101 = arith.constant 64 : i32
    %add3A_102 = arith.addi %mul3A_2, %add3A_101 : i32
    %dma_start3A_103 = arith.constant 1 : i32
    %dma_start3A_104 = arith.constant 0 : i32
    %dma_start3A_105 = arith.constant 0 : i32
    %dma_start3A_106 = tpu.memref_slice %arg6[%dma_start3A_103, %dma_start3A_104, %dma_start3A_105] : memref<3x64x256xf32, #tpu.memory_space<vmem>> -> memref<1x64x256xf32, #tpu.memory_space<vmem>>
    %dma_start3A_107 = tpu.memref_squeeze %dma_start3A_106 : memref<1x64x256xf32, #tpu.memory_space<vmem>> -> memref<64x256xf32, #tpu.memory_space<vmem>>
    %dma_start3A_108 = arith.constant 0 : i32
    %dma_start3A_109 = tpu.memref_slice %arg4[%add3A_102, %dma_start3A_108] : memref<8192x256xf32, #tpu.memory_space<hbm>> -> memref<64x256xf32, #tpu.memory_space<hbm>>
    %dma_start3A_110 = arith.constant 0 : i32
    %dma_start3A_111 = tpu.memref_slice %arg4[%add3A_102, %dma_start3A_110] : memref<8192x256xf32, #tpu.memory_space<hbm>> -> memref<64x256xf32, #tpu.memory_space<hbm>>
    %dma_start3A_112 = arith.constant 0 : i32
    %dma_start3A_113 = arith.constant 0 : i32
    %dma_start3A_114 = tpu.memref_slice %arg6[%dma_start3A_103, %dma_start3A_112, %dma_start3A_113] : memref<3x64x256xf32, #tpu.memory_space<vmem>> -> memref<1x64x256xf32, #tpu.memory_space<vmem>>
    %dma_start3A_115 = tpu.memref_squeeze %dma_start3A_114 : memref<1x64x256xf32, #tpu.memory_space<vmem>> -> memref<64x256xf32, #tpu.memory_space<vmem>>
    tpu.enqueue_dma source(%dma_start3A_115 : memref<64x256xf32, #tpu.memory_space<vmem>>) target(%dma_start3A_111 : memref<64x256xf32, #tpu.memory_space<hbm>>) target_semaphore(%arg8 : memref<!tpu.dma_semaphore, #tpu.memory_space<semaphore_mem>>)
    %dma_wait3A_116 = arith.constant 2 : i32
    %dma_wait3A_117 = arith.constant 2 : i32
    %dma_wait3A_118 = arith.constant 0 : i32
    %dma_wait3A_119 = arith.constant 0 : i32
    %dma_wait3A_120 = tpu.memref_slice %arg6[%dma_wait3A_117, %dma_wait3A_118, %dma_wait3A_119] : memref<3x64x256xf32, #tpu.memory_space<vmem>> -> memref<1x64x256xf32, #tpu.memory_space<vmem>>
    %dma_wait3A_121 = tpu.memref_squeeze %dma_wait3A_120 : memref<1x64x256xf32, #tpu.memory_space<vmem>> -> memref<64x256xf32, #tpu.memory_space<vmem>>
    %dma_wait3A_122 = arith.constant 0 : i32
    %dma_wait3A_123 = tpu.memref_slice %arg5[%dma_wait3A_116, %dma_wait3A_122] : memref<4x64xi32, #tpu.memory_space<vmem>> -> memref<1x64xi32, #tpu.memory_space<vmem>>
    %dma_wait3A_124 = tpu.memref_squeeze %dma_wait3A_123 : memref<1x64xi32, #tpu.memory_space<vmem>> -> memref<64xi32, #tpu.memory_space<vmem>>
    %dma_wait3A_125 = arith.constant 0 : i32
    %dma_wait3A_126 = arith.constant 0 : i32
    %dma_wait3A_127 = tpu.memref_slice %arg2[%dma_wait3A_125, %dma_wait3A_126] : memref<8192x256xf32, #tpu.memory_space<hbm>> -> memref<8192x256xf32, #tpu.memory_space<hbm>>
    tpu.wait_indirect_dma semaphore(%arg7 : memref<!tpu.dma_semaphore, #tpu.memory_space<semaphore_mem>>) src(%dma_wait3A_127 : memref<8192x256xf32, #tpu.memory_space<hbm>>) dst(%dma_wait3A_121 : memref<64x256xf32, #tpu.memory_space<vmem>>)
    %add3A_128 = arith.constant 128 : i32
    %add3A_129 = arith.addi %mul3A_2, %add3A_128 : i32
    %dma_start3A_130 = arith.constant 2 : i32
    %dma_start3A_131 = arith.constant 0 : i32
    %dma_start3A_132 = arith.constant 0 : i32
    %dma_start3A_133 = tpu.memref_slice %arg6[%dma_start3A_130, %dma_start3A_131, %dma_start3A_132] : memref<3x64x256xf32, #tpu.memory_space<vmem>> -> memref<1x64x256xf32, #tpu.memory_space<vmem>>
    %dma_start3A_134 = tpu.memref_squeeze %dma_start3A_133 : memref<1x64x256xf32, #tpu.memory_space<vmem>> -> memref<64x256xf32, #tpu.memory_space<vmem>>
    %dma_start3A_135 = arith.constant 0 : i32
    %dma_start3A_136 = tpu.memref_slice %arg4[%add3A_129, %dma_start3A_135] : memref<8192x256xf32, #tpu.memory_space<hbm>> -> memref<64x256xf32, #tpu.memory_space<hbm>>
    %dma_start3A_137 = arith.constant 0 : i32
    %dma_start3A_138 = tpu.memref_slice %arg4[%add3A_129, %dma_start3A_137] : memref<8192x256xf32, #tpu.memory_space<hbm>> -> memref<64x256xf32, #tpu.memory_space<hbm>>
    %dma_start3A_139 = arith.constant 0 : i32
    %dma_start3A_140 = arith.constant 0 : i32
    %dma_start3A_141 = tpu.memref_slice %arg6[%dma_start3A_130, %dma_start3A_139, %dma_start3A_140] : memref<3x64x256xf32, #tpu.memory_space<vmem>> -> memref<1x64x256xf32, #tpu.memory_space<vmem>>
    %dma_start3A_142 = tpu.memref_squeeze %dma_start3A_141 : memref<1x64x256xf32, #tpu.memory_space<vmem>> -> memref<64x256xf32, #tpu.memory_space<vmem>>
    tpu.enqueue_dma source(%dma_start3A_142 : memref<64x256xf32, #tpu.memory_space<vmem>>) target(%dma_start3A_138 : memref<64x256xf32, #tpu.memory_space<hbm>>) target_semaphore(%arg8 : memref<!tpu.dma_semaphore, #tpu.memory_space<semaphore_mem>>)
    %dma_wait3A_143 = arith.constant 3 : i32
    %dma_wait3A_144 = arith.constant 0 : i32
    %dma_wait3A_145 = arith.constant 0 : i32
    %dma_wait3A_146 = arith.constant 0 : i32
    %dma_wait3A_147 = tpu.memref_slice %arg6[%dma_wait3A_144, %dma_wait3A_145, %dma_wait3A_146] : memref<3x64x256xf32, #tpu.memory_space<vmem>> -> memref<1x64x256xf32, #tpu.memory_space<vmem>>
    %dma_wait3A_148 = tpu.memref_squeeze %dma_wait3A_147 : memref<1x64x256xf32, #tpu.memory_space<vmem>> -> memref<64x256xf32, #tpu.memory_space<vmem>>
    %dma_wait3A_149 = arith.constant 0 : i32
    %dma_wait3A_150 = tpu.memref_slice %arg5[%dma_wait3A_143, %dma_wait3A_149] : memref<4x64xi32, #tpu.memory_space<vmem>> -> memref<1x64xi32, #tpu.memory_space<vmem>>
    %dma_wait3A_151 = tpu.memref_squeeze %dma_wait3A_150 : memref<1x64xi32, #tpu.memory_space<vmem>> -> memref<64xi32, #tpu.memory_space<vmem>>
    %dma_wait3A_152 = arith.constant 0 : i32
    %dma_wait3A_153 = arith.constant 0 : i32
    %dma_wait3A_154 = tpu.memref_slice %arg2[%dma_wait3A_152, %dma_wait3A_153] : memref<8192x256xf32, #tpu.memory_space<hbm>> -> memref<8192x256xf32, #tpu.memory_space<hbm>>
    tpu.wait_indirect_dma semaphore(%arg7 : memref<!tpu.dma_semaphore, #tpu.memory_space<semaphore_mem>>) src(%dma_wait3A_154 : memref<8192x256xf32, #tpu.memory_space<hbm>>) dst(%dma_wait3A_148 : memref<64x256xf32, #tpu.memory_space<vmem>>)
    %add3A_155 = arith.constant 192 : i32
    %add3A_156 = arith.addi %mul3A_2, %add3A_155 : i32
    %dma_start3A_157 = arith.constant 0 : i32
    %dma_start3A_158 = arith.constant 0 : i32
    %dma_start3A_159 = arith.constant 0 : i32
    %dma_start3A_160 = tpu.memref_slice %arg6[%dma_start3A_157, %dma_start3A_158, %dma_start3A_159] : memref<3x64x256xf32, #tpu.memory_space<vmem>> -> memref<1x64x256xf32, #tpu.memory_space<vmem>>
    %dma_start3A_161 = tpu.memref_squeeze %dma_start3A_160 : memref<1x64x256xf32, #tpu.memory_space<vmem>> -> memref<64x256xf32, #tpu.memory_space<vmem>>
    %dma_start3A_162 = arith.constant 0 : i32
    %dma_start3A_163 = tpu.memref_slice %arg4[%add3A_156, %dma_start3A_162] : memref<8192x256xf32, #tpu.memory_space<hbm>> -> memref<64x256xf32, #tpu.memory_space<hbm>>
    %dma_start3A_164 = arith.constant 0 : i32
    %dma_start3A_165 = tpu.memref_slice %arg4[%add3A_156, %dma_start3A_164] : memref<8192x256xf32, #tpu.memory_space<hbm>> -> memref<64x256xf32, #tpu.memory_space<hbm>>
    %dma_start3A_166 = arith.constant 0 : i32
    %dma_start3A_167 = arith.constant 0 : i32
    %dma_start3A_168 = tpu.memref_slice %arg6[%dma_start3A_157, %dma_start3A_166, %dma_start3A_167] : memref<3x64x256xf32, #tpu.memory_space<vmem>> -> memref<1x64x256xf32, #tpu.memory_space<vmem>>
    %dma_start3A_169 = tpu.memref_squeeze %dma_start3A_168 : memref<1x64x256xf32, #tpu.memory_space<vmem>> -> memref<64x256xf32, #tpu.memory_space<vmem>>
    tpu.enqueue_dma source(%dma_start3A_169 : memref<64x256xf32, #tpu.memory_space<vmem>>) target(%dma_start3A_165 : memref<64x256xf32, #tpu.memory_space<hbm>>) target_semaphore(%arg8 : memref<!tpu.dma_semaphore, #tpu.memory_space<semaphore_mem>>)
    %dma_wait3A_170 = arith.constant 1 : i32
    %dma_wait3A_171 = arith.constant 0 : i32
    %dma_wait3A_172 = arith.constant 0 : i32
    %dma_wait3A_173 = tpu.memref_slice %arg6[%dma_wait3A_170, %dma_wait3A_171, %dma_wait3A_172] : memref<3x64x256xf32, #tpu.memory_space<vmem>> -> memref<1x64x256xf32, #tpu.memory_space<vmem>>
    %dma_wait3A_174 = tpu.memref_squeeze %dma_wait3A_173 : memref<1x64x256xf32, #tpu.memory_space<vmem>> -> memref<64x256xf32, #tpu.memory_space<vmem>>
    %dma_wait3A_175 = arith.constant 0 : i32
    %dma_wait3A_176 = tpu.memref_slice %arg4[%add3A_102, %dma_wait3A_175] : memref<8192x256xf32, #tpu.memory_space<hbm>> -> memref<64x256xf32, #tpu.memory_space<hbm>>
    %dma_wait3A_177 = arith.constant 0 : i32
    %dma_wait3A_178 = tpu.memref_slice %arg4[%add3A_102, %dma_wait3A_177] : memref<8192x256xf32, #tpu.memory_space<hbm>> -> memref<64x256xf32, #tpu.memory_space<hbm>>
    %dma_wait3A_179 = arith.constant 0 : i32
    %dma_wait3A_180 = arith.constant 0 : i32
    %dma_wait3A_181 = tpu.memref_slice %arg6[%dma_wait3A_170, %dma_wait3A_179, %dma_wait3A_180] : memref<3x64x256xf32, #tpu.memory_space<vmem>> -> memref<1x64x256xf32, #tpu.memory_space<vmem>>
    %dma_wait3A_182 = tpu.memref_squeeze %dma_wait3A_181 : memref<1x64x256xf32, #tpu.memory_space<vmem>> -> memref<64x256xf32, #tpu.memory_space<vmem>>
    tpu.wait_dma2 semaphore(%arg8 : memref<!tpu.dma_semaphore, #tpu.memory_space<semaphore_mem>>) src(%dma_wait3A_182 : memref<64x256xf32, #tpu.memory_space<vmem>>) dst(%dma_wait3A_178 : memref<64x256xf32, #tpu.memory_space<hbm>>)
    %dma_wait3A_183 = arith.constant 2 : i32
    %dma_wait3A_184 = arith.constant 0 : i32
    %dma_wait3A_185 = arith.constant 0 : i32
    %dma_wait3A_186 = tpu.memref_slice %arg6[%dma_wait3A_183, %dma_wait3A_184, %dma_wait3A_185] : memref<3x64x256xf32, #tpu.memory_space<vmem>> -> memref<1x64x256xf32, #tpu.memory_space<vmem>>
    %dma_wait3A_187 = tpu.memref_squeeze %dma_wait3A_186 : memref<1x64x256xf32, #tpu.memory_space<vmem>> -> memref<64x256xf32, #tpu.memory_space<vmem>>
    %dma_wait3A_188 = arith.constant 0 : i32
    %dma_wait3A_189 = tpu.memref_slice %arg4[%add3A_129, %dma_wait3A_188] : memref<8192x256xf32, #tpu.memory_space<hbm>> -> memref<64x256xf32, #tpu.memory_space<hbm>>
    %dma_wait3A_190 = arith.constant 0 : i32
    %dma_wait3A_191 = tpu.memref_slice %arg4[%add3A_129, %dma_wait3A_190] : memref<8192x256xf32, #tpu.memory_space<hbm>> -> memref<64x256xf32, #tpu.memory_space<hbm>>
    %dma_wait3A_192 = arith.constant 0 : i32
    %dma_wait3A_193 = arith.constant 0 : i32
    %dma_wait3A_194 = tpu.memref_slice %arg6[%dma_wait3A_183, %dma_wait3A_192, %dma_wait3A_193] : memref<3x64x256xf32, #tpu.memory_space<vmem>> -> memref<1x64x256xf32, #tpu.memory_space<vmem>>
    %dma_wait3A_195 = tpu.memref_squeeze %dma_wait3A_194 : memref<1x64x256xf32, #tpu.memory_space<vmem>> -> memref<64x256xf32, #tpu.memory_space<vmem>>
    tpu.wait_dma2 semaphore(%arg8 : memref<!tpu.dma_semaphore, #tpu.memory_space<semaphore_mem>>) src(%dma_wait3A_195 : memref<64x256xf32, #tpu.memory_space<vmem>>) dst(%dma_wait3A_191 : memref<64x256xf32, #tpu.memory_space<hbm>>)
    %dma_wait3A_196 = arith.constant 0 : i32
    %dma_wait3A_197 = arith.constant 0 : i32
    %dma_wait3A_198 = arith.constant 0 : i32
    %dma_wait3A_199 = tpu.memref_slice %arg6[%dma_wait3A_196, %dma_wait3A_197, %dma_wait3A_198] : memref<3x64x256xf32, #tpu.memory_space<vmem>> -> memref<1x64x256xf32, #tpu.memory_space<vmem>>
    %dma_wait3A_200 = tpu.memref_squeeze %dma_wait3A_199 : memref<1x64x256xf32, #tpu.memory_space<vmem>> -> memref<64x256xf32, #tpu.memory_space<vmem>>
    %dma_wait3A_201 = arith.constant 0 : i32
    %dma_wait3A_202 = tpu.memref_slice %arg4[%add3A_156, %dma_wait3A_201] : memref<8192x256xf32, #tpu.memory_space<hbm>> -> memref<64x256xf32, #tpu.memory_space<hbm>>
    %dma_wait3A_203 = arith.constant 0 : i32
    %dma_wait3A_204 = tpu.memref_slice %arg4[%add3A_156, %dma_wait3A_203] : memref<8192x256xf32, #tpu.memory_space<hbm>> -> memref<64x256xf32, #tpu.memory_space<hbm>>
    %dma_wait3A_205 = arith.constant 0 : i32
    %dma_wait3A_206 = arith.constant 0 : i32
    %dma_wait3A_207 = tpu.memref_slice %arg6[%dma_wait3A_196, %dma_wait3A_205, %dma_wait3A_206] : memref<3x64x256xf32, #tpu.memory_space<vmem>> -> memref<1x64x256xf32, #tpu.memory_space<vmem>>
    %dma_wait3A_208 = tpu.memref_squeeze %dma_wait3A_207 : memref<1x64x256xf32, #tpu.memory_space<vmem>> -> memref<64x256xf32, #tpu.memory_space<vmem>>
    tpu.wait_dma2 semaphore(%arg8 : memref<!tpu.dma_semaphore, #tpu.memory_space<semaphore_mem>>) src(%dma_wait3A_208 : memref<64x256xf32, #tpu.memory_space<vmem>>) dst(%dma_wait3A_204 : memref<64x256xf32, #tpu.memory_space<hbm>>)
    return
  }
}

module attributes {stable_mosaic.version = 14 : i64} {
  func.func @_gemm_body(%arg0: i32, %arg1: memref<8x128xi32, #tpu.memory_space<smem>>, %arg2: memref<8x128xi32, #tpu.memory_space<smem>>, %arg3: memref<8x128xi32, #tpu.memory_space<smem>>, %arg4: memref<8x128xi32, #tpu.memory_space<smem>>, %arg5: memref<8x128xi32, #tpu.memory_space<smem>>, %arg6: memref<512x1024xf32, #tpu.memory_space<vmem>>, %arg7: memref<1x1024x256xf32, #tpu.memory_space<vmem>>, %arg8: memref<512x256xf32, #tpu.memory_space<vmem>>) attributes {dimension_semantics = [#tpu.dimension_semantics<arbitrary>], iteration_bounds = array<i64: 32>, scalar_prefetch = 5 : i64, scratch_operands = 0 : i64, tpu.core_type = #tpu.core_type<tc>, window_params = [{transform_indices = @transform_0, window_bounds = array<i64: 512, 1024>}, {transform_indices = @transform_1, window_bounds = array<i64: 1, 1024, 256>}, {transform_indices = @transform_2, window_bounds = array<i64: 512, 256>}]} {
    %get3A = arith.constant 0 : index
    %get3A_0 = arith.index_cast %arg0 : i32 to index
    %get3A_1 = memref.load %arg1[%get3A, %get3A_0] : memref<8x128xi32, #tpu.memory_space<smem>>
    %get3A_2 = arith.constant 0 : index
    %get3A_3 = arith.index_cast %arg0 : i32 to index
    %get3A_4 = memref.load %arg3[%get3A_2, %get3A_3] : memref<8x128xi32, #tpu.memory_space<smem>>
    %get3A_5 = arith.constant 0 : index
    %get3A_6 = arith.index_cast %arg0 : i32 to index
    %get3A_7 = memref.load %arg4[%get3A_5, %get3A_6] : memref<8x128xi32, #tpu.memory_space<smem>>
    %gt3A = arith.cmpi sgt, %get3A_7, %get3A_4 : i32
    %convert_element_type3A = arith.extui %gt3A : i1 to i32
    %cond3A = arith.constant 0 : i32
    %cond3A_8 = arith.cmpi ne, %convert_element_type3A, %cond3A : i32
    scf.if %cond3A_8 {
      %mul3A = arith.constant 512 : i32
      %mul3A_9 = arith.muli %get3A_1, %mul3A : i32
      %iota3A = tpu.iota {dimensions = array<i32: 0>} : vector<512x1xi32>
      %add3A = vector.broadcast %mul3A_9 : i32 to vector<512x1xi32>
      %add3A_10 = arith.addi %add3A, %iota3A : vector<512x1xi32>
      %ge3A = vector.broadcast %get3A_4 : i32 to vector<512x1xi32>
      %ge3A_11 = arith.cmpi sge, %add3A_10, %ge3A : vector<512x1xi32>
      %lt3A = vector.broadcast %get3A_7 : i32 to vector<512x1xi32>
      %lt3A_12 = arith.cmpi slt, %add3A_10, %lt3A : vector<512x1xi32>
      %and3A = arith.andi %ge3A_11, %lt3A_12 : vector<512x1xi1>
      %get3A_13 = arith.constant 0 : index
      %get3A_14 = arith.constant 0 : index
      %get3A_15 = vector.load %arg6[%get3A_13, %get3A_14] : memref<512x1024xf32, #tpu.memory_space<vmem>>, vector<512x1024xf32>
      %get3A_16 = arith.constant 0 : index
      %get3A_17 = arith.constant 0 : index
      %get3A_18 = arith.constant 0 : index
      %get3A_19 = vector.load %arg7[%get3A_16, %get3A_17, %get3A_18] : memref<1x1024x256xf32, #tpu.memory_space<vmem>>, vector<1x1024x256xf32>
      %get3A_20 = vector.shape_cast %get3A_19 : vector<1x1024x256xf32> to vector<1024x256xf32>
      %dot_general3A = arith.constant dense<0.000000e+00> : vector<512x256xf32>
      %dot_general3A_21 = tpu.matmul %get3A_15, %get3A_20, %dot_general3A {dimension_numbers = #tpu.dot_dimension_numbers<[1], [0], [0], [1], [0, 0, 1, 1], [], []>, transpose_lhs_hint = false} : vector<512x1024xf32>, vector<1024x256xf32>, vector<512x256xf32> -> vector<512x256xf32>
      %jit3A = arith.constant 0.000000e+00 : f32
      %broadcast_in_dim3A = vector.shape_cast %and3A : vector<512x1xi1> to vector<512x1xi1>
      %broadcast_in_dim3A_22 = vector.broadcast %broadcast_in_dim3A : vector<512x1xi1> to vector<512x256xi1>
      %broadcast_in_dim3A_23 = vector.broadcast %jit3A : f32 to vector<512x256xf32>
      %select_n3A = arith.select %broadcast_in_dim3A_22, %dot_general3A_21, %broadcast_in_dim3A_23 : vector<512x256xi1>, vector<512x256xf32>
      %get3A_24 = arith.constant 0 : index
      %get3A_25 = arith.index_cast %arg0 : i32 to index
      %get3A_26 = memref.load %arg5[%get3A_24, %get3A_25] : memref<8x128xi32, #tpu.memory_space<smem>>
      %ne3A = arith.constant 0 : i32
      %ne3A_27 = arith.cmpi ne, %get3A_26, %ne3A : i32
      %convert_element_type3A_28 = arith.extui %ne3A_27 : i1 to i32
      %cond3A_29 = arith.constant 0 : i32
      %cond3A_30 = arith.cmpi ne, %convert_element_type3A_28, %cond3A_29 : i32
      scf.if %cond3A_30 {
        %swap3A = arith.constant 0 : index
        %swap3A_38 = arith.constant 0 : index
        %swap3A_39 = vector.load %arg8[%swap3A, %swap3A_38] : memref<512x256xf32, #tpu.memory_space<vmem>>, vector<512x256xf32>
        tpu.vector_store %arg8[%swap3A, %swap3A_38], %select_n3A {strides = array<i32>} : memref<512x256xf32, #tpu.memory_space<vmem>>, vector<512x256xf32>,
      } else {
      }
      %get3A_31 = arith.constant 0 : index
      %get3A_32 = arith.index_cast %arg0 : i32 to index
      %get3A_33 = memref.load %arg5[%get3A_31, %get3A_32] : memref<8x128xi32, #tpu.memory_space<smem>>
      %eq3A = arith.constant 0 : i32
      %eq3A_34 = arith.cmpi eq, %get3A_33, %eq3A : i32
      %convert_element_type3A_35 = arith.extui %eq3A_34 : i1 to i32
      %cond3A_36 = arith.constant 0 : i32
      %cond3A_37 = arith.cmpi ne, %convert_element_type3A_35, %cond3A_36 : i32
      scf.if %cond3A_37 {
        %get3A_38 = arith.constant 0 : index
        %get3A_39 = arith.constant 0 : index
        %get3A_40 = vector.load %arg8[%get3A_38, %get3A_39] : memref<512x256xf32, #tpu.memory_space<vmem>>, vector<512x256xf32>
        %add3A_41 = arith.addf %get3A_40, %select_n3A : vector<512x256xf32>
        %swap3A = arith.constant 0 : index
        %swap3A_42 = arith.constant 0 : index
        %swap3A_43 = vector.load %arg8[%swap3A, %swap3A_42] : memref<512x256xf32, #tpu.memory_space<vmem>>, vector<512x256xf32>
        tpu.vector_store %arg8[%swap3A, %swap3A_42], %add3A_41 {strides = array<i32>} : memref<512x256xf32, #tpu.memory_space<vmem>>, vector<512x256xf32>,
      } else {
      }
    } else {
    }
    return
  }
  func.func @transform_0(%arg0: i32, %arg1: memref<8x128xi32, #tpu.memory_space<smem>>, %arg2: memref<8x128xi32, #tpu.memory_space<smem>>, %arg3: memref<8x128xi32, #tpu.memory_space<smem>>, %arg4: memref<8x128xi32, #tpu.memory_space<smem>>, %arg5: memref<8x128xi32, #tpu.memory_space<smem>>) -> (i32, i32) {
    %get3A = arith.constant 0 : index
    %get3A_0 = arith.index_cast %arg0 : i32 to index
    %get3A_1 = memref.load %arg1[%get3A, %get3A_0] : memref<8x128xi32, #tpu.memory_space<smem>>
    %c0_i32 = arith.constant 0 : i32
    %c0_i32_2 = arith.constant 0 : i32
    return %get3A_1, %c0_i32 : i32, i32
  }
  func.func @transform_1(%arg0: i32, %arg1: memref<8x128xi32, #tpu.memory_space<smem>>, %arg2: memref<8x128xi32, #tpu.memory_space<smem>>, %arg3: memref<8x128xi32, #tpu.memory_space<smem>>, %arg4: memref<8x128xi32, #tpu.memory_space<smem>>, %arg5: memref<8x128xi32, #tpu.memory_space<smem>>) -> (i32, i32, i32) {
    %get3A = arith.constant 0 : index
    %get3A_0 = arith.index_cast %arg0 : i32 to index
    %get3A_1 = memref.load %arg2[%get3A, %get3A_0] : memref<8x128xi32, #tpu.memory_space<smem>>
    %c0_i32 = arith.constant 0 : i32
    %c0_i32_2 = arith.constant 0 : i32
    %c0_i32_3 = arith.constant 0 : i32
    return %get3A_1, %c0_i32, %c0_i32_2 : i32, i32, i32
  }
  func.func @transform_2(%arg0: i32, %arg1: memref<8x128xi32, #tpu.memory_space<smem>>, %arg2: memref<8x128xi32, #tpu.memory_space<smem>>, %arg3: memref<8x128xi32, #tpu.memory_space<smem>>, %arg4: memref<8x128xi32, #tpu.memory_space<smem>>, %arg5: memref<8x128xi32, #tpu.memory_space<smem>>) -> (i32, i32) {
    %get3A = arith.constant 0 : index
    %get3A_0 = arith.index_cast %arg0 : i32 to index
    %get3A_1 = memref.load %arg1[%get3A, %get3A_0] : memref<8x128xi32, #tpu.memory_space<smem>>
    %c0_i32 = arith.constant 0 : i32
    %c0_i32_2 = arith.constant 0 : i32
    return %get3A_1, %c0_i32 : i32, i32
  }
}

module attributes {stable_mosaic.version = 14 : i64} {
  func.func @_route_body(%arg0: memref<64x128xi32, #tpu.memory_space<vmem>>, %arg1: memref<64x128xi32, #tpu.memory_space<vmem>>, %arg2: memref<8x128xi32, #tpu.memory_space<vmem>>, %arg3: memref<8x128xi32, #tpu.memory_space<vmem>>, %arg4: memref<8x128xi32, #tpu.memory_space<vmem>>, %arg5: memref<8x128xi32, #tpu.memory_space<vmem>>, %arg6: memref<8x128xi32, #tpu.memory_space<vmem>>) attributes {dimension_semantics = [], scalar_prefetch = 0 : i64, scratch_operands = 0 : i64, tpu.core_type = #tpu.core_type<tc>} {
    %get3A = arith.constant 0 : index
    %get3A_0 = arith.constant 0 : index
    %get3A_1 = vector.load %arg0[%get3A, %get3A_0] : memref<64x128xi32, #tpu.memory_space<vmem>>, vector<64x128xi32>
    %iota3A = tpu.iota {dimensions = array<i32: 0>} : vector<128x128xi32>
    %iota3A_2 = tpu.iota {dimensions = array<i32: 1>} : vector<128x128xi32>
    %le3A = arith.cmpi sle, %iota3A, %iota3A_2 : vector<128x128xi32>
    %convert_element_type3A = arith.extui %le3A : vector<128x128xi1> to vector<128x128xi32>
    %convert_element_type3A_3 = arith.sitofp %convert_element_type3A : vector<128x128xi32> to vector<128x128xf32>
    %iota3A_4 = tpu.iota {dimensions = array<i32: 0>} : vector<64x64xi32>
    %iota3A_5 = tpu.iota {dimensions = array<i32: 1>} : vector<64x64xi32>
    %gt3A = arith.cmpi sgt, %iota3A_4, %iota3A_5 : vector<64x64xi32>
    %convert_element_type3A_6 = arith.extui %gt3A : vector<64x64xi1> to vector<64x64xi32>
    %convert_element_type3A_7 = arith.sitofp %convert_element_type3A_6 : vector<64x64xi32> to vector<64x64xf32>
    %broadcast_in_dim3A = arith.constant 1.000000e+00 : f32
    %broadcast_in_dim3A_8 = vector.broadcast %broadcast_in_dim3A : f32 to vector<128x1xf32>
    %broadcast_in_dim3A_9 = arith.constant 0 : i32
    %broadcast_in_dim3A_10 = vector.broadcast %broadcast_in_dim3A_9 : i32 to vector<64x128xi32>
    %eq3A = arith.constant 0 : i32
    %eq3A_11 = vector.broadcast %eq3A : i32 to vector<64x128xi32>
    %eq3A_12 = arith.cmpi eq, %get3A_1, %eq3A_11 : vector<64x128xi32>
    %convert_element_type3A_13 = arith.extui %eq3A_12 : vector<64x128xi1> to vector<64x128xi32>
    %convert_element_type3A_14 = arith.sitofp %convert_element_type3A_13 : vector<64x128xi32> to vector<64x128xf32>
    %dot_general3A = arith.constant dense<0.000000e+00> : vector<64x128xf32>
    %dot_general3A_15 = tpu.matmul %convert_element_type3A_14, %convert_element_type3A_3, %dot_general3A {dimension_numbers = #tpu.dot_dimension_numbers<[1], [0], [0], [1], [0, 0, 1, 1], [], []>, transpose_lhs_hint = false} : vector<64x128xf32>, vector<128x128xf32>, vector<64x128xf32> -> vector<64x128xf32>
    %dot_general3A_16 = arith.constant dense<0.000000e+00> : vector<64x1xf32>
    %dot_general3A_17 = tpu.matmul %convert_element_type3A_14, %broadcast_in_dim3A_8, %dot_general3A_16 {dimension_numbers = #tpu.dot_dimension_numbers<[1], [0], [0], [1], [0, 0, 1, 1], [], []>, transpose_lhs_hint = false} : vector<64x128xf32>, vector<128x1xf32>, vector<64x1xf32> -> vector<64x1xf32>
    %dot_general3A_18 = arith.constant dense<0.000000e+00> : vector<64x1xf32>
    %dot_general3A_19 = tpu.matmul %convert_element_type3A_7, %dot_general3A_17, %dot_general3A_18 {dimension_numbers = #tpu.dot_dimension_numbers<[1], [0], [0], [1], [0, 0, 1, 1], [], []>, transpose_lhs_hint = false} : vector<64x64xf32>, vector<64x1xf32>, vector<64x1xf32> -> vector<64x1xf32>
    %sub3A = arith.subf %dot_general3A_15, %convert_element_type3A_14 : vector<64x128xf32>
    %add3A = vector.broadcast %dot_general3A_19 : vector<64x1xf32> to vector<64x128xf32>
    %add3A_20 = arith.addf %sub3A, %add3A : vector<64x128xf32>
    %convert_element_type3A_21 = arith.fptosi %add3A_20 : vector<64x128xf32> to vector<64x128xi32>
    %add3A_22 = arith.constant 0 : i32
    %add3A_23 = vector.broadcast %add3A_22 : i32 to vector<64x128xi32>
    %add3A_24 = arith.addi %add3A_23, %convert_element_type3A_21 : vector<64x128xi32>
    %jit3A = arith.constant 0 : i32
    %broadcast_in_dim3A_25 = vector.broadcast %jit3A : i32 to vector<64x128xi32>
    %select_n3A = arith.select %eq3A_12, %add3A_24, %broadcast_in_dim3A_25 : vector<64x128xi1>, vector<64x128xi32>
    %add3A_26 = arith.addi %broadcast_in_dim3A_10, %select_n3A : vector<64x128xi32>
    %reduce_sum3A = vector.shape_cast %convert_element_type3A_14 : vector<64x128xf32> to vector<1x64x128xf32>
    %reduce_sum3A_27 = arith.constant dense<0.000000e+00> : vector<1xf32>
    %reduce_sum3A_28 = vector.multi_reduction <add>, %reduce_sum3A, %reduce_sum3A_27 [1, 2] : vector<1x64x128xf32> to vector<1xf32>
    %reduce_sum3A_29 = vector.shape_cast %reduce_sum3A_28 : vector<1xf32> to vector<1x1x1xf32>
    %reduce_sum3A_30 = vector.extract %reduce_sum3A_29[0, 0, 0] : f32 from vector<1x1x1xf32>
    %convert_element_type3A_31 = arith.fptosi %reduce_sum3A_30 : f32 to i32
    %add3A_32 = arith.constant 0 : i32
    %add3A_33 = arith.addi %add3A_32, %convert_element_type3A_31 : i32
    %eq3A_34 = arith.constant 1 : i32
    %eq3A_35 = vector.broadcast %eq3A_34 : i32 to vector<64x128xi32>
    %eq3A_36 = arith.cmpi eq, %get3A_1, %eq3A_35 : vector<64x128xi32>
    %convert_element_type3A_37 = arith.extui %eq3A_36 : vector<64x128xi1> to vector<64x128xi32>
    %convert_element_type3A_38 = arith.sitofp %convert_element_type3A_37 : vector<64x128xi32> to vector<64x128xf32>
    %dot_general3A_39 = arith.constant dense<0.000000e+00> : vector<64x128xf32>
    %dot_general3A_40 = tpu.matmul %convert_element_type3A_38, %convert_element_type3A_3, %dot_general3A_39 {dimension_numbers = #tpu.dot_dimension_numbers<[1], [0], [0], [1], [0, 0, 1, 1], [], []>, transpose_lhs_hint = false} : vector<64x128xf32>, vector<128x128xf32>, vector<64x128xf32> -> vector<64x128xf32>
    %dot_general3A_41 = arith.constant dense<0.000000e+00> : vector<64x1xf32>
    %dot_general3A_42 = tpu.matmul %convert_element_type3A_38, %broadcast_in_dim3A_8, %dot_general3A_41 {dimension_numbers = #tpu.dot_dimension_numbers<[1], [0], [0], [1], [0, 0, 1, 1], [], []>, transpose_lhs_hint = false} : vector<64x128xf32>, vector<128x1xf32>, vector<64x1xf32> -> vector<64x1xf32>
    %dot_general3A_43 = arith.constant dense<0.000000e+00> : vector<64x1xf32>
    %dot_general3A_44 = tpu.matmul %convert_element_type3A_7, %dot_general3A_42, %dot_general3A_43 {dimension_numbers = #tpu.dot_dimension_numbers<[1], [0], [0], [1], [0, 0, 1, 1], [], []>, transpose_lhs_hint = false} : vector<64x64xf32>, vector<64x1xf32>, vector<64x1xf32> -> vector<64x1xf32>
    %sub3A_45 = arith.subf %dot_general3A_40, %convert_element_type3A_38 : vector<64x128xf32>
    %add3A_46 = vector.broadcast %dot_general3A_44 : vector<64x1xf32> to vector<64x128xf32>
    %add3A_47 = arith.addf %sub3A_45, %add3A_46 : vector<64x128xf32>
    %convert_element_type3A_48 = arith.fptosi %add3A_47 : vector<64x128xf32> to vector<64x128xi32>
    %add3A_49 = vector.broadcast %add3A_33 : i32 to vector<64x128xi32>
    %add3A_50 = arith.addi %add3A_49, %convert_element_type3A_48 : vector<64x128xi32>
    %jit3A_51 = arith.constant 0 : i32
    %broadcast_in_dim3A_52 = vector.broadcast %jit3A_51 : i32 to vector<64x128xi32>
    %select_n3A_53 = arith.select %eq3A_36, %add3A_50, %broadcast_in_dim3A_52 : vector<64x128xi1>, vector<64x128xi32>
    %add3A_54 = arith.addi %add3A_26, %select_n3A_53 : vector<64x128xi32>
    %reduce_sum3A_55 = vector.shape_cast %convert_element_type3A_38 : vector<64x128xf32> to vector<1x64x128xf32>
    %reduce_sum3A_56 = arith.constant dense<0.000000e+00> : vector<1xf32>
    %reduce_sum3A_57 = vector.multi_reduction <add>, %reduce_sum3A_55, %reduce_sum3A_56 [1, 2] : vector<1x64x128xf32> to vector<1xf32>
    %reduce_sum3A_58 = vector.shape_cast %reduce_sum3A_57 : vector<1xf32> to vector<1x1x1xf32>
    %reduce_sum3A_59 = vector.extract %reduce_sum3A_58[0, 0, 0] : f32 from vector<1x1x1xf32>
    %convert_element_type3A_60 = arith.fptosi %reduce_sum3A_59 : f32 to i32
    %add3A_61 = arith.addi %add3A_33, %convert_element_type3A_60 : i32
    %eq3A_62 = arith.constant 2 : i32
    %eq3A_63 = vector.broadcast %eq3A_62 : i32 to vector<64x128xi32>
    %eq3A_64 = arith.cmpi eq, %get3A_1, %eq3A_63 : vector<64x128xi32>
    %convert_element_type3A_65 = arith.extui %eq3A_64 : vector<64x128xi1> to vector<64x128xi32>
    %convert_element_type3A_66 = arith.sitofp %convert_element_type3A_65 : vector<64x128xi32> to vector<64x128xf32>
    %dot_general3A_67 = arith.constant dense<0.000000e+00> : vector<64x128xf32>
    %dot_general3A_68 = tpu.matmul %convert_element_type3A_66, %convert_element_type3A_3, %dot_general3A_67 {dimension_numbers = #tpu.dot_dimension_numbers<[1], [0], [0], [1], [0, 0, 1, 1], [], []>, transpose_lhs_hint = false} : vector<64x128xf32>, vector<128x128xf32>, vector<64x128xf32> -> vector<64x128xf32>
    %dot_general3A_69 = arith.constant dense<0.000000e+00> : vector<64x1xf32>
    %dot_general3A_70 = tpu.matmul %convert_element_type3A_66, %broadcast_in_dim3A_8, %dot_general3A_69 {dimension_numbers = #tpu.dot_dimension_numbers<[1], [0], [0], [1], [0, 0, 1, 1], [], []>, transpose_lhs_hint = false} : vector<64x128xf32>, vector<128x1xf32>, vector<64x1xf32> -> vector<64x1xf32>
    %dot_general3A_71 = arith.constant dense<0.000000e+00> : vector<64x1xf32>
    %dot_general3A_72 = tpu.matmul %convert_element_type3A_7, %dot_general3A_70, %dot_general3A_71 {dimension_numbers = #tpu.dot_dimension_numbers<[1], [0], [0], [1], [0, 0, 1, 1], [], []>, transpose_lhs_hint = false} : vector<64x64xf32>, vector<64x1xf32>, vector<64x1xf32> -> vector<64x1xf32>
    %sub3A_73 = arith.subf %dot_general3A_68, %convert_element_type3A_66 : vector<64x128xf32>
    %add3A_74 = vector.broadcast %dot_general3A_72 : vector<64x1xf32> to vector<64x128xf32>
    %add3A_75 = arith.addf %sub3A_73, %add3A_74 : vector<64x128xf32>
    %convert_element_type3A_76 = arith.fptosi %add3A_75 : vector<64x128xf32> to vector<64x128xi32>
    %add3A_77 = vector.broadcast %add3A_61 : i32 to vector<64x128xi32>
    %add3A_78 = arith.addi %add3A_77, %convert_element_type3A_76 : vector<64x128xi32>
    %jit3A_79 = arith.constant 0 : i32
    %broadcast_in_dim3A_80 = vector.broadcast %jit3A_79 : i32 to vector<64x128xi32>
    %select_n3A_81 = arith.select %eq3A_64, %add3A_78, %broadcast_in_dim3A_80 : vector<64x128xi1>, vector<64x128xi32>
    %add3A_82 = arith.addi %add3A_54, %select_n3A_81 : vector<64x128xi32>
    %reduce_sum3A_83 = vector.shape_cast %convert_element_type3A_66 : vector<64x128xf32> to vector<1x64x128xf32>
    %reduce_sum3A_84 = arith.constant dense<0.000000e+00> : vector<1xf32>
    %reduce_sum3A_85 = vector.multi_reduction <add>, %reduce_sum3A_83, %reduce_sum3A_84 [1, 2] : vector<1x64x128xf32> to vector<1xf32>
    %reduce_sum3A_86 = vector.shape_cast %reduce_sum3A_85 : vector<1xf32> to vector<1x1x1xf32>
    %reduce_sum3A_87 = vector.extract %reduce_sum3A_86[0, 0, 0] : f32 from vector<1x1x1xf32>
    %convert_element_type3A_88 = arith.fptosi %reduce_sum3A_87 : f32 to i32
    %add3A_89 = arith.addi %add3A_61, %convert_element_type3A_88 : i32
    %eq3A_90 = arith.constant 3 : i32
    %eq3A_91 = vector.broadcast %eq3A_90 : i32 to vector<64x128xi32>
    %eq3A_92 = arith.cmpi eq, %get3A_1, %eq3A_91 : vector<64x128xi32>
    %convert_element_type3A_93 = arith.extui %eq3A_92 : vector<64x128xi1> to vector<64x128xi32>
    %convert_element_type3A_94 = arith.sitofp %convert_element_type3A_93 : vector<64x128xi32> to vector<64x128xf32>
    %dot_general3A_95 = arith.constant dense<0.000000e+00> : vector<64x128xf32>
    %dot_general3A_96 = tpu.matmul %convert_element_type3A_94, %convert_element_type3A_3, %dot_general3A_95 {dimension_numbers = #tpu.dot_dimension_numbers<[1], [0], [0], [1], [0, 0, 1, 1], [], []>, transpose_lhs_hint = false} : vector<64x128xf32>, vector<128x128xf32>, vector<64x128xf32> -> vector<64x128xf32>
    %dot_general3A_97 = arith.constant dense<0.000000e+00> : vector<64x1xf32>
    %dot_general3A_98 = tpu.matmul %convert_element_type3A_94, %broadcast_in_dim3A_8, %dot_general3A_97 {dimension_numbers = #tpu.dot_dimension_numbers<[1], [0], [0], [1], [0, 0, 1, 1], [], []>, transpose_lhs_hint = false} : vector<64x128xf32>, vector<128x1xf32>, vector<64x1xf32> -> vector<64x1xf32>
    %dot_general3A_99 = arith.constant dense<0.000000e+00> : vector<64x1xf32>
    %dot_general3A_100 = tpu.matmul %convert_element_type3A_7, %dot_general3A_98, %dot_general3A_99 {dimension_numbers = #tpu.dot_dimension_numbers<[1], [0], [0], [1], [0, 0, 1, 1], [], []>, transpose_lhs_hint = false} : vector<64x64xf32>, vector<64x1xf32>, vector<64x1xf32> -> vector<64x1xf32>
    %sub3A_101 = arith.subf %dot_general3A_96, %convert_element_type3A_94 : vector<64x128xf32>
    %add3A_102 = vector.broadcast %dot_general3A_100 : vector<64x1xf32> to vector<64x128xf32>
    %add3A_103 = arith.addf %sub3A_101, %add3A_102 : vector<64x128xf32>
    %convert_element_type3A_104 = arith.fptosi %add3A_103 : vector<64x128xf32> to vector<64x128xi32>
    %add3A_105 = vector.broadcast %add3A_89 : i32 to vector<64x128xi32>
    %add3A_106 = arith.addi %add3A_105, %convert_element_type3A_104 : vector<64x128xi32>
    %jit3A_107 = arith.constant 0 : i32
    %broadcast_in_dim3A_108 = vector.broadcast %jit3A_107 : i32 to vector<64x128xi32>
    %select_n3A_109 = arith.select %eq3A_92, %add3A_106, %broadcast_in_dim3A_108 : vector<64x128xi1>, vector<64x128xi32>
    %add3A_110 = arith.addi %add3A_82, %select_n3A_109 : vector<64x128xi32>
    %reduce_sum3A_111 = vector.shape_cast %convert_element_type3A_94 : vector<64x128xf32> to vector<1x64x128xf32>
    %reduce_sum3A_112 = arith.constant dense<0.000000e+00> : vector<1xf32>
    %reduce_sum3A_113 = vector.multi_reduction <add>, %reduce_sum3A_111, %reduce_sum3A_112 [1, 2] : vector<1x64x128xf32> to vector<1xf32>
    %reduce_sum3A_114 = vector.shape_cast %reduce_sum3A_113 : vector<1xf32> to vector<1x1x1xf32>
    %reduce_sum3A_115 = vector.extract %reduce_sum3A_114[0, 0, 0] : f32 from vector<1x1x1xf32>
    %convert_element_type3A_116 = arith.fptosi %reduce_sum3A_115 : f32 to i32
    %add3A_117 = arith.addi %add3A_89, %convert_element_type3A_116 : i32
    %eq3A_118 = arith.constant 4 : i32
    %eq3A_119 = vector.broadcast %eq3A_118 : i32 to vector<64x128xi32>
    %eq3A_120 = arith.cmpi eq, %get3A_1, %eq3A_119 : vector<64x128xi32>
    %convert_element_type3A_121 = arith.extui %eq3A_120 : vector<64x128xi1> to vector<64x128xi32>
    %convert_element_type3A_122 = arith.sitofp %convert_element_type3A_121 : vector<64x128xi32> to vector<64x128xf32>
    %dot_general3A_123 = arith.constant dense<0.000000e+00> : vector<64x128xf32>
    %dot_general3A_124 = tpu.matmul %convert_element_type3A_122, %convert_element_type3A_3, %dot_general3A_123 {dimension_numbers = #tpu.dot_dimension_numbers<[1], [0], [0], [1], [0, 0, 1, 1], [], []>, transpose_lhs_hint = false} : vector<64x128xf32>, vector<128x128xf32>, vector<64x128xf32> -> vector<64x128xf32>
    %dot_general3A_125 = arith.constant dense<0.000000e+00> : vector<64x1xf32>
    %dot_general3A_126 = tpu.matmul %convert_element_type3A_122, %broadcast_in_dim3A_8, %dot_general3A_125 {dimension_numbers = #tpu.dot_dimension_numbers<[1], [0], [0], [1], [0, 0, 1, 1], [], []>, transpose_lhs_hint = false} : vector<64x128xf32>, vector<128x1xf32>, vector<64x1xf32> -> vector<64x1xf32>
    %dot_general3A_127 = arith.constant dense<0.000000e+00> : vector<64x1xf32>
    %dot_general3A_128 = tpu.matmul %convert_element_type3A_7, %dot_general3A_126, %dot_general3A_127 {dimension_numbers = #tpu.dot_dimension_numbers<[1], [0], [0], [1], [0, 0, 1, 1], [], []>, transpose_lhs_hint = false} : vector<64x64xf32>, vector<64x1xf32>, vector<64x1xf32> -> vector<64x1xf32>
    %sub3A_129 = arith.subf %dot_general3A_124, %convert_element_type3A_122 : vector<64x128xf32>
    %add3A_130 = vector.broadcast %dot_general3A_128 : vector<64x1xf32> to vector<64x128xf32>
    %add3A_131 = arith.addf %sub3A_129, %add3A_130 : vector<64x128xf32>
    %convert_element_type3A_132 = arith.fptosi %add3A_131 : vector<64x128xf32> to vector<64x128xi32>
    %add3A_133 = vector.broadcast %add3A_117 : i32 to vector<64x128xi32>
    %add3A_134 = arith.addi %add3A_133, %convert_element_type3A_132 : vector<64x128xi32>
    %jit3A_135 = arith.constant 0 : i32
    %broadcast_in_dim3A_136 = vector.broadcast %jit3A_135 : i32 to vector<64x128xi32>
    %select_n3A_137 = arith.select %eq3A_120, %add3A_134, %broadcast_in_dim3A_136 : vector<64x128xi1>, vector<64x128xi32>
    %add3A_138 = arith.addi %add3A_110, %select_n3A_137 : vector<64x128xi32>
    %reduce_sum3A_139 = vector.shape_cast %convert_element_type3A_122 : vector<64x128xf32> to vector<1x64x128xf32>
    %reduce_sum3A_140 = arith.constant dense<0.000000e+00> : vector<1xf32>
    %reduce_sum3A_141 = vector.multi_reduction <add>, %reduce_sum3A_139, %reduce_sum3A_140 [1, 2] : vector<1x64x128xf32> to vector<1xf32>
    %reduce_sum3A_142 = vector.shape_cast %reduce_sum3A_141 : vector<1xf32> to vector<1x1x1xf32>
    %reduce_sum3A_143 = vector.extract %reduce_sum3A_142[0, 0, 0] : f32 from vector<1x1x1xf32>
    %convert_element_type3A_144 = arith.fptosi %reduce_sum3A_143 : f32 to i32
    %add3A_145 = arith.addi %add3A_117, %convert_element_type3A_144 : i32
    %eq3A_146 = arith.constant 5 : i32
    %eq3A_147 = vector.broadcast %eq3A_146 : i32 to vector<64x128xi32>
    %eq3A_148 = arith.cmpi eq, %get3A_1, %eq3A_147 : vector<64x128xi32>
    %convert_element_type3A_149 = arith.extui %eq3A_148 : vector<64x128xi1> to vector<64x128xi32>
    %convert_element_type3A_150 = arith.sitofp %convert_element_type3A_149 : vector<64x128xi32> to vector<64x128xf32>
    %dot_general3A_151 = arith.constant dense<0.000000e+00> : vector<64x128xf32>
    %dot_general3A_152 = tpu.matmul %convert_element_type3A_150, %convert_element_type3A_3, %dot_general3A_151 {dimension_numbers = #tpu.dot_dimension_numbers<[1], [0], [0], [1], [0, 0, 1, 1], [], []>, transpose_lhs_hint = false} : vector<64x128xf32>, vector<128x128xf32>, vector<64x128xf32> -> vector<64x128xf32>
    %dot_general3A_153 = arith.constant dense<0.000000e+00> : vector<64x1xf32>
    %dot_general3A_154 = tpu.matmul %convert_element_type3A_150, %broadcast_in_dim3A_8, %dot_general3A_153 {dimension_numbers = #tpu.dot_dimension_numbers<[1], [0], [0], [1], [0, 0, 1, 1], [], []>, transpose_lhs_hint = false} : vector<64x128xf32>, vector<128x1xf32>, vector<64x1xf32> -> vector<64x1xf32>
    %dot_general3A_155 = arith.constant dense<0.000000e+00> : vector<64x1xf32>
    %dot_general3A_156 = tpu.matmul %convert_element_type3A_7, %dot_general3A_154, %dot_general3A_155 {dimension_numbers = #tpu.dot_dimension_numbers<[1], [0], [0], [1], [0, 0, 1, 1], [], []>, transpose_lhs_hint = false} : vector<64x64xf32>, vector<64x1xf32>, vector<64x1xf32> -> vector<64x1xf32>
    %sub3A_157 = arith.subf %dot_general3A_152, %convert_element_type3A_150 : vector<64x128xf32>
    %add3A_158 = vector.broadcast %dot_general3A_156 : vector<64x1xf32> to vector<64x128xf32>
    %add3A_159 = arith.addf %sub3A_157, %add3A_158 : vector<64x128xf32>
    %convert_element_type3A_160 = arith.fptosi %add3A_159 : vector<64x128xf32> to vector<64x128xi32>
    %add3A_161 = vector.broadcast %add3A_145 : i32 to vector<64x128xi32>
    %add3A_162 = arith.addi %add3A_161, %convert_element_type3A_160 : vector<64x128xi32>
    %jit3A_163 = arith.constant 0 : i32
    %broadcast_in_dim3A_164 = vector.broadcast %jit3A_163 : i32 to vector<64x128xi32>
    %select_n3A_165 = arith.select %eq3A_148, %add3A_162, %broadcast_in_dim3A_164 : vector<64x128xi1>, vector<64x128xi32>
    %add3A_166 = arith.addi %add3A_138, %select_n3A_165 : vector<64x128xi32>
    %reduce_sum3A_167 = vector.shape_cast %convert_element_type3A_150 : vector<64x128xf32> to vector<1x64x128xf32>
    %reduce_sum3A_168 = arith.constant dense<0.000000e+00> : vector<1xf32>
    %reduce_sum3A_169 = vector.multi_reduction <add>, %reduce_sum3A_167, %reduce_sum3A_168 [1, 2] : vector<1x64x128xf32> to vector<1xf32>
    %reduce_sum3A_170 = vector.shape_cast %reduce_sum3A_169 : vector<1xf32> to vector<1x1x1xf32>
    %reduce_sum3A_171 = vector.extract %reduce_sum3A_170[0, 0, 0] : f32 from vector<1x1x1xf32>
    %convert_element_type3A_172 = arith.fptosi %reduce_sum3A_171 : f32 to i32
    %add3A_173 = arith.addi %add3A_145, %convert_element_type3A_172 : i32
    %eq3A_174 = arith.constant 6 : i32
    %eq3A_175 = vector.broadcast %eq3A_174 : i32 to vector<64x128xi32>
    %eq3A_176 = arith.cmpi eq, %get3A_1, %eq3A_175 : vector<64x128xi32>
    %convert_element_type3A_177 = arith.extui %eq3A_176 : vector<64x128xi1> to vector<64x128xi32>
    %convert_element_type3A_178 = arith.sitofp %convert_element_type3A_177 : vector<64x128xi32> to vector<64x128xf32>
    %dot_general3A_179 = arith.constant dense<0.000000e+00> : vector<64x128xf32>
    %dot_general3A_180 = tpu.matmul %convert_element_type3A_178, %convert_element_type3A_3, %dot_general3A_179 {dimension_numbers = #tpu.dot_dimension_numbers<[1], [0], [0], [1], [0, 0, 1, 1], [], []>, transpose_lhs_hint = false} : vector<64x128xf32>, vector<128x128xf32>, vector<64x128xf32> -> vector<64x128xf32>
    %dot_general3A_181 = arith.constant dense<0.000000e+00> : vector<64x1xf32>
    %dot_general3A_182 = tpu.matmul %convert_element_type3A_178, %broadcast_in_dim3A_8, %dot_general3A_181 {dimension_numbers = #tpu.dot_dimension_numbers<[1], [0], [0], [1], [0, 0, 1, 1], [], []>, transpose_lhs_hint = false} : vector<64x128xf32>, vector<128x1xf32>, vector<64x1xf32> -> vector<64x1xf32>
    %dot_general3A_183 = arith.constant dense<0.000000e+00> : vector<64x1xf32>
    %dot_general3A_184 = tpu.matmul %convert_element_type3A_7, %dot_general3A_182, %dot_general3A_183 {dimension_numbers = #tpu.dot_dimension_numbers<[1], [0], [0], [1], [0, 0, 1, 1], [], []>, transpose_lhs_hint = false} : vector<64x64xf32>, vector<64x1xf32>, vector<64x1xf32> -> vector<64x1xf32>
    %sub3A_185 = arith.subf %dot_general3A_180, %convert_element_type3A_178 : vector<64x128xf32>
    %add3A_186 = vector.broadcast %dot_general3A_184 : vector<64x1xf32> to vector<64x128xf32>
    %add3A_187 = arith.addf %sub3A_185, %add3A_186 : vector<64x128xf32>
    %convert_element_type3A_188 = arith.fptosi %add3A_187 : vector<64x128xf32> to vector<64x128xi32>
    %add3A_189 = vector.broadcast %add3A_173 : i32 to vector<64x128xi32>
    %add3A_190 = arith.addi %add3A_189, %convert_element_type3A_188 : vector<64x128xi32>
    %jit3A_191 = arith.constant 0 : i32
    %broadcast_in_dim3A_192 = vector.broadcast %jit3A_191 : i32 to vector<64x128xi32>
    %select_n3A_193 = arith.select %eq3A_176, %add3A_190, %broadcast_in_dim3A_192 : vector<64x128xi1>, vector<64x128xi32>
    %add3A_194 = arith.addi %add3A_166, %select_n3A_193 : vector<64x128xi32>
    %reduce_sum3A_195 = vector.shape_cast %convert_element_type3A_178 : vector<64x128xf32> to vector<1x64x128xf32>
    %reduce_sum3A_196 = arith.constant dense<0.000000e+00> : vector<1xf32>
    %reduce_sum3A_197 = vector.multi_reduction <add>, %reduce_sum3A_195, %reduce_sum3A_196 [1, 2] : vector<1x64x128xf32> to vector<1xf32>
    %reduce_sum3A_198 = vector.shape_cast %reduce_sum3A_197 : vector<1xf32> to vector<1x1x1xf32>
    %reduce_sum3A_199 = vector.extract %reduce_sum3A_198[0, 0, 0] : f32 from vector<1x1x1xf32>
    %convert_element_type3A_200 = arith.fptosi %reduce_sum3A_199 : f32 to i32
    %add3A_201 = arith.addi %add3A_173, %convert_element_type3A_200 : i32
    %eq3A_202 = arith.constant 7 : i32
    %eq3A_203 = vector.broadcast %eq3A_202 : i32 to vector<64x128xi32>
    %eq3A_204 = arith.cmpi eq, %get3A_1, %eq3A_203 : vector<64x128xi32>
    %convert_element_type3A_205 = arith.extui %eq3A_204 : vector<64x128xi1> to vector<64x128xi32>
    %convert_element_type3A_206 = arith.sitofp %convert_element_type3A_205 : vector<64x128xi32> to vector<64x128xf32>
    %dot_general3A_207 = arith.constant dense<0.000000e+00> : vector<64x128xf32>
    %dot_general3A_208 = tpu.matmul %convert_element_type3A_206, %convert_element_type3A_3, %dot_general3A_207 {dimension_numbers = #tpu.dot_dimension_numbers<[1], [0], [0], [1], [0, 0, 1, 1], [], []>, transpose_lhs_hint = false} : vector<64x128xf32>, vector<128x128xf32>, vector<64x128xf32> -> vector<64x128xf32>
    %dot_general3A_209 = arith.constant dense<0.000000e+00> : vector<64x1xf32>
    %dot_general3A_210 = tpu.matmul %convert_element_type3A_206, %broadcast_in_dim3A_8, %dot_general3A_209 {dimension_numbers = #tpu.dot_dimension_numbers<[1], [0], [0], [1], [0, 0, 1, 1], [], []>, transpose_lhs_hint = false} : vector<64x128xf32>, vector<128x1xf32>, vector<64x1xf32> -> vector<64x1xf32>
    %dot_general3A_211 = arith.constant dense<0.000000e+00> : vector<64x1xf32>
    %dot_general3A_212 = tpu.matmul %convert_element_type3A_7, %dot_general3A_210, %dot_general3A_211 {dimension_numbers = #tpu.dot_dimension_numbers<[1], [0], [0], [1], [0, 0, 1, 1], [], []>, transpose_lhs_hint = false} : vector<64x64xf32>, vector<64x1xf32>, vector<64x1xf32> -> vector<64x1xf32>
    %sub3A_213 = arith.subf %dot_general3A_208, %convert_element_type3A_206 : vector<64x128xf32>
    %add3A_214 = vector.broadcast %dot_general3A_212 : vector<64x1xf32> to vector<64x128xf32>
    %add3A_215 = arith.addf %sub3A_213, %add3A_214 : vector<64x128xf32>
    %convert_element_type3A_216 = arith.fptosi %add3A_215 : vector<64x128xf32> to vector<64x128xi32>
    %add3A_217 = vector.broadcast %add3A_201 : i32 to vector<64x128xi32>
    %add3A_218 = arith.addi %add3A_217, %convert_element_type3A_216 : vector<64x128xi32>
    %jit3A_219 = arith.constant 0 : i32
    %broadcast_in_dim3A_220 = vector.broadcast %jit3A_219 : i32 to vector<64x128xi32>
    %select_n3A_221 = arith.select %eq3A_204, %add3A_218, %broadcast_in_dim3A_220 : vector<64x128xi1>, vector<64x128xi32>
    %add3A_222 = arith.addi %add3A_194, %select_n3A_221 : vector<64x128xi32>
    %reduce_sum3A_223 = vector.shape_cast %convert_element_type3A_206 : vector<64x128xf32> to vector<1x64x128xf32>
    %reduce_sum3A_224 = arith.constant dense<0.000000e+00> : vector<1xf32>
    %reduce_sum3A_225 = vector.multi_reduction <add>, %reduce_sum3A_223, %reduce_sum3A_224 [1, 2] : vector<1x64x128xf32> to vector<1xf32>
    %reduce_sum3A_226 = vector.shape_cast %reduce_sum3A_225 : vector<1xf32> to vector<1x1x1xf32>
    %reduce_sum3A_227 = vector.extract %reduce_sum3A_226[0, 0, 0] : f32 from vector<1x1x1xf32>
    %convert_element_type3A_228 = arith.fptosi %reduce_sum3A_227 : f32 to i32
    %add3A_229 = arith.addi %add3A_201, %convert_element_type3A_228 : i32
    %eq3A_230 = arith.constant 8 : i32
    %eq3A_231 = vector.broadcast %eq3A_230 : i32 to vector<64x128xi32>
    %eq3A_232 = arith.cmpi eq, %get3A_1, %eq3A_231 : vector<64x128xi32>
    %convert_element_type3A_233 = arith.extui %eq3A_232 : vector<64x128xi1> to vector<64x128xi32>
    %convert_element_type3A_234 = arith.sitofp %convert_element_type3A_233 : vector<64x128xi32> to vector<64x128xf32>
    %dot_general3A_235 = arith.constant dense<0.000000e+00> : vector<64x128xf32>
    %dot_general3A_236 = tpu.matmul %convert_element_type3A_234, %convert_element_type3A_3, %dot_general3A_235 {dimension_numbers = #tpu.dot_dimension_numbers<[1], [0], [0], [1], [0, 0, 1, 1], [], []>, transpose_lhs_hint = false} : vector<64x128xf32>, vector<128x128xf32>, vector<64x128xf32> -> vector<64x128xf32>
    %dot_general3A_237 = arith.constant dense<0.000000e+00> : vector<64x1xf32>
    %dot_general3A_238 = tpu.matmul %convert_element_type3A_234, %broadcast_in_dim3A_8, %dot_general3A_237 {dimension_numbers = #tpu.dot_dimension_numbers<[1], [0], [0], [1], [0, 0, 1, 1], [], []>, transpose_lhs_hint = false} : vector<64x128xf32>, vector<128x1xf32>, vector<64x1xf32> -> vector<64x1xf32>
    %dot_general3A_239 = arith.constant dense<0.000000e+00> : vector<64x1xf32>
    %dot_general3A_240 = tpu.matmul %convert_element_type3A_7, %dot_general3A_238, %dot_general3A_239 {dimension_numbers = #tpu.dot_dimension_numbers<[1], [0], [0], [1], [0, 0, 1, 1], [], []>, transpose_lhs_hint = false} : vector<64x64xf32>, vector<64x1xf32>, vector<64x1xf32> -> vector<64x1xf32>
    %sub3A_241 = arith.subf %dot_general3A_236, %convert_element_type3A_234 : vector<64x128xf32>
    %add3A_242 = vector.broadcast %dot_general3A_240 : vector<64x1xf32> to vector<64x128xf32>
    %add3A_243 = arith.addf %sub3A_241, %add3A_242 : vector<64x128xf32>
    %convert_element_type3A_244 = arith.fptosi %add3A_243 : vector<64x128xf32> to vector<64x128xi32>
    %add3A_245 = vector.broadcast %add3A_229 : i32 to vector<64x128xi32>
    %add3A_246 = arith.addi %add3A_245, %convert_element_type3A_244 : vector<64x128xi32>
    %jit3A_247 = arith.constant 0 : i32
    %broadcast_in_dim3A_248 = vector.broadcast %jit3A_247 : i32 to vector<64x128xi32>
    %select_n3A_249 = arith.select %eq3A_232, %add3A_246, %broadcast_in_dim3A_248 : vector<64x128xi1>, vector<64x128xi32>
    %add3A_250 = arith.addi %add3A_222, %select_n3A_249 : vector<64x128xi32>
    %reduce_sum3A_251 = vector.shape_cast %convert_element_type3A_234 : vector<64x128xf32> to vector<1x64x128xf32>
    %reduce_sum3A_252 = arith.constant dense<0.000000e+00> : vector<1xf32>
    %reduce_sum3A_253 = vector.multi_reduction <add>, %reduce_sum3A_251, %reduce_sum3A_252 [1, 2] : vector<1x64x128xf32> to vector<1xf32>
    %reduce_sum3A_254 = vector.shape_cast %reduce_sum3A_253 : vector<1xf32> to vector<1x1x1xf32>
    %reduce_sum3A_255 = vector.extract %reduce_sum3A_254[0, 0, 0] : f32 from vector<1x1x1xf32>
    %convert_element_type3A_256 = arith.fptosi %reduce_sum3A_255 : f32 to i32
    %add3A_257 = arith.addi %add3A_229, %convert_element_type3A_256 : i32
    %eq3A_258 = arith.constant 9 : i32
    %eq3A_259 = vector.broadcast %eq3A_258 : i32 to vector<64x128xi32>
    %eq3A_260 = arith.cmpi eq, %get3A_1, %eq3A_259 : vector<64x128xi32>
    %convert_element_type3A_261 = arith.extui %eq3A_260 : vector<64x128xi1> to vector<64x128xi32>
    %convert_element_type3A_262 = arith.sitofp %convert_element_type3A_261 : vector<64x128xi32> to vector<64x128xf32>
    %dot_general3A_263 = arith.constant dense<0.000000e+00> : vector<64x128xf32>
    %dot_general3A_264 = tpu.matmul %convert_element_type3A_262, %convert_element_type3A_3, %dot_general3A_263 {dimension_numbers = #tpu.dot_dimension_numbers<[1], [0], [0], [1], [0, 0, 1, 1], [], []>, transpose_lhs_hint = false} : vector<64x128xf32>, vector<128x128xf32>, vector<64x128xf32> -> vector<64x128xf32>
    %dot_general3A_265 = arith.constant dense<0.000000e+00> : vector<64x1xf32>
    %dot_general3A_266 = tpu.matmul %convert_element_type3A_262, %broadcast_in_dim3A_8, %dot_general3A_265 {dimension_numbers = #tpu.dot_dimension_numbers<[1], [0], [0], [1], [0, 0, 1, 1], [], []>, transpose_lhs_hint = false} : vector<64x128xf32>, vector<128x1xf32>, vector<64x1xf32> -> vector<64x1xf32>
    %dot_general3A_267 = arith.constant dense<0.000000e+00> : vector<64x1xf32>
    %dot_general3A_268 = tpu.matmul %convert_element_type3A_7, %dot_general3A_266, %dot_general3A_267 {dimension_numbers = #tpu.dot_dimension_numbers<[1], [0], [0], [1], [0, 0, 1, 1], [], []>, transpose_lhs_hint = false} : vector<64x64xf32>, vector<64x1xf32>, vector<64x1xf32> -> vector<64x1xf32>
    %sub3A_269 = arith.subf %dot_general3A_264, %convert_element_type3A_262 : vector<64x128xf32>
    %add3A_270 = vector.broadcast %dot_general3A_268 : vector<64x1xf32> to vector<64x128xf32>
    %add3A_271 = arith.addf %sub3A_269, %add3A_270 : vector<64x128xf32>
    %convert_element_type3A_272 = arith.fptosi %add3A_271 : vector<64x128xf32> to vector<64x128xi32>
    %add3A_273 = vector.broadcast %add3A_257 : i32 to vector<64x128xi32>
    %add3A_274 = arith.addi %add3A_273, %convert_element_type3A_272 : vector<64x128xi32>
    %jit3A_275 = arith.constant 0 : i32
    %broadcast_in_dim3A_276 = vector.broadcast %jit3A_275 : i32 to vector<64x128xi32>
    %select_n3A_277 = arith.select %eq3A_260, %add3A_274, %broadcast_in_dim3A_276 : vector<64x128xi1>, vector<64x128xi32>
    %add3A_278 = arith.addi %add3A_250, %select_n3A_277 : vector<64x128xi32>
    %reduce_sum3A_279 = vector.shape_cast %convert_element_type3A_262 : vector<64x128xf32> to vector<1x64x128xf32>
    %reduce_sum3A_280 = arith.constant dense<0.000000e+00> : vector<1xf32>
    %reduce_sum3A_281 = vector.multi_reduction <add>, %reduce_sum3A_279, %reduce_sum3A_280 [1, 2] : vector<1x64x128xf32> to vector<1xf32>
    %reduce_sum3A_282 = vector.shape_cast %reduce_sum3A_281 : vector<1xf32> to vector<1x1x1xf32>
    %reduce_sum3A_283 = vector.extract %reduce_sum3A_282[0, 0, 0] : f32 from vector<1x1x1xf32>
    %convert_element_type3A_284 = arith.fptosi %reduce_sum3A_283 : f32 to i32
    %add3A_285 = arith.addi %add3A_257, %convert_element_type3A_284 : i32
    %eq3A_286 = arith.constant 10 : i32
    %eq3A_287 = vector.broadcast %eq3A_286 : i32 to vector<64x128xi32>
    %eq3A_288 = arith.cmpi eq, %get3A_1, %eq3A_287 : vector<64x128xi32>
    %convert_element_type3A_289 = arith.extui %eq3A_288 : vector<64x128xi1> to vector<64x128xi32>
    %convert_element_type3A_290 = arith.sitofp %convert_element_type3A_289 : vector<64x128xi32> to vector<64x128xf32>
    %dot_general3A_291 = arith.constant dense<0.000000e+00> : vector<64x128xf32>
    %dot_general3A_292 = tpu.matmul %convert_element_type3A_290, %convert_element_type3A_3, %dot_general3A_291 {dimension_numbers = #tpu.dot_dimension_numbers<[1], [0], [0], [1], [0, 0, 1, 1], [], []>, transpose_lhs_hint = false} : vector<64x128xf32>, vector<128x128xf32>, vector<64x128xf32> -> vector<64x128xf32>
    %dot_general3A_293 = arith.constant dense<0.000000e+00> : vector<64x1xf32>
    %dot_general3A_294 = tpu.matmul %convert_element_type3A_290, %broadcast_in_dim3A_8, %dot_general3A_293 {dimension_numbers = #tpu.dot_dimension_numbers<[1], [0], [0], [1], [0, 0, 1, 1], [], []>, transpose_lhs_hint = false} : vector<64x128xf32>, vector<128x1xf32>, vector<64x1xf32> -> vector<64x1xf32>
    %dot_general3A_295 = arith.constant dense<0.000000e+00> : vector<64x1xf32>
    %dot_general3A_296 = tpu.matmul %convert_element_type3A_7, %dot_general3A_294, %dot_general3A_295 {dimension_numbers = #tpu.dot_dimension_numbers<[1], [0], [0], [1], [0, 0, 1, 1], [], []>, transpose_lhs_hint = false} : vector<64x64xf32>, vector<64x1xf32>, vector<64x1xf32> -> vector<64x1xf32>
    %sub3A_297 = arith.subf %dot_general3A_292, %convert_element_type3A_290 : vector<64x128xf32>
    %add3A_298 = vector.broadcast %dot_general3A_296 : vector<64x1xf32> to vector<64x128xf32>
    %add3A_299 = arith.addf %sub3A_297, %add3A_298 : vector<64x128xf32>
    %convert_element_type3A_300 = arith.fptosi %add3A_299 : vector<64x128xf32> to vector<64x128xi32>
    %add3A_301 = vector.broadcast %add3A_285 : i32 to vector<64x128xi32>
    %add3A_302 = arith.addi %add3A_301, %convert_element_type3A_300 : vector<64x128xi32>
    %jit3A_303 = arith.constant 0 : i32
    %broadcast_in_dim3A_304 = vector.broadcast %jit3A_303 : i32 to vector<64x128xi32>
    %select_n3A_305 = arith.select %eq3A_288, %add3A_302, %broadcast_in_dim3A_304 : vector<64x128xi1>, vector<64x128xi32>
    %add3A_306 = arith.addi %add3A_278, %select_n3A_305 : vector<64x128xi32>
    %reduce_sum3A_307 = vector.shape_cast %convert_element_type3A_290 : vector<64x128xf32> to vector<1x64x128xf32>
    %reduce_sum3A_308 = arith.constant dense<0.000000e+00> : vector<1xf32>
    %reduce_sum3A_309 = vector.multi_reduction <add>, %reduce_sum3A_307, %reduce_sum3A_308 [1, 2] : vector<1x64x128xf32> to vector<1xf32>
    %reduce_sum3A_310 = vector.shape_cast %reduce_sum3A_309 : vector<1xf32> to vector<1x1x1xf32>
    %reduce_sum3A_311 = vector.extract %reduce_sum3A_310[0, 0, 0] : f32 from vector<1x1x1xf32>
    %convert_element_type3A_312 = arith.fptosi %reduce_sum3A_311 : f32 to i32
    %add3A_313 = arith.addi %add3A_285, %convert_element_type3A_312 : i32
    %eq3A_314 = arith.constant 11 : i32
    %eq3A_315 = vector.broadcast %eq3A_314 : i32 to vector<64x128xi32>
    %eq3A_316 = arith.cmpi eq, %get3A_1, %eq3A_315 : vector<64x128xi32>
    %convert_element_type3A_317 = arith.extui %eq3A_316 : vector<64x128xi1> to vector<64x128xi32>
    %convert_element_type3A_318 = arith.sitofp %convert_element_type3A_317 : vector<64x128xi32> to vector<64x128xf32>
    %dot_general3A_319 = arith.constant dense<0.000000e+00> : vector<64x128xf32>
    %dot_general3A_320 = tpu.matmul %convert_element_type3A_318, %convert_element_type3A_3, %dot_general3A_319 {dimension_numbers = #tpu.dot_dimension_numbers<[1], [0], [0], [1], [0, 0, 1, 1], [], []>, transpose_lhs_hint = false} : vector<64x128xf32>, vector<128x128xf32>, vector<64x128xf32> -> vector<64x128xf32>
    %dot_general3A_321 = arith.constant dense<0.000000e+00> : vector<64x1xf32>
    %dot_general3A_322 = tpu.matmul %convert_element_type3A_318, %broadcast_in_dim3A_8, %dot_general3A_321 {dimension_numbers = #tpu.dot_dimension_numbers<[1], [0], [0], [1], [0, 0, 1, 1], [], []>, transpose_lhs_hint = false} : vector<64x128xf32>, vector<128x1xf32>, vector<64x1xf32> -> vector<64x1xf32>
    %dot_general3A_323 = arith.constant dense<0.000000e+00> : vector<64x1xf32>
    %dot_general3A_324 = tpu.matmul %convert_element_type3A_7, %dot_general3A_322, %dot_general3A_323 {dimension_numbers = #tpu.dot_dimension_numbers<[1], [0], [0], [1], [0, 0, 1, 1], [], []>, transpose_lhs_hint = false} : vector<64x64xf32>, vector<64x1xf32>, vector<64x1xf32> -> vector<64x1xf32>
    %sub3A_325 = arith.subf %dot_general3A_320, %convert_element_type3A_318 : vector<64x128xf32>
    %add3A_326 = vector.broadcast %dot_general3A_324 : vector<64x1xf32> to vector<64x128xf32>
    %add3A_327 = arith.addf %sub3A_325, %add3A_326 : vector<64x128xf32>
    %convert_element_type3A_328 = arith.fptosi %add3A_327 : vector<64x128xf32> to vector<64x128xi32>
    %add3A_329 = vector.broadcast %add3A_313 : i32 to vector<64x128xi32>
    %add3A_330 = arith.addi %add3A_329, %convert_element_type3A_328 : vector<64x128xi32>
    %jit3A_331 = arith.constant 0 : i32
    %broadcast_in_dim3A_332 = vector.broadcast %jit3A_331 : i32 to vector<64x128xi32>
    %select_n3A_333 = arith.select %eq3A_316, %add3A_330, %broadcast_in_dim3A_332 : vector<64x128xi1>, vector<64x128xi32>
    %add3A_334 = arith.addi %add3A_306, %select_n3A_333 : vector<64x128xi32>
    %reduce_sum3A_335 = vector.shape_cast %convert_element_type3A_318 : vector<64x128xf32> to vector<1x64x128xf32>
    %reduce_sum3A_336 = arith.constant dense<0.000000e+00> : vector<1xf32>
    %reduce_sum3A_337 = vector.multi_reduction <add>, %reduce_sum3A_335, %reduce_sum3A_336 [1, 2] : vector<1x64x128xf32> to vector<1xf32>
    %reduce_sum3A_338 = vector.shape_cast %reduce_sum3A_337 : vector<1xf32> to vector<1x1x1xf32>
    %reduce_sum3A_339 = vector.extract %reduce_sum3A_338[0, 0, 0] : f32 from vector<1x1x1xf32>
    %convert_element_type3A_340 = arith.fptosi %reduce_sum3A_339 : f32 to i32
    %add3A_341 = arith.addi %add3A_313, %convert_element_type3A_340 : i32
    %eq3A_342 = arith.constant 12 : i32
    %eq3A_343 = vector.broadcast %eq3A_342 : i32 to vector<64x128xi32>
    %eq3A_344 = arith.cmpi eq, %get3A_1, %eq3A_343 : vector<64x128xi32>
    %convert_element_type3A_345 = arith.extui %eq3A_344 : vector<64x128xi1> to vector<64x128xi32>
    %convert_element_type3A_346 = arith.sitofp %convert_element_type3A_345 : vector<64x128xi32> to vector<64x128xf32>
    %dot_general3A_347 = arith.constant dense<0.000000e+00> : vector<64x128xf32>
    %dot_general3A_348 = tpu.matmul %convert_element_type3A_346, %convert_element_type3A_3, %dot_general3A_347 {dimension_numbers = #tpu.dot_dimension_numbers<[1], [0], [0], [1], [0, 0, 1, 1], [], []>, transpose_lhs_hint = false} : vector<64x128xf32>, vector<128x128xf32>, vector<64x128xf32> -> vector<64x128xf32>
    %dot_general3A_349 = arith.constant dense<0.000000e+00> : vector<64x1xf32>
    %dot_general3A_350 = tpu.matmul %convert_element_type3A_346, %broadcast_in_dim3A_8, %dot_general3A_349 {dimension_numbers = #tpu.dot_dimension_numbers<[1], [0], [0], [1], [0, 0, 1, 1], [], []>, transpose_lhs_hint = false} : vector<64x128xf32>, vector<128x1xf32>, vector<64x1xf32> -> vector<64x1xf32>
    %dot_general3A_351 = arith.constant dense<0.000000e+00> : vector<64x1xf32>
    %dot_general3A_352 = tpu.matmul %convert_element_type3A_7, %dot_general3A_350, %dot_general3A_351 {dimension_numbers = #tpu.dot_dimension_numbers<[1], [0], [0], [1], [0, 0, 1, 1], [], []>, transpose_lhs_hint = false} : vector<64x64xf32>, vector<64x1xf32>, vector<64x1xf32> -> vector<64x1xf32>
    %sub3A_353 = arith.subf %dot_general3A_348, %convert_element_type3A_346 : vector<64x128xf32>
    %add3A_354 = vector.broadcast %dot_general3A_352 : vector<64x1xf32> to vector<64x128xf32>
    %add3A_355 = arith.addf %sub3A_353, %add3A_354 : vector<64x128xf32>
    %convert_element_type3A_356 = arith.fptosi %add3A_355 : vector<64x128xf32> to vector<64x128xi32>
    %add3A_357 = vector.broadcast %add3A_341 : i32 to vector<64x128xi32>
    %add3A_358 = arith.addi %add3A_357, %convert_element_type3A_356 : vector<64x128xi32>
    %jit3A_359 = arith.constant 0 : i32
    %broadcast_in_dim3A_360 = vector.broadcast %jit3A_359 : i32 to vector<64x128xi32>
    %select_n3A_361 = arith.select %eq3A_344, %add3A_358, %broadcast_in_dim3A_360 : vector<64x128xi1>, vector<64x128xi32>
    %add3A_362 = arith.addi %add3A_334, %select_n3A_361 : vector<64x128xi32>
    %reduce_sum3A_363 = vector.shape_cast %convert_element_type3A_346 : vector<64x128xf32> to vector<1x64x128xf32>
    %reduce_sum3A_364 = arith.constant dense<0.000000e+00> : vector<1xf32>
    %reduce_sum3A_365 = vector.multi_reduction <add>, %reduce_sum3A_363, %reduce_sum3A_364 [1, 2] : vector<1x64x128xf32> to vector<1xf32>
    %reduce_sum3A_366 = vector.shape_cast %reduce_sum3A_365 : vector<1xf32> to vector<1x1x1xf32>
    %reduce_sum3A_367 = vector.extract %reduce_sum3A_366[0, 0, 0] : f32 from vector<1x1x1xf32>
    %convert_element_type3A_368 = arith.fptosi %reduce_sum3A_367 : f32 to i32
    %add3A_369 = arith.addi %add3A_341, %convert_element_type3A_368 : i32
    %eq3A_370 = arith.constant 13 : i32
    %eq3A_371 = vector.broadcast %eq3A_370 : i32 to vector<64x128xi32>
    %eq3A_372 = arith.cmpi eq, %get3A_1, %eq3A_371 : vector<64x128xi32>
    %convert_element_type3A_373 = arith.extui %eq3A_372 : vector<64x128xi1> to vector<64x128xi32>
    %convert_element_type3A_374 = arith.sitofp %convert_element_type3A_373 : vector<64x128xi32> to vector<64x128xf32>
    %dot_general3A_375 = arith.constant dense<0.000000e+00> : vector<64x128xf32>
    %dot_general3A_376 = tpu.matmul %convert_element_type3A_374, %convert_element_type3A_3, %dot_general3A_375 {dimension_numbers = #tpu.dot_dimension_numbers<[1], [0], [0], [1], [0, 0, 1, 1], [], []>, transpose_lhs_hint = false} : vector<64x128xf32>, vector<128x128xf32>, vector<64x128xf32> -> vector<64x128xf32>
    %dot_general3A_377 = arith.constant dense<0.000000e+00> : vector<64x1xf32>
    %dot_general3A_378 = tpu.matmul %convert_element_type3A_374, %broadcast_in_dim3A_8, %dot_general3A_377 {dimension_numbers = #tpu.dot_dimension_numbers<[1], [0], [0], [1], [0, 0, 1, 1], [], []>, transpose_lhs_hint = false} : vector<64x128xf32>, vector<128x1xf32>, vector<64x1xf32> -> vector<64x1xf32>
    %dot_general3A_379 = arith.constant dense<0.000000e+00> : vector<64x1xf32>
    %dot_general3A_380 = tpu.matmul %convert_element_type3A_7, %dot_general3A_378, %dot_general3A_379 {dimension_numbers = #tpu.dot_dimension_numbers<[1], [0], [0], [1], [0, 0, 1, 1], [], []>, transpose_lhs_hint = false} : vector<64x64xf32>, vector<64x1xf32>, vector<64x1xf32> -> vector<64x1xf32>
    %sub3A_381 = arith.subf %dot_general3A_376, %convert_element_type3A_374 : vector<64x128xf32>
    %add3A_382 = vector.broadcast %dot_general3A_380 : vector<64x1xf32> to vector<64x128xf32>
    %add3A_383 = arith.addf %sub3A_381, %add3A_382 : vector<64x128xf32>
    %convert_element_type3A_384 = arith.fptosi %add3A_383 : vector<64x128xf32> to vector<64x128xi32>
    %add3A_385 = vector.broadcast %add3A_369 : i32 to vector<64x128xi32>
    %add3A_386 = arith.addi %add3A_385, %convert_element_type3A_384 : vector<64x128xi32>
    %jit3A_387 = arith.constant 0 : i32
    %broadcast_in_dim3A_388 = vector.broadcast %jit3A_387 : i32 to vector<64x128xi32>
    %select_n3A_389 = arith.select %eq3A_372, %add3A_386, %broadcast_in_dim3A_388 : vector<64x128xi1>, vector<64x128xi32>
    %add3A_390 = arith.addi %add3A_362, %select_n3A_389 : vector<64x128xi32>
    %reduce_sum3A_391 = vector.shape_cast %convert_element_type3A_374 : vector<64x128xf32> to vector<1x64x128xf32>
    %reduce_sum3A_392 = arith.constant dense<0.000000e+00> : vector<1xf32>
    %reduce_sum3A_393 = vector.multi_reduction <add>, %reduce_sum3A_391, %reduce_sum3A_392 [1, 2] : vector<1x64x128xf32> to vector<1xf32>
    %reduce_sum3A_394 = vector.shape_cast %reduce_sum3A_393 : vector<1xf32> to vector<1x1x1xf32>
    %reduce_sum3A_395 = vector.extract %reduce_sum3A_394[0, 0, 0] : f32 from vector<1x1x1xf32>
    %convert_element_type3A_396 = arith.fptosi %reduce_sum3A_395 : f32 to i32
    %add3A_397 = arith.addi %add3A_369, %convert_element_type3A_396 : i32
    %eq3A_398 = arith.constant 14 : i32
    %eq3A_399 = vector.broadcast %eq3A_398 : i32 to vector<64x128xi32>
    %eq3A_400 = arith.cmpi eq, %get3A_1, %eq3A_399 : vector<64x128xi32>
    %convert_element_type3A_401 = arith.extui %eq3A_400 : vector<64x128xi1> to vector<64x128xi32>
    %convert_element_type3A_402 = arith.sitofp %convert_element_type3A_401 : vector<64x128xi32> to vector<64x128xf32>
    %dot_general3A_403 = arith.constant dense<0.000000e+00> : vector<64x128xf32>
    %dot_general3A_404 = tpu.matmul %convert_element_type3A_402, %convert_element_type3A_3, %dot_general3A_403 {dimension_numbers = #tpu.dot_dimension_numbers<[1], [0], [0], [1], [0, 0, 1, 1], [], []>, transpose_lhs_hint = false} : vector<64x128xf32>, vector<128x128xf32>, vector<64x128xf32> -> vector<64x128xf32>
    %dot_general3A_405 = arith.constant dense<0.000000e+00> : vector<64x1xf32>
    %dot_general3A_406 = tpu.matmul %convert_element_type3A_402, %broadcast_in_dim3A_8, %dot_general3A_405 {dimension_numbers = #tpu.dot_dimension_numbers<[1], [0], [0], [1], [0, 0, 1, 1], [], []>, transpose_lhs_hint = false} : vector<64x128xf32>, vector<128x1xf32>, vector<64x1xf32> -> vector<64x1xf32>
    %dot_general3A_407 = arith.constant dense<0.000000e+00> : vector<64x1xf32>
    %dot_general3A_408 = tpu.matmul %convert_element_type3A_7, %dot_general3A_406, %dot_general3A_407 {dimension_numbers = #tpu.dot_dimension_numbers<[1], [0], [0], [1], [0, 0, 1, 1], [], []>, transpose_lhs_hint = false} : vector<64x64xf32>, vector<64x1xf32>, vector<64x1xf32> -> vector<64x1xf32>
    %sub3A_409 = arith.subf %dot_general3A_404, %convert_element_type3A_402 : vector<64x128xf32>
    %add3A_410 = vector.broadcast %dot_general3A_408 : vector<64x1xf32> to vector<64x128xf32>
    %add3A_411 = arith.addf %sub3A_409, %add3A_410 : vector<64x128xf32>
    %convert_element_type3A_412 = arith.fptosi %add3A_411 : vector<64x128xf32> to vector<64x128xi32>
    %add3A_413 = vector.broadcast %add3A_397 : i32 to vector<64x128xi32>
    %add3A_414 = arith.addi %add3A_413, %convert_element_type3A_412 : vector<64x128xi32>
    %jit3A_415 = arith.constant 0 : i32
    %broadcast_in_dim3A_416 = vector.broadcast %jit3A_415 : i32 to vector<64x128xi32>
    %select_n3A_417 = arith.select %eq3A_400, %add3A_414, %broadcast_in_dim3A_416 : vector<64x128xi1>, vector<64x128xi32>
    %add3A_418 = arith.addi %add3A_390, %select_n3A_417 : vector<64x128xi32>
    %reduce_sum3A_419 = vector.shape_cast %convert_element_type3A_402 : vector<64x128xf32> to vector<1x64x128xf32>
    %reduce_sum3A_420 = arith.constant dense<0.000000e+00> : vector<1xf32>
    %reduce_sum3A_421 = vector.multi_reduction <add>, %reduce_sum3A_419, %reduce_sum3A_420 [1, 2] : vector<1x64x128xf32> to vector<1xf32>
    %reduce_sum3A_422 = vector.shape_cast %reduce_sum3A_421 : vector<1xf32> to vector<1x1x1xf32>
    %reduce_sum3A_423 = vector.extract %reduce_sum3A_422[0, 0, 0] : f32 from vector<1x1x1xf32>
    %convert_element_type3A_424 = arith.fptosi %reduce_sum3A_423 : f32 to i32
    %add3A_425 = arith.addi %add3A_397, %convert_element_type3A_424 : i32
    %eq3A_426 = arith.constant 15 : i32
    %eq3A_427 = vector.broadcast %eq3A_426 : i32 to vector<64x128xi32>
    %eq3A_428 = arith.cmpi eq, %get3A_1, %eq3A_427 : vector<64x128xi32>
    %convert_element_type3A_429 = arith.extui %eq3A_428 : vector<64x128xi1> to vector<64x128xi32>
    %convert_element_type3A_430 = arith.sitofp %convert_element_type3A_429 : vector<64x128xi32> to vector<64x128xf32>
    %dot_general3A_431 = arith.constant dense<0.000000e+00> : vector<64x128xf32>
    %dot_general3A_432 = tpu.matmul %convert_element_type3A_430, %convert_element_type3A_3, %dot_general3A_431 {dimension_numbers = #tpu.dot_dimension_numbers<[1], [0], [0], [1], [0, 0, 1, 1], [], []>, transpose_lhs_hint = false} : vector<64x128xf32>, vector<128x128xf32>, vector<64x128xf32> -> vector<64x128xf32>
    %dot_general3A_433 = arith.constant dense<0.000000e+00> : vector<64x1xf32>
    %dot_general3A_434 = tpu.matmul %convert_element_type3A_430, %broadcast_in_dim3A_8, %dot_general3A_433 {dimension_numbers = #tpu.dot_dimension_numbers<[1], [0], [0], [1], [0, 0, 1, 1], [], []>, transpose_lhs_hint = false} : vector<64x128xf32>, vector<128x1xf32>, vector<64x1xf32> -> vector<64x1xf32>
    %dot_general3A_435 = arith.constant dense<0.000000e+00> : vector<64x1xf32>
    %dot_general3A_436 = tpu.matmul %convert_element_type3A_7, %dot_general3A_434, %dot_general3A_435 {dimension_numbers = #tpu.dot_dimension_numbers<[1], [0], [0], [1], [0, 0, 1, 1], [], []>, transpose_lhs_hint = false} : vector<64x64xf32>, vector<64x1xf32>, vector<64x1xf32> -> vector<64x1xf32>
    %sub3A_437 = arith.subf %dot_general3A_432, %convert_element_type3A_430 : vector<64x128xf32>
    %add3A_438 = vector.broadcast %dot_general3A_436 : vector<64x1xf32> to vector<64x128xf32>
    %add3A_439 = arith.addf %sub3A_437, %add3A_438 : vector<64x128xf32>
    %convert_element_type3A_440 = arith.fptosi %add3A_439 : vector<64x128xf32> to vector<64x128xi32>
    %add3A_441 = vector.broadcast %add3A_425 : i32 to vector<64x128xi32>
    %add3A_442 = arith.addi %add3A_441, %convert_element_type3A_440 : vector<64x128xi32>
    %jit3A_443 = arith.constant 0 : i32
    %broadcast_in_dim3A_444 = vector.broadcast %jit3A_443 : i32 to vector<64x128xi32>
    %select_n3A_445 = arith.select %eq3A_428, %add3A_442, %broadcast_in_dim3A_444 : vector<64x128xi1>, vector<64x128xi32>
    %add3A_446 = arith.addi %add3A_418, %select_n3A_445 : vector<64x128xi32>
    %reduce_sum3A_447 = vector.shape_cast %convert_element_type3A_430 : vector<64x128xf32> to vector<1x64x128xf32>
    %reduce_sum3A_448 = arith.constant dense<0.000000e+00> : vector<1xf32>
    %reduce_sum3A_449 = vector.multi_reduction <add>, %reduce_sum3A_447, %reduce_sum3A_448 [1, 2] : vector<1x64x128xf32> to vector<1xf32>
    %reduce_sum3A_450 = vector.shape_cast %reduce_sum3A_449 : vector<1xf32> to vector<1x1x1xf32>
    %reduce_sum3A_451 = vector.extract %reduce_sum3A_450[0, 0, 0] : f32 from vector<1x1x1xf32>
    %convert_element_type3A_452 = arith.fptosi %reduce_sum3A_451 : f32 to i32
    %add3A_453 = arith.addi %add3A_425, %convert_element_type3A_452 : i32
    %swap3A = arith.constant 0 : index
    %swap3A_454 = arith.constant 0 : index
    %swap3A_455 = vector.load %arg1[%swap3A, %swap3A_454] : memref<64x128xi32, #tpu.memory_space<vmem>>, vector<64x128xi32>
    tpu.vector_store %arg1[%swap3A, %swap3A_454], %add3A_446 {strides = array<i32>} : memref<64x128xi32, #tpu.memory_space<vmem>>, vector<64x128xi32>,
    %iota3A_456 = tpu.iota {dimensions = array<i32: 1>} : vector<1x128xi32>
    %broadcast_in_dim3A_457 = arith.constant 15 : i32
    %broadcast_in_dim3A_458 = vector.broadcast %broadcast_in_dim3A_457 : i32 to vector<1x128xi32>
    %broadcast_in_dim3A_459 = arith.constant 0 : i32
    %broadcast_in_dim3A_460 = vector.broadcast %broadcast_in_dim3A_459 : i32 to vector<1x128xi32>
    %broadcast_in_dim3A_461 = arith.constant 0 : i32
    %broadcast_in_dim3A_462 = vector.broadcast %broadcast_in_dim3A_461 : i32 to vector<1x128xi32>
    %broadcast_in_dim3A_463 = arith.constant 0 : i32
    %broadcast_in_dim3A_464 = vector.broadcast %broadcast_in_dim3A_463 : i32 to vector<1x128xi32>
    %sub3A_465 = arith.constant 0 : i32
    %sub3A_466 = arith.subi %add3A_33, %sub3A_465 : i32
    %jit3A_467 = arith.constant 0 : i32
    %jit3A_468 = arith.constant 512 : i32
    %div3A = arith.divsi %jit3A_467, %jit3A_468 : i32
    %sign3A = arith.constant 0 : i32
    %sign3A_469 = arith.cmpi sgt, %jit3A_467, %sign3A : i32
    %sign3A_470 = arith.extui %sign3A_469 : i1 to i32
    %sign3A_471 = arith.constant 0 : i32
    %sign3A_472 = arith.cmpi slt, %jit3A_467, %sign3A_471 : i32
    %sign3A_473 = arith.extui %sign3A_472 : i1 to i32
    %sign3A_474 = arith.subi %sign3A_470, %sign3A_473 : i32
    %sign3A_475 = arith.constant 0 : i32
    %sign3A_476 = arith.cmpi sgt, %jit3A_468, %sign3A_475 : i32
    %sign3A_477 = arith.extui %sign3A_476 : i1 to i32
    %sign3A_478 = arith.constant 0 : i32
    %sign3A_479 = arith.cmpi slt, %jit3A_468, %sign3A_478 : i32
    %sign3A_480 = arith.extui %sign3A_479 : i1 to i32
    %sign3A_481 = arith.subi %sign3A_477, %sign3A_480 : i32
    %ne3A = arith.cmpi ne, %sign3A_474, %sign3A_481 : i32
    %rem3A = arith.remsi %jit3A_467, %jit3A_468 : i32
    %ne3A_482 = arith.constant 0 : i32
    %ne3A_483 = arith.cmpi ne, %rem3A, %ne3A_482 : i32
    %and3A = arith.andi %ne3A, %ne3A_483 : i1
    %sub3A_484 = arith.constant 1 : i32
    %sub3A_485 = arith.subi %div3A, %sub3A_484 : i32
    %select_n3A_486 = arith.select %and3A, %sub3A_485, %div3A : i32
    %sub3A_487 = arith.constant 1 : i32
    %sub3A_488 = arith.subi %add3A_33, %sub3A_487 : i32
    %jit3A_489 = arith.constant 512 : i32
    %div3A_490 = arith.divsi %sub3A_488, %jit3A_489 : i32
    %sign3A_491 = arith.constant 0 : i32
    %sign3A_492 = arith.cmpi sgt, %sub3A_488, %sign3A_491 : i32
    %sign3A_493 = arith.extui %sign3A_492 : i1 to i32
    %sign3A_494 = arith.constant 0 : i32
    %sign3A_495 = arith.cmpi slt, %sub3A_488, %sign3A_494 : i32
    %sign3A_496 = arith.extui %sign3A_495 : i1 to i32
    %sign3A_497 = arith.subi %sign3A_493, %sign3A_496 : i32
    %sign3A_498 = arith.constant 0 : i32
    %sign3A_499 = arith.cmpi sgt, %jit3A_489, %sign3A_498 : i32
    %sign3A_500 = arith.extui %sign3A_499 : i1 to i32
    %sign3A_501 = arith.constant 0 : i32
    %sign3A_502 = arith.cmpi slt, %jit3A_489, %sign3A_501 : i32
    %sign3A_503 = arith.extui %sign3A_502 : i1 to i32
    %sign3A_504 = arith.subi %sign3A_500, %sign3A_503 : i32
    %ne3A_505 = arith.cmpi ne, %sign3A_497, %sign3A_504 : i32
    %rem3A_506 = arith.remsi %sub3A_488, %jit3A_489 : i32
    %ne3A_507 = arith.constant 0 : i32
    %ne3A_508 = arith.cmpi ne, %rem3A_506, %ne3A_507 : i32
    %and3A_509 = arith.andi %ne3A_505, %ne3A_508 : i1
    %sub3A_510 = arith.constant 1 : i32
    %sub3A_511 = arith.subi %div3A_490, %sub3A_510 : i32
    %select_n3A_512 = arith.select %and3A_509, %sub3A_511, %div3A_490 : i32
    %gt3A_513 = arith.constant 0 : i32
    %gt3A_514 = arith.cmpi sgt, %sub3A_466, %gt3A_513 : i32
    %sub3A_515 = arith.subi %select_n3A_512, %select_n3A_486 : i32
    %add3A_516 = arith.constant 1 : i32
    %add3A_517 = arith.addi %sub3A_515, %add3A_516 : i32
    %jit3A_518 = arith.constant 0 : i32
    %select_n3A_519 = arith.select %gt3A_514, %add3A_517, %jit3A_518 : i32
    %ge3A = arith.constant 0 : i32
    %ge3A_520 = vector.broadcast %ge3A : i32 to vector<1x128xi32>
    %ge3A_521 = arith.cmpi sge, %iota3A_456, %ge3A_520 : vector<1x128xi32>
    %add3A_522 = arith.constant 0 : i32
    %add3A_523 = arith.addi %add3A_522, %select_n3A_519 : i32
    %lt3A = vector.broadcast %add3A_523 : i32 to vector<1x128xi32>
    %lt3A_524 = arith.cmpi slt, %iota3A_456, %lt3A : vector<1x128xi32>
    %and3A_525 = arith.andi %ge3A_521, %lt3A_524 : vector<1x128xi1>
    %sub3A_526 = arith.constant 0 : i32
    %sub3A_527 = vector.broadcast %sub3A_526 : i32 to vector<1x128xi32>
    %sub3A_528 = arith.subi %iota3A_456, %sub3A_527 : vector<1x128xi32>
    %add3A_529 = vector.broadcast %select_n3A_486 : i32 to vector<1x128xi32>
    %add3A_530 = arith.addi %add3A_529, %sub3A_528 : vector<1x128xi32>
    %select_n3A_531 = arith.select %and3A_525, %add3A_530, %broadcast_in_dim3A_458 : vector<1x128xi1>, vector<1x128xi32>
    %jit3A_532 = arith.constant 0 : i32
    %broadcast_in_dim3A_533 = vector.broadcast %jit3A_532 : i32 to vector<1x128xi32>
    %select_n3A_534 = arith.select %and3A_525, %broadcast_in_dim3A_533, %broadcast_in_dim3A_460 : vector<1x128xi1>, vector<1x128xi32>
    %mul3A = arith.constant 512 : i32
    %mul3A_535 = vector.broadcast %mul3A : i32 to vector<1x128xi32>
    %mul3A_536 = arith.muli %add3A_530, %mul3A_535 : vector<1x128xi32>
    %max3A = arith.constant 0 : i32
    %max3A_537 = vector.broadcast %max3A : i32 to vector<1x128xi32>
    %max3A_538 = arith.maxsi %max3A_537, %mul3A_536 : vector<1x128xi32>
    %select_n3A_539 = arith.select %and3A_525, %max3A_538, %broadcast_in_dim3A_462 : vector<1x128xi1>, vector<1x128xi32>
    %add3A_540 = arith.constant 1 : i32
    %add3A_541 = vector.broadcast %add3A_540 : i32 to vector<1x128xi32>
    %add3A_542 = arith.addi %add3A_530, %add3A_541 : vector<1x128xi32>
    %mul3A_543 = arith.constant 512 : i32
    %mul3A_544 = vector.broadcast %mul3A_543 : i32 to vector<1x128xi32>
    %mul3A_545 = arith.muli %add3A_542, %mul3A_544 : vector<1x128xi32>
    %min3A = vector.broadcast %add3A_33 : i32 to vector<1x128xi32>
    %min3A_546 = arith.minsi %min3A, %mul3A_545 : vector<1x128xi32>
    %select_n3A_547 = arith.select %and3A_525, %min3A_546, %broadcast_in_dim3A_464 : vector<1x128xi1>, vector<1x128xi32>
    %add3A_548 = arith.constant 0 : i32
    %add3A_549 = arith.addi %add3A_548, %select_n3A_519 : i32
    %sub3A_550 = arith.subi %add3A_61, %add3A_33 : i32
    %jit3A_551 = arith.constant 512 : i32
    %div3A_552 = arith.divsi %add3A_33, %jit3A_551 : i32
    %sign3A_553 = arith.constant 0 : i32
    %sign3A_554 = arith.cmpi sgt, %add3A_33, %sign3A_553 : i32
    %sign3A_555 = arith.extui %sign3A_554 : i1 to i32
    %sign3A_556 = arith.constant 0 : i32
    %sign3A_557 = arith.cmpi slt, %add3A_33, %sign3A_556 : i32
    %sign3A_558 = arith.extui %sign3A_557 : i1 to i32
    %sign3A_559 = arith.subi %sign3A_555, %sign3A_558 : i32
    %sign3A_560 = arith.constant 0 : i32
    %sign3A_561 = arith.cmpi sgt, %jit3A_551, %sign3A_560 : i32
    %sign3A_562 = arith.extui %sign3A_561 : i1 to i32
    %sign3A_563 = arith.constant 0 : i32
    %sign3A_564 = arith.cmpi slt, %jit3A_551, %sign3A_563 : i32
    %sign3A_565 = arith.extui %sign3A_564 : i1 to i32
    %sign3A_566 = arith.subi %sign3A_562, %sign3A_565 : i32
    %ne3A_567 = arith.cmpi ne, %sign3A_559, %sign3A_566 : i32
    %rem3A_568 = arith.remsi %add3A_33, %jit3A_551 : i32
    %ne3A_569 = arith.constant 0 : i32
    %ne3A_570 = arith.cmpi ne, %rem3A_568, %ne3A_569 : i32
    %and3A_571 = arith.andi %ne3A_567, %ne3A_570 : i1
    %sub3A_572 = arith.constant 1 : i32
    %sub3A_573 = arith.subi %div3A_552, %sub3A_572 : i32
    %select_n3A_574 = arith.select %and3A_571, %sub3A_573, %div3A_552 : i32
    %sub3A_575 = arith.constant 1 : i32
    %sub3A_576 = arith.subi %add3A_61, %sub3A_575 : i32
    %jit3A_577 = arith.constant 512 : i32
    %div3A_578 = arith.divsi %sub3A_576, %jit3A_577 : i32
    %sign3A_579 = arith.constant 0 : i32
    %sign3A_580 = arith.cmpi sgt, %sub3A_576, %sign3A_579 : i32
    %sign3A_581 = arith.extui %sign3A_580 : i1 to i32
    %sign3A_582 = arith.constant 0 : i32
    %sign3A_583 = arith.cmpi slt, %sub3A_576, %sign3A_582 : i32
    %sign3A_584 = arith.extui %sign3A_583 : i1 to i32
    %sign3A_585 = arith.subi %sign3A_581, %sign3A_584 : i32
    %sign3A_586 = arith.constant 0 : i32
    %sign3A_587 = arith.cmpi sgt, %jit3A_577, %sign3A_586 : i32
    %sign3A_588 = arith.extui %sign3A_587 : i1 to i32
    %sign3A_589 = arith.constant 0 : i32
    %sign3A_590 = arith.cmpi slt, %jit3A_577, %sign3A_589 : i32
    %sign3A_591 = arith.extui %sign3A_590 : i1 to i32
    %sign3A_592 = arith.subi %sign3A_588, %sign3A_591 : i32
    %ne3A_593 = arith.cmpi ne, %sign3A_585, %sign3A_592 : i32
    %rem3A_594 = arith.remsi %sub3A_576, %jit3A_577 : i32
    %ne3A_595 = arith.constant 0 : i32
    %ne3A_596 = arith.cmpi ne, %rem3A_594, %ne3A_595 : i32
    %and3A_597 = arith.andi %ne3A_593, %ne3A_596 : i1
    %sub3A_598 = arith.constant 1 : i32
    %sub3A_599 = arith.subi %div3A_578, %sub3A_598 : i32
    %select_n3A_600 = arith.select %and3A_597, %sub3A_599, %div3A_578 : i32
    %gt3A_601 = arith.constant 0 : i32
    %gt3A_602 = arith.cmpi sgt, %sub3A_550, %gt3A_601 : i32
    %sub3A_603 = arith.subi %select_n3A_600, %select_n3A_574 : i32
    %add3A_604 = arith.constant 1 : i32
    %add3A_605 = arith.addi %sub3A_603, %add3A_604 : i32
    %jit3A_606 = arith.constant 0 : i32
    %select_n3A_607 = arith.select %gt3A_602, %add3A_605, %jit3A_606 : i32
    %ge3A_608 = vector.broadcast %add3A_549 : i32 to vector<1x128xi32>
    %ge3A_609 = arith.cmpi sge, %iota3A_456, %ge3A_608 : vector<1x128xi32>
    %add3A_610 = arith.addi %add3A_549, %select_n3A_607 : i32
    %lt3A_611 = vector.broadcast %add3A_610 : i32 to vector<1x128xi32>
    %lt3A_612 = arith.cmpi slt, %iota3A_456, %lt3A_611 : vector<1x128xi32>
    %and3A_613 = arith.andi %ge3A_609, %lt3A_612 : vector<1x128xi1>
    %sub3A_614 = vector.broadcast %add3A_549 : i32 to vector<1x128xi32>
    %sub3A_615 = arith.subi %iota3A_456, %sub3A_614 : vector<1x128xi32>
    %add3A_616 = vector.broadcast %select_n3A_574 : i32 to vector<1x128xi32>
    %add3A_617 = arith.addi %add3A_616, %sub3A_615 : vector<1x128xi32>
    %select_n3A_618 = arith.select %and3A_613, %add3A_617, %select_n3A_531 : vector<1x128xi1>, vector<1x128xi32>
    %jit3A_619 = arith.constant 1 : i32
    %broadcast_in_dim3A_620 = vector.broadcast %jit3A_619 : i32 to vector<1x128xi32>
    %select_n3A_621 = arith.select %and3A_613, %broadcast_in_dim3A_620, %select_n3A_534 : vector<1x128xi1>, vector<1x128xi32>
    %mul3A_622 = arith.constant 512 : i32
    %mul3A_623 = vector.broadcast %mul3A_622 : i32 to vector<1x128xi32>
    %mul3A_624 = arith.muli %add3A_617, %mul3A_623 : vector<1x128xi32>
    %max3A_625 = vector.broadcast %add3A_33 : i32 to vector<1x128xi32>
    %max3A_626 = arith.maxsi %max3A_625, %mul3A_624 : vector<1x128xi32>
    %select_n3A_627 = arith.select %and3A_613, %max3A_626, %select_n3A_539 : vector<1x128xi1>, vector<1x128xi32>
    %add3A_628 = arith.constant 1 : i32
    %add3A_629 = vector.broadcast %add3A_628 : i32 to vector<1x128xi32>
    %add3A_630 = arith.addi %add3A_617, %add3A_629 : vector<1x128xi32>
    %mul3A_631 = arith.constant 512 : i32
    %mul3A_632 = vector.broadcast %mul3A_631 : i32 to vector<1x128xi32>
    %mul3A_633 = arith.muli %add3A_630, %mul3A_632 : vector<1x128xi32>
    %min3A_634 = vector.broadcast %add3A_61 : i32 to vector<1x128xi32>
    %min3A_635 = arith.minsi %min3A_634, %mul3A_633 : vector<1x128xi32>
    %select_n3A_636 = arith.select %and3A_613, %min3A_635, %select_n3A_547 : vector<1x128xi1>, vector<1x128xi32>
    %add3A_637 = arith.addi %add3A_549, %select_n3A_607 : i32
    %sub3A_638 = arith.subi %add3A_89, %add3A_61 : i32
    %jit3A_639 = arith.constant 512 : i32
    %div3A_640 = arith.divsi %add3A_61, %jit3A_639 : i32
    %sign3A_641 = arith.constant 0 : i32
    %sign3A_642 = arith.cmpi sgt, %add3A_61, %sign3A_641 : i32
    %sign3A_643 = arith.extui %sign3A_642 : i1 to i32
    %sign3A_644 = arith.constant 0 : i32
    %sign3A_645 = arith.cmpi slt, %add3A_61, %sign3A_644 : i32
    %sign3A_646 = arith.extui %sign3A_645 : i1 to i32
    %sign3A_647 = arith.subi %sign3A_643, %sign3A_646 : i32
    %sign3A_648 = arith.constant 0 : i32
    %sign3A_649 = arith.cmpi sgt, %jit3A_639, %sign3A_648 : i32
    %sign3A_650 = arith.extui %sign3A_649 : i1 to i32
    %sign3A_651 = arith.constant 0 : i32
    %sign3A_652 = arith.cmpi slt, %jit3A_639, %sign3A_651 : i32
    %sign3A_653 = arith.extui %sign3A_652 : i1 to i32
    %sign3A_654 = arith.subi %sign3A_650, %sign3A_653 : i32
    %ne3A_655 = arith.cmpi ne, %sign3A_647, %sign3A_654 : i32
    %rem3A_656 = arith.remsi %add3A_61, %jit3A_639 : i32
    %ne3A_657 = arith.constant 0 : i32
    %ne3A_658 = arith.cmpi ne, %rem3A_656, %ne3A_657 : i32
    %and3A_659 = arith.andi %ne3A_655, %ne3A_658 : i1
    %sub3A_660 = arith.constant 1 : i32
    %sub3A_661 = arith.subi %div3A_640, %sub3A_660 : i32
    %select_n3A_662 = arith.select %and3A_659, %sub3A_661, %div3A_640 : i32
    %sub3A_663 = arith.constant 1 : i32
    %sub3A_664 = arith.subi %add3A_89, %sub3A_663 : i32
    %jit3A_665 = arith.constant 512 : i32
    %div3A_666 = arith.divsi %sub3A_664, %jit3A_665 : i32
    %sign3A_667 = arith.constant 0 : i32
    %sign3A_668 = arith.cmpi sgt, %sub3A_664, %sign3A_667 : i32
    %sign3A_669 = arith.extui %sign3A_668 : i1 to i32
    %sign3A_670 = arith.constant 0 : i32
    %sign3A_671 = arith.cmpi slt, %sub3A_664, %sign3A_670 : i32
    %sign3A_672 = arith.extui %sign3A_671 : i1 to i32
    %sign3A_673 = arith.subi %sign3A_669, %sign3A_672 : i32
    %sign3A_674 = arith.constant 0 : i32
    %sign3A_675 = arith.cmpi sgt, %jit3A_665, %sign3A_674 : i32
    %sign3A_676 = arith.extui %sign3A_675 : i1 to i32
    %sign3A_677 = arith.constant 0 : i32
    %sign3A_678 = arith.cmpi slt, %jit3A_665, %sign3A_677 : i32
    %sign3A_679 = arith.extui %sign3A_678 : i1 to i32
    %sign3A_680 = arith.subi %sign3A_676, %sign3A_679 : i32
    %ne3A_681 = arith.cmpi ne, %sign3A_673, %sign3A_680 : i32
    %rem3A_682 = arith.remsi %sub3A_664, %jit3A_665 : i32
    %ne3A_683 = arith.constant 0 : i32
    %ne3A_684 = arith.cmpi ne, %rem3A_682, %ne3A_683 : i32
    %and3A_685 = arith.andi %ne3A_681, %ne3A_684 : i1
    %sub3A_686 = arith.constant 1 : i32
    %sub3A_687 = arith.subi %div3A_666, %sub3A_686 : i32
    %select_n3A_688 = arith.select %and3A_685, %sub3A_687, %div3A_666 : i32
    %gt3A_689 = arith.constant 0 : i32
    %gt3A_690 = arith.cmpi sgt, %sub3A_638, %gt3A_689 : i32
    %sub3A_691 = arith.subi %select_n3A_688, %select_n3A_662 : i32
    %add3A_692 = arith.constant 1 : i32
    %add3A_693 = arith.addi %sub3A_691, %add3A_692 : i32
    %jit3A_694 = arith.constant 0 : i32
    %select_n3A_695 = arith.select %gt3A_690, %add3A_693, %jit3A_694 : i32
    %ge3A_696 = vector.broadcast %add3A_637 : i32 to vector<1x128xi32>
    %ge3A_697 = arith.cmpi sge, %iota3A_456, %ge3A_696 : vector<1x128xi32>
    %add3A_698 = arith.addi %add3A_637, %select_n3A_695 : i32
    %lt3A_699 = vector.broadcast %add3A_698 : i32 to vector<1x128xi32>
    %lt3A_700 = arith.cmpi slt, %iota3A_456, %lt3A_699 : vector<1x128xi32>
    %and3A_701 = arith.andi %ge3A_697, %lt3A_700 : vector<1x128xi1>
    %sub3A_702 = vector.broadcast %add3A_637 : i32 to vector<1x128xi32>
    %sub3A_703 = arith.subi %iota3A_456, %sub3A_702 : vector<1x128xi32>
    %add3A_704 = vector.broadcast %select_n3A_662 : i32 to vector<1x128xi32>
    %add3A_705 = arith.addi %add3A_704, %sub3A_703 : vector<1x128xi32>
    %select_n3A_706 = arith.select %and3A_701, %add3A_705, %select_n3A_618 : vector<1x128xi1>, vector<1x128xi32>
    %jit3A_707 = arith.constant 2 : i32
    %broadcast_in_dim3A_708 = vector.broadcast %jit3A_707 : i32 to vector<1x128xi32>
    %select_n3A_709 = arith.select %and3A_701, %broadcast_in_dim3A_708, %select_n3A_621 : vector<1x128xi1>, vector<1x128xi32>
    %mul3A_710 = arith.constant 512 : i32
    %mul3A_711 = vector.broadcast %mul3A_710 : i32 to vector<1x128xi32>
    %mul3A_712 = arith.muli %add3A_705, %mul3A_711 : vector<1x128xi32>
    %max3A_713 = vector.broadcast %add3A_61 : i32 to vector<1x128xi32>
    %max3A_714 = arith.maxsi %max3A_713, %mul3A_712 : vector<1x128xi32>
    %select_n3A_715 = arith.select %and3A_701, %max3A_714, %select_n3A_627 : vector<1x128xi1>, vector<1x128xi32>
    %add3A_716 = arith.constant 1 : i32
    %add3A_717 = vector.broadcast %add3A_716 : i32 to vector<1x128xi32>
    %add3A_718 = arith.addi %add3A_705, %add3A_717 : vector<1x128xi32>
    %mul3A_719 = arith.constant 512 : i32
    %mul3A_720 = vector.broadcast %mul3A_719 : i32 to vector<1x128xi32>
    %mul3A_721 = arith.muli %add3A_718, %mul3A_720 : vector<1x128xi32>
    %min3A_722 = vector.broadcast %add3A_89 : i32 to vector<1x128xi32>
    %min3A_723 = arith.minsi %min3A_722, %mul3A_721 : vector<1x128xi32>
    %select_n3A_724 = arith.select %and3A_701, %min3A_723, %select_n3A_636 : vector<1x128xi1>, vector<1x128xi32>
    %add3A_725 = arith.addi %add3A_637, %select_n3A_695 : i32
    %sub3A_726 = arith.subi %add3A_117, %add3A_89 : i32
    %jit3A_727 = arith.constant 512 : i32
    %div3A_728 = arith.divsi %add3A_89, %jit3A_727 : i32
    %sign3A_729 = arith.constant 0 : i32
    %sign3A_730 = arith.cmpi sgt, %add3A_89, %sign3A_729 : i32
    %sign3A_731 = arith.extui %sign3A_730 : i1 to i32
    %sign3A_732 = arith.constant 0 : i32
    %sign3A_733 = arith.cmpi slt, %add3A_89, %sign3A_732 : i32
    %sign3A_734 = arith.extui %sign3A_733 : i1 to i32
    %sign3A_735 = arith.subi %sign3A_731, %sign3A_734 : i32
    %sign3A_736 = arith.constant 0 : i32
    %sign3A_737 = arith.cmpi sgt, %jit3A_727, %sign3A_736 : i32
    %sign3A_738 = arith.extui %sign3A_737 : i1 to i32
    %sign3A_739 = arith.constant 0 : i32
    %sign3A_740 = arith.cmpi slt, %jit3A_727, %sign3A_739 : i32
    %sign3A_741 = arith.extui %sign3A_740 : i1 to i32
    %sign3A_742 = arith.subi %sign3A_738, %sign3A_741 : i32
    %ne3A_743 = arith.cmpi ne, %sign3A_735, %sign3A_742 : i32
    %rem3A_744 = arith.remsi %add3A_89, %jit3A_727 : i32
    %ne3A_745 = arith.constant 0 : i32
    %ne3A_746 = arith.cmpi ne, %rem3A_744, %ne3A_745 : i32
    %and3A_747 = arith.andi %ne3A_743, %ne3A_746 : i1
    %sub3A_748 = arith.constant 1 : i32
    %sub3A_749 = arith.subi %div3A_728, %sub3A_748 : i32
    %select_n3A_750 = arith.select %and3A_747, %sub3A_749, %div3A_728 : i32
    %sub3A_751 = arith.constant 1 : i32
    %sub3A_752 = arith.subi %add3A_117, %sub3A_751 : i32
    %jit3A_753 = arith.constant 512 : i32
    %div3A_754 = arith.divsi %sub3A_752, %jit3A_753 : i32
    %sign3A_755 = arith.constant 0 : i32
    %sign3A_756 = arith.cmpi sgt, %sub3A_752, %sign3A_755 : i32
    %sign3A_757 = arith.extui %sign3A_756 : i1 to i32
    %sign3A_758 = arith.constant 0 : i32
    %sign3A_759 = arith.cmpi slt, %sub3A_752, %sign3A_758 : i32
    %sign3A_760 = arith.extui %sign3A_759 : i1 to i32
    %sign3A_761 = arith.subi %sign3A_757, %sign3A_760 : i32
    %sign3A_762 = arith.constant 0 : i32
    %sign3A_763 = arith.cmpi sgt, %jit3A_753, %sign3A_762 : i32
    %sign3A_764 = arith.extui %sign3A_763 : i1 to i32
    %sign3A_765 = arith.constant 0 : i32
    %sign3A_766 = arith.cmpi slt, %jit3A_753, %sign3A_765 : i32
    %sign3A_767 = arith.extui %sign3A_766 : i1 to i32
    %sign3A_768 = arith.subi %sign3A_764, %sign3A_767 : i32
    %ne3A_769 = arith.cmpi ne, %sign3A_761, %sign3A_768 : i32
    %rem3A_770 = arith.remsi %sub3A_752, %jit3A_753 : i32
    %ne3A_771 = arith.constant 0 : i32
    %ne3A_772 = arith.cmpi ne, %rem3A_770, %ne3A_771 : i32
    %and3A_773 = arith.andi %ne3A_769, %ne3A_772 : i1
    %sub3A_774 = arith.constant 1 : i32
    %sub3A_775 = arith.subi %div3A_754, %sub3A_774 : i32
    %select_n3A_776 = arith.select %and3A_773, %sub3A_775, %div3A_754 : i32
    %gt3A_777 = arith.constant 0 : i32
    %gt3A_778 = arith.cmpi sgt, %sub3A_726, %gt3A_777 : i32
    %sub3A_779 = arith.subi %select_n3A_776, %select_n3A_750 : i32
    %add3A_780 = arith.constant 1 : i32
    %add3A_781 = arith.addi %sub3A_779, %add3A_780 : i32
    %jit3A_782 = arith.constant 0 : i32
    %select_n3A_783 = arith.select %gt3A_778, %add3A_781, %jit3A_782 : i32
    %ge3A_784 = vector.broadcast %add3A_725 : i32 to vector<1x128xi32>
    %ge3A_785 = arith.cmpi sge, %iota3A_456, %ge3A_784 : vector<1x128xi32>
    %add3A_786 = arith.addi %add3A_725, %select_n3A_783 : i32
    %lt3A_787 = vector.broadcast %add3A_786 : i32 to vector<1x128xi32>
    %lt3A_788 = arith.cmpi slt, %iota3A_456, %lt3A_787 : vector<1x128xi32>
    %and3A_789 = arith.andi %ge3A_785, %lt3A_788 : vector<1x128xi1>
    %sub3A_790 = vector.broadcast %add3A_725 : i32 to vector<1x128xi32>
    %sub3A_791 = arith.subi %iota3A_456, %sub3A_790 : vector<1x128xi32>
    %add3A_792 = vector.broadcast %select_n3A_750 : i32 to vector<1x128xi32>
    %add3A_793 = arith.addi %add3A_792, %sub3A_791 : vector<1x128xi32>
    %select_n3A_794 = arith.select %and3A_789, %add3A_793, %select_n3A_706 : vector<1x128xi1>, vector<1x128xi32>
    %jit3A_795 = arith.constant 3 : i32
    %broadcast_in_dim3A_796 = vector.broadcast %jit3A_795 : i32 to vector<1x128xi32>
    %select_n3A_797 = arith.select %and3A_789, %broadcast_in_dim3A_796, %select_n3A_709 : vector<1x128xi1>, vector<1x128xi32>
    %mul3A_798 = arith.constant 512 : i32
    %mul3A_799 = vector.broadcast %mul3A_798 : i32 to vector<1x128xi32>
    %mul3A_800 = arith.muli %add3A_793, %mul3A_799 : vector<1x128xi32>
    %max3A_801 = vector.broadcast %add3A_89 : i32 to vector<1x128xi32>
    %max3A_802 = arith.maxsi %max3A_801, %mul3A_800 : vector<1x128xi32>
    %select_n3A_803 = arith.select %and3A_789, %max3A_802, %select_n3A_715 : vector<1x128xi1>, vector<1x128xi32>
    %add3A_804 = arith.constant 1 : i32
    %add3A_805 = vector.broadcast %add3A_804 : i32 to vector<1x128xi32>
    %add3A_806 = arith.addi %add3A_793, %add3A_805 : vector<1x128xi32>
    %mul3A_807 = arith.constant 512 : i32
    %mul3A_808 = vector.broadcast %mul3A_807 : i32 to vector<1x128xi32>
    %mul3A_809 = arith.muli %add3A_806, %mul3A_808 : vector<1x128xi32>
    %min3A_810 = vector.broadcast %add3A_117 : i32 to vector<1x128xi32>
    %min3A_811 = arith.minsi %min3A_810, %mul3A_809 : vector<1x128xi32>
    %select_n3A_812 = arith.select %and3A_789, %min3A_811, %select_n3A_724 : vector<1x128xi1>, vector<1x128xi32>
    %add3A_813 = arith.addi %add3A_725, %select_n3A_783 : i32
    %sub3A_814 = arith.subi %add3A_145, %add3A_117 : i32
    %jit3A_815 = arith.constant 512 : i32
    %div3A_816 = arith.divsi %add3A_117, %jit3A_815 : i32
    %sign3A_817 = arith.constant 0 : i32
    %sign3A_818 = arith.cmpi sgt, %add3A_117, %sign3A_817 : i32
    %sign3A_819 = arith.extui %sign3A_818 : i1 to i32
    %sign3A_820 = arith.constant 0 : i32
    %sign3A_821 = arith.cmpi slt, %add3A_117, %sign3A_820 : i32
    %sign3A_822 = arith.extui %sign3A_821 : i1 to i32
    %sign3A_823 = arith.subi %sign3A_819, %sign3A_822 : i32
    %sign3A_824 = arith.constant 0 : i32
    %sign3A_825 = arith.cmpi sgt, %jit3A_815, %sign3A_824 : i32
    %sign3A_826 = arith.extui %sign3A_825 : i1 to i32
    %sign3A_827 = arith.constant 0 : i32
    %sign3A_828 = arith.cmpi slt, %jit3A_815, %sign3A_827 : i32
    %sign3A_829 = arith.extui %sign3A_828 : i1 to i32
    %sign3A_830 = arith.subi %sign3A_826, %sign3A_829 : i32
    %ne3A_831 = arith.cmpi ne, %sign3A_823, %sign3A_830 : i32
    %rem3A_832 = arith.remsi %add3A_117, %jit3A_815 : i32
    %ne3A_833 = arith.constant 0 : i32
    %ne3A_834 = arith.cmpi ne, %rem3A_832, %ne3A_833 : i32
    %and3A_835 = arith.andi %ne3A_831, %ne3A_834 : i1
    %sub3A_836 = arith.constant 1 : i32
    %sub3A_837 = arith.subi %div3A_816, %sub3A_836 : i32
    %select_n3A_838 = arith.select %and3A_835, %sub3A_837, %div3A_816 : i32
    %sub3A_839 = arith.constant 1 : i32
    %sub3A_840 = arith.subi %add3A_145, %sub3A_839 : i32
    %jit3A_841 = arith.constant 512 : i32
    %div3A_842 = arith.divsi %sub3A_840, %jit3A_841 : i32
    %sign3A_843 = arith.constant 0 : i32
    %sign3A_844 = arith.cmpi sgt, %sub3A_840, %sign3A_843 : i32
    %sign3A_845 = arith.extui %sign3A_844 : i1 to i32
    %sign3A_846 = arith.constant 0 : i32
    %sign3A_847 = arith.cmpi slt, %sub3A_840, %sign3A_846 : i32
    %sign3A_848 = arith.extui %sign3A_847 : i1 to i32
    %sign3A_849 = arith.subi %sign3A_845, %sign3A_848 : i32
    %sign3A_850 = arith.constant 0 : i32
    %sign3A_851 = arith.cmpi sgt, %jit3A_841, %sign3A_850 : i32
    %sign3A_852 = arith.extui %sign3A_851 : i1 to i32
    %sign3A_853 = arith.constant 0 : i32
    %sign3A_854 = arith.cmpi slt, %jit3A_841, %sign3A_853 : i32
    %sign3A_855 = arith.extui %sign3A_854 : i1 to i32
    %sign3A_856 = arith.subi %sign3A_852, %sign3A_855 : i32
    %ne3A_857 = arith.cmpi ne, %sign3A_849, %sign3A_856 : i32
    %rem3A_858 = arith.remsi %sub3A_840, %jit3A_841 : i32
    %ne3A_859 = arith.constant 0 : i32
    %ne3A_860 = arith.cmpi ne, %rem3A_858, %ne3A_859 : i32
    %and3A_861 = arith.andi %ne3A_857, %ne3A_860 : i1
    %sub3A_862 = arith.constant 1 : i32
    %sub3A_863 = arith.subi %div3A_842, %sub3A_862 : i32
    %select_n3A_864 = arith.select %and3A_861, %sub3A_863, %div3A_842 : i32
    %gt3A_865 = arith.constant 0 : i32
    %gt3A_866 = arith.cmpi sgt, %sub3A_814, %gt3A_865 : i32
    %sub3A_867 = arith.subi %select_n3A_864, %select_n3A_838 : i32
    %add3A_868 = arith.constant 1 : i32
    %add3A_869 = arith.addi %sub3A_867, %add3A_868 : i32
    %jit3A_870 = arith.constant 0 : i32
    %select_n3A_871 = arith.select %gt3A_866, %add3A_869, %jit3A_870 : i32
    %ge3A_872 = vector.broadcast %add3A_813 : i32 to vector<1x128xi32>
    %ge3A_873 = arith.cmpi sge, %iota3A_456, %ge3A_872 : vector<1x128xi32>
    %add3A_874 = arith.addi %add3A_813, %select_n3A_871 : i32
    %lt3A_875 = vector.broadcast %add3A_874 : i32 to vector<1x128xi32>
    %lt3A_876 = arith.cmpi slt, %iota3A_456, %lt3A_875 : vector<1x128xi32>
    %and3A_877 = arith.andi %ge3A_873, %lt3A_876 : vector<1x128xi1>
    %sub3A_878 = vector.broadcast %add3A_813 : i32 to vector<1x128xi32>
    %sub3A_879 = arith.subi %iota3A_456, %sub3A_878 : vector<1x128xi32>
    %add3A_880 = vector.broadcast %select_n3A_838 : i32 to vector<1x128xi32>
    %add3A_881 = arith.addi %add3A_880, %sub3A_879 : vector<1x128xi32>
    %select_n3A_882 = arith.select %and3A_877, %add3A_881, %select_n3A_794 : vector<1x128xi1>, vector<1x128xi32>
    %jit3A_883 = arith.constant 4 : i32
    %broadcast_in_dim3A_884 = vector.broadcast %jit3A_883 : i32 to vector<1x128xi32>
    %select_n3A_885 = arith.select %and3A_877, %broadcast_in_dim3A_884, %select_n3A_797 : vector<1x128xi1>, vector<1x128xi32>
    %mul3A_886 = arith.constant 512 : i32
    %mul3A_887 = vector.broadcast %mul3A_886 : i32 to vector<1x128xi32>
    %mul3A_888 = arith.muli %add3A_881, %mul3A_887 : vector<1x128xi32>
    %max3A_889 = vector.broadcast %add3A_117 : i32 to vector<1x128xi32>
    %max3A_890 = arith.maxsi %max3A_889, %mul3A_888 : vector<1x128xi32>
    %select_n3A_891 = arith.select %and3A_877, %max3A_890, %select_n3A_803 : vector<1x128xi1>, vector<1x128xi32>
    %add3A_892 = arith.constant 1 : i32
    %add3A_893 = vector.broadcast %add3A_892 : i32 to vector<1x128xi32>
    %add3A_894 = arith.addi %add3A_881, %add3A_893 : vector<1x128xi32>
    %mul3A_895 = arith.constant 512 : i32
    %mul3A_896 = vector.broadcast %mul3A_895 : i32 to vector<1x128xi32>
    %mul3A_897 = arith.muli %add3A_894, %mul3A_896 : vector<1x128xi32>
    %min3A_898 = vector.broadcast %add3A_145 : i32 to vector<1x128xi32>
    %min3A_899 = arith.minsi %min3A_898, %mul3A_897 : vector<1x128xi32>
    %select_n3A_900 = arith.select %and3A_877, %min3A_899, %select_n3A_812 : vector<1x128xi1>, vector<1x128xi32>
    %add3A_901 = arith.addi %add3A_813, %select_n3A_871 : i32
    %sub3A_902 = arith.subi %add3A_173, %add3A_145 : i32
    %jit3A_903 = arith.constant 512 : i32
    %div3A_904 = arith.divsi %add3A_145, %jit3A_903 : i32
    %sign3A_905 = arith.constant 0 : i32
    %sign3A_906 = arith.cmpi sgt, %add3A_145, %sign3A_905 : i32
    %sign3A_907 = arith.extui %sign3A_906 : i1 to i32
    %sign3A_908 = arith.constant 0 : i32
    %sign3A_909 = arith.cmpi slt, %add3A_145, %sign3A_908 : i32
    %sign3A_910 = arith.extui %sign3A_909 : i1 to i32
    %sign3A_911 = arith.subi %sign3A_907, %sign3A_910 : i32
    %sign3A_912 = arith.constant 0 : i32
    %sign3A_913 = arith.cmpi sgt, %jit3A_903, %sign3A_912 : i32
    %sign3A_914 = arith.extui %sign3A_913 : i1 to i32
    %sign3A_915 = arith.constant 0 : i32
    %sign3A_916 = arith.cmpi slt, %jit3A_903, %sign3A_915 : i32
    %sign3A_917 = arith.extui %sign3A_916 : i1 to i32
    %sign3A_918 = arith.subi %sign3A_914, %sign3A_917 : i32
    %ne3A_919 = arith.cmpi ne, %sign3A_911, %sign3A_918 : i32
    %rem3A_920 = arith.remsi %add3A_145, %jit3A_903 : i32
    %ne3A_921 = arith.constant 0 : i32
    %ne3A_922 = arith.cmpi ne, %rem3A_920, %ne3A_921 : i32
    %and3A_923 = arith.andi %ne3A_919, %ne3A_922 : i1
    %sub3A_924 = arith.constant 1 : i32
    %sub3A_925 = arith.subi %div3A_904, %sub3A_924 : i32
    %select_n3A_926 = arith.select %and3A_923, %sub3A_925, %div3A_904 : i32
    %sub3A_927 = arith.constant 1 : i32
    %sub3A_928 = arith.subi %add3A_173, %sub3A_927 : i32
    %jit3A_929 = arith.constant 512 : i32
    %div3A_930 = arith.divsi %sub3A_928, %jit3A_929 : i32
    %sign3A_931 = arith.constant 0 : i32
    %sign3A_932 = arith.cmpi sgt, %sub3A_928, %sign3A_931 : i32
    %sign3A_933 = arith.extui %sign3A_932 : i1 to i32
    %sign3A_934 = arith.constant 0 : i32
    %sign3A_935 = arith.cmpi slt, %sub3A_928, %sign3A_934 : i32
    %sign3A_936 = arith.extui %sign3A_935 : i1 to i32
    %sign3A_937 = arith.subi %sign3A_933, %sign3A_936 : i32
    %sign3A_938 = arith.constant 0 : i32
    %sign3A_939 = arith.cmpi sgt, %jit3A_929, %sign3A_938 : i32
    %sign3A_940 = arith.extui %sign3A_939 : i1 to i32
    %sign3A_941 = arith.constant 0 : i32
    %sign3A_942 = arith.cmpi slt, %jit3A_929, %sign3A_941 : i32
    %sign3A_943 = arith.extui %sign3A_942 : i1 to i32
    %sign3A_944 = arith.subi %sign3A_940, %sign3A_943 : i32
    %ne3A_945 = arith.cmpi ne, %sign3A_937, %sign3A_944 : i32
    %rem3A_946 = arith.remsi %sub3A_928, %jit3A_929 : i32
    %ne3A_947 = arith.constant 0 : i32
    %ne3A_948 = arith.cmpi ne, %rem3A_946, %ne3A_947 : i32
    %and3A_949 = arith.andi %ne3A_945, %ne3A_948 : i1
    %sub3A_950 = arith.constant 1 : i32
    %sub3A_951 = arith.subi %div3A_930, %sub3A_950 : i32
    %select_n3A_952 = arith.select %and3A_949, %sub3A_951, %div3A_930 : i32
    %gt3A_953 = arith.constant 0 : i32
    %gt3A_954 = arith.cmpi sgt, %sub3A_902, %gt3A_953 : i32
    %sub3A_955 = arith.subi %select_n3A_952, %select_n3A_926 : i32
    %add3A_956 = arith.constant 1 : i32
    %add3A_957 = arith.addi %sub3A_955, %add3A_956 : i32
    %jit3A_958 = arith.constant 0 : i32
    %select_n3A_959 = arith.select %gt3A_954, %add3A_957, %jit3A_958 : i32
    %ge3A_960 = vector.broadcast %add3A_901 : i32 to vector<1x128xi32>
    %ge3A_961 = arith.cmpi sge, %iota3A_456, %ge3A_960 : vector<1x128xi32>
    %add3A_962 = arith.addi %add3A_901, %select_n3A_959 : i32
    %lt3A_963 = vector.broadcast %add3A_962 : i32 to vector<1x128xi32>
    %lt3A_964 = arith.cmpi slt, %iota3A_456, %lt3A_963 : vector<1x128xi32>
    %and3A_965 = arith.andi %ge3A_961, %lt3A_964 : vector<1x128xi1>
    %sub3A_966 = vector.broadcast %add3A_901 : i32 to vector<1x128xi32>
    %sub3A_967 = arith.subi %iota3A_456, %sub3A_966 : vector<1x128xi32>
    %add3A_968 = vector.broadcast %select_n3A_926 : i32 to vector<1x128xi32>
    %add3A_969 = arith.addi %add3A_968, %sub3A_967 : vector<1x128xi32>
    %select_n3A_970 = arith.select %and3A_965, %add3A_969, %select_n3A_882 : vector<1x128xi1>, vector<1x128xi32>
    %jit3A_971 = arith.constant 5 : i32
    %broadcast_in_dim3A_972 = vector.broadcast %jit3A_971 : i32 to vector<1x128xi32>
    %select_n3A_973 = arith.select %and3A_965, %broadcast_in_dim3A_972, %select_n3A_885 : vector<1x128xi1>, vector<1x128xi32>
    %mul3A_974 = arith.constant 512 : i32
    %mul3A_975 = vector.broadcast %mul3A_974 : i32 to vector<1x128xi32>
    %mul3A_976 = arith.muli %add3A_969, %mul3A_975 : vector<1x128xi32>
    %max3A_977 = vector.broadcast %add3A_145 : i32 to vector<1x128xi32>
    %max3A_978 = arith.maxsi %max3A_977, %mul3A_976 : vector<1x128xi32>
    %select_n3A_979 = arith.select %and3A_965, %max3A_978, %select_n3A_891 : vector<1x128xi1>, vector<1x128xi32>
    %add3A_980 = arith.constant 1 : i32
    %add3A_981 = vector.broadcast %add3A_980 : i32 to vector<1x128xi32>
    %add3A_982 = arith.addi %add3A_969, %add3A_981 : vector<1x128xi32>
    %mul3A_983 = arith.constant 512 : i32
    %mul3A_984 = vector.broadcast %mul3A_983 : i32 to vector<1x128xi32>
    %mul3A_985 = arith.muli %add3A_982, %mul3A_984 : vector<1x128xi32>
    %min3A_986 = vector.broadcast %add3A_173 : i32 to vector<1x128xi32>
    %min3A_987 = arith.minsi %min3A_986, %mul3A_985 : vector<1x128xi32>
    %select_n3A_988 = arith.select %and3A_965, %min3A_987, %select_n3A_900 : vector<1x128xi1>, vector<1x128xi32>
    %add3A_989 = arith.addi %add3A_901, %select_n3A_959 : i32
    %sub3A_990 = arith.subi %add3A_201, %add3A_173 : i32
    %jit3A_991 = arith.constant 512 : i32
    %div3A_992 = arith.divsi %add3A_173, %jit3A_991 : i32
    %sign3A_993 = arith.constant 0 : i32
    %sign3A_994 = arith.cmpi sgt, %add3A_173, %sign3A_993 : i32
    %sign3A_995 = arith.extui %sign3A_994 : i1 to i32
    %sign3A_996 = arith.constant 0 : i32
    %sign3A_997 = arith.cmpi slt, %add3A_173, %sign3A_996 : i32
    %sign3A_998 = arith.extui %sign3A_997 : i1 to i32
    %sign3A_999 = arith.subi %sign3A_995, %sign3A_998 : i32
    %sign3A_1000 = arith.constant 0 : i32
    %sign3A_1001 = arith.cmpi sgt, %jit3A_991, %sign3A_1000 : i32
    %sign3A_1002 = arith.extui %sign3A_1001 : i1 to i32
    %sign3A_1003 = arith.constant 0 : i32
    %sign3A_1004 = arith.cmpi slt, %jit3A_991, %sign3A_1003 : i32
    %sign3A_1005 = arith.extui %sign3A_1004 : i1 to i32
    %sign3A_1006 = arith.subi %sign3A_1002, %sign3A_1005 : i32
    %ne3A_1007 = arith.cmpi ne, %sign3A_999, %sign3A_1006 : i32
    %rem3A_1008 = arith.remsi %add3A_173, %jit3A_991 : i32
    %ne3A_1009 = arith.constant 0 : i32
    %ne3A_1010 = arith.cmpi ne, %rem3A_1008, %ne3A_1009 : i32
    %and3A_1011 = arith.andi %ne3A_1007, %ne3A_1010 : i1
    %sub3A_1012 = arith.constant 1 : i32
    %sub3A_1013 = arith.subi %div3A_992, %sub3A_1012 : i32
    %select_n3A_1014 = arith.select %and3A_1011, %sub3A_1013, %div3A_992 : i32
    %sub3A_1015 = arith.constant 1 : i32
    %sub3A_1016 = arith.subi %add3A_201, %sub3A_1015 : i32
    %jit3A_1017 = arith.constant 512 : i32
    %div3A_1018 = arith.divsi %sub3A_1016, %jit3A_1017 : i32
    %sign3A_1019 = arith.constant 0 : i32
    %sign3A_1020 = arith.cmpi sgt, %sub3A_1016, %sign3A_1019 : i32
    %sign3A_1021 = arith.extui %sign3A_1020 : i1 to i32
    %sign3A_1022 = arith.constant 0 : i32
    %sign3A_1023 = arith.cmpi slt, %sub3A_1016, %sign3A_1022 : i32
    %sign3A_1024 = arith.extui %sign3A_1023 : i1 to i32
    %sign3A_1025 = arith.subi %sign3A_1021, %sign3A_1024 : i32
    %sign3A_1026 = arith.constant 0 : i32
    %sign3A_1027 = arith.cmpi sgt, %jit3A_1017, %sign3A_1026 : i32
    %sign3A_1028 = arith.extui %sign3A_1027 : i1 to i32
    %sign3A_1029 = arith.constant 0 : i32
    %sign3A_1030 = arith.cmpi slt, %jit3A_1017, %sign3A_1029 : i32
    %sign3A_1031 = arith.extui %sign3A_1030 : i1 to i32
    %sign3A_1032 = arith.subi %sign3A_1028, %sign3A_1031 : i32
    %ne3A_1033 = arith.cmpi ne, %sign3A_1025, %sign3A_1032 : i32
    %rem3A_1034 = arith.remsi %sub3A_1016, %jit3A_1017 : i32
    %ne3A_1035 = arith.constant 0 : i32
    %ne3A_1036 = arith.cmpi ne, %rem3A_1034, %ne3A_1035 : i32
    %and3A_1037 = arith.andi %ne3A_1033, %ne3A_1036 : i1
    %sub3A_1038 = arith.constant 1 : i32
    %sub3A_1039 = arith.subi %div3A_1018, %sub3A_1038 : i32
    %select_n3A_1040 = arith.select %and3A_1037, %sub3A_1039, %div3A_1018 : i32
    %gt3A_1041 = arith.constant 0 : i32
    %gt3A_1042 = arith.cmpi sgt, %sub3A_990, %gt3A_1041 : i32
    %sub3A_1043 = arith.subi %select_n3A_1040, %select_n3A_1014 : i32
    %add3A_1044 = arith.constant 1 : i32
    %add3A_1045 = arith.addi %sub3A_1043, %add3A_1044 : i32
    %jit3A_1046 = arith.constant 0 : i32
    %select_n3A_1047 = arith.select %gt3A_1042, %add3A_1045, %jit3A_1046 : i32
    %ge3A_1048 = vector.broadcast %add3A_989 : i32 to vector<1x128xi32>
    %ge3A_1049 = arith.cmpi sge, %iota3A_456, %ge3A_1048 : vector<1x128xi32>
    %add3A_1050 = arith.addi %add3A_989, %select_n3A_1047 : i32
    %lt3A_1051 = vector.broadcast %add3A_1050 : i32 to vector<1x128xi32>
    %lt3A_1052 = arith.cmpi slt, %iota3A_456, %lt3A_1051 : vector<1x128xi32>
    %and3A_1053 = arith.andi %ge3A_1049, %lt3A_1052 : vector<1x128xi1>
    %sub3A_1054 = vector.broadcast %add3A_989 : i32 to vector<1x128xi32>
    %sub3A_1055 = arith.subi %iota3A_456, %sub3A_1054 : vector<1x128xi32>
    %add3A_1056 = vector.broadcast %select_n3A_1014 : i32 to vector<1x128xi32>
    %add3A_1057 = arith.addi %add3A_1056, %sub3A_1055 : vector<1x128xi32>
    %select_n3A_1058 = arith.select %and3A_1053, %add3A_1057, %select_n3A_970 : vector<1x128xi1>, vector<1x128xi32>
    %jit3A_1059 = arith.constant 6 : i32
    %broadcast_in_dim3A_1060 = vector.broadcast %jit3A_1059 : i32 to vector<1x128xi32>
    %select_n3A_1061 = arith.select %and3A_1053, %broadcast_in_dim3A_1060, %select_n3A_973 : vector<1x128xi1>, vector<1x128xi32>
    %mul3A_1062 = arith.constant 512 : i32
    %mul3A_1063 = vector.broadcast %mul3A_1062 : i32 to vector<1x128xi32>
    %mul3A_1064 = arith.muli %add3A_1057, %mul3A_1063 : vector<1x128xi32>
    %max3A_1065 = vector.broadcast %add3A_173 : i32 to vector<1x128xi32>
    %max3A_1066 = arith.maxsi %max3A_1065, %mul3A_1064 : vector<1x128xi32>
    %select_n3A_1067 = arith.select %and3A_1053, %max3A_1066, %select_n3A_979 : vector<1x128xi1>, vector<1x128xi32>
    %add3A_1068 = arith.constant 1 : i32
    %add3A_1069 = vector.broadcast %add3A_1068 : i32 to vector<1x128xi32>
    %add3A_1070 = arith.addi %add3A_1057, %add3A_1069 : vector<1x128xi32>
    %mul3A_1071 = arith.constant 512 : i32
    %mul3A_1072 = vector.broadcast %mul3A_1071 : i32 to vector<1x128xi32>
    %mul3A_1073 = arith.muli %add3A_1070, %mul3A_1072 : vector<1x128xi32>
    %min3A_1074 = vector.broadcast %add3A_201 : i32 to vector<1x128xi32>
    %min3A_1075 = arith.minsi %min3A_1074, %mul3A_1073 : vector<1x128xi32>
    %select_n3A_1076 = arith.select %and3A_1053, %min3A_1075, %select_n3A_988 : vector<1x128xi1>, vector<1x128xi32>
    %add3A_1077 = arith.addi %add3A_989, %select_n3A_1047 : i32
    %sub3A_1078 = arith.subi %add3A_229, %add3A_201 : i32
    %jit3A_1079 = arith.constant 512 : i32
    %div3A_1080 = arith.divsi %add3A_201, %jit3A_1079 : i32
    %sign3A_1081 = arith.constant 0 : i32
    %sign3A_1082 = arith.cmpi sgt, %add3A_201, %sign3A_1081 : i32
    %sign3A_1083 = arith.extui %sign3A_1082 : i1 to i32
    %sign3A_1084 = arith.constant 0 : i32
    %sign3A_1085 = arith.cmpi slt, %add3A_201, %sign3A_1084 : i32
    %sign3A_1086 = arith.extui %sign3A_1085 : i1 to i32
    %sign3A_1087 = arith.subi %sign3A_1083, %sign3A_1086 : i32
    %sign3A_1088 = arith.constant 0 : i32
    %sign3A_1089 = arith.cmpi sgt, %jit3A_1079, %sign3A_1088 : i32
    %sign3A_1090 = arith.extui %sign3A_1089 : i1 to i32
    %sign3A_1091 = arith.constant 0 : i32
    %sign3A_1092 = arith.cmpi slt, %jit3A_1079, %sign3A_1091 : i32
    %sign3A_1093 = arith.extui %sign3A_1092 : i1 to i32
    %sign3A_1094 = arith.subi %sign3A_1090, %sign3A_1093 : i32
    %ne3A_1095 = arith.cmpi ne, %sign3A_1087, %sign3A_1094 : i32
    %rem3A_1096 = arith.remsi %add3A_201, %jit3A_1079 : i32
    %ne3A_1097 = arith.constant 0 : i32
    %ne3A_1098 = arith.cmpi ne, %rem3A_1096, %ne3A_1097 : i32
    %and3A_1099 = arith.andi %ne3A_1095, %ne3A_1098 : i1
    %sub3A_1100 = arith.constant 1 : i32
    %sub3A_1101 = arith.subi %div3A_1080, %sub3A_1100 : i32
    %select_n3A_1102 = arith.select %and3A_1099, %sub3A_1101, %div3A_1080 : i32
    %sub3A_1103 = arith.constant 1 : i32
    %sub3A_1104 = arith.subi %add3A_229, %sub3A_1103 : i32
    %jit3A_1105 = arith.constant 512 : i32
    %div3A_1106 = arith.divsi %sub3A_1104, %jit3A_1105 : i32
    %sign3A_1107 = arith.constant 0 : i32
    %sign3A_1108 = arith.cmpi sgt, %sub3A_1104, %sign3A_1107 : i32
    %sign3A_1109 = arith.extui %sign3A_1108 : i1 to i32
    %sign3A_1110 = arith.constant 0 : i32
    %sign3A_1111 = arith.cmpi slt, %sub3A_1104, %sign3A_1110 : i32
    %sign3A_1112 = arith.extui %sign3A_1111 : i1 to i32
    %sign3A_1113 = arith.subi %sign3A_1109, %sign3A_1112 : i32
    %sign3A_1114 = arith.constant 0 : i32
    %sign3A_1115 = arith.cmpi sgt, %jit3A_1105, %sign3A_1114 : i32
    %sign3A_1116 = arith.extui %sign3A_1115 : i1 to i32
    %sign3A_1117 = arith.constant 0 : i32
    %sign3A_1118 = arith.cmpi slt, %jit3A_1105, %sign3A_1117 : i32
    %sign3A_1119 = arith.extui %sign3A_1118 : i1 to i32
    %sign3A_1120 = arith.subi %sign3A_1116, %sign3A_1119 : i32
    %ne3A_1121 = arith.cmpi ne, %sign3A_1113, %sign3A_1120 : i32
    %rem3A_1122 = arith.remsi %sub3A_1104, %jit3A_1105 : i32
    %ne3A_1123 = arith.constant 0 : i32
    %ne3A_1124 = arith.cmpi ne, %rem3A_1122, %ne3A_1123 : i32
    %and3A_1125 = arith.andi %ne3A_1121, %ne3A_1124 : i1
    %sub3A_1126 = arith.constant 1 : i32
    %sub3A_1127 = arith.subi %div3A_1106, %sub3A_1126 : i32
    %select_n3A_1128 = arith.select %and3A_1125, %sub3A_1127, %div3A_1106 : i32
    %gt3A_1129 = arith.constant 0 : i32
    %gt3A_1130 = arith.cmpi sgt, %sub3A_1078, %gt3A_1129 : i32
    %sub3A_1131 = arith.subi %select_n3A_1128, %select_n3A_1102 : i32
    %add3A_1132 = arith.constant 1 : i32
    %add3A_1133 = arith.addi %sub3A_1131, %add3A_1132 : i32
    %jit3A_1134 = arith.constant 0 : i32
    %select_n3A_1135 = arith.select %gt3A_1130, %add3A_1133, %jit3A_1134 : i32
    %ge3A_1136 = vector.broadcast %add3A_1077 : i32 to vector<1x128xi32>
    %ge3A_1137 = arith.cmpi sge, %iota3A_456, %ge3A_1136 : vector<1x128xi32>
    %add3A_1138 = arith.addi %add3A_1077, %select_n3A_1135 : i32
    %lt3A_1139 = vector.broadcast %add3A_1138 : i32 to vector<1x128xi32>
    %lt3A_1140 = arith.cmpi slt, %iota3A_456, %lt3A_1139 : vector<1x128xi32>
    %and3A_1141 = arith.andi %ge3A_1137, %lt3A_1140 : vector<1x128xi1>
    %sub3A_1142 = vector.broadcast %add3A_1077 : i32 to vector<1x128xi32>
    %sub3A_1143 = arith.subi %iota3A_456, %sub3A_1142 : vector<1x128xi32>
    %add3A_1144 = vector.broadcast %select_n3A_1102 : i32 to vector<1x128xi32>
    %add3A_1145 = arith.addi %add3A_1144, %sub3A_1143 : vector<1x128xi32>
    %select_n3A_1146 = arith.select %and3A_1141, %add3A_1145, %select_n3A_1058 : vector<1x128xi1>, vector<1x128xi32>
    %jit3A_1147 = arith.constant 7 : i32
    %broadcast_in_dim3A_1148 = vector.broadcast %jit3A_1147 : i32 to vector<1x128xi32>
    %select_n3A_1149 = arith.select %and3A_1141, %broadcast_in_dim3A_1148, %select_n3A_1061 : vector<1x128xi1>, vector<1x128xi32>
    %mul3A_1150 = arith.constant 512 : i32
    %mul3A_1151 = vector.broadcast %mul3A_1150 : i32 to vector<1x128xi32>
    %mul3A_1152 = arith.muli %add3A_1145, %mul3A_1151 : vector<1x128xi32>
    %max3A_1153 = vector.broadcast %add3A_201 : i32 to vector<1x128xi32>
    %max3A_1154 = arith.maxsi %max3A_1153, %mul3A_1152 : vector<1x128xi32>
    %select_n3A_1155 = arith.select %and3A_1141, %max3A_1154, %select_n3A_1067 : vector<1x128xi1>, vector<1x128xi32>
    %add3A_1156 = arith.constant 1 : i32
    %add3A_1157 = vector.broadcast %add3A_1156 : i32 to vector<1x128xi32>
    %add3A_1158 = arith.addi %add3A_1145, %add3A_1157 : vector<1x128xi32>
    %mul3A_1159 = arith.constant 512 : i32
    %mul3A_1160 = vector.broadcast %mul3A_1159 : i32 to vector<1x128xi32>
    %mul3A_1161 = arith.muli %add3A_1158, %mul3A_1160 : vector<1x128xi32>
    %min3A_1162 = vector.broadcast %add3A_229 : i32 to vector<1x128xi32>
    %min3A_1163 = arith.minsi %min3A_1162, %mul3A_1161 : vector<1x128xi32>
    %select_n3A_1164 = arith.select %and3A_1141, %min3A_1163, %select_n3A_1076 : vector<1x128xi1>, vector<1x128xi32>
    %add3A_1165 = arith.addi %add3A_1077, %select_n3A_1135 : i32
    %sub3A_1166 = arith.subi %add3A_257, %add3A_229 : i32
    %jit3A_1167 = arith.constant 512 : i32
    %div3A_1168 = arith.divsi %add3A_229, %jit3A_1167 : i32
    %sign3A_1169 = arith.constant 0 : i32
    %sign3A_1170 = arith.cmpi sgt, %add3A_229, %sign3A_1169 : i32
    %sign3A_1171 = arith.extui %sign3A_1170 : i1 to i32
    %sign3A_1172 = arith.constant 0 : i32
    %sign3A_1173 = arith.cmpi slt, %add3A_229, %sign3A_1172 : i32
    %sign3A_1174 = arith.extui %sign3A_1173 : i1 to i32
    %sign3A_1175 = arith.subi %sign3A_1171, %sign3A_1174 : i32
    %sign3A_1176 = arith.constant 0 : i32
    %sign3A_1177 = arith.cmpi sgt, %jit3A_1167, %sign3A_1176 : i32
    %sign3A_1178 = arith.extui %sign3A_1177 : i1 to i32
    %sign3A_1179 = arith.constant 0 : i32
    %sign3A_1180 = arith.cmpi slt, %jit3A_1167, %sign3A_1179 : i32
    %sign3A_1181 = arith.extui %sign3A_1180 : i1 to i32
    %sign3A_1182 = arith.subi %sign3A_1178, %sign3A_1181 : i32
    %ne3A_1183 = arith.cmpi ne, %sign3A_1175, %sign3A_1182 : i32
    %rem3A_1184 = arith.remsi %add3A_229, %jit3A_1167 : i32
    %ne3A_1185 = arith.constant 0 : i32
    %ne3A_1186 = arith.cmpi ne, %rem3A_1184, %ne3A_1185 : i32
    %and3A_1187 = arith.andi %ne3A_1183, %ne3A_1186 : i1
    %sub3A_1188 = arith.constant 1 : i32
    %sub3A_1189 = arith.subi %div3A_1168, %sub3A_1188 : i32
    %select_n3A_1190 = arith.select %and3A_1187, %sub3A_1189, %div3A_1168 : i32
    %sub3A_1191 = arith.constant 1 : i32
    %sub3A_1192 = arith.subi %add3A_257, %sub3A_1191 : i32
    %jit3A_1193 = arith.constant 512 : i32
    %div3A_1194 = arith.divsi %sub3A_1192, %jit3A_1193 : i32
    %sign3A_1195 = arith.constant 0 : i32
    %sign3A_1196 = arith.cmpi sgt, %sub3A_1192, %sign3A_1195 : i32
    %sign3A_1197 = arith.extui %sign3A_1196 : i1 to i32
    %sign3A_1198 = arith.constant 0 : i32
    %sign3A_1199 = arith.cmpi slt, %sub3A_1192, %sign3A_1198 : i32
    %sign3A_1200 = arith.extui %sign3A_1199 : i1 to i32
    %sign3A_1201 = arith.subi %sign3A_1197, %sign3A_1200 : i32
    %sign3A_1202 = arith.constant 0 : i32
    %sign3A_1203 = arith.cmpi sgt, %jit3A_1193, %sign3A_1202 : i32
    %sign3A_1204 = arith.extui %sign3A_1203 : i1 to i32
    %sign3A_1205 = arith.constant 0 : i32
    %sign3A_1206 = arith.cmpi slt, %jit3A_1193, %sign3A_1205 : i32
    %sign3A_1207 = arith.extui %sign3A_1206 : i1 to i32
    %sign3A_1208 = arith.subi %sign3A_1204, %sign3A_1207 : i32
    %ne3A_1209 = arith.cmpi ne, %sign3A_1201, %sign3A_1208 : i32
    %rem3A_1210 = arith.remsi %sub3A_1192, %jit3A_1193 : i32
    %ne3A_1211 = arith.constant 0 : i32
    %ne3A_1212 = arith.cmpi ne, %rem3A_1210, %ne3A_1211 : i32
    %and3A_1213 = arith.andi %ne3A_1209, %ne3A_1212 : i1
    %sub3A_1214 = arith.constant 1 : i32
    %sub3A_1215 = arith.subi %div3A_1194, %sub3A_1214 : i32
    %select_n3A_1216 = arith.select %and3A_1213, %sub3A_1215, %div3A_1194 : i32
    %gt3A_1217 = arith.constant 0 : i32
    %gt3A_1218 = arith.cmpi sgt, %sub3A_1166, %gt3A_1217 : i32
    %sub3A_1219 = arith.subi %select_n3A_1216, %select_n3A_1190 : i32
    %add3A_1220 = arith.constant 1 : i32
    %add3A_1221 = arith.addi %sub3A_1219, %add3A_1220 : i32
    %jit3A_1222 = arith.constant 0 : i32
    %select_n3A_1223 = arith.select %gt3A_1218, %add3A_1221, %jit3A_1222 : i32
    %ge3A_1224 = vector.broadcast %add3A_1165 : i32 to vector<1x128xi32>
    %ge3A_1225 = arith.cmpi sge, %iota3A_456, %ge3A_1224 : vector<1x128xi32>
    %add3A_1226 = arith.addi %add3A_1165, %select_n3A_1223 : i32
    %lt3A_1227 = vector.broadcast %add3A_1226 : i32 to vector<1x128xi32>
    %lt3A_1228 = arith.cmpi slt, %iota3A_456, %lt3A_1227 : vector<1x128xi32>
    %and3A_1229 = arith.andi %ge3A_1225, %lt3A_1228 : vector<1x128xi1>
    %sub3A_1230 = vector.broadcast %add3A_1165 : i32 to vector<1x128xi32>
    %sub3A_1231 = arith.subi %iota3A_456, %sub3A_1230 : vector<1x128xi32>
    %add3A_1232 = vector.broadcast %select_n3A_1190 : i32 to vector<1x128xi32>
    %add3A_1233 = arith.addi %add3A_1232, %sub3A_1231 : vector<1x128xi32>
    %select_n3A_1234 = arith.select %and3A_1229, %add3A_1233, %select_n3A_1146 : vector<1x128xi1>, vector<1x128xi32>
    %jit3A_1235 = arith.constant 8 : i32
    %broadcast_in_dim3A_1236 = vector.broadcast %jit3A_1235 : i32 to vector<1x128xi32>
    %select_n3A_1237 = arith.select %and3A_1229, %broadcast_in_dim3A_1236, %select_n3A_1149 : vector<1x128xi1>, vector<1x128xi32>
    %mul3A_1238 = arith.constant 512 : i32
    %mul3A_1239 = vector.broadcast %mul3A_1238 : i32 to vector<1x128xi32>
    %mul3A_1240 = arith.muli %add3A_1233, %mul3A_1239 : vector<1x128xi32>
    %max3A_1241 = vector.broadcast %add3A_229 : i32 to vector<1x128xi32>
    %max3A_1242 = arith.maxsi %max3A_1241, %mul3A_1240 : vector<1x128xi32>
    %select_n3A_1243 = arith.select %and3A_1229, %max3A_1242, %select_n3A_1155 : vector<1x128xi1>, vector<1x128xi32>
    %add3A_1244 = arith.constant 1 : i32
    %add3A_1245 = vector.broadcast %add3A_1244 : i32 to vector<1x128xi32>
    %add3A_1246 = arith.addi %add3A_1233, %add3A_1245 : vector<1x128xi32>
    %mul3A_1247 = arith.constant 512 : i32
    %mul3A_1248 = vector.broadcast %mul3A_1247 : i32 to vector<1x128xi32>
    %mul3A_1249 = arith.muli %add3A_1246, %mul3A_1248 : vector<1x128xi32>
    %min3A_1250 = vector.broadcast %add3A_257 : i32 to vector<1x128xi32>
    %min3A_1251 = arith.minsi %min3A_1250, %mul3A_1249 : vector<1x128xi32>
    %select_n3A_1252 = arith.select %and3A_1229, %min3A_1251, %select_n3A_1164 : vector<1x128xi1>, vector<1x128xi32>
    %add3A_1253 = arith.addi %add3A_1165, %select_n3A_1223 : i32
    %sub3A_1254 = arith.subi %add3A_285, %add3A_257 : i32
    %jit3A_1255 = arith.constant 512 : i32
    %div3A_1256 = arith.divsi %add3A_257, %jit3A_1255 : i32
    %sign3A_1257 = arith.constant 0 : i32
    %sign3A_1258 = arith.cmpi sgt, %add3A_257, %sign3A_1257 : i32
    %sign3A_1259 = arith.extui %sign3A_1258 : i1 to i32
    %sign3A_1260 = arith.constant 0 : i32
    %sign3A_1261 = arith.cmpi slt, %add3A_257, %sign3A_1260 : i32
    %sign3A_1262 = arith.extui %sign3A_1261 : i1 to i32
    %sign3A_1263 = arith.subi %sign3A_1259, %sign3A_1262 : i32
    %sign3A_1264 = arith.constant 0 : i32
    %sign3A_1265 = arith.cmpi sgt, %jit3A_1255, %sign3A_1264 : i32
    %sign3A_1266 = arith.extui %sign3A_1265 : i1 to i32
    %sign3A_1267 = arith.constant 0 : i32
    %sign3A_1268 = arith.cmpi slt, %jit3A_1255, %sign3A_1267 : i32
    %sign3A_1269 = arith.extui %sign3A_1268 : i1 to i32
    %sign3A_1270 = arith.subi %sign3A_1266, %sign3A_1269 : i32
    %ne3A_1271 = arith.cmpi ne, %sign3A_1263, %sign3A_1270 : i32
    %rem3A_1272 = arith.remsi %add3A_257, %jit3A_1255 : i32
    %ne3A_1273 = arith.constant 0 : i32
    %ne3A_1274 = arith.cmpi ne, %rem3A_1272, %ne3A_1273 : i32
    %and3A_1275 = arith.andi %ne3A_1271, %ne3A_1274 : i1
    %sub3A_1276 = arith.constant 1 : i32
    %sub3A_1277 = arith.subi %div3A_1256, %sub3A_1276 : i32
    %select_n3A_1278 = arith.select %and3A_1275, %sub3A_1277, %div3A_1256 : i32
    %sub3A_1279 = arith.constant 1 : i32
    %sub3A_1280 = arith.subi %add3A_285, %sub3A_1279 : i32
    %jit3A_1281 = arith.constant 512 : i32
    %div3A_1282 = arith.divsi %sub3A_1280, %jit3A_1281 : i32
    %sign3A_1283 = arith.constant 0 : i32
    %sign3A_1284 = arith.cmpi sgt, %sub3A_1280, %sign3A_1283 : i32
    %sign3A_1285 = arith.extui %sign3A_1284 : i1 to i32
    %sign3A_1286 = arith.constant 0 : i32
    %sign3A_1287 = arith.cmpi slt, %sub3A_1280, %sign3A_1286 : i32
    %sign3A_1288 = arith.extui %sign3A_1287 : i1 to i32
    %sign3A_1289 = arith.subi %sign3A_1285, %sign3A_1288 : i32
    %sign3A_1290 = arith.constant 0 : i32
    %sign3A_1291 = arith.cmpi sgt, %jit3A_1281, %sign3A_1290 : i32
    %sign3A_1292 = arith.extui %sign3A_1291 : i1 to i32
    %sign3A_1293 = arith.constant 0 : i32
    %sign3A_1294 = arith.cmpi slt, %jit3A_1281, %sign3A_1293 : i32
    %sign3A_1295 = arith.extui %sign3A_1294 : i1 to i32
    %sign3A_1296 = arith.subi %sign3A_1292, %sign3A_1295 : i32
    %ne3A_1297 = arith.cmpi ne, %sign3A_1289, %sign3A_1296 : i32
    %rem3A_1298 = arith.remsi %sub3A_1280, %jit3A_1281 : i32
    %ne3A_1299 = arith.constant 0 : i32
    %ne3A_1300 = arith.cmpi ne, %rem3A_1298, %ne3A_1299 : i32
    %and3A_1301 = arith.andi %ne3A_1297, %ne3A_1300 : i1
    %sub3A_1302 = arith.constant 1 : i32
    %sub3A_1303 = arith.subi %div3A_1282, %sub3A_1302 : i32
    %select_n3A_1304 = arith.select %and3A_1301, %sub3A_1303, %div3A_1282 : i32
    %gt3A_1305 = arith.constant 0 : i32
    %gt3A_1306 = arith.cmpi sgt, %sub3A_1254, %gt3A_1305 : i32
    %sub3A_1307 = arith.subi %select_n3A_1304, %select_n3A_1278 : i32
    %add3A_1308 = arith.constant 1 : i32
    %add3A_1309 = arith.addi %sub3A_1307, %add3A_1308 : i32
    %jit3A_1310 = arith.constant 0 : i32
    %select_n3A_1311 = arith.select %gt3A_1306, %add3A_1309, %jit3A_1310 : i32
    %ge3A_1312 = vector.broadcast %add3A_1253 : i32 to vector<1x128xi32>
    %ge3A_1313 = arith.cmpi sge, %iota3A_456, %ge3A_1312 : vector<1x128xi32>
    %add3A_1314 = arith.addi %add3A_1253, %select_n3A_1311 : i32
    %lt3A_1315 = vector.broadcast %add3A_1314 : i32 to vector<1x128xi32>
    %lt3A_1316 = arith.cmpi slt, %iota3A_456, %lt3A_1315 : vector<1x128xi32>
    %and3A_1317 = arith.andi %ge3A_1313, %lt3A_1316 : vector<1x128xi1>
    %sub3A_1318 = vector.broadcast %add3A_1253 : i32 to vector<1x128xi32>
    %sub3A_1319 = arith.subi %iota3A_456, %sub3A_1318 : vector<1x128xi32>
    %add3A_1320 = vector.broadcast %select_n3A_1278 : i32 to vector<1x128xi32>
    %add3A_1321 = arith.addi %add3A_1320, %sub3A_1319 : vector<1x128xi32>
    %select_n3A_1322 = arith.select %and3A_1317, %add3A_1321, %select_n3A_1234 : vector<1x128xi1>, vector<1x128xi32>
    %jit3A_1323 = arith.constant 9 : i32
    %broadcast_in_dim3A_1324 = vector.broadcast %jit3A_1323 : i32 to vector<1x128xi32>
    %select_n3A_1325 = arith.select %and3A_1317, %broadcast_in_dim3A_1324, %select_n3A_1237 : vector<1x128xi1>, vector<1x128xi32>
    %mul3A_1326 = arith.constant 512 : i32
    %mul3A_1327 = vector.broadcast %mul3A_1326 : i32 to vector<1x128xi32>
    %mul3A_1328 = arith.muli %add3A_1321, %mul3A_1327 : vector<1x128xi32>
    %max3A_1329 = vector.broadcast %add3A_257 : i32 to vector<1x128xi32>
    %max3A_1330 = arith.maxsi %max3A_1329, %mul3A_1328 : vector<1x128xi32>
    %select_n3A_1331 = arith.select %and3A_1317, %max3A_1330, %select_n3A_1243 : vector<1x128xi1>, vector<1x128xi32>
    %add3A_1332 = arith.constant 1 : i32
    %add3A_1333 = vector.broadcast %add3A_1332 : i32 to vector<1x128xi32>
    %add3A_1334 = arith.addi %add3A_1321, %add3A_1333 : vector<1x128xi32>
    %mul3A_1335 = arith.constant 512 : i32
    %mul3A_1336 = vector.broadcast %mul3A_1335 : i32 to vector<1x128xi32>
    %mul3A_1337 = arith.muli %add3A_1334, %mul3A_1336 : vector<1x128xi32>
    %min3A_1338 = vector.broadcast %add3A_285 : i32 to vector<1x128xi32>
    %min3A_1339 = arith.minsi %min3A_1338, %mul3A_1337 : vector<1x128xi32>
    %select_n3A_1340 = arith.select %and3A_1317, %min3A_1339, %select_n3A_1252 : vector<1x128xi1>, vector<1x128xi32>
    %add3A_1341 = arith.addi %add3A_1253, %select_n3A_1311 : i32
    %sub3A_1342 = arith.subi %add3A_313, %add3A_285 : i32
    %jit3A_1343 = arith.constant 512 : i32
    %div3A_1344 = arith.divsi %add3A_285, %jit3A_1343 : i32
    %sign3A_1345 = arith.constant 0 : i32
    %sign3A_1346 = arith.cmpi sgt, %add3A_285, %sign3A_1345 : i32
    %sign3A_1347 = arith.extui %sign3A_1346 : i1 to i32
    %sign3A_1348 = arith.constant 0 : i32
    %sign3A_1349 = arith.cmpi slt, %add3A_285, %sign3A_1348 : i32
    %sign3A_1350 = arith.extui %sign3A_1349 : i1 to i32
    %sign3A_1351 = arith.subi %sign3A_1347, %sign3A_1350 : i32
    %sign3A_1352 = arith.constant 0 : i32
    %sign3A_1353 = arith.cmpi sgt, %jit3A_1343, %sign3A_1352 : i32
    %sign3A_1354 = arith.extui %sign3A_1353 : i1 to i32
    %sign3A_1355 = arith.constant 0 : i32
    %sign3A_1356 = arith.cmpi slt, %jit3A_1343, %sign3A_1355 : i32
    %sign3A_1357 = arith.extui %sign3A_1356 : i1 to i32
    %sign3A_1358 = arith.subi %sign3A_1354, %sign3A_1357 : i32
    %ne3A_1359 = arith.cmpi ne, %sign3A_1351, %sign3A_1358 : i32
    %rem3A_1360 = arith.remsi %add3A_285, %jit3A_1343 : i32
    %ne3A_1361 = arith.constant 0 : i32
    %ne3A_1362 = arith.cmpi ne, %rem3A_1360, %ne3A_1361 : i32
    %and3A_1363 = arith.andi %ne3A_1359, %ne3A_1362 : i1
    %sub3A_1364 = arith.constant 1 : i32
    %sub3A_1365 = arith.subi %div3A_1344, %sub3A_1364 : i32
    %select_n3A_1366 = arith.select %and3A_1363, %sub3A_1365, %div3A_1344 : i32
    %sub3A_1367 = arith.constant 1 : i32
    %sub3A_1368 = arith.subi %add3A_313, %sub3A_1367 : i32
    %jit3A_1369 = arith.constant 512 : i32
    %div3A_1370 = arith.divsi %sub3A_1368, %jit3A_1369 : i32
    %sign3A_1371 = arith.constant 0 : i32
    %sign3A_1372 = arith.cmpi sgt, %sub3A_1368, %sign3A_1371 : i32
    %sign3A_1373 = arith.extui %sign3A_1372 : i1 to i32
    %sign3A_1374 = arith.constant 0 : i32
    %sign3A_1375 = arith.cmpi slt, %sub3A_1368, %sign3A_1374 : i32
    %sign3A_1376 = arith.extui %sign3A_1375 : i1 to i32
    %sign3A_1377 = arith.subi %sign3A_1373, %sign3A_1376 : i32
    %sign3A_1378 = arith.constant 0 : i32
    %sign3A_1379 = arith.cmpi sgt, %jit3A_1369, %sign3A_1378 : i32
    %sign3A_1380 = arith.extui %sign3A_1379 : i1 to i32
    %sign3A_1381 = arith.constant 0 : i32
    %sign3A_1382 = arith.cmpi slt, %jit3A_1369, %sign3A_1381 : i32
    %sign3A_1383 = arith.extui %sign3A_1382 : i1 to i32
    %sign3A_1384 = arith.subi %sign3A_1380, %sign3A_1383 : i32
    %ne3A_1385 = arith.cmpi ne, %sign3A_1377, %sign3A_1384 : i32
    %rem3A_1386 = arith.remsi %sub3A_1368, %jit3A_1369 : i32
    %ne3A_1387 = arith.constant 0 : i32
    %ne3A_1388 = arith.cmpi ne, %rem3A_1386, %ne3A_1387 : i32
    %and3A_1389 = arith.andi %ne3A_1385, %ne3A_1388 : i1
    %sub3A_1390 = arith.constant 1 : i32
    %sub3A_1391 = arith.subi %div3A_1370, %sub3A_1390 : i32
    %select_n3A_1392 = arith.select %and3A_1389, %sub3A_1391, %div3A_1370 : i32
    %gt3A_1393 = arith.constant 0 : i32
    %gt3A_1394 = arith.cmpi sgt, %sub3A_1342, %gt3A_1393 : i32
    %sub3A_1395 = arith.subi %select_n3A_1392, %select_n3A_1366 : i32
    %add3A_1396 = arith.constant 1 : i32
    %add3A_1397 = arith.addi %sub3A_1395, %add3A_1396 : i32
    %jit3A_1398 = arith.constant 0 : i32
    %select_n3A_1399 = arith.select %gt3A_1394, %add3A_1397, %jit3A_1398 : i32
    %ge3A_1400 = vector.broadcast %add3A_1341 : i32 to vector<1x128xi32>
    %ge3A_1401 = arith.cmpi sge, %iota3A_456, %ge3A_1400 : vector<1x128xi32>
    %add3A_1402 = arith.addi %add3A_1341, %select_n3A_1399 : i32
    %lt3A_1403 = vector.broadcast %add3A_1402 : i32 to vector<1x128xi32>
    %lt3A_1404 = arith.cmpi slt, %iota3A_456, %lt3A_1403 : vector<1x128xi32>
    %and3A_1405 = arith.andi %ge3A_1401, %lt3A_1404 : vector<1x128xi1>
    %sub3A_1406 = vector.broadcast %add3A_1341 : i32 to vector<1x128xi32>
    %sub3A_1407 = arith.subi %iota3A_456, %sub3A_1406 : vector<1x128xi32>
    %add3A_1408 = vector.broadcast %select_n3A_1366 : i32 to vector<1x128xi32>
    %add3A_1409 = arith.addi %add3A_1408, %sub3A_1407 : vector<1x128xi32>
    %select_n3A_1410 = arith.select %and3A_1405, %add3A_1409, %select_n3A_1322 : vector<1x128xi1>, vector<1x128xi32>
    %jit3A_1411 = arith.constant 10 : i32
    %broadcast_in_dim3A_1412 = vector.broadcast %jit3A_1411 : i32 to vector<1x128xi32>
    %select_n3A_1413 = arith.select %and3A_1405, %broadcast_in_dim3A_1412, %select_n3A_1325 : vector<1x128xi1>, vector<1x128xi32>
    %mul3A_1414 = arith.constant 512 : i32
    %mul3A_1415 = vector.broadcast %mul3A_1414 : i32 to vector<1x128xi32>
    %mul3A_1416 = arith.muli %add3A_1409, %mul3A_1415 : vector<1x128xi32>
    %max3A_1417 = vector.broadcast %add3A_285 : i32 to vector<1x128xi32>
    %max3A_1418 = arith.maxsi %max3A_1417, %mul3A_1416 : vector<1x128xi32>
    %select_n3A_1419 = arith.select %and3A_1405, %max3A_1418, %select_n3A_1331 : vector<1x128xi1>, vector<1x128xi32>
    %add3A_1420 = arith.constant 1 : i32
    %add3A_1421 = vector.broadcast %add3A_1420 : i32 to vector<1x128xi32>
    %add3A_1422 = arith.addi %add3A_1409, %add3A_1421 : vector<1x128xi32>
    %mul3A_1423 = arith.constant 512 : i32
    %mul3A_1424 = vector.broadcast %mul3A_1423 : i32 to vector<1x128xi32>
    %mul3A_1425 = arith.muli %add3A_1422, %mul3A_1424 : vector<1x128xi32>
    %min3A_1426 = vector.broadcast %add3A_313 : i32 to vector<1x128xi32>
    %min3A_1427 = arith.minsi %min3A_1426, %mul3A_1425 : vector<1x128xi32>
    %select_n3A_1428 = arith.select %and3A_1405, %min3A_1427, %select_n3A_1340 : vector<1x128xi1>, vector<1x128xi32>
    %add3A_1429 = arith.addi %add3A_1341, %select_n3A_1399 : i32
    %sub3A_1430 = arith.subi %add3A_341, %add3A_313 : i32
    %jit3A_1431 = arith.constant 512 : i32
    %div3A_1432 = arith.divsi %add3A_313, %jit3A_1431 : i32
    %sign3A_1433 = arith.constant 0 : i32
    %sign3A_1434 = arith.cmpi sgt, %add3A_313, %sign3A_1433 : i32
    %sign3A_1435 = arith.extui %sign3A_1434 : i1 to i32
    %sign3A_1436 = arith.constant 0 : i32
    %sign3A_1437 = arith.cmpi slt, %add3A_313, %sign3A_1436 : i32
    %sign3A_1438 = arith.extui %sign3A_1437 : i1 to i32
    %sign3A_1439 = arith.subi %sign3A_1435, %sign3A_1438 : i32
    %sign3A_1440 = arith.constant 0 : i32
    %sign3A_1441 = arith.cmpi sgt, %jit3A_1431, %sign3A_1440 : i32
    %sign3A_1442 = arith.extui %sign3A_1441 : i1 to i32
    %sign3A_1443 = arith.constant 0 : i32
    %sign3A_1444 = arith.cmpi slt, %jit3A_1431, %sign3A_1443 : i32
    %sign3A_1445 = arith.extui %sign3A_1444 : i1 to i32
    %sign3A_1446 = arith.subi %sign3A_1442, %sign3A_1445 : i32
    %ne3A_1447 = arith.cmpi ne, %sign3A_1439, %sign3A_1446 : i32
    %rem3A_1448 = arith.remsi %add3A_313, %jit3A_1431 : i32
    %ne3A_1449 = arith.constant 0 : i32
    %ne3A_1450 = arith.cmpi ne, %rem3A_1448, %ne3A_1449 : i32
    %and3A_1451 = arith.andi %ne3A_1447, %ne3A_1450 : i1
    %sub3A_1452 = arith.constant 1 : i32
    %sub3A_1453 = arith.subi %div3A_1432, %sub3A_1452 : i32
    %select_n3A_1454 = arith.select %and3A_1451, %sub3A_1453, %div3A_1432 : i32
    %sub3A_1455 = arith.constant 1 : i32
    %sub3A_1456 = arith.subi %add3A_341, %sub3A_1455 : i32
    %jit3A_1457 = arith.constant 512 : i32
    %div3A_1458 = arith.divsi %sub3A_1456, %jit3A_1457 : i32
    %sign3A_1459 = arith.constant 0 : i32
    %sign3A_1460 = arith.cmpi sgt, %sub3A_1456, %sign3A_1459 : i32
    %sign3A_1461 = arith.extui %sign3A_1460 : i1 to i32
    %sign3A_1462 = arith.constant 0 : i32
    %sign3A_1463 = arith.cmpi slt, %sub3A_1456, %sign3A_1462 : i32
    %sign3A_1464 = arith.extui %sign3A_1463 : i1 to i32
    %sign3A_1465 = arith.subi %sign3A_1461, %sign3A_1464 : i32
    %sign3A_1466 = arith.constant 0 : i32
    %sign3A_1467 = arith.cmpi sgt, %jit3A_1457, %sign3A_1466 : i32
    %sign3A_1468 = arith.extui %sign3A_1467 : i1 to i32
    %sign3A_1469 = arith.constant 0 : i32
    %sign3A_1470 = arith.cmpi slt, %jit3A_1457, %sign3A_1469 : i32
    %sign3A_1471 = arith.extui %sign3A_1470 : i1 to i32
    %sign3A_1472 = arith.subi %sign3A_1468, %sign3A_1471 : i32
    %ne3A_1473 = arith.cmpi ne, %sign3A_1465, %sign3A_1472 : i32
    %rem3A_1474 = arith.remsi %sub3A_1456, %jit3A_1457 : i32
    %ne3A_1475 = arith.constant 0 : i32
    %ne3A_1476 = arith.cmpi ne, %rem3A_1474, %ne3A_1475 : i32
    %and3A_1477 = arith.andi %ne3A_1473, %ne3A_1476 : i1
    %sub3A_1478 = arith.constant 1 : i32
    %sub3A_1479 = arith.subi %div3A_1458, %sub3A_1478 : i32
    %select_n3A_1480 = arith.select %and3A_1477, %sub3A_1479, %div3A_1458 : i32
    %gt3A_1481 = arith.constant 0 : i32
    %gt3A_1482 = arith.cmpi sgt, %sub3A_1430, %gt3A_1481 : i32
    %sub3A_1483 = arith.subi %select_n3A_1480, %select_n3A_1454 : i32
    %add3A_1484 = arith.constant 1 : i32
    %add3A_1485 = arith.addi %sub3A_1483, %add3A_1484 : i32
    %jit3A_1486 = arith.constant 0 : i32
    %select_n3A_1487 = arith.select %gt3A_1482, %add3A_1485, %jit3A_1486 : i32
    %ge3A_1488 = vector.broadcast %add3A_1429 : i32 to vector<1x128xi32>
    %ge3A_1489 = arith.cmpi sge, %iota3A_456, %ge3A_1488 : vector<1x128xi32>
    %add3A_1490 = arith.addi %add3A_1429, %select_n3A_1487 : i32
    %lt3A_1491 = vector.broadcast %add3A_1490 : i32 to vector<1x128xi32>
    %lt3A_1492 = arith.cmpi slt, %iota3A_456, %lt3A_1491 : vector<1x128xi32>
    %and3A_1493 = arith.andi %ge3A_1489, %lt3A_1492 : vector<1x128xi1>
    %sub3A_1494 = vector.broadcast %add3A_1429 : i32 to vector<1x128xi32>
    %sub3A_1495 = arith.subi %iota3A_456, %sub3A_1494 : vector<1x128xi32>
    %add3A_1496 = vector.broadcast %select_n3A_1454 : i32 to vector<1x128xi32>
    %add3A_1497 = arith.addi %add3A_1496, %sub3A_1495 : vector<1x128xi32>
    %select_n3A_1498 = arith.select %and3A_1493, %add3A_1497, %select_n3A_1410 : vector<1x128xi1>, vector<1x128xi32>
    %jit3A_1499 = arith.constant 11 : i32
    %broadcast_in_dim3A_1500 = vector.broadcast %jit3A_1499 : i32 to vector<1x128xi32>
    %select_n3A_1501 = arith.select %and3A_1493, %broadcast_in_dim3A_1500, %select_n3A_1413 : vector<1x128xi1>, vector<1x128xi32>
    %mul3A_1502 = arith.constant 512 : i32
    %mul3A_1503 = vector.broadcast %mul3A_1502 : i32 to vector<1x128xi32>
    %mul3A_1504 = arith.muli %add3A_1497, %mul3A_1503 : vector<1x128xi32>
    %max3A_1505 = vector.broadcast %add3A_313 : i32 to vector<1x128xi32>
    %max3A_1506 = arith.maxsi %max3A_1505, %mul3A_1504 : vector<1x128xi32>
    %select_n3A_1507 = arith.select %and3A_1493, %max3A_1506, %select_n3A_1419 : vector<1x128xi1>, vector<1x128xi32>
    %add3A_1508 = arith.constant 1 : i32
    %add3A_1509 = vector.broadcast %add3A_1508 : i32 to vector<1x128xi32>
    %add3A_1510 = arith.addi %add3A_1497, %add3A_1509 : vector<1x128xi32>
    %mul3A_1511 = arith.constant 512 : i32
    %mul3A_1512 = vector.broadcast %mul3A_1511 : i32 to vector<1x128xi32>
    %mul3A_1513 = arith.muli %add3A_1510, %mul3A_1512 : vector<1x128xi32>
    %min3A_1514 = vector.broadcast %add3A_341 : i32 to vector<1x128xi32>
    %min3A_1515 = arith.minsi %min3A_1514, %mul3A_1513 : vector<1x128xi32>
    %select_n3A_1516 = arith.select %and3A_1493, %min3A_1515, %select_n3A_1428 : vector<1x128xi1>, vector<1x128xi32>
    %add3A_1517 = arith.addi %add3A_1429, %select_n3A_1487 : i32
    %sub3A_1518 = arith.subi %add3A_369, %add3A_341 : i32
    %jit3A_1519 = arith.constant 512 : i32
    %div3A_1520 = arith.divsi %add3A_341, %jit3A_1519 : i32
    %sign3A_1521 = arith.constant 0 : i32
    %sign3A_1522 = arith.cmpi sgt, %add3A_341, %sign3A_1521 : i32
    %sign3A_1523 = arith.extui %sign3A_1522 : i1 to i32
    %sign3A_1524 = arith.constant 0 : i32
    %sign3A_1525 = arith.cmpi slt, %add3A_341, %sign3A_1524 : i32
    %sign3A_1526 = arith.extui %sign3A_1525 : i1 to i32
    %sign3A_1527 = arith.subi %sign3A_1523, %sign3A_1526 : i32
    %sign3A_1528 = arith.constant 0 : i32
    %sign3A_1529 = arith.cmpi sgt, %jit3A_1519, %sign3A_1528 : i32
    %sign3A_1530 = arith.extui %sign3A_1529 : i1 to i32
    %sign3A_1531 = arith.constant 0 : i32
    %sign3A_1532 = arith.cmpi slt, %jit3A_1519, %sign3A_1531 : i32
    %sign3A_1533 = arith.extui %sign3A_1532 : i1 to i32
    %sign3A_1534 = arith.subi %sign3A_1530, %sign3A_1533 : i32
    %ne3A_1535 = arith.cmpi ne, %sign3A_1527, %sign3A_1534 : i32
    %rem3A_1536 = arith.remsi %add3A_341, %jit3A_1519 : i32
    %ne3A_1537 = arith.constant 0 : i32
    %ne3A_1538 = arith.cmpi ne, %rem3A_1536, %ne3A_1537 : i32
    %and3A_1539 = arith.andi %ne3A_1535, %ne3A_1538 : i1
    %sub3A_1540 = arith.constant 1 : i32
    %sub3A_1541 = arith.subi %div3A_1520, %sub3A_1540 : i32
    %select_n3A_1542 = arith.select %and3A_1539, %sub3A_1541, %div3A_1520 : i32
    %sub3A_1543 = arith.constant 1 : i32
    %sub3A_1544 = arith.subi %add3A_369, %sub3A_1543 : i32
    %jit3A_1545 = arith.constant 512 : i32
    %div3A_1546 = arith.divsi %sub3A_1544, %jit3A_1545 : i32
    %sign3A_1547 = arith.constant 0 : i32
    %sign3A_1548 = arith.cmpi sgt, %sub3A_1544, %sign3A_1547 : i32
    %sign3A_1549 = arith.extui %sign3A_1548 : i1 to i32
    %sign3A_1550 = arith.constant 0 : i32
    %sign3A_1551 = arith.cmpi slt, %sub3A_1544, %sign3A_1550 : i32
    %sign3A_1552 = arith.extui %sign3A_1551 : i1 to i32
    %sign3A_1553 = arith.subi %sign3A_1549, %sign3A_1552 : i32
    %sign3A_1554 = arith.constant 0 : i32
    %sign3A_1555 = arith.cmpi sgt, %jit3A_1545, %sign3A_1554 : i32
    %sign3A_1556 = arith.extui %sign3A_1555 : i1 to i32
    %sign3A_1557 = arith.constant 0 : i32
    %sign3A_1558 = arith.cmpi slt, %jit3A_1545, %sign3A_1557 : i32
    %sign3A_1559 = arith.extui %sign3A_1558 : i1 to i32
    %sign3A_1560 = arith.subi %sign3A_1556, %sign3A_1559 : i32
    %ne3A_1561 = arith.cmpi ne, %sign3A_1553, %sign3A_1560 : i32
    %rem3A_1562 = arith.remsi %sub3A_1544, %jit3A_1545 : i32
    %ne3A_1563 = arith.constant 0 : i32
    %ne3A_1564 = arith.cmpi ne, %rem3A_1562, %ne3A_1563 : i32
    %and3A_1565 = arith.andi %ne3A_1561, %ne3A_1564 : i1
    %sub3A_1566 = arith.constant 1 : i32
    %sub3A_1567 = arith.subi %div3A_1546, %sub3A_1566 : i32
    %select_n3A_1568 = arith.select %and3A_1565, %sub3A_1567, %div3A_1546 : i32
    %gt3A_1569 = arith.constant 0 : i32
    %gt3A_1570 = arith.cmpi sgt, %sub3A_1518, %gt3A_1569 : i32
    %sub3A_1571 = arith.subi %select_n3A_1568, %select_n3A_1542 : i32
    %add3A_1572 = arith.constant 1 : i32
    %add3A_1573 = arith.addi %sub3A_1571, %add3A_1572 : i32
    %jit3A_1574 = arith.constant 0 : i32
    %select_n3A_1575 = arith.select %gt3A_1570, %add3A_1573, %jit3A_1574 : i32
    %ge3A_1576 = vector.broadcast %add3A_1517 : i32 to vector<1x128xi32>
    %ge3A_1577 = arith.cmpi sge, %iota3A_456, %ge3A_1576 : vector<1x128xi32>
    %add3A_1578 = arith.addi %add3A_1517, %select_n3A_1575 : i32
    %lt3A_1579 = vector.broadcast %add3A_1578 : i32 to vector<1x128xi32>
    %lt3A_1580 = arith.cmpi slt, %iota3A_456, %lt3A_1579 : vector<1x128xi32>
    %and3A_1581 = arith.andi %ge3A_1577, %lt3A_1580 : vector<1x128xi1>
    %sub3A_1582 = vector.broadcast %add3A_1517 : i32 to vector<1x128xi32>
    %sub3A_1583 = arith.subi %iota3A_456, %sub3A_1582 : vector<1x128xi32>
    %add3A_1584 = vector.broadcast %select_n3A_1542 : i32 to vector<1x128xi32>
    %add3A_1585 = arith.addi %add3A_1584, %sub3A_1583 : vector<1x128xi32>
    %select_n3A_1586 = arith.select %and3A_1581, %add3A_1585, %select_n3A_1498 : vector<1x128xi1>, vector<1x128xi32>
    %jit3A_1587 = arith.constant 12 : i32
    %broadcast_in_dim3A_1588 = vector.broadcast %jit3A_1587 : i32 to vector<1x128xi32>
    %select_n3A_1589 = arith.select %and3A_1581, %broadcast_in_dim3A_1588, %select_n3A_1501 : vector<1x128xi1>, vector<1x128xi32>
    %mul3A_1590 = arith.constant 512 : i32
    %mul3A_1591 = vector.broadcast %mul3A_1590 : i32 to vector<1x128xi32>
    %mul3A_1592 = arith.muli %add3A_1585, %mul3A_1591 : vector<1x128xi32>
    %max3A_1593 = vector.broadcast %add3A_341 : i32 to vector<1x128xi32>
    %max3A_1594 = arith.maxsi %max3A_1593, %mul3A_1592 : vector<1x128xi32>
    %select_n3A_1595 = arith.select %and3A_1581, %max3A_1594, %select_n3A_1507 : vector<1x128xi1>, vector<1x128xi32>
    %add3A_1596 = arith.constant 1 : i32
    %add3A_1597 = vector.broadcast %add3A_1596 : i32 to vector<1x128xi32>
    %add3A_1598 = arith.addi %add3A_1585, %add3A_1597 : vector<1x128xi32>
    %mul3A_1599 = arith.constant 512 : i32
    %mul3A_1600 = vector.broadcast %mul3A_1599 : i32 to vector<1x128xi32>
    %mul3A_1601 = arith.muli %add3A_1598, %mul3A_1600 : vector<1x128xi32>
    %min3A_1602 = vector.broadcast %add3A_369 : i32 to vector<1x128xi32>
    %min3A_1603 = arith.minsi %min3A_1602, %mul3A_1601 : vector<1x128xi32>
    %select_n3A_1604 = arith.select %and3A_1581, %min3A_1603, %select_n3A_1516 : vector<1x128xi1>, vector<1x128xi32>
    %add3A_1605 = arith.addi %add3A_1517, %select_n3A_1575 : i32
    %sub3A_1606 = arith.subi %add3A_397, %add3A_369 : i32
    %jit3A_1607 = arith.constant 512 : i32
    %div3A_1608 = arith.divsi %add3A_369, %jit3A_1607 : i32
    %sign3A_1609 = arith.constant 0 : i32
    %sign3A_1610 = arith.cmpi sgt, %add3A_369, %sign3A_1609 : i32
    %sign3A_1611 = arith.extui %sign3A_1610 : i1 to i32
    %sign3A_1612 = arith.constant 0 : i32
    %sign3A_1613 = arith.cmpi slt, %add3A_369, %sign3A_1612 : i32
    %sign3A_1614 = arith.extui %sign3A_1613 : i1 to i32
    %sign3A_1615 = arith.subi %sign3A_1611, %sign3A_1614 : i32
    %sign3A_1616 = arith.constant 0 : i32
    %sign3A_1617 = arith.cmpi sgt, %jit3A_1607, %sign3A_1616 : i32
    %sign3A_1618 = arith.extui %sign3A_1617 : i1 to i32
    %sign3A_1619 = arith.constant 0 : i32
    %sign3A_1620 = arith.cmpi slt, %jit3A_1607, %sign3A_1619 : i32
    %sign3A_1621 = arith.extui %sign3A_1620 : i1 to i32
    %sign3A_1622 = arith.subi %sign3A_1618, %sign3A_1621 : i32
    %ne3A_1623 = arith.cmpi ne, %sign3A_1615, %sign3A_1622 : i32
    %rem3A_1624 = arith.remsi %add3A_369, %jit3A_1607 : i32
    %ne3A_1625 = arith.constant 0 : i32
    %ne3A_1626 = arith.cmpi ne, %rem3A_1624, %ne3A_1625 : i32
    %and3A_1627 = arith.andi %ne3A_1623, %ne3A_1626 : i1
    %sub3A_1628 = arith.constant 1 : i32
    %sub3A_1629 = arith.subi %div3A_1608, %sub3A_1628 : i32
    %select_n3A_1630 = arith.select %and3A_1627, %sub3A_1629, %div3A_1608 : i32
    %sub3A_1631 = arith.constant 1 : i32
    %sub3A_1632 = arith.subi %add3A_397, %sub3A_1631 : i32
    %jit3A_1633 = arith.constant 512 : i32
    %div3A_1634 = arith.divsi %sub3A_1632, %jit3A_1633 : i32
    %sign3A_1635 = arith.constant 0 : i32
    %sign3A_1636 = arith.cmpi sgt, %sub3A_1632, %sign3A_1635 : i32
    %sign3A_1637 = arith.extui %sign3A_1636 : i1 to i32
    %sign3A_1638 = arith.constant 0 : i32
    %sign3A_1639 = arith.cmpi slt, %sub3A_1632, %sign3A_1638 : i32
    %sign3A_1640 = arith.extui %sign3A_1639 : i1 to i32
    %sign3A_1641 = arith.subi %sign3A_1637, %sign3A_1640 : i32
    %sign3A_1642 = arith.constant 0 : i32
    %sign3A_1643 = arith.cmpi sgt, %jit3A_1633, %sign3A_1642 : i32
    %sign3A_1644 = arith.extui %sign3A_1643 : i1 to i32
    %sign3A_1645 = arith.constant 0 : i32
    %sign3A_1646 = arith.cmpi slt, %jit3A_1633, %sign3A_1645 : i32
    %sign3A_1647 = arith.extui %sign3A_1646 : i1 to i32
    %sign3A_1648 = arith.subi %sign3A_1644, %sign3A_1647 : i32
    %ne3A_1649 = arith.cmpi ne, %sign3A_1641, %sign3A_1648 : i32
    %rem3A_1650 = arith.remsi %sub3A_1632, %jit3A_1633 : i32
    %ne3A_1651 = arith.constant 0 : i32
    %ne3A_1652 = arith.cmpi ne, %rem3A_1650, %ne3A_1651 : i32
    %and3A_1653 = arith.andi %ne3A_1649, %ne3A_1652 : i1
    %sub3A_1654 = arith.constant 1 : i32
    %sub3A_1655 = arith.subi %div3A_1634, %sub3A_1654 : i32
    %select_n3A_1656 = arith.select %and3A_1653, %sub3A_1655, %div3A_1634 : i32
    %gt3A_1657 = arith.constant 0 : i32
    %gt3A_1658 = arith.cmpi sgt, %sub3A_1606, %gt3A_1657 : i32
    %sub3A_1659 = arith.subi %select_n3A_1656, %select_n3A_1630 : i32
    %add3A_1660 = arith.constant 1 : i32
    %add3A_1661 = arith.addi %sub3A_1659, %add3A_1660 : i32
    %jit3A_1662 = arith.constant 0 : i32
    %select_n3A_1663 = arith.select %gt3A_1658, %add3A_1661, %jit3A_1662 : i32
    %ge3A_1664 = vector.broadcast %add3A_1605 : i32 to vector<1x128xi32>
    %ge3A_1665 = arith.cmpi sge, %iota3A_456, %ge3A_1664 : vector<1x128xi32>
    %add3A_1666 = arith.addi %add3A_1605, %select_n3A_1663 : i32
    %lt3A_1667 = vector.broadcast %add3A_1666 : i32 to vector<1x128xi32>
    %lt3A_1668 = arith.cmpi slt, %iota3A_456, %lt3A_1667 : vector<1x128xi32>
    %and3A_1669 = arith.andi %ge3A_1665, %lt3A_1668 : vector<1x128xi1>
    %sub3A_1670 = vector.broadcast %add3A_1605 : i32 to vector<1x128xi32>
    %sub3A_1671 = arith.subi %iota3A_456, %sub3A_1670 : vector<1x128xi32>
    %add3A_1672 = vector.broadcast %select_n3A_1630 : i32 to vector<1x128xi32>
    %add3A_1673 = arith.addi %add3A_1672, %sub3A_1671 : vector<1x128xi32>
    %select_n3A_1674 = arith.select %and3A_1669, %add3A_1673, %select_n3A_1586 : vector<1x128xi1>, vector<1x128xi32>
    %jit3A_1675 = arith.constant 13 : i32
    %broadcast_in_dim3A_1676 = vector.broadcast %jit3A_1675 : i32 to vector<1x128xi32>
    %select_n3A_1677 = arith.select %and3A_1669, %broadcast_in_dim3A_1676, %select_n3A_1589 : vector<1x128xi1>, vector<1x128xi32>
    %mul3A_1678 = arith.constant 512 : i32
    %mul3A_1679 = vector.broadcast %mul3A_1678 : i32 to vector<1x128xi32>
    %mul3A_1680 = arith.muli %add3A_1673, %mul3A_1679 : vector<1x128xi32>
    %max3A_1681 = vector.broadcast %add3A_369 : i32 to vector<1x128xi32>
    %max3A_1682 = arith.maxsi %max3A_1681, %mul3A_1680 : vector<1x128xi32>
    %select_n3A_1683 = arith.select %and3A_1669, %max3A_1682, %select_n3A_1595 : vector<1x128xi1>, vector<1x128xi32>
    %add3A_1684 = arith.constant 1 : i32
    %add3A_1685 = vector.broadcast %add3A_1684 : i32 to vector<1x128xi32>
    %add3A_1686 = arith.addi %add3A_1673, %add3A_1685 : vector<1x128xi32>
    %mul3A_1687 = arith.constant 512 : i32
    %mul3A_1688 = vector.broadcast %mul3A_1687 : i32 to vector<1x128xi32>
    %mul3A_1689 = arith.muli %add3A_1686, %mul3A_1688 : vector<1x128xi32>
    %min3A_1690 = vector.broadcast %add3A_397 : i32 to vector<1x128xi32>
    %min3A_1691 = arith.minsi %min3A_1690, %mul3A_1689 : vector<1x128xi32>
    %select_n3A_1692 = arith.select %and3A_1669, %min3A_1691, %select_n3A_1604 : vector<1x128xi1>, vector<1x128xi32>
    %add3A_1693 = arith.addi %add3A_1605, %select_n3A_1663 : i32
    %sub3A_1694 = arith.subi %add3A_425, %add3A_397 : i32
    %jit3A_1695 = arith.constant 512 : i32
    %div3A_1696 = arith.divsi %add3A_397, %jit3A_1695 : i32
    %sign3A_1697 = arith.constant 0 : i32
    %sign3A_1698 = arith.cmpi sgt, %add3A_397, %sign3A_1697 : i32
    %sign3A_1699 = arith.extui %sign3A_1698 : i1 to i32
    %sign3A_1700 = arith.constant 0 : i32
    %sign3A_1701 = arith.cmpi slt, %add3A_397, %sign3A_1700 : i32
    %sign3A_1702 = arith.extui %sign3A_1701 : i1 to i32
    %sign3A_1703 = arith.subi %sign3A_1699, %sign3A_1702 : i32
    %sign3A_1704 = arith.constant 0 : i32
    %sign3A_1705 = arith.cmpi sgt, %jit3A_1695, %sign3A_1704 : i32
    %sign3A_1706 = arith.extui %sign3A_1705 : i1 to i32
    %sign3A_1707 = arith.constant 0 : i32
    %sign3A_1708 = arith.cmpi slt, %jit3A_1695, %sign3A_1707 : i32
    %sign3A_1709 = arith.extui %sign3A_1708 : i1 to i32
    %sign3A_1710 = arith.subi %sign3A_1706, %sign3A_1709 : i32
    %ne3A_1711 = arith.cmpi ne, %sign3A_1703, %sign3A_1710 : i32
    %rem3A_1712 = arith.remsi %add3A_397, %jit3A_1695 : i32
    %ne3A_1713 = arith.constant 0 : i32
    %ne3A_1714 = arith.cmpi ne, %rem3A_1712, %ne3A_1713 : i32
    %and3A_1715 = arith.andi %ne3A_1711, %ne3A_1714 : i1
    %sub3A_1716 = arith.constant 1 : i32
    %sub3A_1717 = arith.subi %div3A_1696, %sub3A_1716 : i32
    %select_n3A_1718 = arith.select %and3A_1715, %sub3A_1717, %div3A_1696 : i32
    %sub3A_1719 = arith.constant 1 : i32
    %sub3A_1720 = arith.subi %add3A_425, %sub3A_1719 : i32
    %jit3A_1721 = arith.constant 512 : i32
    %div3A_1722 = arith.divsi %sub3A_1720, %jit3A_1721 : i32
    %sign3A_1723 = arith.constant 0 : i32
    %sign3A_1724 = arith.cmpi sgt, %sub3A_1720, %sign3A_1723 : i32
    %sign3A_1725 = arith.extui %sign3A_1724 : i1 to i32
    %sign3A_1726 = arith.constant 0 : i32
    %sign3A_1727 = arith.cmpi slt, %sub3A_1720, %sign3A_1726 : i32
    %sign3A_1728 = arith.extui %sign3A_1727 : i1 to i32
    %sign3A_1729 = arith.subi %sign3A_1725, %sign3A_1728 : i32
    %sign3A_1730 = arith.constant 0 : i32
    %sign3A_1731 = arith.cmpi sgt, %jit3A_1721, %sign3A_1730 : i32
    %sign3A_1732 = arith.extui %sign3A_1731 : i1 to i32
    %sign3A_1733 = arith.constant 0 : i32
    %sign3A_1734 = arith.cmpi slt, %jit3A_1721, %sign3A_1733 : i32
    %sign3A_1735 = arith.extui %sign3A_1734 : i1 to i32
    %sign3A_1736 = arith.subi %sign3A_1732, %sign3A_1735 : i32
    %ne3A_1737 = arith.cmpi ne, %sign3A_1729, %sign3A_1736 : i32
    %rem3A_1738 = arith.remsi %sub3A_1720, %jit3A_1721 : i32
    %ne3A_1739 = arith.constant 0 : i32
    %ne3A_1740 = arith.cmpi ne, %rem3A_1738, %ne3A_1739 : i32
    %and3A_1741 = arith.andi %ne3A_1737, %ne3A_1740 : i1
    %sub3A_1742 = arith.constant 1 : i32
    %sub3A_1743 = arith.subi %div3A_1722, %sub3A_1742 : i32
    %select_n3A_1744 = arith.select %and3A_1741, %sub3A_1743, %div3A_1722 : i32
    %gt3A_1745 = arith.constant 0 : i32
    %gt3A_1746 = arith.cmpi sgt, %sub3A_1694, %gt3A_1745 : i32
    %sub3A_1747 = arith.subi %select_n3A_1744, %select_n3A_1718 : i32
    %add3A_1748 = arith.constant 1 : i32
    %add3A_1749 = arith.addi %sub3A_1747, %add3A_1748 : i32
    %jit3A_1750 = arith.constant 0 : i32
    %select_n3A_1751 = arith.select %gt3A_1746, %add3A_1749, %jit3A_1750 : i32
    %ge3A_1752 = vector.broadcast %add3A_1693 : i32 to vector<1x128xi32>
    %ge3A_1753 = arith.cmpi sge, %iota3A_456, %ge3A_1752 : vector<1x128xi32>
    %add3A_1754 = arith.addi %add3A_1693, %select_n3A_1751 : i32
    %lt3A_1755 = vector.broadcast %add3A_1754 : i32 to vector<1x128xi32>
    %lt3A_1756 = arith.cmpi slt, %iota3A_456, %lt3A_1755 : vector<1x128xi32>
    %and3A_1757 = arith.andi %ge3A_1753, %lt3A_1756 : vector<1x128xi1>
    %sub3A_1758 = vector.broadcast %add3A_1693 : i32 to vector<1x128xi32>
    %sub3A_1759 = arith.subi %iota3A_456, %sub3A_1758 : vector<1x128xi32>
    %add3A_1760 = vector.broadcast %select_n3A_1718 : i32 to vector<1x128xi32>
    %add3A_1761 = arith.addi %add3A_1760, %sub3A_1759 : vector<1x128xi32>
    %select_n3A_1762 = arith.select %and3A_1757, %add3A_1761, %select_n3A_1674 : vector<1x128xi1>, vector<1x128xi32>
    %jit3A_1763 = arith.constant 14 : i32
    %broadcast_in_dim3A_1764 = vector.broadcast %jit3A_1763 : i32 to vector<1x128xi32>
    %select_n3A_1765 = arith.select %and3A_1757, %broadcast_in_dim3A_1764, %select_n3A_1677 : vector<1x128xi1>, vector<1x128xi32>
    %mul3A_1766 = arith.constant 512 : i32
    %mul3A_1767 = vector.broadcast %mul3A_1766 : i32 to vector<1x128xi32>
    %mul3A_1768 = arith.muli %add3A_1761, %mul3A_1767 : vector<1x128xi32>
    %max3A_1769 = vector.broadcast %add3A_397 : i32 to vector<1x128xi32>
    %max3A_1770 = arith.maxsi %max3A_1769, %mul3A_1768 : vector<1x128xi32>
    %select_n3A_1771 = arith.select %and3A_1757, %max3A_1770, %select_n3A_1683 : vector<1x128xi1>, vector<1x128xi32>
    %add3A_1772 = arith.constant 1 : i32
    %add3A_1773 = vector.broadcast %add3A_1772 : i32 to vector<1x128xi32>
    %add3A_1774 = arith.addi %add3A_1761, %add3A_1773 : vector<1x128xi32>
    %mul3A_1775 = arith.constant 512 : i32
    %mul3A_1776 = vector.broadcast %mul3A_1775 : i32 to vector<1x128xi32>
    %mul3A_1777 = arith.muli %add3A_1774, %mul3A_1776 : vector<1x128xi32>
    %min3A_1778 = vector.broadcast %add3A_425 : i32 to vector<1x128xi32>
    %min3A_1779 = arith.minsi %min3A_1778, %mul3A_1777 : vector<1x128xi32>
    %select_n3A_1780 = arith.select %and3A_1757, %min3A_1779, %select_n3A_1692 : vector<1x128xi1>, vector<1x128xi32>
    %add3A_1781 = arith.addi %add3A_1693, %select_n3A_1751 : i32
    %sub3A_1782 = arith.subi %add3A_453, %add3A_425 : i32
    %jit3A_1783 = arith.constant 512 : i32
    %div3A_1784 = arith.divsi %add3A_425, %jit3A_1783 : i32
    %sign3A_1785 = arith.constant 0 : i32
    %sign3A_1786 = arith.cmpi sgt, %add3A_425, %sign3A_1785 : i32
    %sign3A_1787 = arith.extui %sign3A_1786 : i1 to i32
    %sign3A_1788 = arith.constant 0 : i32
    %sign3A_1789 = arith.cmpi slt, %add3A_425, %sign3A_1788 : i32
    %sign3A_1790 = arith.extui %sign3A_1789 : i1 to i32
    %sign3A_1791 = arith.subi %sign3A_1787, %sign3A_1790 : i32
    %sign3A_1792 = arith.constant 0 : i32
    %sign3A_1793 = arith.cmpi sgt, %jit3A_1783, %sign3A_1792 : i32
    %sign3A_1794 = arith.extui %sign3A_1793 : i1 to i32
    %sign3A_1795 = arith.constant 0 : i32
    %sign3A_1796 = arith.cmpi slt, %jit3A_1783, %sign3A_1795 : i32
    %sign3A_1797 = arith.extui %sign3A_1796 : i1 to i32
    %sign3A_1798 = arith.subi %sign3A_1794, %sign3A_1797 : i32
    %ne3A_1799 = arith.cmpi ne, %sign3A_1791, %sign3A_1798 : i32
    %rem3A_1800 = arith.remsi %add3A_425, %jit3A_1783 : i32
    %ne3A_1801 = arith.constant 0 : i32
    %ne3A_1802 = arith.cmpi ne, %rem3A_1800, %ne3A_1801 : i32
    %and3A_1803 = arith.andi %ne3A_1799, %ne3A_1802 : i1
    %sub3A_1804 = arith.constant 1 : i32
    %sub3A_1805 = arith.subi %div3A_1784, %sub3A_1804 : i32
    %select_n3A_1806 = arith.select %and3A_1803, %sub3A_1805, %div3A_1784 : i32
    %sub3A_1807 = arith.constant 1 : i32
    %sub3A_1808 = arith.subi %add3A_453, %sub3A_1807 : i32
    %jit3A_1809 = arith.constant 512 : i32
    %div3A_1810 = arith.divsi %sub3A_1808, %jit3A_1809 : i32
    %sign3A_1811 = arith.constant 0 : i32
    %sign3A_1812 = arith.cmpi sgt, %sub3A_1808, %sign3A_1811 : i32
    %sign3A_1813 = arith.extui %sign3A_1812 : i1 to i32
    %sign3A_1814 = arith.constant 0 : i32
    %sign3A_1815 = arith.cmpi slt, %sub3A_1808, %sign3A_1814 : i32
    %sign3A_1816 = arith.extui %sign3A_1815 : i1 to i32
    %sign3A_1817 = arith.subi %sign3A_1813, %sign3A_1816 : i32
    %sign3A_1818 = arith.constant 0 : i32
    %sign3A_1819 = arith.cmpi sgt, %jit3A_1809, %sign3A_1818 : i32
    %sign3A_1820 = arith.extui %sign3A_1819 : i1 to i32
    %sign3A_1821 = arith.constant 0 : i32
    %sign3A_1822 = arith.cmpi slt, %jit3A_1809, %sign3A_1821 : i32
    %sign3A_1823 = arith.extui %sign3A_1822 : i1 to i32
    %sign3A_1824 = arith.subi %sign3A_1820, %sign3A_1823 : i32
    %ne3A_1825 = arith.cmpi ne, %sign3A_1817, %sign3A_1824 : i32
    %rem3A_1826 = arith.remsi %sub3A_1808, %jit3A_1809 : i32
    %ne3A_1827 = arith.constant 0 : i32
    %ne3A_1828 = arith.cmpi ne, %rem3A_1826, %ne3A_1827 : i32
    %and3A_1829 = arith.andi %ne3A_1825, %ne3A_1828 : i1
    %sub3A_1830 = arith.constant 1 : i32
    %sub3A_1831 = arith.subi %div3A_1810, %sub3A_1830 : i32
    %select_n3A_1832 = arith.select %and3A_1829, %sub3A_1831, %div3A_1810 : i32
    %gt3A_1833 = arith.constant 0 : i32
    %gt3A_1834 = arith.cmpi sgt, %sub3A_1782, %gt3A_1833 : i32
    %sub3A_1835 = arith.subi %select_n3A_1832, %select_n3A_1806 : i32
    %add3A_1836 = arith.constant 1 : i32
    %add3A_1837 = arith.addi %sub3A_1835, %add3A_1836 : i32
    %jit3A_1838 = arith.constant 0 : i32
    %select_n3A_1839 = arith.select %gt3A_1834, %add3A_1837, %jit3A_1838 : i32
    %ge3A_1840 = vector.broadcast %add3A_1781 : i32 to vector<1x128xi32>
    %ge3A_1841 = arith.cmpi sge, %iota3A_456, %ge3A_1840 : vector<1x128xi32>
    %add3A_1842 = arith.addi %add3A_1781, %select_n3A_1839 : i32
    %lt3A_1843 = vector.broadcast %add3A_1842 : i32 to vector<1x128xi32>
    %lt3A_1844 = arith.cmpi slt, %iota3A_456, %lt3A_1843 : vector<1x128xi32>
    %and3A_1845 = arith.andi %ge3A_1841, %lt3A_1844 : vector<1x128xi1>
    %sub3A_1846 = vector.broadcast %add3A_1781 : i32 to vector<1x128xi32>
    %sub3A_1847 = arith.subi %iota3A_456, %sub3A_1846 : vector<1x128xi32>
    %add3A_1848 = vector.broadcast %select_n3A_1806 : i32 to vector<1x128xi32>
    %add3A_1849 = arith.addi %add3A_1848, %sub3A_1847 : vector<1x128xi32>
    %select_n3A_1850 = arith.select %and3A_1845, %add3A_1849, %select_n3A_1762 : vector<1x128xi1>, vector<1x128xi32>
    %jit3A_1851 = arith.constant 15 : i32
    %broadcast_in_dim3A_1852 = vector.broadcast %jit3A_1851 : i32 to vector<1x128xi32>
    %select_n3A_1853 = arith.select %and3A_1845, %broadcast_in_dim3A_1852, %select_n3A_1765 : vector<1x128xi1>, vector<1x128xi32>
    %mul3A_1854 = arith.constant 512 : i32
    %mul3A_1855 = vector.broadcast %mul3A_1854 : i32 to vector<1x128xi32>
    %mul3A_1856 = arith.muli %add3A_1849, %mul3A_1855 : vector<1x128xi32>
    %max3A_1857 = vector.broadcast %add3A_425 : i32 to vector<1x128xi32>
    %max3A_1858 = arith.maxsi %max3A_1857, %mul3A_1856 : vector<1x128xi32>
    %select_n3A_1859 = arith.select %and3A_1845, %max3A_1858, %select_n3A_1771 : vector<1x128xi1>, vector<1x128xi32>
    %add3A_1860 = arith.constant 1 : i32
    %add3A_1861 = vector.broadcast %add3A_1860 : i32 to vector<1x128xi32>
    %add3A_1862 = arith.addi %add3A_1849, %add3A_1861 : vector<1x128xi32>
    %mul3A_1863 = arith.constant 512 : i32
    %mul3A_1864 = vector.broadcast %mul3A_1863 : i32 to vector<1x128xi32>
    %mul3A_1865 = arith.muli %add3A_1862, %mul3A_1864 : vector<1x128xi32>
    %min3A_1866 = vector.broadcast %add3A_453 : i32 to vector<1x128xi32>
    %min3A_1867 = arith.minsi %min3A_1866, %mul3A_1865 : vector<1x128xi32>
    %select_n3A_1868 = arith.select %and3A_1845, %min3A_1867, %select_n3A_1780 : vector<1x128xi1>, vector<1x128xi32>
    %roll3A = arith.constant 1 : i32
    %roll3A_1869 = tpu.dynamic_rotate %select_n3A_1850 by %roll3A dim 1 : vector<1x128xi32>, i32 -> vector<1x128xi32>
    %ne3A_1870 = arith.cmpi ne, %select_n3A_1850, %roll3A_1869 : vector<1x128xi32>
    %eq3A_1871 = arith.constant 0 : i32
    %eq3A_1872 = vector.broadcast %eq3A_1871 : i32 to vector<1x128xi32>
    %eq3A_1873 = arith.cmpi eq, %iota3A_456, %eq3A_1872 : vector<1x128xi32>
    %or3A = arith.ori %ne3A_1870, %eq3A_1873 : vector<1x128xi1>
    %convert_element_type3A_1874 = arith.extui %or3A : vector<1x128xi1> to vector<1x128xi32>
    %broadcast_in_dim3A_1875 = vector.shape_cast %select_n3A_1850 : vector<1x128xi32> to vector<1x128xi32>
    %broadcast_in_dim3A_1876 = vector.broadcast %broadcast_in_dim3A_1875 : vector<1x128xi32> to vector<8x128xi32>
    %swap3A_1877 = arith.constant 0 : index
    %swap3A_1878 = arith.constant 0 : index
    %swap3A_1879 = vector.load %arg2[%swap3A_1877, %swap3A_1878] : memref<8x128xi32, #tpu.memory_space<vmem>>, vector<8x128xi32>
    tpu.vector_store %arg2[%swap3A_1877, %swap3A_1878], %broadcast_in_dim3A_1876 {strides = array<i32>} : memref<8x128xi32, #tpu.memory_space<vmem>>, vector<8x128xi32>,
    %broadcast_in_dim3A_1880 = vector.shape_cast %select_n3A_1853 : vector<1x128xi32> to vector<1x128xi32>
    %broadcast_in_dim3A_1881 = vector.broadcast %broadcast_in_dim3A_1880 : vector<1x128xi32> to vector<8x128xi32>
    %swap3A_1882 = arith.constant 0 : index
    %swap3A_1883 = arith.constant 0 : index
    %swap3A_1884 = vector.load %arg3[%swap3A_1882, %swap3A_1883] : memref<8x128xi32, #tpu.memory_space<vmem>>, vector<8x128xi32>
    tpu.vector_store %arg3[%swap3A_1882, %swap3A_1883], %broadcast_in_dim3A_1881 {strides = array<i32>} : memref<8x128xi32, #tpu.memory_space<vmem>>, vector<8x128xi32>,
    %broadcast_in_dim3A_1885 = vector.shape_cast %select_n3A_1859 : vector<1x128xi32> to vector<1x128xi32>
    %broadcast_in_dim3A_1886 = vector.broadcast %broadcast_in_dim3A_1885 : vector<1x128xi32> to vector<8x128xi32>
    %swap3A_1887 = arith.constant 0 : index
    %swap3A_1888 = arith.constant 0 : index
    %swap3A_1889 = vector.load %arg4[%swap3A_1887, %swap3A_1888] : memref<8x128xi32, #tpu.memory_space<vmem>>, vector<8x128xi32>
    tpu.vector_store %arg4[%swap3A_1887, %swap3A_1888], %broadcast_in_dim3A_1886 {strides = array<i32>} : memref<8x128xi32, #tpu.memory_space<vmem>>, vector<8x128xi32>,
    %broadcast_in_dim3A_1890 = vector.shape_cast %select_n3A_1868 : vector<1x128xi32> to vector<1x128xi32>
    %broadcast_in_dim3A_1891 = vector.broadcast %broadcast_in_dim3A_1890 : vector<1x128xi32> to vector<8x128xi32>
    %swap3A_1892 = arith.constant 0 : index
    %swap3A_1893 = arith.constant 0 : index
    %swap3A_1894 = vector.load %arg5[%swap3A_1892, %swap3A_1893] : memref<8x128xi32, #tpu.memory_space<vmem>>, vector<8x128xi32>
    tpu.vector_store %arg5[%swap3A_1892, %swap3A_1893], %broadcast_in_dim3A_1891 {strides = array<i32>} : memref<8x128xi32, #tpu.memory_space<vmem>>, vector<8x128xi32>,
    %broadcast_in_dim3A_1895 = vector.shape_cast %convert_element_type3A_1874 : vector<1x128xi32> to vector<1x128xi32>
    %broadcast_in_dim3A_1896 = vector.broadcast %broadcast_in_dim3A_1895 : vector<1x128xi32> to vector<8x128xi32>
    %swap3A_1897 = arith.constant 0 : index
    %swap3A_1898 = arith.constant 0 : index
    %swap3A_1899 = vector.load %arg6[%swap3A_1897, %swap3A_1898] : memref<8x128xi32, #tpu.memory_space<vmem>>, vector<8x128xi32>
    tpu.vector_store %arg6[%swap3A_1897, %swap3A_1898], %broadcast_in_dim3A_1896 {strides = array<i32>} : memref<8x128xi32, #tpu.memory_space<vmem>>, vector<8x128xi32>,
    return
  }
}

</mosaic_0001>

<sc_bundles>
// kernel: kernel.6.cloned.1.call-start
scs
__scs_entry_jumppad:
0x0: {  	(pc) =	sbr.rel $0x88, $3  }
0x1: {  	(tag) =	ssettag $0x0;
	lr =	simm.s32 $0x1  }
0x2: {  	[smem:$0x3F9E] =	sst lr;
	_ =	strace $0xD0000000  }
0x3: {  	_ = 	snop  }
0x4: {  	_ = 	snop  }
0x5: {  	_ = 	snop  }
0x6: {  	_ = 	snop  }
0x7: {  	_ = 	snop  }
__scs_overlays_trampoline_lowered:
0x8: {  	[smem:$0x3FAD] =	sst s0  }
0x9: {  	[smem:$0x3FAE] =	sst s1  }
0xa: {  	[smem:$0x3FAF] =	sst s2  }
0xb: {  	[smem:$0x3FB0] =	sst s3  }
0xc: {  	[smem:$0x3FB1] =	sst s4  }
0xd: {  	[smem:$0x3FB2] =	sst s5  }
0xe: {  	[smem:$0x3FB3] =	sst s6  }
0xf: {  	[smem:$0x3FB4] =	sst s7  }
0x10: {  	[smem:$0x3FB5] =	sst s8  }
0x11: {  	[smem:$0x3FB6] =	sst s9;
	s0 =	simm.s32 @!p0 $0x0  }
0x12: {  	s1 =	sld [smem:$0x3F9C];
	s0 =	simm.s32 @p0 $0x1  }
0x13: {  	[smem:$0x3FB7] =	sst s0;
	s0 =	simm.s32 @!p1 $0x0  }
0x14: {  	s2 =	sld [smem:$0x3F9B];
	s0 =	simm.s32 @p1 $0x1  }
0x15: {  	[smem:$0x3FB8] =	sst s0;
	s0 =	simm.s32 @!p2 $0x0  }
0x16: {  	s3 =	sld [smem:$0x3FDB];
	s0 =	simm.s32 @p2 $0x1  }
0x17: {  	s4 =	simm.s32 $0x1BF5;
	[smem:$0x3FBA] =	sst s0  }
0x18: {  	s0 =	sld [smem:$0x3F9D];
	_ =	swait.ge [sflag:s4], $0x0  }
0x19: {  	s7 =	sld [smem:$0x3F9E]  }
0x1a: {  	s8 =	sadd.s32 $0xFFFFE003, lr  }
0x1b: {  	s9 =	sadd.s32 $0xFFFFFEF7, lr;
	s5 =	simm.s32 $0xFFFFFFFF;
	p2 =	slt.u32 s8, $0xFFFFF086  }
0x1c: {  	p1 =	slt.u32 s9, $0xF7A;
	s5 =	simm.s32 @!p2 $0x0  }
0x1d: {  	s5 =	simm.s32 @p1 $0x1;
	p0 =	seq.s32 s7, s2  }
0x1e: {  	s7 =	smul.u32 @!p0 $0xF7A, s2;
	p2 =	seq.s32 @!p0 s5, $0x0  }
0x1f: {  	s9 =	smul.u32 $0xF7A, s1;
	s8 =	simm.s32 @!p0 $0x1BF5;
	p2 =	por !p2, p0  }
0x20: {  	[sflag:s8] =	ssyncset.s32 @!p0 $0xFFFFF086;
	s6 =	sadd.s32 @!p0 s3, s7;
	s7 =	simm.s32 @!p0 $0x108  }
0x21: {  	s3 =	sadd.s32 s3, s9;
	s6 =	sadd.s32 @!p0 $0x88, s6;
	s7 =	simm.s32 @p2 $0x1082  }
0x22: {  	[simem:s7], [sflag:s8] =	dma.local @!p0 [hbm:s6], $0xF7A  }
0x23: {  	s9 =	sor.u32 $0xD0000000, s2;
	s6 =	simm.s32 $0x108;
	_ =	swait.ge @!p0 [sflag:s8], $0x0  }
0x24: {  	s3 =	sadd.s32 $0x88, s3;
	s6 =	simm.s32 @!p1 $0x1082;
	[sflag:s4] =	ssyncset.s32 $0xFFFFF086  }
0x25: {  	[simem:s6], [sflag:s4] =	dma.local [hbm:s3], $0xF7A  }
0x26: {  	[smem:$0x3F9E] =	sst s1;
	(tag) =	ssettag s2;
	_ =	strace s9  }
0x27: {  	s1 =	sld [smem:$0x3FAE]  }
0x28: {  	s2 =	sld [smem:$0x3FAF]  }
0x29: {  	s4 =	sld [smem:$0x3FB1]  }
0x2a: {  	p0 =	seq.s32 s5, $0x0;
	s5 =	sld [smem:$0x3FB2]  }
0x2b: {  	s6 =	sld [smem:$0x3FB3]  }
0x2c: {  	s7 =	sld [smem:$0x3FB4]  }
0x2d: {  	s3 =	simm.s32 $0x108;
	s8 =	sld [smem:$0x3FB5]  }
0x2e: {  	s3 =	simm.s32 @!p0 $0x1082;
	s9 =	sld [smem:$0x3FB6]  }
0x2f: {  	lr =	sadd.s32 s0, s3;
	s0 =	sld [smem:$0x3FAD]  }
0x30: {  	s3 =	sld [smem:$0x3FB0]  }
0x31: {  	[smem:$0x3FB9] =	sst s10  }
0x32: {  	s10 =	sld [smem:$0x3FB7];
	_ =	sdelay $0x3  }
0x33: {  	p0 =	seq.s32 s10, $0x1;
	s10 =	sld [smem:$0x3FB9];
	_ =	sdelay $0x3  }
0x34: {  	[smem:$0x3FB9] =	sst s10  }
0x35: {  	s10 =	sld [smem:$0x3FB8];
	_ =	sdelay $0x3  }
0x36: {  	p1 =	seq.s32 s10, $0x1;
	s10 =	sld [smem:$0x3FB9];
	_ =	sdelay $0x3  }
0x37: {  	[smem:$0x3FB9] =	sst s10  }
0x38: {  	s10 =	sld [smem:$0x3FBA]  }
0x39: {  	_ = 	snop;
	(pc) =	sbr.ind lr, $3  }
0x3a: {  	_ = 	snop  }
0x3b: {  	_ = 	snop  }
0x3c: {  	p2 =	seq.s32 s10, $0x1;
	s10 =	sld [smem:$0x3FB9]  }
0x3d: {  	_ =	shalt  }
0x3e: {  	_ =	shalt  }
0x3f: {  	_ =	shalt  }
0x40: {  	_ =	shalt  }
0x41: {  	_ =	shalt  }
0x42: {  	_ =	shalt  }
0x43: {  	_ =	shalt  }
0x44: {  	_ =	shalt  }
0x45: {  	_ =	shalt  }
0x46: {  	_ =	shalt  }
0x47: {  	_ =	shalt  }
0x48: {  	_ =	shalt  }
0x49: {  	_ =	shalt  }
0x4a: {  	_ =	shalt  }
0x4b: {  	_ =	shalt  }
0x4c: {  	_ =	shalt  }
0x4d: {  	_ =	shalt  }
0x4e: {  	_ =	shalt  }
0x4f: {  	_ =	shalt  }
0x50: {  	_ =	shalt  }
0x51: {  	_ =	shalt  }
0x52: {  	_ =	shalt  }
0x53: {  	_ =	shalt  }
0x54: {  	_ =	shalt  }
0x55: {  	_ =	shalt  }
0x56: {  	_ =	shalt  }
0x57: {  	_ =	shalt  }
0x58: {  	_ =	shalt  }
0x59: {  	_ =	shalt  }
0x5a: {  	_ =	shalt  }
0x5b: {  	_ =	shalt  }
0x5c: {  	_ =	shalt  }
0x5d: {  	_ =	shalt  }
0x5e: {  	_ =	shalt  }
0x5f: {  	_ =	shalt  }
0x60: {  	_ =	shalt  }
0x61: {  	_ =	shalt  }
0x62: {  	_ =	shalt  }
0x63: {  	_ =	shalt  }
0x64: {  	_ =	shalt  }
0x65: {  	_ =	shalt  }
0x66: {  	_ =	shalt  }
0x67: {  	_ =	shalt  }
0x68: {  	_ =	shalt  }
0x69: {  	_ =	shalt  }
0x6a: {  	_ =	shalt  }
0x6b: {  	_ =	shalt  }
0x6c: {  	_ =	shalt  }
0x6d: {  	_ =	shalt  }
0x6e: {  	_ =	shalt  }
0x6f: {  	_ =	shalt  }
0x70: {  	_ =	shalt  }
0x71: {  	_ =	shalt  }
0x72: {  	_ =	shalt  }
0x73: {  	_ =	shalt  }
0x74: {  	_ =	shalt  }
0x75: {  	_ =	shalt  }
0x76: {  	_ =	shalt  }
0x77: {  	_ =	shalt  }
0x78: {  	_ =	shalt  }
0x79: {  	_ =	shalt  }
0x7a: {  	_ =	shalt  }
0x7b: {  	_ =	shalt  }
0x7c: {  	_ =	shalt  }
0x7d: {  	_ =	shalt  }
0x7e: {  	_ =	shalt  }
0x7f: {  	_ =	shalt  }
0x80: {  	_ =	shalt  }
0x81: {  	_ =	shalt  }
0x82: {  	_ =	shalt  }
0x83: {  	_ =	shalt  }
0x84: {  	_ =	shalt  }
0x85: {  	_ =	shalt  }
0x86: {  	_ =	shalt  }
0x87: {  	_ =	shalt  }
.Lfunc_end0:
.L_simem_size_0:
called_computation_lowered:
.L_overlay_start_0:
0x88: {  	s2 =	sld [smem:$0x3FD9]  }
0x89: {  	s3 =	sld [smem:$0x3FFE];
	_ =	sdelay $0x1  }
0x8a: {  	s1 =	srdreg.scid  }
0x8b: {  	s0 =	sand.u32 $0x1, s1  }
0x8c: {  	s17 =	sshll.u32 s0, $0xA;
	s2 =	sadd.s32 s3, s2  }
0x8d: {  	s2 =	sadd.s32 s2, s17  }
0x8e: {  	[smem:$0x3FC5] =	sst s2  }
0x8f: {  	_ = 	snop  }
0x90: {  	s2 =	sld [smem:$0x3FC9]  }
0x91: {  	s18 =	sld [smem:$0x3FD0];
	(tm) =	ssettm $0x1  }
0x92: {  	s4 =	sld [smem:$0x3FFB];
	_ =	sdelay $0x3  }
0x93: {  	_ =	strace s4  }
0x94: {  	s4 =	sld [smem:$0x3FFC];
	_ =	sdelay $0x3  }
0x95: {  	_ =	strace s4  }
0x96: {  	s4 =	sld [smem:$0x3FFD];
	_ =	sdelay $0x3  }
0x97: {  	_ =	strace s4  }
0x98: {  	_ =	strace $0x8FFFFFFF  }
0x99: {  	s19 =	sld [smem:$0x3FDB];
	_ =	sdelay $0x1  }
0x9a: {  	s5 =	simm.s32 $_scs_section_size  }
0x9b: {  	s6 =	simm.s32 $_size__tile_overlayer_lowered;
	s7 =	simm.s32 $_tile_overlayer_lowered  }
0x9c: {  	s22 =	simm.s32 $0x1BFF;
	s21 =	sshll.u32 s7, $0x1;
	s4 =	sadd.s32 s5, s19  }
0x9d: {  	s8 =	simm.s32 $0x0;
	s20 =	sshll.u32 s6, $0x1;
	s6 =	sadd.s32 s21, s4  }
0x9e: {  	[timem:s8], [sflag:s22] =	dma.local [hbm:s6], s20  }
0x9f: {  	_ =	swait.ge [sflag:s22], s20  }
0xa0: {  	s5 =	ssub.s32 $0x0, s20;
	[sflag:s22] =	ssyncset.done $0x0  }
0xa1: {  	[sflag:s22] =	ssyncadd.s32 s5;
	_ =	sdelay $0x1  }
0xa2: {  	s23 =	simm.s32 $0x1B8B  }
0xa3: {  	_ =	swait.ge [sflag:s23], $0x1  }
0xa4: {  	[sflag:s23] =	ssyncset.done $0x0  }
0xa5: {  	s25 =	simm.s32 $0x1B8E;
	s24 =	sld [smem:$0x3FFE];
	[sflag:s23] =	ssyncadd.s32 $0xFFFFFFFF  }
0xa6: {  	s26 =	simm.s32 $execute0_lowered;
	[smem:$0x3FD2] =	sst s25  }
0xa7: {  	s6 =	sshll.u32 s26, $0x1;
	_ =	strace $0x80000046;
	[dreg:$0x1] =	wrdreg $0xFFFFFFFF  }
0xa8: {  	s28 =	simm.s32 $_size_execute0_lowered;
	s4 =	sadd.s32 s4, s6;
	[dreg:$0x0] =	wrdreg $0x0  }
0xa9: {  	s6 =	sshll.u32 s28, $0x1;
	[dreg:$0x2] =	wrdreg s4  }
0xaa: {  	[dreg:$0x3] =	wrdreg s6  }
0xab: {  	[dreg:$0x4] =	wrdreg $0xC0  }
0xac: {  	_ =	task [dreg:s8], $0x5FFFF  }
0xad: {  	[dreg:$0x1] =	wrdreg $0xFFFFFFFF  }
0xae: {  	[dreg:$0x0] =	wrdreg $0x60  }
0xaf: {  	[dreg:$0x2] =	wrdreg s2  }
0xb0: {  	[dreg:$0x3] =	wrdreg s18  }
0xb1: {  	[dreg:$0x4] =	wrdreg s24  }
0xb2: {  	[dreg:$0x5] =	wrdreg $0x9  }
0xb3: {  	_ =	task.clear_ibuf [dreg:s8], $0x6FFFF;
	_ =	strace $0x90000046  }
0xb4: {  	s29 =	simm.s32 $0x9;
	_ =	strace $0x80000048  }
0xb5: {  	_ =	swait.ge [sflag:s29], $0x1  }
0xb6: {  	[sflag:s29] =	ssyncadd.s32 $0xFFFFFFFF  }
0xb7: {  	_ =	strace $0x90000048  }
0xb8: {  	_ =	sfence  }
0xb9: {  	s30 =	sld [smem:$0x0];
	_ =	sdelay $0x2  }
0xba: {  	s31 =	sshll.u32 s1, $0xD;
	s1 =	sshrl.u32 s1, $0x2  }
0xbb: {  	s3 =	sand.u32 $0x4000, s31;
	s1 =	sadd.s32 s1, s30  }
0xbc: {  	s0 =	sor.u32 s3, s0;
	s1 =	sshll.u32 s1, $0x11  }
0xbd: {  	s0 =	sor.u32 s1, s0  }
0xbe: {  	s0 =	sadd.s32 $0x8F2B, s0  }
0xbf: {  	[sflag:s0] =	ssyncadd.remote.s32 $0x1  }
0xc0: {  	_ =	sfence.sel $0xFFFF  }
0xc1: {  	[dreg:$0x0] =	wrdreg $0xFFFFFFFF;
	(pc) =	sbr.abs _section_cstart, $3  }
0xc2: {  	[dreg:$0x1] =	wrdreg $0xFFFFFFFF  }
0xc3: {  	_ =	task.clear_ibuf [dreg:s8], $0x2FFFF;
	_ =	strace $0x9FFFFFFF  }
0xc4: {  	(tm) =	ssettm $0x7FFFFFFF  }
0xc5: {  	_ =	shalt  }
tec
execute0_lowered:
.L_overlay_start_1:
0x0: {  	(tag) =	ssettag $0x1  }
0x1: {  	s0 =	rddreg [dreg:$0x0]  }
0x2: {  	s1 =	srdreg.scid;
	s3 =	rddreg [dreg:$0x1]  }
0x3: {  	s2 =	stileid.u32;
	s7 =	rddreg [dreg:$0x2];
	s13 =	simm.s32 $0x1  }
0x4: {  	s30 =	simm.s32 $0x2;
	s10 =	simm.s32 $0x400;
	s9 =	simm.s32 $0x10400  }
0x5: {  	s29 =	simm.s32 $0xAC00;
	s28 =	simm.s32 $0xBC00;
	s31 =	simm.s32 $0xC400  }
0x6: {  	s11 =	simm.s32 $0x11C00;
	s12 =	simm.s32 $0x12400;
	s14 =	simm.s32 $0x12C00  }
0x7: {  	s15 =	simm.s32 $0x13400;
	s16 =	simm.s32 $0x13C00;
	s17 =	simm.s32 $0x14400  }
0x8: {  	s1 =	sand.u32 $0x1, s1;
	s2 =	sshll.u32 s2, $0x1;
	s6 =	sadd.s32 $0x1000, s7  }
0x9: {  	s4 =	sor.u32 s1, s2;
	s2 =	simm.s32 $0x0;
	s1 =	ssub.s32 $0x2, s1  }
0xa: {  	s5 =	sshll.u32 s4, $0xF;
	[smem:$0x7FF] =	sst s2;
	s19 =	sshll.u32 s4, $0x7  }
0xb: {  	s4 =	sadd.s32 $0xE00, s7;
	s22 =	sshrl.u32 s1, $0x1;
	s20 =	sadd.s32 s3, s19  }
0xc: {  	s8 =	sadd.s32 s0, s5;
	_ =	strace $0x80000047;
	[dreg:$0x6] =	wrdreg s20  }
0xd: {  	s1 =	ssub.s32 s1, s22;
	s0 =	sadd.s32 $0x1000, s8;
	[dreg:$0xc] =	wrdreg s8  }
0xe: {  	s5 =	sadd.s32 $0xF00, s7;
	s18 =	sadd.s32 $0x2000, s8;
	[dreg:$0x4] =	wrdreg s0  }
0xf: {  	s7 =	sadd.s32 $0x1100, s7;
	s21 =	sadd.s32 $0x3000, s8;
	[dreg:$0x5] =	wrdreg s18  }
0x10: {  	s3 =	simm.s32 $0x11400;
	s23 =	sadd.s32 $0x4000, s8;
	[dreg:$0x7] =	wrdreg s21  }
0x11: {  	s19 =	simm.s32 $0x15400;
	s24 =	sadd.s32 $0x5000, s8;
	[dreg:$0x8] =	wrdreg s23  }
0x12: {  	s22 =	simm.s32 $0x16C00;
	s25 =	sadd.s32 $0x6000, s8;
	[dreg:$0x9] =	wrdreg s24  }
0x13: {  	v2 =	vlaneseq.u32;
	s26 =	sadd.s32 $0x7000, s8;
	s8 =	smax.u32 s1, $0x1;
	[dreg:$0xa] =	wrdreg s25  }
0x14: {  	vm0 =	vmmov $0xffff;
	v1 =	vshrl.u32 v2, $0x3;
	s20 =	simm.s32 $0x15C00;
	[dreg:$0xb] =	wrdreg s26;
	s26 =	simm.s32 $0xB400  }
0x15: {  	v0 =	vand.u32 $0x7, v2;
	v2 =	vor.u32 $0x8, v2;
	v1 =	vmul.u32 $0x8, v1;
	s18 =	simm.s32 $0x14C00;
	s21 =	simm.s32 $0x16400;
	s23 =	simm.s32 $0x17400  }
.LBB2_1:
0x16: {  	s25 =	rddreg [dreg:$0xc]  }
0x17: {  	[tilespmem:s10], [sflag:$0x1] =	stream.linear.gather [hbm4b:s25+s2], $0x8000, $0x38;
	[tilespmem:$0x18400] =	vst v63  }
0x18: {  	s24 =	rddreg [dreg:$0x4];
	s0 =	simm.s32 $0x8400  }
0x19: {  	[tilespmem:s0], [sflag:$0x1] =	stream.linear.gather [hbm4b:s24+s2], $0x8000, $0x38;
	[tilespmem:$0x18400] =	vst v63  }
0x1a: {  	s25 =	rddreg [dreg:$0x5]  }
0x1b: {  	[tilespmem:s9], [sflag:$0x1] =	stream.linear.gather [hbm4b:s25+s2], $0x8000, $0x38;
	[tilespmem:$0x18400] =	vst v63  }
0x1c: {  	s1 =	rddreg [dreg:$0x6]  }
0x1d: {  	[tilespmem:s2], [sflag:$0x3] =	stream.linear.gather [hbm4b:s1+s2], $0x400, $0x38;
	[tilespmem:$0x18400] =	vst v63  }
0x1e: {  	s1 =	simm.s32 $0x3  }
0x1f: {  	_ =	swait.ge [sflag:s1], $0x400  }
0x20: {  	[sflag:s1] =	ssyncset.done $0x0  }
0x21: {  	[sflag:s1] =	ssyncadd.s32 $0xFFFFFC00  }
0x22: {  	_ =	swait.ge [sflag:s13], $0x8000  }
0x23: {  	[sflag:s13] =	ssyncset.done $0x0  }
0x24: {  	[sflag:s13] =	ssyncadd.s32 $0xFFFF8000  }
0x25: {  	v3 =	vld [tilespmem:$0x0];
	_ =	sdelay $0x4  }
0x26: {  	v4 =	vshll.u32 v3, $0x3  }
0x27: {  	v3 =	vand.u32 $0x7, v3;
	v4 =	vand.u32 $0xFFFFFFC0, v4  }
0x28: {  	v3 =	vor.u32 v3, v4  }
0x29: {  	v4 =	vperm.xlane v3, v0;
	_ =	sdelay $0x1  }
0x2a: {  	v4 =	vadd.s32 v1, v4;
	_ =	sdelay $0x4  }
0x2b: {  	[hbm4b:s4+s2] =	stream.indirect_vreg.scatter [tilespmem:s10], [sflag:$0x2], $0x80, v4, vm0, $0xb8;
	[tilespmem:$0x18400] =	vst v63  }
0x2c: {  	s1 =	simm.s32 $0xC00;
	v3 =	vperm.xlane v3, v2  }
0x2d: {  	[hbm4b:s5+s2] =	stream.indirect_vreg.scatter [tilespmem:s1], [sflag:$0x2], $0x80, v4, vm0, $0xb8;
	[tilespmem:$0x18400] =	vst v63  }
0x2e: {  	s24 =	simm.s32 $0x1400;
	v3 =	vadd.s32 v1, v3  }
0x2f: {  	[hbm4b:s6+s2] =	stream.indirect_vreg.scatter [tilespmem:s24], [sflag:$0x2], $0x80, v4, vm0, $0xb8;
	[tilespmem:$0x18400] =	vst v63  }
0x30: {  	s25 =	simm.s32 $0x1C00  }
0x31: {  	[hbm4b:s7+s2] =	stream.indirect_vreg.scatter [tilespmem:s25], [sflag:$0x2], $0x80, v4, vm0, $0xb8;
	[tilespmem:$0x18400] =	vst v63  }
0x32: {  	s24 =	simm.s32 $0x2400  }
0x33: {  	[hbm4b:s4+s2] =	stream.indirect_vreg.scatter [tilespmem:s24], [sflag:$0x2], $0x80, v3, vm0, $0xb8;
	[tilespmem:$0x18400] =	vst v63  }
0x34: {  	s25 =	simm.s32 $0x2C00  }
0x35: {  	[hbm4b:s5+s2] =	stream.indirect_vreg.scatter [tilespmem:s25], [sflag:$0x2], $0x80, v3, vm0, $0xb8;
	[tilespmem:$0x18400] =	vst v63  }
0x36: {  	s24 =	simm.s32 $0x3400  }
0x37: {  	[hbm4b:s6+s2] =	stream.indirect_vreg.scatter [tilespmem:s24], [sflag:$0x2], $0x80, v3, vm0, $0xb8;
	[tilespmem:$0x18400] =	vst v63  }
0x38: {  	s25 =	simm.s32 $0x3C00  }
0x39: {  	[hbm4b:s7+s2] =	stream.indirect_vreg.scatter [tilespmem:s25], [sflag:$0x2], $0x80, v3, vm0, $0xb8;
	[tilespmem:$0x18400] =	vst v63  }
0x3a: {  	v3 =	vld [tilespmem:$0x10];
	_ =	sdelay $0x4  }
0x3b: {  	v49 =	vshll.u32 v3, $0x3  }
0x3c: {  	v3 =	vand.u32 $0x7, v3;
	v4 =	vand.u32 $0xFFFFFFC0, v49  }
0x3d: {  	v3 =	vor.u32 v3, v4  }
0x3e: {  	v4 =	vperm.xlane v3, v0;
	_ =	sdelay $0x1  }
0x3f: {  	v4 =	vadd.s32 v1, v4;
	_ =	sdelay $0x3  }
0x40: {  	s24 =	simm.s32 $0x4400  }
0x41: {  	[hbm4b:s4+s2] =	stream.indirect_vreg.scatter [tilespmem:s24], [sflag:$0x2], $0x80, v4, vm0, $0xb8;
	[tilespmem:$0x18400] =	vst v63  }
0x42: {  	s25 =	simm.s32 $0x4C00;
	v3 =	vperm.xlane v3, v2  }
0x43: {  	[hbm4b:s5+s2] =	stream.indirect_vreg.scatter [tilespmem:s25], [sflag:$0x2], $0x80, v4, vm0, $0xb8;
	[tilespmem:$0x18400] =	vst v63  }
0x44: {  	v3 =	vadd.s32 v1, v3;
	s24 =	simm.s32 $0x5400  }
0x45: {  	[hbm4b:s6+s2] =	stream.indirect_vreg.scatter [tilespmem:s24], [sflag:$0x2], $0x80, v4, vm0, $0xb8;
	[tilespmem:$0x18400] =	vst v63  }
0x46: {  	s25 =	simm.s32 $0x5C00  }
0x47: {  	[hbm4b:s7+s2] =	stream.indirect_vreg.scatter [tilespmem:s25], [sflag:$0x2], $0x80, v4, vm0, $0xb8;
	[tilespmem:$0x18400] =	vst v63  }
0x48: {  	s24 =	simm.s32 $0x6400  }
0x49: {  	[hbm4b:s4+s2] =	stream.indirect_vreg.scatter [tilespmem:s24], [sflag:$0x2], $0x80, v3, vm0, $0xb8;
	[tilespmem:$0x18400] =	vst v63  }
0x4a: {  	s25 =	simm.s32 $0x6C00  }
0x4b: {  	[hbm4b:s5+s2] =	stream.indirect_vreg.scatter [tilespmem:s25], [sflag:$0x2], $0x80, v3, vm0, $0xb8;
	[tilespmem:$0x18400] =	vst v63  }
0x4c: {  	s24 =	simm.s32 $0x7400  }
0x4d: {  	[hbm4b:s6+s2] =	stream.indirect_vreg.scatter [tilespmem:s24], [sflag:$0x2], $0x80, v3, vm0, $0xb8;
	[tilespmem:$0x18400] =	vst v63  }
0x4e: {  	s25 =	simm.s32 $0x7C00  }
0x4f: {  	[hbm4b:s7+s2] =	stream.indirect_vreg.scatter [tilespmem:s25], [sflag:$0x2], $0x80, v3, vm0, $0xb8;
	[tilespmem:$0x18400] =	vst v63  }
0x50: {  	_ =	swait.ge [sflag:s30], $0x8000  }
0x51: {  	[sflag:s30] =	ssyncset.done $0x0  }
0x52: {  	s1 =	rddreg [dreg:$0x7];
	[sflag:s30] =	ssyncadd.s32 $0xFFFF8000  }
0x53: {  	[tilespmem:s10], [sflag:$0x1] =	stream.linear.gather [hbm4b:s1+s2], $0x8000, $0x38;
	[tilespmem:$0x18400] =	vst v63  }
0x54: {  	_ =	swait.ge [sflag:s13], $0x8000  }
0x55: {  	[sflag:s13] =	ssyncset.done $0x0  }
0x56: {  	[sflag:s13] =	ssyncadd.s32 $0xFFFF8000  }
0x57: {  	v3 =	vld [tilespmem:$0x80];
	_ =	sdelay $0x4  }
0x58: {  	v50 =	vshll.u32 v3, $0x3  }
0x59: {  	v3 =	vand.u32 $0x7, v3;
	v4 =	vand.u32 $0xFFFFFFC0, v50  }
0x5a: {  	v3 =	vor.u32 v3, v4  }
0x5b: {  	v4 =	vperm.xlane v3, v0;
	_ =	sdelay $0x1  }
0x5c: {  	v4 =	vadd.s32 v1, v4;
	_ =	sdelay $0x4  }
0x5d: {  	[hbm4b:s4+s2] =	stream.indirect_vreg.scatter [tilespmem:s0], [sflag:$0x2], $0x80, v4, vm0, $0xb8;
	[tilespmem:$0x18400] =	vst v63  }
0x5e: {  	s25 =	simm.s32 $0x8C00;
	v3 =	vperm.xlane v3, v2  }
0x5f: {  	[hbm4b:s5+s2] =	stream.indirect_vreg.scatter [tilespmem:s25], [sflag:$0x2], $0x80, v4, vm0, $0xb8;
	[tilespmem:$0x18400] =	vst v63  }
0x60: {  	s24 =	simm.s32 $0x9400;
	v3 =	vadd.s32 v1, v3  }
0x61: {  	[hbm4b:s6+s2] =	stream.indirect_vreg.scatter [tilespmem:s24], [sflag:$0x2], $0x80, v4, vm0, $0xb8;
	[tilespmem:$0x18400] =	vst v63  }
0x62: {  	s25 =	simm.s32 $0x9C00  }
0x63: {  	[hbm4b:s7+s2] =	stream.indirect_vreg.scatter [tilespmem:s25], [sflag:$0x2], $0x80, v4, vm0, $0xb8;
	[tilespmem:$0x18400] =	vst v63  }
0x64: {  	s24 =	simm.s32 $0xA400  }
0x65: {  	[hbm4b:s4+s2] =	stream.indirect_vreg.scatter [tilespmem:s24], [sflag:$0x2], $0x80, v3, vm0, $0xb8;
	[tilespmem:$0x18400] =	vst v63  }
0x66: {  	_ = 	snop  }
0x67: {  	[hbm4b:s5+s2] =	stream.indirect_vreg.scatter [tilespmem:s29], [sflag:$0x2], $0x80, v3, vm0, $0xb8;
	[tilespmem:$0x18400] =	vst v63  }
0x68: {  	_ = 	snop  }
0x69: {  	[hbm4b:s6+s2] =	stream.indirect_vreg.scatter [tilespmem:s26], [sflag:$0x2], $0x80, v3, vm0, $0xb8;
	[tilespmem:$0x18400] =	vst v63  }
0x6a: {  	_ = 	snop  }
0x6b: {  	[hbm4b:s7+s2] =	stream.indirect_vreg.scatter [tilespmem:s28], [sflag:$0x2], $0x80, v3, vm0, $0xb8;
	[tilespmem:$0x18400] =	vst v63  }
0x6c: {  	v3 =	vld [tilespmem:$0x90];
	_ =	sdelay $0x4  }
0x6d: {  	v51 =	vshll.u32 v3, $0x3  }
0x6e: {  	v3 =	vand.u32 $0x7, v3;
	v4 =	vand.u32 $0xFFFFFFC0, v51  }
0x6f: {  	v3 =	vor.u32 v3, v4  }
0x70: {  	v4 =	vperm.xlane v3, v0;
	_ =	sdelay $0x1  }
0x71: {  	v4 =	vadd.s32 v1, v4;
	_ =	sdelay $0x4  }
0x72: {  	[hbm4b:s4+s2] =	stream.indirect_vreg.scatter [tilespmem:s31], [sflag:$0x2], $0x80, v4, vm0, $0xb8;
	[tilespmem:$0x18400] =	vst v63  }
0x73: {  	s25 =	simm.s32 $0xCC00;
	v3 =	vperm.xlane v3, v2  }
0x74: {  	[hbm4b:s5+s2] =	stream.indirect_vreg.scatter [tilespmem:s25], [sflag:$0x2], $0x80, v4, vm0, $0xb8;
	[tilespmem:$0x18400] =	vst v63  }
0x75: {  	s24 =	simm.s32 $0xD400;
	v3 =	vadd.s32 v1, v3  }
0x76: {  	[hbm4b:s6+s2] =	stream.indirect_vreg.scatter [tilespmem:s24], [sflag:$0x2], $0x80, v4, vm0, $0xb8;
	[tilespmem:$0x18400] =	vst v63  }
0x77: {  	s25 =	simm.s32 $0xDC00  }
0x78: {  	[hbm4b:s7+s2] =	stream.indirect_vreg.scatter [tilespmem:s25], [sflag:$0x2], $0x80, v4, vm0, $0xb8;
	[tilespmem:$0x18400] =	vst v63  }
0x79: {  	s24 =	simm.s32 $0xE400  }
0x7a: {  	[hbm4b:s4+s2] =	stream.indirect_vreg.scatter [tilespmem:s24], [sflag:$0x2], $0x80, v3, vm0, $0xb8;
	[tilespmem:$0x18400] =	vst v63  }
0x7b: {  	s25 =	simm.s32 $0xEC00  }
0x7c: {  	[hbm4b:s5+s2] =	stream.indirect_vreg.scatter [tilespmem:s25], [sflag:$0x2], $0x80, v3, vm0, $0xb8;
	[tilespmem:$0x18400] =	vst v63  }
0x7d: {  	s24 =	simm.s32 $0xF400  }
0x7e: {  	[hbm4b:s6+s2] =	stream.indirect_vreg.scatter [tilespmem:s24], [sflag:$0x2], $0x80, v3, vm0, $0xb8;
	[tilespmem:$0x18400] =	vst v63  }
0x7f: {  	s25 =	simm.s32 $0xFC00  }
0x80: {  	[hbm4b:s7+s2] =	stream.indirect_vreg.scatter [tilespmem:s25], [sflag:$0x2], $0x80, v3, vm0, $0xb8;
	[tilespmem:$0x18400] =	vst v63  }
0x81: {  	_ =	swait.ge [sflag:s30], $0x8000  }
0x82: {  	[sflag:s30] =	ssyncset.done $0x0  }
0x83: {  	s1 =	rddreg [dreg:$0x8];
	[sflag:s30] =	ssyncadd.s32 $0xFFFF8000  }
0x84: {  	[tilespmem:s0], [sflag:$0x1] =	stream.linear.gather [hbm4b:s1+s2], $0x8000, $0x38;
	[tilespmem:$0x18400] =	vst v63  }
0x85: {  	_ =	swait.ge [sflag:s13], $0x8000  }
0x86: {  	[sflag:s13] =	ssyncset.done $0x0  }
0x87: {  	[sflag:s13] =	ssyncadd.s32 $0xFFFF8000  }
0x88: {  	v3 =	vld [tilespmem:$0x100];
	_ =	sdelay $0x4  }
0x89: {  	v52 =	vshll.u32 v3, $0x3  }
0x8a: {  	v3 =	vand.u32 $0x7, v3;
	v4 =	vand.u32 $0xFFFFFFC0, v52  }
0x8b: {  	v3 =	vor.u32 v3, v4  }
0x8c: {  	v4 =	vperm.xlane v3, v0;
	_ =	sdelay $0x1  }
0x8d: {  	v4 =	vadd.s32 v1, v4;
	_ =	sdelay $0x4  }
0x8e: {  	[hbm4b:s4+s2] =	stream.indirect_vreg.scatter [tilespmem:s9], [sflag:$0x2], $0x80, v4, vm0, $0xb8;
	[tilespmem:$0x18400] =	vst v63  }
0x8f: {  	s1 =	simm.s32 $0x10C00;
	v3 =	vperm.xlane v3, v2  }
0x90: {  	[hbm4b:s5+s2] =	stream.indirect_vreg.scatter [tilespmem:s1], [sflag:$0x2], $0x80, v4, vm0, $0xb8;
	[tilespmem:$0x18400] =	vst v63  }
0x91: {  	v3 =	vadd.s32 v1, v3  }
0x92: {  	[hbm4b:s6+s2] =	stream.indirect_vreg.scatter [tilespmem:s3], [sflag:$0x2], $0x80, v4, vm0, $0xb8;
	[tilespmem:$0x18400] =	vst v63  }
0x93: {  	_ = 	snop  }
0x94: {  	[hbm4b:s7+s2] =	stream.indirect_vreg.scatter [tilespmem:s11], [sflag:$0x2], $0x80, v4, vm0, $0xb8;
	[tilespmem:$0x18400] =	vst v63  }
0x95: {  	_ = 	snop  }
0x96: {  	[hbm4b:s4+s2] =	stream.indirect_vreg.scatter [tilespmem:s12], [sflag:$0x2], $0x80, v3, vm0, $0xb8;
	[tilespmem:$0x18400] =	vst v63  }
0x97: {  	_ = 	snop  }
0x98: {  	[hbm4b:s5+s2] =	stream.indirect_vreg.scatter [tilespmem:s14], [sflag:$0x2], $0x80, v3, vm0, $0xb8;
	[tilespmem:$0x18400] =	vst v63  }
0x99: {  	_ = 	snop  }
0x9a: {  	[hbm4b:s6+s2] =	stream.indirect_vreg.scatter [tilespmem:s15], [sflag:$0x2], $0x80, v3, vm0, $0xb8;
	[tilespmem:$0x18400] =	vst v63  }
0x9b: {  	_ = 	snop  }
0x9c: {  	[hbm4b:s7+s2] =	stream.indirect_vreg.scatter [tilespmem:s16], [sflag:$0x2], $0x80, v3, vm0, $0xb8;
	[tilespmem:$0x18400] =	vst v63  }
0x9d: {  	v3 =	vld [tilespmem:$0x110];
	_ =	sdelay $0x4  }
0x9e: {  	v53 =	vshll.u32 v3, $0x3  }
0x9f: {  	v3 =	vand.u32 $0x7, v3;
	v4 =	vand.u32 $0xFFFFFFC0, v53  }
0xa0: {  	v3 =	vor.u32 v3, v4  }
0xa1: {  	v4 =	vperm.xlane v3, v0;
	_ =	sdelay $0x1  }
0xa2: {  	v4 =	vadd.s32 v1, v4;
	_ =	sdelay $0x4  }
0xa3: {  	[hbm4b:s4+s2] =	stream.indirect_vreg.scatter [tilespmem:s17], [sflag:$0x2], $0x80, v4, vm0, $0xb8;
	[tilespmem:$0x18400] =	vst v63  }
0xa4: {  	v3 =	vperm.xlane v3, v2  }
0xa5: {  	[hbm4b:s5+s2] =	stream.indirect_vreg.scatter [tilespmem:s18], [sflag:$0x2], $0x80, v4, vm0, $0xb8;
	[tilespmem:$0x18400] =	vst v63  }
0xa6: {  	v3 =	vadd.s32 v1, v3  }
0xa7: {  	[hbm4b:s6+s2] =	stream.indirect_vreg.scatter [tilespmem:s19], [sflag:$0x2], $0x80, v4, vm0, $0xb8;
	[tilespmem:$0x18400] =	vst v63  }
0xa8: {  	_ = 	snop  }
0xa9: {  	[hbm4b:s7+s2] =	stream.indirect_vreg.scatter [tilespmem:s20], [sflag:$0x2], $0x80, v4, vm0, $0xb8;
	[tilespmem:$0x18400] =	vst v63  }
0xaa: {  	_ = 	snop  }
0xab: {  	[hbm4b:s4+s2] =	stream.indirect_vreg.scatter [tilespmem:s21], [sflag:$0x2], $0x80, v3, vm0, $0xb8;
	[tilespmem:$0x18400] =	vst v63  }
0xac: {  	_ = 	snop  }
0xad: {  	[hbm4b:s5+s2] =	stream.indirect_vreg.scatter [tilespmem:s22], [sflag:$0x2], $0x80, v3, vm0, $0xb8;
	[tilespmem:$0x18400] =	vst v63  }
0xae: {  	_ = 	snop  }
0xaf: {  	[hbm4b:s6+s2] =	stream.indirect_vreg.scatter [tilespmem:s23], [sflag:$0x2], $0x80, v3, vm0, $0xb8;
	[tilespmem:$0x18400] =	vst v63  }
0xb0: {  	s25 =	simm.s32 $0x17C00  }
0xb1: {  	[hbm4b:s7+s2] =	stream.indirect_vreg.scatter [tilespmem:s25], [sflag:$0x2], $0x80, v3, vm0, $0xb8;
	[tilespmem:$0x18400] =	vst v63  }
0xb2: {  	_ =	swait.ge [sflag:s30], $0x8000  }
0xb3: {  	[sflag:s30] =	ssyncset.done $0x0  }
0xb4: {  	s24 =	rddreg [dreg:$0x9];
	[sflag:s30] =	ssyncadd.s32 $0xFFFF8000  }
0xb5: {  	[tilespmem:s9], [sflag:$0x1] =	stream.linear.gather [hbm4b:s24+s2], $0x8000, $0x38;
	[tilespmem:$0x18400] =	vst v63  }
0xb6: {  	_ =	swait.ge [sflag:s13], $0x8000  }
0xb7: {  	[sflag:s13] =	ssyncset.done $0x0  }
0xb8: {  	[sflag:s13] =	ssyncadd.s32 $0xFFFF8000  }
0xb9: {  	v3 =	vld [tilespmem:$0x180];
	_ =	sdelay $0x4  }
0xba: {  	v54 =	vshll.u32 v3, $0x3  }
0xbb: {  	v3 =	vand.u32 $0x7, v3;
	v4 =	vand.u32 $0xFFFFFFC0, v54  }
0xbc: {  	v3 =	vor.u32 v3, v4  }
0xbd: {  	v4 =	vperm.xlane v3, v0;
	_ =	sdelay $0x1  }
0xbe: {  	v4 =	vadd.s32 v1, v4;
	_ =	sdelay $0x4  }
0xbf: {  	[hbm4b:s4+s2] =	stream.indirect_vreg.scatter [tilespmem:s10], [sflag:$0x2], $0x80, v4, vm0, $0xb8;
	[tilespmem:$0x18400] =	vst v63  }
0xc0: {  	s24 =	simm.s32 $0xC00;
	v3 =	vperm.xlane v3, v2  }
0xc1: {  	[hbm4b:s5+s2] =	stream.indirect_vreg.scatter [tilespmem:s24], [sflag:$0x2], $0x80, v4, vm0, $0xb8;
	[tilespmem:$0x18400] =	vst v63  }
0xc2: {  	v3 =	vadd.s32 v1, v3;
	s24 =	simm.s32 $0x1400  }
0xc3: {  	[hbm4b:s6+s2] =	stream.indirect_vreg.scatter [tilespmem:s24], [sflag:$0x2], $0x80, v4, vm0, $0xb8;
	[tilespmem:$0x18400] =	vst v63  }
0xc4: {  	s24 =	simm.s32 $0x1C00  }
0xc5: {  	[hbm4b:s7+s2] =	stream.indirect_vreg.scatter [tilespmem:s24], [sflag:$0x2], $0x80, v4, vm0, $0xb8;
	[tilespmem:$0x18400] =	vst v63  }
0xc6: {  	s24 =	simm.s32 $0x2400  }
0xc7: {  	[hbm4b:s4+s2] =	stream.indirect_vreg.scatter [tilespmem:s24], [sflag:$0x2], $0x80, v3, vm0, $0xb8;
	[tilespmem:$0x18400] =	vst v63  }
0xc8: {  	s24 =	simm.s32 $0x2C00  }
0xc9: {  	[hbm4b:s5+s2] =	stream.indirect_vreg.scatter [tilespmem:s24], [sflag:$0x2], $0x80, v3, vm0, $0xb8;
	[tilespmem:$0x18400] =	vst v63  }
0xca: {  	s24 =	simm.s32 $0x3400  }
0xcb: {  	[hbm4b:s6+s2] =	stream.indirect_vreg.scatter [tilespmem:s24], [sflag:$0x2], $0x80, v3, vm0, $0xb8;
	[tilespmem:$0x18400] =	vst v63  }
0xcc: {  	s24 =	simm.s32 $0x3C00  }
0xcd: {  	[hbm4b:s7+s2] =	stream.indirect_vreg.scatter [tilespmem:s24], [sflag:$0x2], $0x80, v3, vm0, $0xb8;
	[tilespmem:$0x18400] =	vst v63  }
0xce: {  	v3 =	vld [tilespmem:$0x190];
	_ =	sdelay $0x4  }
0xcf: {  	v55 =	vshll.u32 v3, $0x3  }
0xd0: {  	v3 =	vand.u32 $0x7, v3;
	v4 =	vand.u32 $0xFFFFFFC0, v55  }
0xd1: {  	v3 =	vor.u32 v3, v4  }
0xd2: {  	v4 =	vperm.xlane v3, v0;
	_ =	sdelay $0x1  }
0xd3: {  	v4 =	vadd.s32 v1, v4;
	_ =	sdelay $0x3  }
0xd4: {  	s24 =	simm.s32 $0x4400  }
0xd5: {  	[hbm4b:s4+s2] =	stream.indirect_vreg.scatter [tilespmem:s24], [sflag:$0x2], $0x80, v4, vm0, $0xb8;
	[tilespmem:$0x18400] =	vst v63  }
0xd6: {  	v3 =	vperm.xlane v3, v2;
	s24 =	simm.s32 $0x4C00  }
0xd7: {  	[hbm4b:s5+s2] =	stream.indirect_vreg.scatter [tilespmem:s24], [sflag:$0x2], $0x80, v4, vm0, $0xb8;
	[tilespmem:$0x18400] =	vst v63  }
0xd8: {  	v3 =	vadd.s32 v1, v3;
	s24 =	simm.s32 $0x5400  }
0xd9: {  	[hbm4b:s6+s2] =	stream.indirect_vreg.scatter [tilespmem:s24], [sflag:$0x2], $0x80, v4, vm0, $0xb8;
	[tilespmem:$0x18400] =	vst v63  }
0xda: {  	s24 =	simm.s32 $0x5C00  }
0xdb: {  	[hbm4b:s7+s2] =	stream.indirect_vreg.scatter [tilespmem:s24], [sflag:$0x2], $0x80, v4, vm0, $0xb8;
	[tilespmem:$0x18400] =	vst v63  }
0xdc: {  	s24 =	simm.s32 $0x6400  }
0xdd: {  	[hbm4b:s4+s2] =	stream.indirect_vreg.scatter [tilespmem:s24], [sflag:$0x2], $0x80, v3, vm0, $0xb8;
	[tilespmem:$0x18400] =	vst v63  }
0xde: {  	s24 =	simm.s32 $0x6C00  }
0xdf: {  	[hbm4b:s5+s2] =	stream.indirect_vreg.scatter [tilespmem:s24], [sflag:$0x2], $0x80, v3, vm0, $0xb8;
	[tilespmem:$0x18400] =	vst v63  }
0xe0: {  	s24 =	simm.s32 $0x7400  }
0xe1: {  	[hbm4b:s6+s2] =	stream.indirect_vreg.scatter [tilespmem:s24], [sflag:$0x2], $0x80, v3, vm0, $0xb8;
	[tilespmem:$0x18400] =	vst v63  }
0xe2: {  	s24 =	simm.s32 $0x7C00  }
0xe3: {  	[hbm4b:s7+s2] =	stream.indirect_vreg.scatter [tilespmem:s24], [sflag:$0x2], $0x80, v3, vm0, $0xb8;
	[tilespmem:$0x18400] =	vst v63  }
0xe4: {  	_ =	swait.ge [sflag:s30], $0x8000  }
0xe5: {  	[sflag:s30] =	ssyncset.done $0x0  }
0xe6: {  	s24 =	rddreg [dreg:$0xa];
	[sflag:s30] =	ssyncadd.s32 $0xFFFF8000  }
0xe7: {  	[tilespmem:s10], [sflag:$0x1] =	stream.linear.gather [hbm4b:s24+s2], $0x8000, $0x38;
	[tilespmem:$0x18400] =	vst v63  }
0xe8: {  	_ =	swait.ge [sflag:s13], $0x8000  }
0xe9: {  	[sflag:s13] =	ssyncset.done $0x0  }
0xea: {  	[sflag:s13] =	ssyncadd.s32 $0xFFFF8000  }
0xeb: {  	v3 =	vld [tilespmem:$0x200];
	_ =	sdelay $0x4  }
0xec: {  	v56 =	vshll.u32 v3, $0x3  }
0xed: {  	v3 =	vand.u32 $0x7, v3;
	v4 =	vand.u32 $0xFFFFFFC0, v56  }
0xee: {  	v3 =	vor.u32 v3, v4  }
0xef: {  	v4 =	vperm.xlane v3, v0;
	_ =	sdelay $0x1  }
0xf0: {  	v4 =	vadd.s32 v1, v4;
	_ =	sdelay $0x4  }
0xf1: {  	[hbm4b:s4+s2] =	stream.indirect_vreg.scatter [tilespmem:s0], [sflag:$0x2], $0x80, v4, vm0, $0xb8;
	[tilespmem:$0x18400] =	vst v63  }
0xf2: {  	s24 =	simm.s32 $0x8C00;
	v3 =	vperm.xlane v3, v2  }
0xf3: {  	[hbm4b:s5+s2] =	stream.indirect_vreg.scatter [tilespmem:s24], [sflag:$0x2], $0x80, v4, vm0, $0xb8;
	[tilespmem:$0x18400] =	vst v63  }
0xf4: {  	v3 =	vadd.s32 v1, v3;
	s24 =	simm.s32 $0x9400  }
0xf5: {  	[hbm4b:s6+s2] =	stream.indirect_vreg.scatter [tilespmem:s24], [sflag:$0x2], $0x80, v4, vm0, $0xb8;
	[tilespmem:$0x18400] =	vst v63  }
0xf6: {  	s24 =	simm.s32 $0x9C00  }
0xf7: {  	[hbm4b:s7+s2] =	stream.indirect_vreg.scatter [tilespmem:s24], [sflag:$0x2], $0x80, v4, vm0, $0xb8;
	[tilespmem:$0x18400] =	vst v63  }
0xf8: {  	s24 =	simm.s32 $0xA400  }
0xf9: {  	[hbm4b:s4+s2] =	stream.indirect_vreg.scatter [tilespmem:s24], [sflag:$0x2], $0x80, v3, vm0, $0xb8;
	[tilespmem:$0x18400] =	vst v63  }
0xfa: {  	_ = 	snop  }
0xfb: {  	[hbm4b:s5+s2] =	stream.indirect_vreg.scatter [tilespmem:s29], [sflag:$0x2], $0x80, v3, vm0, $0xb8;
	[tilespmem:$0x18400] =	vst v63  }
0xfc: {  	_ = 	snop  }
0xfd: {  	[hbm4b:s6+s2] =	stream.indirect_vreg.scatter [tilespmem:s26], [sflag:$0x2], $0x80, v3, vm0, $0xb8;
	[tilespmem:$0x18400] =	vst v63  }
0xfe: {  	_ = 	snop  }
0xff: {  	[hbm4b:s7+s2] =	stream.indirect_vreg.scatter [tilespmem:s28], [sflag:$0x2], $0x80, v3, vm0, $0xb8;
	[tilespmem:$0x18400] =	vst v63  }
0x100: {  	v3 =	vld [tilespmem:$0x210];
	_ =	sdelay $0x4  }
0x101: {  	v57 =	vshll.u32 v3, $0x3  }
0x102: {  	v3 =	vand.u32 $0x7, v3;
	v4 =	vand.u32 $0xFFFFFFC0, v57  }
0x103: {  	v3 =	vor.u32 v3, v4  }
0x104: {  	v4 =	vperm.xlane v3, v0;
	_ =	sdelay $0x1  }
0x105: {  	v4 =	vadd.s32 v1, v4;
	_ =	sdelay $0x4  }
0x106: {  	[hbm4b:s4+s2] =	stream.indirect_vreg.scatter [tilespmem:s31], [sflag:$0x2], $0x80, v4, vm0, $0xb8;
	[tilespmem:$0x18400] =	vst v63  }
0x107: {  	s24 =	simm.s32 $0xCC00;
	v3 =	vperm.xlane v3, v2  }
0x108: {  	[hbm4b:s5+s2] =	stream.indirect_vreg.scatter [tilespmem:s24], [sflag:$0x2], $0x80, v4, vm0, $0xb8;
	[tilespmem:$0x18400] =	vst v63  }
0x109: {  	v3 =	vadd.s32 v1, v3;
	s24 =	simm.s32 $0xD400  }
0x10a: {  	[hbm4b:s6+s2] =	stream.indirect_vreg.scatter [tilespmem:s24], [sflag:$0x2], $0x80, v4, vm0, $0xb8;
	[tilespmem:$0x18400] =	vst v63  }
0x10b: {  	s24 =	simm.s32 $0xDC00  }
0x10c: {  	[hbm4b:s7+s2] =	stream.indirect_vreg.scatter [tilespmem:s24], [sflag:$0x2], $0x80, v4, vm0, $0xb8;
	[tilespmem:$0x18400] =	vst v63  }
0x10d: {  	s24 =	simm.s32 $0xE400  }
0x10e: {  	[hbm4b:s4+s2] =	stream.indirect_vreg.scatter [tilespmem:s24], [sflag:$0x2], $0x80, v3, vm0, $0xb8;
	[tilespmem:$0x18400] =	vst v63  }
0x10f: {  	s24 =	simm.s32 $0xEC00  }
0x110: {  	[hbm4b:s5+s2] =	stream.indirect_vreg.scatter [tilespmem:s24], [sflag:$0x2], $0x80, v3, vm0, $0xb8;
	[tilespmem:$0x18400] =	vst v63  }
0x111: {  	s24 =	simm.s32 $0xF400  }
0x112: {  	[hbm4b:s6+s2] =	stream.indirect_vreg.scatter [tilespmem:s24], [sflag:$0x2], $0x80, v3, vm0, $0xb8;
	[tilespmem:$0x18400] =	vst v63  }
0x113: {  	s24 =	simm.s32 $0xFC00  }
0x114: {  	[hbm4b:s7+s2] =	stream.indirect_vreg.scatter [tilespmem:s24], [sflag:$0x2], $0x80, v3, vm0, $0xb8;
	[tilespmem:$0x18400] =	vst v63  }
0x115: {  	_ =	swait.ge [sflag:s30], $0x8000  }
0x116: {  	[sflag:s30] =	ssyncset.done $0x0  }
0x117: {  	s24 =	rddreg [dreg:$0xb];
	[sflag:s30] =	ssyncadd.s32 $0xFFFF8000  }
0x118: {  	[tilespmem:s0], [sflag:$0x1] =	stream.linear.gather [hbm4b:s24+s2], $0x8000, $0x38;
	[tilespmem:$0x18400] =	vst v63  }
0x119: {  	_ =	swait.ge [sflag:s13], $0x8000  }
0x11a: {  	[sflag:s13] =	ssyncset.done $0x0  }
0x11b: {  	[sflag:s13] =	ssyncadd.s32 $0xFFFF8000  }
0x11c: {  	v3 =	vld [tilespmem:$0x280];
	_ =	sdelay $0x4  }
0x11d: {  	v58 =	vshll.u32 v3, $0x3  }
0x11e: {  	v3 =	vand.u32 $0x7, v3;
	v4 =	vand.u32 $0xFFFFFFC0, v58  }
0x11f: {  	v3 =	vor.u32 v3, v4  }
0x120: {  	v4 =	vperm.xlane v3, v0;
	_ =	sdelay $0x1  }
0x121: {  	v4 =	vadd.s32 v1, v4;
	_ =	sdelay $0x4  }
0x122: {  	[hbm4b:s4+s2] =	stream.indirect_vreg.scatter [tilespmem:s9], [sflag:$0x2], $0x80, v4, vm0, $0xb8;
	[tilespmem:$0x18400] =	vst v63  }
0x123: {  	v3 =	vperm.xlane v3, v2  }
0x124: {  	[hbm4b:s5+s2] =	stream.indirect_vreg.scatter [tilespmem:s1], [sflag:$0x2], $0x80, v4, vm0, $0xb8;
	[tilespmem:$0x18400] =	vst v63  }
0x125: {  	v3 =	vadd.s32 v1, v3  }
0x126: {  	[hbm4b:s6+s2] =	stream.indirect_vreg.scatter [tilespmem:s3], [sflag:$0x2], $0x80, v4, vm0, $0xb8;
	[tilespmem:$0x18400] =	vst v63  }
0x127: {  	_ = 	snop  }
0x128: {  	[hbm4b:s7+s2] =	stream.indirect_vreg.scatter [tilespmem:s11], [sflag:$0x2], $0x80, v4, vm0, $0xb8;
	[tilespmem:$0x18400] =	vst v63  }
0x129: {  	_ = 	snop  }
0x12a: {  	[hbm4b:s4+s2] =	stream.indirect_vreg.scatter [tilespmem:s12], [sflag:$0x2], $0x80, v3, vm0, $0xb8;
	[tilespmem:$0x18400] =	vst v63  }
0x12b: {  	_ = 	snop  }
0x12c: {  	[hbm4b:s5+s2] =	stream.indirect_vreg.scatter [tilespmem:s14], [sflag:$0x2], $0x80, v3, vm0, $0xb8;
	[tilespmem:$0x18400] =	vst v63  }
0x12d: {  	_ = 	snop  }
0x12e: {  	[hbm4b:s6+s2] =	stream.indirect_vreg.scatter [tilespmem:s15], [sflag:$0x2], $0x80, v3, vm0, $0xb8;
	[tilespmem:$0x18400] =	vst v63  }
0x12f: {  	_ = 	snop  }
0x130: {  	[hbm4b:s7+s2] =	stream.indirect_vreg.scatter [tilespmem:s16], [sflag:$0x2], $0x80, v3, vm0, $0xb8;
	[tilespmem:$0x18400] =	vst v63  }
0x131: {  	v3 =	vld [tilespmem:$0x290];
	_ =	sdelay $0x4  }
0x132: {  	v59 =	vshll.u32 v3, $0x3  }
0x133: {  	v3 =	vand.u32 $0x7, v3;
	v4 =	vand.u32 $0xFFFFFFC0, v59  }
0x134: {  	v3 =	vor.u32 v3, v4  }
0x135: {  	v4 =	vperm.xlane v3, v0;
	_ =	sdelay $0x1  }
0x136: {  	v4 =	vadd.s32 v1, v4;
	_ =	sdelay $0x4  }
0x137: {  	[hbm4b:s4+s2] =	stream.indirect_vreg.scatter [tilespmem:s17], [sflag:$0x2], $0x80, v4, vm0, $0xb8;
	[tilespmem:$0x18400] =	vst v63  }
0x138: {  	v3 =	vperm.xlane v3, v2  }
0x139: {  	[hbm4b:s5+s2] =	stream.indirect_vreg.scatter [tilespmem:s18], [sflag:$0x2], $0x80, v4, vm0, $0xb8;
	[tilespmem:$0x18400] =	vst v63  }
0x13a: {  	v3 =	vadd.s32 v1, v3  }
0x13b: {  	[hbm4b:s6+s2] =	stream.indirect_vreg.scatter [tilespmem:s19], [sflag:$0x2], $0x80, v4, vm0, $0xb8;
	[tilespmem:$0x18400] =	vst v63  }
0x13c: {  	_ = 	snop  }
0x13d: {  	[hbm4b:s7+s2] =	stream.indirect_vreg.scatter [tilespmem:s20], [sflag:$0x2], $0x80, v4, vm0, $0xb8;
	[tilespmem:$0x18400] =	vst v63  }
0x13e: {  	_ = 	snop  }
0x13f: {  	[hbm4b:s4+s2] =	stream.indirect_vreg.scatter [tilespmem:s21], [sflag:$0x2], $0x80, v3, vm0, $0xb8;
	[tilespmem:$0x18400] =	vst v63  }
0x140: {  	_ = 	snop  }
0x141: {  	[hbm4b:s5+s2] =	stream.indirect_vreg.scatter [tilespmem:s22], [sflag:$0x2], $0x80, v3, vm0, $0xb8;
	[tilespmem:$0x18400] =	vst v63  }
0x142: {  	_ = 	snop  }
0x143: {  	[hbm4b:s6+s2] =	stream.indirect_vreg.scatter [tilespmem:s23], [sflag:$0x2], $0x80, v3, vm0, $0xb8;
	[tilespmem:$0x18400] =	vst v63  }
0x144: {  	_ = 	snop  }
0x145: {  	[hbm4b:s7+s2] =	stream.indirect_vreg.scatter [tilespmem:s25], [sflag:$0x2], $0x80, v3, vm0, $0xb8;
	[tilespmem:$0x18400] =	vst v63  }
0x146: {  	_ =	swait.ge [sflag:s13], $0x8000  }
0x147: {  	[sflag:s13] =	ssyncset.done $0x0  }
0x148: {  	[sflag:s13] =	ssyncadd.s32 $0xFFFF8000  }
0x149: {  	v3 =	vld [tilespmem:$0x300];
	_ =	sdelay $0x4  }
0x14a: {  	v60 =	vshll.u32 v3, $0x3  }
0x14b: {  	v3 =	vand.u32 $0x7, v3;
	v4 =	vand.u32 $0xFFFFFFC0, v60  }
0x14c: {  	v3 =	vor.u32 v3, v4  }
0x14d: {  	v4 =	vperm.xlane v3, v0;
	_ =	sdelay $0x1  }
0x14e: {  	v4 =	vadd.s32 v1, v4;
	_ =	sdelay $0x4  }
0x14f: {  	[hbm4b:s4+s2] =	stream.indirect_vreg.scatter [tilespmem:s10], [sflag:$0x2], $0x80, v4, vm0, $0xb8;
	[tilespmem:$0x18400] =	vst v63  }
0x150: {  	s25 =	simm.s32 $0xC00;
	v3 =	vperm.xlane v3, v2  }
0x151: {  	[hbm4b:s5+s2] =	stream.indirect_vreg.scatter [tilespmem:s25], [sflag:$0x2], $0x80, v4, vm0, $0xb8;
	[tilespmem:$0x18400] =	vst v63  }
0x152: {  	s24 =	simm.s32 $0x1400;
	v3 =	vadd.s32 v1, v3  }
0x153: {  	[hbm4b:s6+s2] =	stream.indirect_vreg.scatter [tilespmem:s24], [sflag:$0x2], $0x80, v4, vm0, $0xb8;
	[tilespmem:$0x18400] =	vst v63  }
0x154: {  	s25 =	simm.s32 $0x1C00  }
0x155: {  	[hbm4b:s7+s2] =	stream.indirect_vreg.scatter [tilespmem:s25], [sflag:$0x2], $0x80, v4, vm0, $0xb8;
	[tilespmem:$0x18400] =	vst v63  }
0x156: {  	s24 =	simm.s32 $0x2400  }
0x157: {  	[hbm4b:s4+s2] =	stream.indirect_vreg.scatter [tilespmem:s24], [sflag:$0x2], $0x80, v3, vm0, $0xb8;
	[tilespmem:$0x18400] =	vst v63  }
0x158: {  	s25 =	simm.s32 $0x2C00  }
0x159: {  	[hbm4b:s5+s2] =	stream.indirect_vreg.scatter [tilespmem:s25], [sflag:$0x2], $0x80, v3, vm0, $0xb8;
	[tilespmem:$0x18400] =	vst v63  }
0x15a: {  	s24 =	simm.s32 $0x3400  }
0x15b: {  	[hbm4b:s6+s2] =	stream.indirect_vreg.scatter [tilespmem:s24], [sflag:$0x2], $0x80, v3, vm0, $0xb8;
	[tilespmem:$0x18400] =	vst v63  }
0x15c: {  	s25 =	simm.s32 $0x3C00  }
0x15d: {  	[hbm4b:s7+s2] =	stream.indirect_vreg.scatter [tilespmem:s25], [sflag:$0x2], $0x80, v3, vm0, $0xb8;
	[tilespmem:$0x18400] =	vst v63  }
0x15e: {  	v3 =	vld [tilespmem:$0x310];
	_ =	sdelay $0x4  }
0x15f: {  	v61 =	vshll.u32 v3, $0x3  }
0x160: {  	v3 =	vand.u32 $0x7, v3;
	v4 =	vand.u32 $0xFFFFFFC0, v61  }
0x161: {  	v3 =	vor.u32 v3, v4  }
0x162: {  	v4 =	vperm.xlane v3, v0;
	_ =	sdelay $0x1  }
0x163: {  	v4 =	vadd.s32 v1, v4;
	_ =	sdelay $0x3  }
0x164: {  	s24 =	simm.s32 $0x4400  }
0x165: {  	[hbm4b:s4+s2] =	stream.indirect_vreg.scatter [tilespmem:s24], [sflag:$0x2], $0x80, v4, vm0, $0xb8;
	[tilespmem:$0x18400] =	vst v63  }
0x166: {  	s25 =	simm.s32 $0x4C00;
	v3 =	vperm.xlane v3, v2  }
0x167: {  	[hbm4b:s5+s2] =	stream.indirect_vreg.scatter [tilespmem:s25], [sflag:$0x2], $0x80, v4, vm0, $0xb8;
	[tilespmem:$0x18400] =	vst v63  }
0x168: {  	v3 =	vadd.s32 v1, v3;
	s24 =	simm.s32 $0x5400  }
0x169: {  	[hbm4b:s6+s2] =	stream.indirect_vreg.scatter [tilespmem:s24], [sflag:$0x2], $0x80, v4, vm0, $0xb8;
	[tilespmem:$0x18400] =	vst v63  }
0x16a: {  	s25 =	simm.s32 $0x5C00  }
0x16b: {  	[hbm4b:s7+s2] =	stream.indirect_vreg.scatter [tilespmem:s25], [sflag:$0x2], $0x80, v4, vm0, $0xb8;
	[tilespmem:$0x18400] =	vst v63  }
0x16c: {  	s24 =	simm.s32 $0x6400  }
0x16d: {  	[hbm4b:s4+s2] =	stream.indirect_vreg.scatter [tilespmem:s24], [sflag:$0x2], $0x80, v3, vm0, $0xb8;
	[tilespmem:$0x18400] =	vst v63  }
0x16e: {  	s25 =	simm.s32 $0x6C00  }
0x16f: {  	[hbm4b:s5+s2] =	stream.indirect_vreg.scatter [tilespmem:s25], [sflag:$0x2], $0x80, v3, vm0, $0xb8;
	[tilespmem:$0x18400] =	vst v63  }
0x170: {  	s24 =	simm.s32 $0x7400  }
0x171: {  	[hbm4b:s6+s2] =	stream.indirect_vreg.scatter [tilespmem:s24], [sflag:$0x2], $0x80, v3, vm0, $0xb8;
	[tilespmem:$0x18400] =	vst v63  }
0x172: {  	s25 =	simm.s32 $0x7C00  }
0x173: {  	[hbm4b:s7+s2] =	stream.indirect_vreg.scatter [tilespmem:s25], [sflag:$0x2], $0x80, v3, vm0, $0xb8;
	[tilespmem:$0x18400] =	vst v63  }
0x174: {  	_ =	swait.ge [sflag:s13], $0x8000  }
0x175: {  	[sflag:s13] =	ssyncset.done $0x0  }
0x176: {  	[sflag:s13] =	ssyncadd.s32 $0xFFFF8000  }
0x177: {  	v3 =	vld [tilespmem:$0x380];
	_ =	sdelay $0x4  }
0x178: {  	v62 =	vshll.u32 v3, $0x3  }
0x179: {  	v3 =	vand.u32 $0x7, v3;
	v4 =	vand.u32 $0xFFFFFFC0, v62  }
0x17a: {  	v3 =	vor.u32 v3, v4  }
0x17b: {  	v4 =	vperm.xlane v3, v0;
	_ =	sdelay $0x1  }
0x17c: {  	v4 =	vadd.s32 v1, v4;
	_ =	sdelay $0x4  }
0x17d: {  	[hbm4b:s4+s2] =	stream.indirect_vreg.scatter [tilespmem:s0], [sflag:$0x2], $0x80, v4, vm0, $0xb8;
	[tilespmem:$0x18400] =	vst v63  }
0x17e: {  	s24 =	simm.s32 $0x8C00;
	v3 =	vperm.xlane v3, v2  }
0x17f: {  	[hbm4b:s5+s2] =	stream.indirect_vreg.scatter [tilespmem:s24], [sflag:$0x2], $0x80, v4, vm0, $0xb8;
	[tilespmem:$0x18400] =	vst v63  }
0x180: {  	s25 =	simm.s32 $0x9400;
	v3 =	vadd.s32 v1, v3  }
0x181: {  	[hbm4b:s6+s2] =	stream.indirect_vreg.scatter [tilespmem:s25], [sflag:$0x2], $0x80, v4, vm0, $0xb8;
	[tilespmem:$0x18400] =	vst v63  }
0x182: {  	s1 =	simm.s32 $0x9C00  }
0x183: {  	[hbm4b:s7+s2] =	stream.indirect_vreg.scatter [tilespmem:s1], [sflag:$0x2], $0x80, v4, vm0, $0xb8;
	[tilespmem:$0x18400] =	vst v63  }
0x184: {  	s24 =	simm.s32 $0xA400  }
0x185: {  	[hbm4b:s4+s2] =	stream.indirect_vreg.scatter [tilespmem:s24], [sflag:$0x2], $0x80, v3, vm0, $0xb8;
	[tilespmem:$0x18400] =	vst v63  }
0x186: {  	_ = 	snop  }
0x187: {  	[hbm4b:s5+s2] =	stream.indirect_vreg.scatter [tilespmem:s29], [sflag:$0x2], $0x80, v3, vm0, $0xb8;
	[tilespmem:$0x18400] =	vst v63  }
0x188: {  	_ = 	snop  }
0x189: {  	[hbm4b:s6+s2] =	stream.indirect_vreg.scatter [tilespmem:s26], [sflag:$0x2], $0x80, v3, vm0, $0xb8;
	[tilespmem:$0x18400] =	vst v63  }
0x18a: {  	_ = 	snop  }
0x18b: {  	[hbm4b:s7+s2] =	stream.indirect_vreg.scatter [tilespmem:s28], [sflag:$0x2], $0x80, v3, vm0, $0xb8;
	[tilespmem:$0x18400] =	vst v63  }
0x18c: {  	v3 =	vld [tilespmem:$0x390];
	_ =	sdelay $0x4  }
0x18d: {  	v63 =	vshll.u32 v3, $0x3  }
0x18e: {  	v3 =	vand.u32 $0x7, v3;
	v4 =	vand.u32 $0xFFFFFFC0, v63  }
0x18f: {  	v3 =	vor.u32 v3, v4  }
0x190: {  	v4 =	vperm.xlane v3, v0;
	_ =	sdelay $0x1  }
0x191: {  	v4 =	vadd.s32 v1, v4;
	_ =	sdelay $0x4  }
0x192: {  	[hbm4b:s4+s2] =	stream.indirect_vreg.scatter [tilespmem:s31], [sflag:$0x2], $0x80, v4, vm0, $0xb8;
	[tilespmem:$0x18400] =	vst v63  }
0x193: {  	s25 =	simm.s32 $0xCC00;
	v3 =	vperm.xlane v3, v2  }
0x194: {  	[hbm4b:s5+s2] =	stream.indirect_vreg.scatter [tilespmem:s25], [sflag:$0x2], $0x80, v4, vm0, $0xb8;
	[tilespmem:$0x18400] =	vst v63  }
0x195: {  	s1 =	simm.s32 $0xD400;
	v3 =	vadd.s32 v1, v3  }
0x196: {  	[hbm4b:s6+s2] =	stream.indirect_vreg.scatter [tilespmem:s1], [sflag:$0x2], $0x80, v4, vm0, $0xb8;
	[tilespmem:$0x18400] =	vst v63  }
0x197: {  	s24 =	simm.s32 $0xDC00  }
0x198: {  	[hbm4b:s7+s2] =	stream.indirect_vreg.scatter [tilespmem:s24], [sflag:$0x2], $0x80, v4, vm0, $0xb8;
	[tilespmem:$0x18400] =	vst v63  }
0x199: {  	s25 =	simm.s32 $0xE400  }
0x19a: {  	[hbm4b:s4+s2] =	stream.indirect_vreg.scatter [tilespmem:s25], [sflag:$0x2], $0x80, v3, vm0, $0xb8;
	[tilespmem:$0x18400] =	vst v63  }
0x19b: {  	s1 =	simm.s32 $0xEC00  }
0x19c: {  	[hbm4b:s5+s2] =	stream.indirect_vreg.scatter [tilespmem:s1], [sflag:$0x2], $0x80, v3, vm0, $0xb8;
	[tilespmem:$0x18400] =	vst v63  }
0x19d: {  	s24 =	simm.s32 $0xF400  }
0x19e: {  	[hbm4b:s6+s2] =	stream.indirect_vreg.scatter [tilespmem:s24], [sflag:$0x2], $0x80, v3, vm0, $0xb8;
	[tilespmem:$0x18400] =	vst v63  }
0x19f: {  	s25 =	simm.s32 $0xFC00  }
0x1a0: {  	[hbm4b:s7+s2] =	stream.indirect_vreg.scatter [tilespmem:s25], [sflag:$0x2], $0x80, v3, vm0, $0xb8;
	[tilespmem:$0x18400] =	vst v63  }
0x1a1: {  	_ =	swait.ge [sflag:s30], $0x8000  }
0x1a2: {  	[sflag:s30] =	ssyncset.done $0x0  }
0x1a3: {  	[sflag:s30] =	ssyncadd.s32 $0xFFFF8000  }
0x1a4: {  	p0 =	sne.s32 s8, $0x1;
	_ =	swait.ge [sflag:s30], $0x8000  }
.Ltmp0:
0x1a5: {  	[sflag:s30] =	ssyncset.done $0x0;
	(pc) =	sbr.rel @p0 .LBB2_1-.Ltmp0, $4  }
0x1a6: {  	[sflag:s30] =	ssyncadd.s32 $0xFFFF8000  }
0x1a7: {  	_ =	swait.ge [sflag:s30], $0x8000  }
0x1a8: {  	[sflag:s30] =	ssyncset.done $0x0  }
0x1a9: {  	s8 =	sadd.s32 $0xFFFFFFFF, s8;
	[sflag:s30] =	ssyncadd.s32 $0xFFFF8000  }
0x1aa: {  	_ =	sfence.sel $0x180000  }
0x1ab: {  	[bflag:$0x0] =	sbarrier.arrive $0xFFFF  }
0x1ac: {  	_ =	strace $0x90000047  }
0x1ad: {  	s0 =	stileid.u32;
	[bflag:$0x2] =	sbarrier.arrive $0xFFFF  }
0x1ae: {  	p0 =	sne.s32 s0, $0x0;
	s0 =	rddreg [dreg:$0x3]  }
0x1af: {  	s0 =	sadd.s32 @!p0 $0x100000, s0  }
0x1b0: {  	[sflag:s0] =	ssyncadd.tile.s32 @!p0 $0x1;
	_ =	shalt  }
.Lfunc_end2:
_tile_overlayer_lowered:
.L_overlay_start_2:
0x1b1: {  	(tag) =	ssettag $0x2  }
0x1b2: {  	s0 =	rddreg [dreg:$0x0];
	s2 =	stileid.u32  }
0x1b3: {  	s1 =	rddreg [dreg:$0x1];
	p0 =	sne.s32 s2, $0x0  }
0x1b4: {  	s3 =	rddreg [dreg:$0x2];
	[bflag:$0x3] =	sbarrier.arrive $0xFFFF;
	s2 =	simm.s32 @!p0 $0x1C03  }
0x1b5: {  	[timem:s3], [sflag:s2] =	dma.local @!p0 [hbm:s0], s1  }
0x1b6: {  	s0 =	simm.s32 @!p0 $0x3  }
0x1b7: {  	_ =	swait.ge @!p0 [sflag:s0], s1  }
0x1b8: {  	s1 =	ssub.s32 @!p0 $0x0, s1;
	[sflag:s0] =	ssyncset.done @!p0 $0x0  }
0x1b9: {  	[sflag:s0] =	ssyncadd.s32 @!p0 s1  }
0x1ba: {  	[bflag:$0x3] =	sbarrier.arrive $0xFFFF  }
0x1bb: {  	_ =	shalt  }

// kernel: kernel.9.cloned.1.call-start
scs
__scs_entry_jumppad:
0x0: {  	(pc) =	sbr.rel $0x88, $3  }
0x1: {  	(tag) =	ssettag $0x0;
	lr =	simm.s32 $0x1  }
0x2: {  	[smem:$0x3F9E] =	sst lr;
	_ =	strace $0xD0000000  }
0x3: {  	_ = 	snop  }
0x4: {  	_ = 	snop  }
0x5: {  	_ = 	snop  }
0x6: {  	_ = 	snop  }
0x7: {  	_ = 	snop  }
__scs_overlays_trampoline_lowered:
0x8: {  	[smem:$0x3FAD] =	sst s0  }
0x9: {  	[smem:$0x3FAE] =	sst s1  }
0xa: {  	[smem:$0x3FAF] =	sst s2  }
0xb: {  	[smem:$0x3FB0] =	sst s3  }
0xc: {  	[smem:$0x3FB1] =	sst s4  }
0xd: {  	[smem:$0x3FB2] =	sst s5  }
0xe: {  	[smem:$0x3FB3] =	sst s6  }
0xf: {  	[smem:$0x3FB4] =	sst s7  }
0x10: {  	[smem:$0x3FB5] =	sst s8  }
0x11: {  	[smem:$0x3FB6] =	sst s9;
	s0 =	simm.s32 @!p0 $0x0  }
0x12: {  	s1 =	sld [smem:$0x3F9C];
	s0 =	simm.s32 @p0 $0x1  }
0x13: {  	[smem:$0x3FB7] =	sst s0;
	s0 =	simm.s32 @!p1 $0x0  }
0x14: {  	s2 =	sld [smem:$0x3F9B];
	s0 =	simm.s32 @p1 $0x1  }
0x15: {  	[smem:$0x3FB8] =	sst s0;
	s0 =	simm.s32 @!p2 $0x0  }
0x16: {  	s3 =	sld [smem:$0x3FDB];
	s0 =	simm.s32 @p2 $0x1  }
0x17: {  	s4 =	simm.s32 $0x1BF5;
	[smem:$0x3FBA] =	sst s0  }
0x18: {  	s0 =	sld [smem:$0x3F9D];
	_ =	swait.ge [sflag:s4], $0x0  }
0x19: {  	s7 =	sld [smem:$0x3F9E]  }
0x1a: {  	s8 =	sadd.s32 $0xFFFFE003, lr  }
0x1b: {  	s9 =	sadd.s32 $0xFFFFFEF7, lr;
	s5 =	simm.s32 $0xFFFFFFFF;
	p2 =	slt.u32 s8, $0xFFFFF086  }
0x1c: {  	p1 =	slt.u32 s9, $0xF7A;
	s5 =	simm.s32 @!p2 $0x0  }
0x1d: {  	s5 =	simm.s32 @p1 $0x1;
	p0 =	seq.s32 s7, s2  }
0x1e: {  	s7 =	smul.u32 @!p0 $0xF7A, s2;
	p2 =	seq.s32 @!p0 s5, $0x0  }
0x1f: {  	s9 =	smul.u32 $0xF7A, s1;
	s8 =	simm.s32 @!p0 $0x1BF5;
	p2 =	por !p2, p0  }
0x20: {  	[sflag:s8] =	ssyncset.s32 @!p0 $0xFFFFF086;
	s6 =	sadd.s32 @!p0 s3, s7;
	s7 =	simm.s32 @!p0 $0x108  }
0x21: {  	s3 =	sadd.s32 s3, s9;
	s6 =	sadd.s32 @!p0 $0x88, s6;
	s7 =	simm.s32 @p2 $0x1082  }
0x22: {  	[simem:s7], [sflag:s8] =	dma.local @!p0 [hbm:s6], $0xF7A  }
0x23: {  	s9 =	sor.u32 $0xD0000000, s2;
	s6 =	simm.s32 $0x108;
	_ =	swait.ge @!p0 [sflag:s8], $0x0  }
0x24: {  	s3 =	sadd.s32 $0x88, s3;
	s6 =	simm.s32 @!p1 $0x1082;
	[sflag:s4] =	ssyncset.s32 $0xFFFFF086  }
0x25: {  	[simem:s6], [sflag:s4] =	dma.local [hbm:s3], $0xF7A  }
0x26: {  	[smem:$0x3F9E] =	sst s1;
	(tag) =	ssettag s2;
	_ =	strace s9  }
0x27: {  	s1 =	sld [smem:$0x3FAE]  }
0x28: {  	s2 =	sld [smem:$0x3FAF]  }
0x29: {  	s4 =	sld [smem:$0x3FB1]  }
0x2a: {  	p0 =	seq.s32 s5, $0x0;
	s5 =	sld [smem:$0x3FB2]  }
0x2b: {  	s6 =	sld [smem:$0x3FB3]  }
0x2c: {  	s7 =	sld [smem:$0x3FB4]  }
0x2d: {  	s3 =	simm.s32 $0x108;
	s8 =	sld [smem:$0x3FB5]  }
0x2e: {  	s3 =	simm.s32 @!p0 $0x1082;
	s9 =	sld [smem:$0x3FB6]  }
0x2f: {  	lr =	sadd.s32 s0, s3;
	s0 =	sld [smem:$0x3FAD]  }
0x30: {  	s3 =	sld [smem:$0x3FB0]  }
0x31: {  	[smem:$0x3FB9] =	sst s10  }
0x32: {  	s10 =	sld [smem:$0x3FB7];
	_ =	sdelay $0x3  }
0x33: {  	p0 =	seq.s32 s10, $0x1;
	s10 =	sld [smem:$0x3FB9];
	_ =	sdelay $0x3  }
0x34: {  	[smem:$0x3FB9] =	sst s10  }
0x35: {  	s10 =	sld [smem:$0x3FB8];
	_ =	sdelay $0x3  }
0x36: {  	p1 =	seq.s32 s10, $0x1;
	s10 =	sld [smem:$0x3FB9];
	_ =	sdelay $0x3  }
0x37: {  	[smem:$0x3FB9] =	sst s10  }
0x38: {  	s10 =	sld [smem:$0x3FBA]  }
0x39: {  	_ = 	snop;
	(pc) =	sbr.ind lr, $3  }
0x3a: {  	_ = 	snop  }
0x3b: {  	_ = 	snop  }
0x3c: {  	p2 =	seq.s32 s10, $0x1;
	s10 =	sld [smem:$0x3FB9]  }
0x3d: {  	_ =	shalt  }
0x3e: {  	_ =	shalt  }
0x3f: {  	_ =	shalt  }
0x40: {  	_ =	shalt  }
0x41: {  	_ =	shalt  }
0x42: {  	_ =	shalt  }
0x43: {  	_ =	shalt  }
0x44: {  	_ =	shalt  }
0x45: {  	_ =	shalt  }
0x46: {  	_ =	shalt  }
0x47: {  	_ =	shalt  }
0x48: {  	_ =	shalt  }
0x49: {  	_ =	shalt  }
0x4a: {  	_ =	shalt  }
0x4b: {  	_ =	shalt  }
0x4c: {  	_ =	shalt  }
0x4d: {  	_ =	shalt  }
0x4e: {  	_ =	shalt  }
0x4f: {  	_ =	shalt  }
0x50: {  	_ =	shalt  }
0x51: {  	_ =	shalt  }
0x52: {  	_ =	shalt  }
0x53: {  	_ =	shalt  }
0x54: {  	_ =	shalt  }
0x55: {  	_ =	shalt  }
0x56: {  	_ =	shalt  }
0x57: {  	_ =	shalt  }
0x58: {  	_ =	shalt  }
0x59: {  	_ =	shalt  }
0x5a: {  	_ =	shalt  }
0x5b: {  	_ =	shalt  }
0x5c: {  	_ =	shalt  }
0x5d: {  	_ =	shalt  }
0x5e: {  	_ =	shalt  }
0x5f: {  	_ =	shalt  }
0x60: {  	_ =	shalt  }
0x61: {  	_ =	shalt  }
0x62: {  	_ =	shalt  }
0x63: {  	_ =	shalt  }
0x64: {  	_ =	shalt  }
0x65: {  	_ =	shalt  }
0x66: {  	_ =	shalt  }
0x67: {  	_ =	shalt  }
0x68: {  	_ =	shalt  }
0x69: {  	_ =	shalt  }
0x6a: {  	_ =	shalt  }
0x6b: {  	_ =	shalt  }
0x6c: {  	_ =	shalt  }
0x6d: {  	_ =	shalt  }
0x6e: {  	_ =	shalt  }
0x6f: {  	_ =	shalt  }
0x70: {  	_ =	shalt  }
0x71: {  	_ =	shalt  }
0x72: {  	_ =	shalt  }
0x73: {  	_ =	shalt  }
0x74: {  	_ =	shalt  }
0x75: {  	_ =	shalt  }
0x76: {  	_ =	shalt  }
0x77: {  	_ =	shalt  }
0x78: {  	_ =	shalt  }
0x79: {  	_ =	shalt  }
0x7a: {  	_ =	shalt  }
0x7b: {  	_ =	shalt  }
0x7c: {  	_ =	shalt  }
0x7d: {  	_ =	shalt  }
0x7e: {  	_ =	shalt  }
0x7f: {  	_ =	shalt  }
0x80: {  	_ =	shalt  }
0x81: {  	_ =	shalt  }
0x82: {  	_ =	shalt  }
0x83: {  	_ =	shalt  }
0x84: {  	_ =	shalt  }
0x85: {  	_ =	shalt  }
0x86: {  	_ =	shalt  }
0x87: {  	_ =	shalt  }
.Lfunc_end0:
.L_simem_size_0:
called_computation.1_lowered:
.L_overlay_start_0:
0x88: {  	s2 =	sld [smem:$0x3FD9]  }
0x89: {  	s3 =	sld [smem:$0x3FFE];
	_ =	sdelay $0x1  }
0x8a: {  	s1 =	srdreg.scid  }
0x8b: {  	s0 =	sand.u32 $0x1, s1  }
0x8c: {  	s17 =	sshll.u32 s0, $0xA;
	s2 =	sadd.s32 s3, s2  }
0x8d: {  	s2 =	sadd.s32 s2, s17  }
0x8e: {  	[smem:$0x3FC5] =	sst s2  }
0x8f: {  	_ = 	snop  }
0x90: {  	s2 =	sld [smem:$0x3FD0];
	(tm) =	ssettm $0x1  }
0x91: {  	s18 =	sld [smem:$0x3FFB];
	_ =	sdelay $0x3  }
0x92: {  	_ =	strace s18  }
0x93: {  	s3 =	sld [smem:$0x3FFC];
	_ =	sdelay $0x3  }
0x94: {  	_ =	strace s3  }
0x95: {  	s3 =	sld [smem:$0x3FFD];
	_ =	sdelay $0x3  }
0x96: {  	_ =	strace s3  }
0x97: {  	_ =	strace $0x8FFFFFFF  }
0x98: {  	s19 =	sld [smem:$0x3FDB];
	_ =	sdelay $0x1  }
0x99: {  	s4 =	simm.s32 $_scs_section_size  }
0x9a: {  	s5 =	simm.s32 $_size__tile_overlayer_lowered;
	s6 =	simm.s32 $_tile_overlayer_lowered  }
0x9b: {  	s22 =	simm.s32 $0x1BFF;
	s21 =	sshll.u32 s6, $0x1;
	s3 =	sadd.s32 s4, s19  }
0x9c: {  	s7 =	simm.s32 $0x0;
	s20 =	sshll.u32 s5, $0x1;
	s5 =	sadd.s32 s21, s3  }
0x9d: {  	[timem:s7], [sflag:s22] =	dma.local [hbm:s5], s20  }
0x9e: {  	_ =	swait.ge [sflag:s22], s20  }
0x9f: {  	s4 =	ssub.s32 $0x0, s20;
	[sflag:s22] =	ssyncset.done $0x0  }
0xa0: {  	[sflag:s22] =	ssyncadd.s32 s4;
	_ =	sdelay $0x1  }
0xa1: {  	s23 =	simm.s32 $0x1B8B  }
0xa2: {  	_ =	swait.ge [sflag:s23], $0x1  }
0xa3: {  	[sflag:s23] =	ssyncset.done $0x0  }
0xa4: {  	s25 =	simm.s32 $0x1B8E;
	s24 =	sld [smem:$0x3FFE];
	[sflag:s23] =	ssyncadd.s32 $0xFFFFFFFF  }
0xa5: {  	s26 =	simm.s32 $execute0_lowered;
	[smem:$0x3FD2] =	sst s25  }
0xa6: {  	s5 =	sshll.u32 s26, $0x1;
	_ =	strace $0x80000049;
	[dreg:$0x1] =	wrdreg $0xFFFFFFFF  }
0xa7: {  	s28 =	simm.s32 $_size_execute0_lowered;
	s3 =	sadd.s32 s3, s5;
	[dreg:$0x0] =	wrdreg $0x0  }
0xa8: {  	s5 =	sshll.u32 s28, $0x1;
	[dreg:$0x2] =	wrdreg s3  }
0xa9: {  	[dreg:$0x3] =	wrdreg s5  }
0xaa: {  	[dreg:$0x4] =	wrdreg $0xC0  }
0xab: {  	_ =	task [dreg:s7], $0x5FFFF  }
0xac: {  	[dreg:$0x1] =	wrdreg $0xFFFFFFFF  }
0xad: {  	[dreg:$0x0] =	wrdreg $0x60  }
0xae: {  	[dreg:$0x2] =	wrdreg s24  }
0xaf: {  	[dreg:$0x3] =	wrdreg s2  }
0xb0: {  	[dreg:$0x4] =	wrdreg $0x9  }
0xb1: {  	_ =	task.clear_ibuf [dreg:s7], $0x5FFFF;
	_ =	strace $0x90000049  }
0xb2: {  	s29 =	simm.s32 $0x9;
	_ =	strace $0x8000004B  }
0xb3: {  	_ =	swait.ge [sflag:s29], $0x1  }
0xb4: {  	[sflag:s29] =	ssyncadd.s32 $0xFFFFFFFF  }
0xb5: {  	_ =	strace $0x9000004B  }
0xb6: {  	_ =	sfence  }
0xb7: {  	s30 =	sld [smem:$0x0];
	_ =	sdelay $0x2  }
0xb8: {  	s31 =	sshll.u32 s1, $0xD;
	s1 =	sshrl.u32 s1, $0x2  }
0xb9: {  	s3 =	sand.u32 $0x4000, s31;
	s1 =	sadd.s32 s1, s30  }
0xba: {  	s0 =	sor.u32 s3, s0;
	s1 =	sshll.u32 s1, $0x11  }
0xbb: {  	s0 =	sor.u32 s1, s0  }
0xbc: {  	s0 =	sadd.s32 $0x8F2B, s0  }
0xbd: {  	[sflag:s0] =	ssyncadd.remote.s32 $0x1  }
0xbe: {  	_ =	sfence.sel $0xFFFF  }
0xbf: {  	[dreg:$0x0] =	wrdreg $0xFFFFFFFF;
	(pc) =	sbr.abs _section_cstart, $3  }
0xc0: {  	[dreg:$0x1] =	wrdreg $0xFFFFFFFF  }
0xc1: {  	_ =	task.clear_ibuf [dreg:s7], $0x2FFFF;
	_ =	strace $0x9FFFFFFF  }
0xc2: {  	(tm) =	ssettm $0x7FFFFFFF  }
0xc3: {  	_ =	shalt  }
tec
execute0_lowered:
.L_overlay_start_1:
0x0: {  	(tag) =	ssettag $0x1  }
0x1: {  	s1 =	rddreg [dreg:$0x0];
	s2 =	srdreg.scid  }
0x2: {  	s0 =	stileid.u32;
	s4 =	rddreg [dreg:$0x1]  }
0x3: {  	s8 =	simm.s32 $0xA00;
	s9 =	simm.s32 $0x1200;
	s10 =	simm.s32 $0x1A00  }
0x4: {  	s11 =	simm.s32 $0x2200;
	s12 =	simm.s32 $0x2A00;
	s13 =	simm.s32 $0x3200  }
0x5: {  	s14 =	simm.s32 $0x3A00;
	s26 =	simm.s32 $0x4A00;
	s15 =	simm.s32 $0x4200  }
0x6: {  	s16 =	simm.s32 $0x5200;
	s17 =	simm.s32 $0x5A00;
	s18 =	simm.s32 $0x6200  }
0x7: {  	s19 =	simm.s32 $0x6A00;
	s20 =	simm.s32 $0x7200;
	s28 =	simm.s32 $0xAA00  }
0x8: {  	s29 =	simm.s32 $0xB200;
	s30 =	simm.s32 $0xBA00;
	s31 =	simm.s32 $0x1  }
0x9: {  	s5 =	sand.u32 $0x1, s2;
	s3 =	sshll.u32 s0, $0x1;
	s2 =	simm.s32 $0x0  }
0xa: {  	s3 =	sor.u32 s5, s3;
	[smem:$0x7FF] =	sst s2;
	s5 =	ssub.s32 $0x2, s5  }
0xb: {  	s6 =	sshll.u32 s3, $0x6;
	_ =	strace $0x8000004A;
	s7 =	sshll.u32 s3, $0xD  }
0xc: {  	s3 =	sadd.s32 $0xE00, s1;
	s23 =	sshrl.u32 s5, $0x1;
	[dreg:$0x7] =	wrdreg s26  }
0xd: {  	s26 =	simm.s32 $0xA200;
	s6 =	sadd.s32 s6, s1;
	s4 =	sadd.s32 s4, s7  }
0xe: {  	s5 =	ssub.s32 s5, s23;
	s7 =	simm.s32 $0x200;
	s21 =	sadd.s32 $0x100E00, s6  }
0xf: {  	s23 =	simm.s32 $0x8A00;
	s22 =	sadd.s32 $0x800, s4;
	[dreg:$0x3] =	wrdreg s21  }
0x10: {  	s1 =	simm.s32 $0x2;
	s24 =	sadd.s32 $0x1000, s4;
	[dreg:$0x4] =	wrdreg s22  }
0x11: {  	v2 =	vlaneseq.u32;
	s25 =	sadd.s32 $0x1800, s4;
	s5 =	smax.u32 s5, $0x1;
	[dreg:$0x5] =	wrdreg s24  }
0x12: {  	vm0 =	vmmov $0xffff;
	v1 =	vshrl.u32 v2, $0x3;
	s6 =	simm.s32 $0x3;
	[dreg:$0x6] =	wrdreg s25;
	s21 =	simm.s32 $0x7A00  }
0x13: {  	v0 =	vand.u32 $0x7, v2;
	v2 =	vor.u32 $0x8, v2;
	v1 =	vmul.u32 $0x8, v1;
	s22 =	simm.s32 $0x8200;
	s24 =	simm.s32 $0x9200;
	s25 =	simm.s32 $0x9A00  }
.LBB2_1:
0x14: {  	s0 =	rddreg [dreg:$0x3]  }
0x15: {  	[tilespmem:s2], [sflag:$0x3] =	stream.linear.gather [hbm4b:s0+s2], $0x200, $0x38;
	[tilespmem:$0xC200] =	vst v63  }
0x16: {  	_ =	swait.ge [sflag:s6], $0x200  }
0x17: {  	[sflag:s6] =	ssyncset.done $0x0  }
0x18: {  	[sflag:s6] =	ssyncadd.s32 $0xFFFFFE00  }
0x19: {  	v3 =	vld [tilespmem:$0x0];
	_ =	sdelay $0x4  }
0x1a: {  	v4 =	vshll.u32 v3, $0x1  }
0x1b: {  	v3 =	vand.u32 $0x7, v3;
	v4 =	vand.u32 $0xFFFFFFF0, v4  }
0x1c: {  	v3 =	vor.u32 v3, v4  }
0x1d: {  	v4 =	vperm.xlane v3, v0;
	_ =	sdelay $0x1  }
0x1e: {  	v3 =	vperm.xlane v3, v2;
	v4 =	vadd.s32 v1, v4;
	_ =	sdelay $0x1  }
0x1f: {  	v3 =	vadd.s32 v1, v3;
	_ =	sdelay $0x2  }
0x20: {  	[tilespmem:s7], [sflag:$0x1] =	stream.indirect_vreg.gather [hbm4b:s3+s2], $0x80, v4, vm0, $0xb8;
	[tilespmem:$0xC200] =	vst v63  }
0x21: {  	_ = 	snop  }
0x22: {  	[tilespmem:s8], [sflag:$0x1] =	stream.indirect_vreg.gather [hbm4b:s3+s2], $0x80, v3, vm0, $0xb8;
	[tilespmem:$0xC200] =	vst v63  }
0x23: {  	v3 =	vld [tilespmem:$0x10];
	_ =	sdelay $0x4  }
0x24: {  	v49 =	vshll.u32 v3, $0x1  }
0x25: {  	v3 =	vand.u32 $0x7, v3;
	v4 =	vand.u32 $0xFFFFFFF0, v49  }
0x26: {  	v3 =	vor.u32 v3, v4  }
0x27: {  	v4 =	vperm.xlane v3, v0;
	_ =	sdelay $0x1  }
0x28: {  	v3 =	vperm.xlane v3, v2;
	v4 =	vadd.s32 v1, v4;
	_ =	sdelay $0x1  }
0x29: {  	v3 =	vadd.s32 v1, v3;
	_ =	sdelay $0x2  }
0x2a: {  	[tilespmem:s9], [sflag:$0x1] =	stream.indirect_vreg.gather [hbm4b:s3+s2], $0x80, v4, vm0, $0xb8;
	[tilespmem:$0xC200] =	vst v63  }
0x2b: {  	_ = 	snop  }
0x2c: {  	[tilespmem:s10], [sflag:$0x1] =	stream.indirect_vreg.gather [hbm4b:s3+s2], $0x80, v3, vm0, $0xb8;
	[tilespmem:$0xC200] =	vst v63  }
0x2d: {  	v3 =	vld [tilespmem:$0x20];
	_ =	sdelay $0x4  }
0x2e: {  	v50 =	vshll.u32 v3, $0x1  }
0x2f: {  	v3 =	vand.u32 $0x7, v3;
	v4 =	vand.u32 $0xFFFFFFF0, v50  }
0x30: {  	v3 =	vor.u32 v3, v4  }
0x31: {  	v4 =	vperm.xlane v3, v0;
	_ =	sdelay $0x1  }
0x32: {  	v3 =	vperm.xlane v3, v2;
	v4 =	vadd.s32 v1, v4;
	_ =	sdelay $0x1  }
0x33: {  	v3 =	vadd.s32 v1, v3;
	_ =	sdelay $0x2  }
0x34: {  	[tilespmem:s11], [sflag:$0x1] =	stream.indirect_vreg.gather [hbm4b:s3+s2], $0x80, v4, vm0, $0xb8;
	[tilespmem:$0xC200] =	vst v63  }
0x35: {  	_ = 	snop  }
0x36: {  	[tilespmem:s12], [sflag:$0x1] =	stream.indirect_vreg.gather [hbm4b:s3+s2], $0x80, v3, vm0, $0xb8;
	[tilespmem:$0xC200] =	vst v63  }
0x37: {  	v3 =	vld [tilespmem:$0x30];
	_ =	sdelay $0x4  }
0x38: {  	v51 =	vshll.u32 v3, $0x1  }
0x39: {  	v3 =	vand.u32 $0x7, v3;
	v4 =	vand.u32 $0xFFFFFFF0, v51  }
0x3a: {  	v3 =	vor.u32 v3, v4  }
0x3b: {  	v4 =	vperm.xlane v3, v0;
	_ =	sdelay $0x1  }
0x3c: {  	v3 =	vperm.xlane v3, v2;
	v4 =	vadd.s32 v1, v4;
	_ =	sdelay $0x1  }
0x3d: {  	v3 =	vadd.s32 v1, v3;
	_ =	sdelay $0x2  }
0x3e: {  	[tilespmem:s13], [sflag:$0x1] =	stream.indirect_vreg.gather [hbm4b:s3+s2], $0x80, v4, vm0, $0xb8;
	[tilespmem:$0xC200] =	vst v63  }
0x3f: {  	_ = 	snop  }
0x40: {  	[tilespmem:s14], [sflag:$0x1] =	stream.indirect_vreg.gather [hbm4b:s3+s2], $0x80, v3, vm0, $0xb8;
	[tilespmem:$0xC200] =	vst v63  }
0x41: {  	v3 =	vld [tilespmem:$0x80];
	_ =	sdelay $0x4  }
0x42: {  	v52 =	vshll.u32 v3, $0x1  }
0x43: {  	v3 =	vand.u32 $0x7, v3;
	v4 =	vand.u32 $0xFFFFFFF0, v52  }
0x44: {  	v3 =	vor.u32 v3, v4  }
0x45: {  	v4 =	vperm.xlane v3, v0;
	_ =	sdelay $0x1  }
0x46: {  	v3 =	vperm.xlane v3, v2;
	v4 =	vadd.s32 v1, v4;
	_ =	sdelay $0x1  }
0x47: {  	v3 =	vadd.s32 v1, v3;
	_ =	sdelay $0x2  }
0x48: {  	[tilespmem:s15], [sflag:$0x1] =	stream.indirect_vreg.gather [hbm4b:s3+s2], $0x80, v4, vm0, $0xb8;
	[tilespmem:$0xC200] =	vst v63  }
0x49: {  	s0 =	rddreg [dreg:$0x7]  }
0x4a: {  	[tilespmem:s0], [sflag:$0x1] =	stream.indirect_vreg.gather [hbm4b:s3+s2], $0x80, v3, vm0, $0xb8;
	[tilespmem:$0xC200] =	vst v63  }
0x4b: {  	v3 =	vld [tilespmem:$0x90];
	_ =	sdelay $0x4  }
0x4c: {  	v53 =	vshll.u32 v3, $0x1  }
0x4d: {  	v3 =	vand.u32 $0x7, v3;
	v4 =	vand.u32 $0xFFFFFFF0, v53  }
0x4e: {  	v3 =	vor.u32 v3, v4  }
0x4f: {  	v4 =	vperm.xlane v3, v0;
	_ =	sdelay $0x1  }
0x50: {  	v3 =	vperm.xlane v3, v2;
	v4 =	vadd.s32 v1, v4;
	_ =	sdelay $0x1  }
0x51: {  	v3 =	vadd.s32 v1, v3;
	_ =	sdelay $0x2  }
0x52: {  	[tilespmem:s16], [sflag:$0x1] =	stream.indirect_vreg.gather [hbm4b:s3+s2], $0x80, v4, vm0, $0xb8;
	[tilespmem:$0xC200] =	vst v63  }
0x53: {  	_ = 	snop  }
0x54: {  	[tilespmem:s17], [sflag:$0x1] =	stream.indirect_vreg.gather [hbm4b:s3+s2], $0x80, v3, vm0, $0xb8;
	[tilespmem:$0xC200] =	vst v63  }
0x55: {  	v3 =	vld [tilespmem:$0xA0];
	_ =	sdelay $0x4  }
0x56: {  	v54 =	vshll.u32 v3, $0x1  }
0x57: {  	v3 =	vand.u32 $0x7, v3;
	v4 =	vand.u32 $0xFFFFFFF0, v54  }
0x58: {  	v3 =	vor.u32 v3, v4  }
0x59: {  	v4 =	vperm.xlane v3, v0;
	_ =	sdelay $0x1  }
0x5a: {  	v3 =	vperm.xlane v3, v2;
	v4 =	vadd.s32 v1, v4;
	_ =	sdelay $0x1  }
0x5b: {  	v3 =	vadd.s32 v1, v3;
	_ =	sdelay $0x2  }
0x5c: {  	[tilespmem:s18], [sflag:$0x1] =	stream.indirect_vreg.gather [hbm4b:s3+s2], $0x80, v4, vm0, $0xb8;
	[tilespmem:$0xC200] =	vst v63  }
0x5d: {  	_ = 	snop  }
0x5e: {  	[tilespmem:s19], [sflag:$0x1] =	stream.indirect_vreg.gather [hbm4b:s3+s2], $0x80, v3, vm0, $0xb8;
	[tilespmem:$0xC200] =	vst v63  }
0x5f: {  	v3 =	vld [tilespmem:$0xB0];
	_ =	sdelay $0x4  }
0x60: {  	v55 =	vshll.u32 v3, $0x1  }
0x61: {  	v3 =	vand.u32 $0x7, v3;
	v4 =	vand.u32 $0xFFFFFFF0, v55  }
0x62: {  	v3 =	vor.u32 v3, v4  }
0x63: {  	v4 =	vperm.xlane v3, v0;
	_ =	sdelay $0x1  }
0x64: {  	v3 =	vperm.xlane v3, v2;
	v4 =	vadd.s32 v1, v4;
	_ =	sdelay $0x1  }
0x65: {  	v3 =	vadd.s32 v1, v3;
	_ =	sdelay $0x2  }
0x66: {  	[tilespmem:s20], [sflag:$0x1] =	stream.indirect_vreg.gather [hbm4b:s3+s2], $0x80, v4, vm0, $0xb8;
	[tilespmem:$0xC200] =	vst v63  }
0x67: {  	_ = 	snop  }
0x68: {  	[tilespmem:s21], [sflag:$0x1] =	stream.indirect_vreg.gather [hbm4b:s3+s2], $0x80, v3, vm0, $0xb8;
	[tilespmem:$0xC200] =	vst v63  }
0x69: {  	v3 =	vld [tilespmem:$0x100];
	_ =	sdelay $0x4  }
0x6a: {  	v56 =	vshll.u32 v3, $0x1  }
0x6b: {  	v3 =	vand.u32 $0x7, v3;
	v4 =	vand.u32 $0xFFFFFFF0, v56  }
0x6c: {  	v3 =	vor.u32 v3, v4  }
0x6d: {  	v4 =	vperm.xlane v3, v0;
	_ =	sdelay $0x1  }
0x6e: {  	v3 =	vperm.xlane v3, v2;
	v4 =	vadd.s32 v1, v4;
	_ =	sdelay $0x1  }
0x6f: {  	v3 =	vadd.s32 v1, v3;
	_ =	sdelay $0x2  }
0x70: {  	[tilespmem:s22], [sflag:$0x1] =	stream.indirect_vreg.gather [hbm4b:s3+s2], $0x80, v4, vm0, $0xb8;
	[tilespmem:$0xC200] =	vst v63  }
0x71: {  	_ = 	snop  }
0x72: {  	[tilespmem:s23], [sflag:$0x1] =	stream.indirect_vreg.gather [hbm4b:s3+s2], $0x80, v3, vm0, $0xb8;
	[tilespmem:$0xC200] =	vst v63  }
0x73: {  	v3 =	vld [tilespmem:$0x110];
	_ =	sdelay $0x4  }
0x74: {  	v57 =	vshll.u32 v3, $0x1  }
0x75: {  	v3 =	vand.u32 $0x7, v3;
	v4 =	vand.u32 $0xFFFFFFF0, v57  }
0x76: {  	v3 =	vor.u32 v3, v4  }
0x77: {  	v4 =	vperm.xlane v3, v0;
	_ =	sdelay $0x1  }
0x78: {  	v3 =	vperm.xlane v3, v2;
	v4 =	vadd.s32 v1, v4;
	_ =	sdelay $0x1  }
0x79: {  	v3 =	vadd.s32 v1, v3;
	_ =	sdelay $0x2  }
0x7a: {  	[tilespmem:s24], [sflag:$0x1] =	stream.indirect_vreg.gather [hbm4b:s3+s2], $0x80, v4, vm0, $0xb8;
	[tilespmem:$0xC200] =	vst v63  }
0x7b: {  	_ = 	snop  }
0x7c: {  	[tilespmem:s25], [sflag:$0x1] =	stream.indirect_vreg.gather [hbm4b:s3+s2], $0x80, v3, vm0, $0xb8;
	[tilespmem:$0xC200] =	vst v63  }
0x7d: {  	v3 =	vld [tilespmem:$0x120];
	_ =	sdelay $0x4  }
0x7e: {  	v58 =	vshll.u32 v3, $0x1  }
0x7f: {  	v3 =	vand.u32 $0x7, v3;
	v4 =	vand.u32 $0xFFFFFFF0, v58  }
0x80: {  	v3 =	vor.u32 v3, v4  }
0x81: {  	v4 =	vperm.xlane v3, v0;
	_ =	sdelay $0x1  }
0x82: {  	v3 =	vperm.xlane v3, v2;
	v4 =	vadd.s32 v1, v4;
	_ =	sdelay $0x1  }
0x83: {  	v3 =	vadd.s32 v1, v3;
	_ =	sdelay $0x2  }
0x84: {  	[tilespmem:s26], [sflag:$0x1] =	stream.indirect_vreg.gather [hbm4b:s3+s2], $0x80, v4, vm0, $0xb8;
	[tilespmem:$0xC200] =	vst v63  }
0x85: {  	_ = 	snop  }
0x86: {  	[tilespmem:s28], [sflag:$0x1] =	stream.indirect_vreg.gather [hbm4b:s3+s2], $0x80, v3, vm0, $0xb8;
	[tilespmem:$0xC200] =	vst v63  }
0x87: {  	v3 =	vld [tilespmem:$0x130];
	_ =	sdelay $0x4  }
0x88: {  	v59 =	vshll.u32 v3, $0x1  }
0x89: {  	v3 =	vand.u32 $0x7, v3;
	v4 =	vand.u32 $0xFFFFFFF0, v59  }
0x8a: {  	v3 =	vor.u32 v3, v4  }
0x8b: {  	v4 =	vperm.xlane v3, v0;
	_ =	sdelay $0x1  }
0x8c: {  	v3 =	vperm.xlane v3, v2;
	v4 =	vadd.s32 v1, v4;
	_ =	sdelay $0x1  }
0x8d: {  	v3 =	vadd.s32 v1, v3;
	_ =	sdelay $0x2  }
0x8e: {  	[tilespmem:s29], [sflag:$0x1] =	stream.indirect_vreg.gather [hbm4b:s3+s2], $0x80, v4, vm0, $0xb8;
	[tilespmem:$0xC200] =	vst v63  }
0x8f: {  	_ = 	snop  }
0x90: {  	[tilespmem:s30], [sflag:$0x1] =	stream.indirect_vreg.gather [hbm4b:s3+s2], $0x80, v3, vm0, $0xb8;
	[tilespmem:$0xC200] =	vst v63  }
0x91: {  	_ =	swait.ge [sflag:s31], $0x4000  }
0x92: {  	[sflag:s31] =	ssyncset.done $0x0  }
0x93: {  	[sflag:s31] =	ssyncadd.s32 $0xFFFFC000  }
0x94: {  	[hbm4b:s4+s2] =	stream.linear.scatter [tilespmem:s7], [sflag:$0x2], $0x4000, $0x38;
	[tilespmem:$0xC200] =	vst v63  }
0x95: {  	_ =	swait.ge [sflag:s1], $0x4000  }
0x96: {  	[sflag:s1] =	ssyncset.done $0x0  }
0x97: {  	[sflag:s1] =	ssyncadd.s32 $0xFFFFC000  }
0x98: {  	v3 =	vld [tilespmem:$0x180];
	_ =	sdelay $0x4  }
0x99: {  	v60 =	vshll.u32 v3, $0x1  }
0x9a: {  	v3 =	vand.u32 $0x7, v3;
	v4 =	vand.u32 $0xFFFFFFF0, v60  }
0x9b: {  	v3 =	vor.u32 v3, v4  }
0x9c: {  	v4 =	vperm.xlane v3, v0;
	_ =	sdelay $0x1  }
0x9d: {  	v3 =	vperm.xlane v3, v2;
	v4 =	vadd.s32 v1, v4;
	_ =	sdelay $0x1  }
0x9e: {  	v3 =	vadd.s32 v1, v3;
	_ =	sdelay $0x2  }
0x9f: {  	[tilespmem:s7], [sflag:$0x1] =	stream.indirect_vreg.gather [hbm4b:s3+s2], $0x80, v4, vm0, $0xb8;
	[tilespmem:$0xC200] =	vst v63  }
0xa0: {  	_ = 	snop  }
0xa1: {  	[tilespmem:s8], [sflag:$0x1] =	stream.indirect_vreg.gather [hbm4b:s3+s2], $0x80, v3, vm0, $0xb8;
	[tilespmem:$0xC200] =	vst v63  }
0xa2: {  	v3 =	vld [tilespmem:$0x190];
	_ =	sdelay $0x4  }
0xa3: {  	v61 =	vshll.u32 v3, $0x1  }
0xa4: {  	v3 =	vand.u32 $0x7, v3;
	v4 =	vand.u32 $0xFFFFFFF0, v61  }
0xa5: {  	v3 =	vor.u32 v3, v4  }
0xa6: {  	v4 =	vperm.xlane v3, v0;
	_ =	sdelay $0x1  }
0xa7: {  	v3 =	vperm.xlane v3, v2;
	v4 =	vadd.s32 v1, v4;
	_ =	sdelay $0x1  }
0xa8: {  	v3 =	vadd.s32 v1, v3;
	_ =	sdelay $0x2  }
0xa9: {  	[tilespmem:s9], [sflag:$0x1] =	stream.indirect_vreg.gather [hbm4b:s3+s2], $0x80, v4, vm0, $0xb8;
	[tilespmem:$0xC200] =	vst v63  }
0xaa: {  	_ = 	snop  }
0xab: {  	[tilespmem:s10], [sflag:$0x1] =	stream.indirect_vreg.gather [hbm4b:s3+s2], $0x80, v3, vm0, $0xb8;
	[tilespmem:$0xC200] =	vst v63  }
0xac: {  	v3 =	vld [tilespmem:$0x1A0];
	_ =	sdelay $0x4  }
0xad: {  	v62 =	vshll.u32 v3, $0x1  }
0xae: {  	v3 =	vand.u32 $0x7, v3;
	v4 =	vand.u32 $0xFFFFFFF0, v62  }
0xaf: {  	v3 =	vor.u32 v3, v4  }
0xb0: {  	v4 =	vperm.xlane v3, v0;
	_ =	sdelay $0x1  }
0xb1: {  	v3 =	vperm.xlane v3, v2;
	v4 =	vadd.s32 v1, v4;
	_ =	sdelay $0x1  }
0xb2: {  	v3 =	vadd.s32 v1, v3;
	_ =	sdelay $0x2  }
0xb3: {  	[tilespmem:s11], [sflag:$0x1] =	stream.indirect_vreg.gather [hbm4b:s3+s2], $0x80, v4, vm0, $0xb8;
	[tilespmem:$0xC200] =	vst v63  }
0xb4: {  	_ = 	snop  }
0xb5: {  	[tilespmem:s12], [sflag:$0x1] =	stream.indirect_vreg.gather [hbm4b:s3+s2], $0x80, v3, vm0, $0xb8;
	[tilespmem:$0xC200] =	vst v63  }
0xb6: {  	v3 =	vld [tilespmem:$0x1B0];
	_ =	sdelay $0x4  }
0xb7: {  	v63 =	vshll.u32 v3, $0x1  }
0xb8: {  	v3 =	vand.u32 $0x7, v3;
	v4 =	vand.u32 $0xFFFFFFF0, v63  }
0xb9: {  	v3 =	vor.u32 v3, v4  }
0xba: {  	v4 =	vperm.xlane v3, v0;
	_ =	sdelay $0x1  }
0xbb: {  	v3 =	vperm.xlane v3, v2;
	v4 =	vadd.s32 v1, v4;
	_ =	sdelay $0x1  }
0xbc: {  	v3 =	vadd.s32 v1, v3;
	_ =	sdelay $0x2  }
0xbd: {  	[tilespmem:s13], [sflag:$0x1] =	stream.indirect_vreg.gather [hbm4b:s3+s2], $0x80, v4, vm0, $0xb8;
	[tilespmem:$0xC200] =	vst v63  }
0xbe: {  	_ = 	snop  }
0xbf: {  	[tilespmem:s14], [sflag:$0x1] =	stream.indirect_vreg.gather [hbm4b:s3+s2], $0x80, v3, vm0, $0xb8;
	[tilespmem:$0xC200] =	vst v63  }
0xc0: {  	_ =	swait.ge [sflag:s31], $0x4000  }
0xc1: {  	[sflag:s31] =	ssyncset.done $0x0  }
0xc2: {  	s0 =	rddreg [dreg:$0x4];
	[sflag:s31] =	ssyncadd.s32 $0xFFFFC000  }
0xc3: {  	[hbm4b:s0+s2] =	stream.linear.scatter [tilespmem:s15], [sflag:$0x2], $0x4000, $0x38;
	[tilespmem:$0xC200] =	vst v63  }
0xc4: {  	_ =	swait.ge [sflag:s31], $0x4000  }
0xc5: {  	[sflag:s31] =	ssyncset.done $0x0  }
0xc6: {  	s0 =	rddreg [dreg:$0x5];
	[sflag:s31] =	ssyncadd.s32 $0xFFFFC000  }
0xc7: {  	[hbm4b:s0+s2] =	stream.linear.scatter [tilespmem:s22], [sflag:$0x2], $0x4000, $0x38;
	[tilespmem:$0xC200] =	vst v63  }
0xc8: {  	_ =	swait.ge [sflag:s31], $0x4000  }
0xc9: {  	[sflag:s31] =	ssyncset.done $0x0  }
0xca: {  	s0 =	rddreg [dreg:$0x6];
	[sflag:s31] =	ssyncadd.s32 $0xFFFFC000  }
0xcb: {  	[hbm4b:s0+s2] =	stream.linear.scatter [tilespmem:s7], [sflag:$0x2], $0x4000, $0x38;
	[tilespmem:$0xC200] =	vst v63  }
0xcc: {  	_ =	swait.ge [sflag:s1], $0x4000  }
0xcd: {  	[sflag:s1] =	ssyncset.done $0x0  }
0xce: {  	[sflag:s1] =	ssyncadd.s32 $0xFFFFC000  }
0xcf: {  	p0 =	sne.s32 s5, $0x1;
	_ =	swait.ge [sflag:s1], $0x4000  }
.Ltmp0:
0xd0: {  	[sflag:s1] =	ssyncset.done $0x0;
	(pc) =	sbr.rel @p0 .LBB2_1-.Ltmp0, $4  }
0xd1: {  	[sflag:s1] =	ssyncadd.s32 $0xFFFFC000  }
0xd2: {  	_ =	swait.ge [sflag:s1], $0x4000  }
0xd3: {  	[sflag:s1] =	ssyncset.done $0x0  }
0xd4: {  	s5 =	sadd.s32 $0xFFFFFFFF, s5;
	[sflag:s1] =	ssyncadd.s32 $0xFFFFC000  }
0xd5: {  	_ =	sfence.sel $0x180000  }
0xd6: {  	[bflag:$0x0] =	sbarrier.arrive $0xFFFF  }
0xd7: {  	_ =	strace $0x9000004A  }
0xd8: {  	s0 =	stileid.u32;
	[bflag:$0x2] =	sbarrier.arrive $0xFFFF  }
0xd9: {  	p0 =	sne.s32 s0, $0x0;
	s0 =	rddreg [dreg:$0x2]  }
0xda: {  	s0 =	sadd.s32 @!p0 $0x100000, s0  }
0xdb: {  	[sflag:s0] =	ssyncadd.tile.s32 @!p0 $0x1;
	_ =	shalt  }
.Lfunc_end2:
_tile_overlayer_lowered:
.L_overlay_start_2:
0xdc: {  	(tag) =	ssettag $0x2  }
0xdd: {  	s0 =	rddreg [dreg:$0x0];
	s2 =	stileid.u32  }
0xde: {  	s1 =	rddreg [dreg:$0x1];
	p0 =	sne.s32 s2, $0x0  }
0xdf: {  	s3 =	rddreg [dreg:$0x2];
	[bflag:$0x3] =	sbarrier.arrive $0xFFFF;
	s2 =	simm.s32 @!p0 $0x1C03  }
0xe0: {  	[timem:s3], [sflag:s2] =	dma.local @!p0 [hbm:s0], s1  }
0xe1: {  	s0 =	simm.s32 @!p0 $0x3  }
0xe2: {  	_ =	swait.ge @!p0 [sflag:s0], s1  }
0xe3: {  	s1 =	ssub.s32 @!p0 $0x0, s1;
	[sflag:s0] =	ssyncset.done @!p0 $0x0  }
0xe4: {  	[sflag:s0] =	ssyncadd.s32 @!p0 s1  }
0xe5: {  	[bflag:$0x3] =	sbarrier.arrive $0xFFFF  }
0xe6: {  	_ =	shalt  }

</sc_bundles>
